<compile_context>
chip_gen: v7x
topology: tpu7x:2x2x1
jax: 0.10.2.dev20260603
libtpu: 0.0.44.dev20260713+nightly
codegen_flags: <defaults>
</compile_context>

<pallas_src>
import functools

import jax
import jax.numpy as jnp
from jax import lax
from jax.experimental import pallas as pl
from jax.experimental.pallas import tpu as pltpu
from jax.experimental.pallas import tpu_sc as plsc

N = 10000
E = 320000
NC = 2
NS = 16
NW = NC * NS
CHD = 64
NCHD = E // CHD
CPWD = NCHD // NW
XTRD = NCHD - NW * CPWD
NP = 10240
RPT = NP // NS


def _mesh():
    return plsc.VectorSubcoreMesh(core_axis_name="c", subcore_axis_name="s")


def _deg_body(dst_hbm, dpart_hbm, dall_v, dx_v, dcnt_v):
    cid = lax.axis_index("c")
    sid = lax.axis_index("s")
    wid = cid * NS + sid

    def zero(i, _):
        dcnt_v[pl.ds(i * 16, 16)] = jnp.zeros((16,), jnp.float32)
        return _

    lax.fori_loop(0, N // 16, zero, 0)

    pltpu.sync_copy(dst_hbm.at[pl.ds(wid * CPWD, CPWD)], dall_v)
    ones = jnp.ones((16,), jnp.float32)

    def chunk(i, _):
        for j in range(CHD // 16):
            vec = dall_v[i, pl.ds(j * 16, 16)]
            plsc.addupdate_scatter(dcnt_v, [vec], ones)
        return _

    lax.fori_loop(0, CPWD, chunk, 0)

    @pl.when(wid < XTRD)
    def _():
        pltpu.sync_copy(dst_hbm.at[pl.ds(NW * CPWD + wid, 1)], dx_v)
        for j in range(CHD // 16):
            vec = dx_v[0, pl.ds(j * 16, 16)]
            plsc.addupdate_scatter(dcnt_v, [vec], ones)

    pltpu.sync_copy(dcnt_v, dpart_hbm.at[pl.ds(wid * N, N)])


@functools.partial(
    pl.kernel,
    out_type=jax.ShapeDtypeStruct((NW * N,), jnp.float32),
    mesh=_mesh(),
    compiler_params=pltpu.CompilerParams(
        needs_layout_passes=False, use_tc_tiling_on_sc=False),
    scratch_types=[
        pltpu.VMEM((CPWD, CHD), jnp.int32),
        pltpu.VMEM((1, CHD), jnp.int32),
        pltpu.VMEM((N,), jnp.float32),
    ],
)
def _deg_kernel(dst_hbm, dpart_hbm, dall_v, dx_v, dcnt_v):
    _deg_body(dst_hbm, dpart_hbm, dall_v, dx_v, dcnt_v)


def _agg_body(F, CH, CPW, XTR, y_hbm, src_hbm, dst_hbm, zeros_hbm, zp_hbm,
              isrc_v, idst_v, isx_v, idxx_v, acc_sh, bufs, gsem, ssem):
    buf0 = bufs[0]
    g0, g1, g2 = gsem[0], gsem[1], gsem[2]
    s0, s1 = ssem[0], ssem[1]
    cid = lax.axis_index("c")
    sid = lax.axis_index("s")
    wid = cid * NS + sid
    row0 = sid * RPT

    pltpu.sync_copy(zeros_hbm, buf0)
    for k in range(RPT // CH):
        pltpu.async_copy(buf0, acc_sh.at[pl.ds(row0 + k * CH, CH)], s0)
    pltpu.async_copy(src_hbm.at[pl.ds(wid * CPW, CPW)], isrc_v, g1)
    pltpu.async_copy(dst_hbm.at[pl.ds(wid * CPW, CPW)], idst_v, g2)
    for k in range(RPT // CH):
        pltpu.make_async_copy(buf0, acc_sh.at[pl.ds(row0, CH)], s0).wait()
    pltpu.make_async_copy(src_hbm.at[pl.ds(0, CPW)], isrc_v, g1).wait()
    pltpu.make_async_copy(dst_hbm.at[pl.ds(0, CPW)], idst_v, g2).wait()
    plsc.subcore_barrier()

    NB = len(bufs)

    def gstart(i, b):
        pltpu.async_copy(y_hbm.at[isrc_v.at[i]], bufs[b], gsem[b])

    def gwait(b):
        pltpu.make_async_copy(y_hbm.at[isrc_v.at[0]], bufs[b], gsem[b]).wait()

    def sstart(i, b):
        pltpu.async_copy(bufs[b], acc_sh.at[idst_v.at[i]], ssem[b], add=True)

    def swait(b):
        pltpu.make_async_copy(bufs[b], acc_sh.at[idst_v.at[0]], ssem[b]).wait()

    def body(i, b, prefetch=True, first=False):
        gwait(b)
        sstart(i, b)
        if not first:
            swait((b + NB - 1) % NB)
        if prefetch:
            gstart(i + NB - 1, (b + NB - 1) % NB)

    for b in range(NB - 1):
        gstart(b, b)
    body(0, 0, first=True)

    main = ((CPW - NB) // NB) * NB

    def group(t, _):
        i0 = 1 + NB * t
        for k in range(NB):
            body(i0 + k, (1 + k) % NB)
        return _

    lax.fori_loop(0, main // NB, group, 0)
    for i in range(1 + main, CPW - NB + 1):
        body(i, i % NB)
    for i in range(max(CPW - NB + 1, 1 + main), CPW):
        body(i, i % NB, prefetch=False)
    swait((CPW - 1) % NB)

    @pl.when(wid < XTR)
    def _():
        pltpu.sync_copy(src_hbm.at[pl.ds(NW * CPW + wid, 1)], isx_v)
        pltpu.sync_copy(dst_hbm.at[pl.ds(NW * CPW + wid, 1)], idxx_v)
        pltpu.async_copy(y_hbm.at[isx_v.at[0]], buf0, g0).wait()
        pltpu.sync_copy(buf0, acc_sh.at[idxx_v.at[0]], add=True)

    plsc.subcore_barrier()
    wbufs = (bufs[0], bufs[1])
    wsem = (s0, s1)
    NWB = RPT // CH
    for k in range(NWB):
        b = k % 2
        r = row0 + k * CH
        if k >= 2:
            pltpu.make_async_copy(wbufs[b], zp_hbm.at[cid, pl.ds(row0, CH)],
                                  wsem[b]).wait()
        pltpu.sync_copy(acc_sh.at[pl.ds(r, CH)], wbufs[b])
        pltpu.async_copy(wbufs[b], zp_hbm.at[cid, pl.ds(r, CH)], wsem[b])
    for k in (NWB - 2, NWB - 1):
        pltpu.make_async_copy(wbufs[k % 2], zp_hbm.at[cid, pl.ds(row0, CH)],
                              wsem[k % 2]).wait()


def _make_agg(F, CH, NB):
    NCHUNK = E // CH
    CPW = NCHUNK // NW
    XTR = NCHUNK - NW * CPW

    @functools.partial(
        pl.kernel,
        out_type=jax.ShapeDtypeStruct((NC, NP, F), jnp.float32),
        mesh=_mesh(),
        compiler_params=pltpu.CompilerParams(
            needs_layout_passes=False, use_tc_tiling_on_sc=False),
        scratch_types=(
            [
                pltpu.VMEM((CPW, CH), jnp.int32),
                pltpu.VMEM((CPW, CH), jnp.int32),
                pltpu.VMEM((1, CH), jnp.int32),
                pltpu.VMEM((1, CH), jnp.int32),
            ]
            + [pltpu.VMEM((CH, F), jnp.float32)] * NB
            + [pltpu.VMEM_SHARED((NP, F), jnp.float32)]
            + [pltpu.SemaphoreType.DMA] * (2 * NB)
        ),
    )
    def agg(y_hbm, src_hbm, dst_hbm, zeros_hbm, zp_hbm,
            isrc_v, idst_v, isx_v, idxx_v, *rest):
        bufs = rest[:NB]
        acc_sh = rest[NB]
        gsem = rest[NB + 1:NB + 1 + NB]
        ssem = rest[NB + 1 + NB:]
        _agg_body(F, CH, CPW, XTR, y_hbm, src_hbm, dst_hbm, zeros_hbm,
                  zp_hbm, isrc_v, idst_v, isx_v, idxx_v, acc_sh,
                  bufs, gsem, ssem)

    return agg


_agg128 = _make_agg(128, 64, 3)
_agg64 = _make_agg(64, 128, 5)


def _prep_body(dpart_ref, x_ref, s_ref, y_ref):
    deg = 1.0 + jnp.sum(dpart_ref[...], axis=0)
    s = lax.rsqrt(deg)[:, None]
    s_ref[...] = s
    y_ref[...] = s * x_ref[...]


def _prep(dpart, x):
    return pl.pallas_call(
        _prep_body,
        out_shape=(
            jax.ShapeDtypeStruct((N, 1), jnp.float32),
            jax.ShapeDtypeStruct((N, 128), jnp.float32),
        ),
    )(dpart, x)


RB = 2000


def _layer_mid_body(zp_ref, y_ref, s_ref, W_ref, b_ref, out_ref):
    z = zp_ref[0] + zp_ref[1] + y_ref[...]
    t = s_ref[...] * z
    h = jnp.dot(t, W_ref[...], preferred_element_type=jnp.float32) + b_ref[...][None, :]
    out_ref[...] = s_ref[...] * jnp.maximum(h, 0.0)


def _layer_last_body(zp_ref, y_ref, s_ref, W_ref, b_ref, Wn_ref, out_ref):
    z = zp_ref[0] + zp_ref[1] + y_ref[...]
    t = s_ref[...] * z
    h = jnp.dot(t, W_ref[...], preferred_element_type=jnp.float32) + b_ref[...][None, :]
    h = jnp.maximum(h, 0.0)
    out_ref[...] = s_ref[...] * jnp.dot(
        h, Wn_ref[...], preferred_element_type=jnp.float32)


def _layer_specs(fo):
    in_specs = [
        pl.BlockSpec((NC, RB, 128), lambda i: (0, i, 0)),
        pl.BlockSpec((RB, 128), lambda i: (i, 0)),
        pl.BlockSpec((RB, 1), lambda i: (i, 0)),
        pl.BlockSpec((128, 128), lambda i: (0, 0)),
        pl.BlockSpec((128,), lambda i: (0,)),
    ]
    out_spec = pl.BlockSpec((RB, fo), lambda i: (i, 0))
    return in_specs, out_spec


def _layer_mid(zp, y, s, W, b):
    in_specs, out_spec = _layer_specs(128)
    return pl.pallas_call(
        _layer_mid_body,
        grid=(N // RB,),
        in_specs=in_specs,
        out_specs=out_spec,
        out_shape=jax.ShapeDtypeStruct((N, 128), jnp.float32),
    )(zp, y, s, W, b)


def _layer_last(zp, y, s, W, b, Wn):
    in_specs, out_spec = _layer_specs(64)
    in_specs.append(pl.BlockSpec((128, 64), lambda i: (0, 0)))
    return pl.pallas_call(
        _layer_last_body,
        grid=(N // RB,),
        in_specs=in_specs,
        out_specs=out_spec,
        out_shape=jax.ShapeDtypeStruct((N, 64), jnp.float32),
    )(zp, y, s, W, b, Wn)


def _final_body(zp_ref, y_ref, s_ref, b_ref, out_ref):
    z = zp_ref[0] + zp_ref[1] + y_ref[...]
    o = s_ref[...] * z + b_ref[...][None, :]
    m = jnp.max(o, axis=1, keepdims=True)
    e = jnp.exp(o - m)
    lse = jnp.log(jnp.sum(e, axis=1, keepdims=True)) + m
    out_ref[...] = o - lse


def _final(zp, y, s, b):
    in_specs = [
        pl.BlockSpec((NC, RB, 64), lambda i: (0, i, 0)),
        pl.BlockSpec((RB, 64), lambda i: (i, 0)),
        pl.BlockSpec((RB, 1), lambda i: (i, 0)),
        pl.BlockSpec((64,), lambda i: (0,)),
    ]
    return pl.pallas_call(
        _final_body,
        grid=(N // RB,),
        in_specs=in_specs,
        out_specs=pl.BlockSpec((RB, 64), lambda i: (i, 0)),
        out_shape=jax.ShapeDtypeStruct((N, 64), jnp.float32),
    )(zp, y, s, b)


def kernel(x, edge_index, W1, b1, W2, b2, W3, b3):
    src64 = edge_index[0].reshape(E // 64, 64)
    dst64 = edge_index[1].reshape(E // 64, 64)
    src128 = edge_index[0].reshape(E // 128, 128)
    dst128 = edge_index[1].reshape(E // 128, 128)
    z128 = jnp.zeros((64, 128), jnp.float32)
    z64 = jnp.zeros((128, 64), jnp.float32)

    dpart = _deg_kernel(dst64).reshape(NW, N)
    s, y1 = _prep(dpart, x)
    zp1 = _agg128(y1, src64, dst64, z128)
    y2 = _layer_mid(zp1, y1, s, W1, b1)
    zp2 = _agg128(y2, src64, dst64, z128)
    y3 = _layer_last(zp2, y2, s, W2, b2, W3)
    zp3 = _agg64(y3, src128, dst128, z64)
    return _final(zp3, y3, s, b3)

# --- scband reference (transcript-rebuilt; emitter-appended) ---
"""Pipeline reference for scband-spectral-gcn-out-layer-6004364280508 (READ-ONLY COPY).

The authoritative reference and input builder live on the scoring server;
editing this copy changes nothing except your own understanding.
"""

import jax, jax.numpy as jnp
import numpy as np

N = 10000
E = 320000
IN_DIM = 128
H1 = 128
H2 = 128
OUT = 64


def gcn_conv(x, src, dst, W, b, num_nodes):
    # PyG GCNConv: add self-loops, symmetric normalization, linear transform, scatter-add aggregation
    h = x @ W
    deg = jnp.zeros((num_nodes,), dtype=h.dtype).at[dst].add(1.0)
    dinv = jnp.where(deg > 0, 1.0 / jnp.sqrt(deg), 0.0)
    norm = dinv[src] * dinv[dst]
    msg = h[src] * norm[:, None]
    out = jnp.zeros((num_nodes, h.shape[1]), dtype=h.dtype).at[dst].add(msg)
    return out + b


def setup_inputs(seed: int = 0):
    key = jax.random.key(seed)
    ks = jax.random.split(key, 8)
    x = jax.random.normal(ks[0], (N, IN_DIM), dtype=jnp.float32)
    edge_index = jax.random.randint(ks[1], (2, E), 0, N, dtype=jnp.int32)
    W1 = jax.random.normal(ks[2], (IN_DIM, H1), dtype=jnp.float32) * (1.0 / np.sqrt(IN_DIM))
    b1 = jnp.zeros((H1,), dtype=jnp.float32)
    W2 = jax.random.normal(ks[3], (H1, H2), dtype=jnp.float32) * (1.0 / np.sqrt(H1))
    b2 = jnp.zeros((H2,), dtype=jnp.float32)
    W3 = jax.random.normal(ks[4], (H2, OUT), dtype=jnp.float32) * (1.0 / np.sqrt(H2))
    b3 = jnp.zeros((OUT,), dtype=jnp.float32)
    return {"x": x, "edge_index": edge_index, "W1": W1, "b1": b1, "W2": W2, "b2": b2, "W3": W3, "b3": b3}


def reference(x, edge_index, W1, b1, W2, b2, W3, b3):
    loop = jnp.arange(N, dtype=edge_index.dtype)
    src = jnp.concatenate([edge_index[0], loop])
    dst = jnp.concatenate([edge_index[1], loop])
    h = gcn_conv(x, src, dst, W1, b1, N)
    h = jax.nn.relu(h)
    # dropout is identity in eval mode
    h = gcn_conv(h, src, dst, W2, b2, N)
    h = jax.nn.relu(h)
    # lin=False: spectral branch skipped
    h = gcn_conv(h, src, dst, W3, b3, N)
    return jax.nn.log_softmax(h, axis=1)

if __name__ == "__main__":
    import jax
    _d = setup_inputs()
    print(jax.jit(kernel)(*tuple(_d.values())))

</pallas_src>

<mosaic_0001>
#map = affine_map<(d0, d1) -> (0, 0)>
#map1 = affine_map<(d0, d1) -> (0, 0, 0)>
module attributes {stable_mosaic.version = 14 : i64} {
  func.func @agg(%arg0: i32, %arg1: i32, %arg2: memref<10000x128xf32, #tpu.memory_space<hbm>>, %arg3: memref<5000x64xi32, #tpu.memory_space<hbm>>, %arg4: memref<5000x64xi32, #tpu.memory_space<hbm>>, %arg5: memref<64x128xf32, #tpu.memory_space<hbm>>, %arg6: memref<2x10240x128xf32, #tpu.memory_space<hbm>>, %arg7: memref<156x64xi32, #tpu.memory_space<vmem>>, %arg8: memref<156x64xi32, #tpu.memory_space<vmem>>, %arg9: memref<1x64xi32, #tpu.memory_space<vmem>>, %arg10: memref<1x64xi32, #tpu.memory_space<vmem>>, %arg11: memref<64x128xf32, #tpu.memory_space<vmem>>, %arg12: memref<64x128xf32, #tpu.memory_space<vmem>>, %arg13: memref<64x128xf32, #tpu.memory_space<vmem>>, %arg14: memref<10240x128xf32, #tpu.memory_space<vmem_shared>>, %arg15: memref<!tpu.dma_semaphore, #tpu.memory_space<semaphore_mem>>, %arg16: memref<!tpu.dma_semaphore, #tpu.memory_space<semaphore_mem>>, %arg17: memref<!tpu.dma_semaphore, #tpu.memory_space<semaphore_mem>>, %arg18: memref<!tpu.dma_semaphore, #tpu.memory_space<semaphore_mem>>, %arg19: memref<!tpu.dma_semaphore, #tpu.memory_space<semaphore_mem>>, %arg20: memref<!tpu.dma_semaphore, #tpu.memory_space<semaphore_mem>>) attributes {dimension_semantics = [#tpu.dimension_semantics<core_parallel>, #tpu.dimension_semantics<subcore_parallel>], iteration_bounds = array<i64: 2, 16>, scalar_prefetch = 0 : i64, scratch_operands = 14 : i64, tpu.core_type = #tpu.core_type<sc_vector_subcore>, window_params = [{transform_indices = #map}, {transform_indices = #map}, {transform_indices = #map}, {transform_indices = #map}, {transform_indices = #map1}]} {
    %mul3A = arith.constant 16 : i32
    %mul3A_0 = arith.muli %arg0, %mul3A : i32
    %add3A = arith.addi %mul3A_0, %arg1 : i32
    %mul3A_1 = arith.constant 640 : i32
    %mul3A_2 = arith.muli %arg1, %mul3A_1 : i32
    "tpu.region"() ({
      %run_scoped3A = tpu.sem_alloc : memref<!tpu.dma_semaphore, #tpu.memory_space<semaphore_mem>>
      tpu.enqueue_dma source(%arg5 : memref<64x128xf32, #tpu.memory_space<hbm>>) target(%arg11 : memref<64x128xf32, #tpu.memory_space<vmem>>) target_semaphore(%run_scoped3A : memref<!tpu.dma_semaphore, #tpu.memory_space<semaphore_mem>>)
      tpu.wait_dma2 semaphore(%run_scoped3A : memref<!tpu.dma_semaphore, #tpu.memory_space<semaphore_mem>>) src(%arg5 : memref<64x128xf32, #tpu.memory_space<hbm>>) dst(%arg11 : memref<64x128xf32, #tpu.memory_space<vmem>>)
      tpu.yield
    }) : () -> ()
    %add3A_3 = arith.constant 0 : i32
    %add3A_4 = arith.addi %mul3A_2, %add3A_3 : i32
    %dma_start3A = arith.constant 0 : i32
    %dma_start3A_5 = tpu.memref_slice %arg14[%add3A_4, %dma_start3A] : memref<10240x128xf32, #tpu.memory_space<vmem_shared>> -> memref<64x128xf32, #tpu.memory_space<vmem_shared>>
    %dma_start3A_6 = arith.constant 0 : i32
    %dma_start3A_7 = tpu.memref_slice %arg14[%add3A_4, %dma_start3A_6] : memref<10240x128xf32, #tpu.memory_space<vmem_shared>> -> memref<64x128xf32, #tpu.memory_space<vmem_shared>>
    tpu.enqueue_dma source(%arg11 : memref<64x128xf32, #tpu.memory_space<vmem>>) target(%dma_start3A_7 : memref<64x128xf32, #tpu.memory_space<vmem_shared>>) target_semaphore(%arg18 : memref<!tpu.dma_semaphore, #tpu.memory_space<semaphore_mem>>)
    %add3A_8 = arith.constant 64 : i32
    %add3A_9 = arith.addi %mul3A_2, %add3A_8 : i32
    %dma_start3A_10 = arith.constant 0 : i32
    %dma_start3A_11 = tpu.memref_slice %arg14[%add3A_9, %dma_start3A_10] : memref<10240x128xf32, #tpu.memory_space<vmem_shared>> -> memref<64x128xf32, #tpu.memory_space<vmem_shared>>
    %dma_start3A_12 = arith.constant 0 : i32
    %dma_start3A_13 = tpu.memref_slice %arg14[%add3A_9, %dma_start3A_12] : memref<10240x128xf32, #tpu.memory_space<vmem_shared>> -> memref<64x128xf32, #tpu.memory_space<vmem_shared>>
    tpu.enqueue_dma source(%arg11 : memref<64x128xf32, #tpu.memory_space<vmem>>) target(%dma_start3A_13 : memref<64x128xf32, #tpu.memory_space<vmem_shared>>) target_semaphore(%arg18 : memref<!tpu.dma_semaphore, #tpu.memory_space<semaphore_mem>>)
    %add3A_14 = arith.constant 128 : i32
    %add3A_15 = arith.addi %mul3A_2, %add3A_14 : i32
    %dma_start3A_16 = arith.constant 0 : i32
    %dma_start3A_17 = tpu.memref_slice %arg14[%add3A_15, %dma_start3A_16] : memref<10240x128xf32, #tpu.memory_space<vmem_shared>> -> memref<64x128xf32, #tpu.memory_space<vmem_shared>>
    %dma_start3A_18 = arith.constant 0 : i32
    %dma_start3A_19 = tpu.memref_slice %arg14[%add3A_15, %dma_start3A_18] : memref<10240x128xf32, #tpu.memory_space<vmem_shared>> -> memref<64x128xf32, #tpu.memory_space<vmem_shared>>
    tpu.enqueue_dma source(%arg11 : memref<64x128xf32, #tpu.memory_space<vmem>>) target(%dma_start3A_19 : memref<64x128xf32, #tpu.memory_space<vmem_shared>>) target_semaphore(%arg18 : memref<!tpu.dma_semaphore, #tpu.memory_space<semaphore_mem>>)
    %add3A_20 = arith.constant 192 : i32
    %add3A_21 = arith.addi %mul3A_2, %add3A_20 : i32
    %dma_start3A_22 = arith.constant 0 : i32
    %dma_start3A_23 = tpu.memref_slice %arg14[%add3A_21, %dma_start3A_22] : memref<10240x128xf32, #tpu.memory_space<vmem_shared>> -> memref<64x128xf32, #tpu.memory_space<vmem_shared>>
    %dma_start3A_24 = arith.constant 0 : i32
    %dma_start3A_25 = tpu.memref_slice %arg14[%add3A_21, %dma_start3A_24] : memref<10240x128xf32, #tpu.memory_space<vmem_shared>> -> memref<64x128xf32, #tpu.memory_space<vmem_shared>>
    tpu.enqueue_dma source(%arg11 : memref<64x128xf32, #tpu.memory_space<vmem>>) target(%dma_start3A_25 : memref<64x128xf32, #tpu.memory_space<vmem_shared>>) target_semaphore(%arg18 : memref<!tpu.dma_semaphore, #tpu.memory_space<semaphore_mem>>)
    %add3A_26 = arith.constant 256 : i32
    %add3A_27 = arith.addi %mul3A_2, %add3A_26 : i32
    %dma_start3A_28 = arith.constant 0 : i32
    %dma_start3A_29 = tpu.memref_slice %arg14[%add3A_27, %dma_start3A_28] : memref<10240x128xf32, #tpu.memory_space<vmem_shared>> -> memref<64x128xf32, #tpu.memory_space<vmem_shared>>
    %dma_start3A_30 = arith.constant 0 : i32
    %dma_start3A_31 = tpu.memref_slice %arg14[%add3A_27, %dma_start3A_30] : memref<10240x128xf32, #tpu.memory_space<vmem_shared>> -> memref<64x128xf32, #tpu.memory_space<vmem_shared>>
    tpu.enqueue_dma source(%arg11 : memref<64x128xf32, #tpu.memory_space<vmem>>) target(%dma_start3A_31 : memref<64x128xf32, #tpu.memory_space<vmem_shared>>) target_semaphore(%arg18 : memref<!tpu.dma_semaphore, #tpu.memory_space<semaphore_mem>>)
    %add3A_32 = arith.constant 320 : i32
    %add3A_33 = arith.addi %mul3A_2, %add3A_32 : i32
    %dma_start3A_34 = arith.constant 0 : i32
    %dma_start3A_35 = tpu.memref_slice %arg14[%add3A_33, %dma_start3A_34] : memref<10240x128xf32, #tpu.memory_space<vmem_shared>> -> memref<64x128xf32, #tpu.memory_space<vmem_shared>>
    %dma_start3A_36 = arith.constant 0 : i32
    %dma_start3A_37 = tpu.memref_slice %arg14[%add3A_33, %dma_start3A_36] : memref<10240x128xf32, #tpu.memory_space<vmem_shared>> -> memref<64x128xf32, #tpu.memory_space<vmem_shared>>
    tpu.enqueue_dma source(%arg11 : memref<64x128xf32, #tpu.memory_space<vmem>>) target(%dma_start3A_37 : memref<64x128xf32, #tpu.memory_space<vmem_shared>>) target_semaphore(%arg18 : memref<!tpu.dma_semaphore, #tpu.memory_space<semaphore_mem>>)
    %add3A_38 = arith.constant 384 : i32
    %add3A_39 = arith.addi %mul3A_2, %add3A_38 : i32
    %dma_start3A_40 = arith.constant 0 : i32
    %dma_start3A_41 = tpu.memref_slice %arg14[%add3A_39, %dma_start3A_40] : memref<10240x128xf32, #tpu.memory_space<vmem_shared>> -> memref<64x128xf32, #tpu.memory_space<vmem_shared>>
    %dma_start3A_42 = arith.constant 0 : i32
    %dma_start3A_43 = tpu.memref_slice %arg14[%add3A_39, %dma_start3A_42] : memref<10240x128xf32, #tpu.memory_space<vmem_shared>> -> memref<64x128xf32, #tpu.memory_space<vmem_shared>>
    tpu.enqueue_dma source(%arg11 : memref<64x128xf32, #tpu.memory_space<vmem>>) target(%dma_start3A_43 : memref<64x128xf32, #tpu.memory_space<vmem_shared>>) target_semaphore(%arg18 : memref<!tpu.dma_semaphore, #tpu.memory_space<semaphore_mem>>)
    %add3A_44 = arith.constant 448 : i32
    %add3A_45 = arith.addi %mul3A_2, %add3A_44 : i32
    %dma_start3A_46 = arith.constant 0 : i32
    %dma_start3A_47 = tpu.memref_slice %arg14[%add3A_45, %dma_start3A_46] : memref<10240x128xf32, #tpu.memory_space<vmem_shared>> -> memref<64x128xf32, #tpu.memory_space<vmem_shared>>
    %dma_start3A_48 = arith.constant 0 : i32
    %dma_start3A_49 = tpu.memref_slice %arg14[%add3A_45, %dma_start3A_48] : memref<10240x128xf32, #tpu.memory_space<vmem_shared>> -> memref<64x128xf32, #tpu.memory_space<vmem_shared>>
    tpu.enqueue_dma source(%arg11 : memref<64x128xf32, #tpu.memory_space<vmem>>) target(%dma_start3A_49 : memref<64x128xf32, #tpu.memory_space<vmem_shared>>) target_semaphore(%arg18 : memref<!tpu.dma_semaphore, #tpu.memory_space<semaphore_mem>>)
    %add3A_50 = arith.constant 512 : i32
    %add3A_51 = arith.addi %mul3A_2, %add3A_50 : i32
    %dma_start3A_52 = arith.constant 0 : i32
    %dma_start3A_53 = tpu.memref_slice %arg14[%add3A_51, %dma_start3A_52] : memref<10240x128xf32, #tpu.memory_space<vmem_shared>> -> memref<64x128xf32, #tpu.memory_space<vmem_shared>>
    %dma_start3A_54 = arith.constant 0 : i32
    %dma_start3A_55 = tpu.memref_slice %arg14[%add3A_51, %dma_start3A_54] : memref<10240x128xf32, #tpu.memory_space<vmem_shared>> -> memref<64x128xf32, #tpu.memory_space<vmem_shared>>
    tpu.enqueue_dma source(%arg11 : memref<64x128xf32, #tpu.memory_space<vmem>>) target(%dma_start3A_55 : memref<64x128xf32, #tpu.memory_space<vmem_shared>>) target_semaphore(%arg18 : memref<!tpu.dma_semaphore, #tpu.memory_space<semaphore_mem>>)
    %add3A_56 = arith.constant 576 : i32
    %add3A_57 = arith.addi %mul3A_2, %add3A_56 : i32
    %dma_start3A_58 = arith.constant 0 : i32
    %dma_start3A_59 = tpu.memref_slice %arg14[%add3A_57, %dma_start3A_58] : memref<10240x128xf32, #tpu.memory_space<vmem_shared>> -> memref<64x128xf32, #tpu.memory_space<vmem_shared>>
    %dma_start3A_60 = arith.constant 0 : i32
    %dma_start3A_61 = tpu.memref_slice %arg14[%add3A_57, %dma_start3A_60] : memref<10240x128xf32, #tpu.memory_space<vmem_shared>> -> memref<64x128xf32, #tpu.memory_space<vmem_shared>>
    tpu.enqueue_dma source(%arg11 : memref<64x128xf32, #tpu.memory_space<vmem>>) target(%dma_start3A_61 : memref<64x128xf32, #tpu.memory_space<vmem_shared>>) target_semaphore(%arg18 : memref<!tpu.dma_semaphore, #tpu.memory_space<semaphore_mem>>)
    %mul3A_62 = arith.constant 156 : i32
    %mul3A_63 = arith.muli %add3A, %mul3A_62 : i32
    %dma_start3A_64 = arith.constant 0 : i32
    %dma_start3A_65 = tpu.memref_slice %arg3[%mul3A_63, %dma_start3A_64] : memref<5000x64xi32, #tpu.memory_space<hbm>> -> memref<156x64xi32, #tpu.memory_space<hbm>>
    %dma_start3A_66 = arith.constant 0 : i32
    %dma_start3A_67 = tpu.memref_slice %arg3[%mul3A_63, %dma_start3A_66] : memref<5000x64xi32, #tpu.memory_space<hbm>> -> memref<156x64xi32, #tpu.memory_space<hbm>>
    tpu.enqueue_dma source(%dma_start3A_67 : memref<156x64xi32, #tpu.memory_space<hbm>>) target(%arg7 : memref<156x64xi32, #tpu.memory_space<vmem>>) target_semaphore(%arg16 : memref<!tpu.dma_semaphore, #tpu.memory_space<semaphore_mem>>)
    %mul3A_68 = arith.constant 156 : i32
    %mul3A_69 = arith.muli %add3A, %mul3A_68 : i32
    %dma_start3A_70 = arith.constant 0 : i32
    %dma_start3A_71 = tpu.memref_slice %arg4[%mul3A_69, %dma_start3A_70] : memref<5000x64xi32, #tpu.memory_space<hbm>> -> memref<156x64xi32, #tpu.memory_space<hbm>>
    %dma_start3A_72 = arith.constant 0 : i32
    %dma_start3A_73 = tpu.memref_slice %arg4[%mul3A_69, %dma_start3A_72] : memref<5000x64xi32, #tpu.memory_space<hbm>> -> memref<156x64xi32, #tpu.memory_space<hbm>>
    tpu.enqueue_dma source(%dma_start3A_73 : memref<156x64xi32, #tpu.memory_space<hbm>>) target(%arg8 : memref<156x64xi32, #tpu.memory_space<vmem>>) target_semaphore(%arg17 : memref<!tpu.dma_semaphore, #tpu.memory_space<semaphore_mem>>)
    %dma_wait3A = arith.constant 0 : i32
    %dma_wait3A_74 = tpu.memref_slice %arg14[%mul3A_2, %dma_wait3A] : memref<10240x128xf32, #tpu.memory_space<vmem_shared>> -> memref<64x128xf32, #tpu.memory_space<vmem_shared>>
    %dma_wait3A_75 = arith.constant 0 : i32
    %dma_wait3A_76 = tpu.memref_slice %arg14[%mul3A_2, %dma_wait3A_75] : memref<10240x128xf32, #tpu.memory_space<vmem_shared>> -> memref<64x128xf32, #tpu.memory_space<vmem_shared>>
    tpu.wait_dma2 semaphore(%arg18 : memref<!tpu.dma_semaphore, #tpu.memory_space<semaphore_mem>>) src(%arg11 : memref<64x128xf32, #tpu.memory_space<vmem>>) dst(%dma_wait3A_76 : memref<64x128xf32, #tpu.memory_space<vmem_shared>>)
    %dma_wait3A_77 = arith.constant 0 : i32
    %dma_wait3A_78 = tpu.memref_slice %arg14[%mul3A_2, %dma_wait3A_77] : memref<10240x128xf32, #tpu.memory_space<vmem_shared>> -> memref<64x128xf32, #tpu.memory_space<vmem_shared>>
    %dma_wait3A_79 = arith.constant 0 : i32
    %dma_wait3A_80 = tpu.memref_slice %arg14[%mul3A_2, %dma_wait3A_79] : memref<10240x128xf32, #tpu.memory_space<vmem_shared>> -> memref<64x128xf32, #tpu.memory_space<vmem_shared>>
    tpu.wait_dma2 semaphore(%arg18 : memref<!tpu.dma_semaphore, #tpu.memory_space<semaphore_mem>>) src(%arg11 : memref<64x128xf32, #tpu.memory_space<vmem>>) dst(%dma_wait3A_80 : memref<64x128xf32, #tpu.memory_space<vmem_shared>>)
    %dma_wait3A_81 = arith.constant 0 : i32
    %dma_wait3A_82 = tpu.memref_slice %arg14[%mul3A_2, %dma_wait3A_81] : memref<10240x128xf32, #tpu.memory_space<vmem_shared>> -> memref<64x128xf32, #tpu.memory_space<vmem_shared>>
    %dma_wait3A_83 = arith.constant 0 : i32
    %dma_wait3A_84 = tpu.memref_slice %arg14[%mul3A_2, %dma_wait3A_83] : memref<10240x128xf32, #tpu.memory_space<vmem_shared>> -> memref<64x128xf32, #tpu.memory_space<vmem_shared>>
    tpu.wait_dma2 semaphore(%arg18 : memref<!tpu.dma_semaphore, #tpu.memory_space<semaphore_mem>>) src(%arg11 : memref<64x128xf32, #tpu.memory_space<vmem>>) dst(%dma_wait3A_84 : memref<64x128xf32, #tpu.memory_space<vmem_shared>>)
    %dma_wait3A_85 = arith.constant 0 : i32
    %dma_wait3A_86 = tpu.memref_slice %arg14[%mul3A_2, %dma_wait3A_85] : memref<10240x128xf32, #tpu.memory_space<vmem_shared>> -> memref<64x128xf32, #tpu.memory_space<vmem_shared>>
    %dma_wait3A_87 = arith.constant 0 : i32
    %dma_wait3A_88 = tpu.memref_slice %arg14[%mul3A_2, %dma_wait3A_87] : memref<10240x128xf32, #tpu.memory_space<vmem_shared>> -> memref<64x128xf32, #tpu.memory_space<vmem_shared>>
    tpu.wait_dma2 semaphore(%arg18 : memref<!tpu.dma_semaphore, #tpu.memory_space<semaphore_mem>>) src(%arg11 : memref<64x128xf32, #tpu.memory_space<vmem>>) dst(%dma_wait3A_88 : memref<64x128xf32, #tpu.memory_space<vmem_shared>>)
    %dma_wait3A_89 = arith.constant 0 : i32
    %dma_wait3A_90 = tpu.memref_slice %arg14[%mul3A_2, %dma_wait3A_89] : memref<10240x128xf32, #tpu.memory_space<vmem_shared>> -> memref<64x128xf32, #tpu.memory_space<vmem_shared>>
    %dma_wait3A_91 = arith.constant 0 : i32
    %dma_wait3A_92 = tpu.memref_slice %arg14[%mul3A_2, %dma_wait3A_91] : memref<10240x128xf32, #tpu.memory_space<vmem_shared>> -> memref<64x128xf32, #tpu.memory_space<vmem_shared>>
    tpu.wait_dma2 semaphore(%arg18 : memref<!tpu.dma_semaphore, #tpu.memory_space<semaphore_mem>>) src(%arg11 : memref<64x128xf32, #tpu.memory_space<vmem>>) dst(%dma_wait3A_92 : memref<64x128xf32, #tpu.memory_space<vmem_shared>>)
    %dma_wait3A_93 = arith.constant 0 : i32
    %dma_wait3A_94 = tpu.memref_slice %arg14[%mul3A_2, %dma_wait3A_93] : memref<10240x128xf32, #tpu.memory_space<vmem_shared>> -> memref<64x128xf32, #tpu.memory_space<vmem_shared>>
    %dma_wait3A_95 = arith.constant 0 : i32
    %dma_wait3A_96 = tpu.memref_slice %arg14[%mul3A_2, %dma_wait3A_95] : memref<10240x128xf32, #tpu.memory_space<vmem_shared>> -> memref<64x128xf32, #tpu.memory_space<vmem_shared>>
    tpu.wait_dma2 semaphore(%arg18 : memref<!tpu.dma_semaphore, #tpu.memory_space<semaphore_mem>>) src(%arg11 : memref<64x128xf32, #tpu.memory_space<vmem>>) dst(%dma_wait3A_96 : memref<64x128xf32, #tpu.memory_space<vmem_shared>>)
    %dma_wait3A_97 = arith.constant 0 : i32
    %dma_wait3A_98 = tpu.memref_slice %arg14[%mul3A_2, %dma_wait3A_97] : memref<10240x128xf32, #tpu.memory_space<vmem_shared>> -> memref<64x128xf32, #tpu.memory_space<vmem_shared>>
    %dma_wait3A_99 = arith.constant 0 : i32
    %dma_wait3A_100 = tpu.memref_slice %arg14[%mul3A_2, %dma_wait3A_99] : memref<10240x128xf32, #tpu.memory_space<vmem_shared>> -> memref<64x128xf32, #tpu.memory_space<vmem_shared>>
    tpu.wait_dma2 semaphore(%arg18 : memref<!tpu.dma_semaphore, #tpu.memory_space<semaphore_mem>>) src(%arg11 : memref<64x128xf32, #tpu.memory_space<vmem>>) dst(%dma_wait3A_100 : memref<64x128xf32, #tpu.memory_space<vmem_shared>>)
    %dma_wait3A_101 = arith.constant 0 : i32
    %dma_wait3A_102 = tpu.memref_slice %arg14[%mul3A_2, %dma_wait3A_101] : memref<10240x128xf32, #tpu.memory_space<vmem_shared>> -> memref<64x128xf32, #tpu.memory_space<vmem_shared>>
    %dma_wait3A_103 = arith.constant 0 : i32
    %dma_wait3A_104 = tpu.memref_slice %arg14[%mul3A_2, %dma_wait3A_103] : memref<10240x128xf32, #tpu.memory_space<vmem_shared>> -> memref<64x128xf32, #tpu.memory_space<vmem_shared>>
    tpu.wait_dma2 semaphore(%arg18 : memref<!tpu.dma_semaphore, #tpu.memory_space<semaphore_mem>>) src(%arg11 : memref<64x128xf32, #tpu.memory_space<vmem>>) dst(%dma_wait3A_104 : memref<64x128xf32, #tpu.memory_space<vmem_shared>>)
    %dma_wait3A_105 = arith.constant 0 : i32
    %dma_wait3A_106 = tpu.memref_slice %arg14[%mul3A_2, %dma_wait3A_105] : memref<10240x128xf32, #tpu.memory_space<vmem_shared>> -> memref<64x128xf32, #tpu.memory_space<vmem_shared>>
    %dma_wait3A_107 = arith.constant 0 : i32
    %dma_wait3A_108 = tpu.memref_slice %arg14[%mul3A_2, %dma_wait3A_107] : memref<10240x128xf32, #tpu.memory_space<vmem_shared>> -> memref<64x128xf32, #tpu.memory_space<vmem_shared>>
    tpu.wait_dma2 semaphore(%arg18 : memref<!tpu.dma_semaphore, #tpu.memory_space<semaphore_mem>>) src(%arg11 : memref<64x128xf32, #tpu.memory_space<vmem>>) dst(%dma_wait3A_108 : memref<64x128xf32, #tpu.memory_space<vmem_shared>>)
    %dma_wait3A_109 = arith.constant 0 : i32
    %dma_wait3A_110 = tpu.memref_slice %arg14[%mul3A_2, %dma_wait3A_109] : memref<10240x128xf32, #tpu.memory_space<vmem_shared>> -> memref<64x128xf32, #tpu.memory_space<vmem_shared>>
    %dma_wait3A_111 = arith.constant 0 : i32
    %dma_wait3A_112 = tpu.memref_slice %arg14[%mul3A_2, %dma_wait3A_111] : memref<10240x128xf32, #tpu.memory_space<vmem_shared>> -> memref<64x128xf32, #tpu.memory_space<vmem_shared>>
    tpu.wait_dma2 semaphore(%arg18 : memref<!tpu.dma_semaphore, #tpu.memory_space<semaphore_mem>>) src(%arg11 : memref<64x128xf32, #tpu.memory_space<vmem>>) dst(%dma_wait3A_112 : memref<64x128xf32, #tpu.memory_space<vmem_shared>>)
    %dma_wait3A_113 = arith.constant 0 : i32
    %dma_wait3A_114 = arith.constant 0 : i32
    %dma_wait3A_115 = tpu.memref_slice %arg3[%dma_wait3A_113, %dma_wait3A_114] : memref<5000x64xi32, #tpu.memory_space<hbm>> -> memref<156x64xi32, #tpu.memory_space<hbm>>
    %dma_wait3A_116 = arith.constant 0 : i32
    %dma_wait3A_117 = arith.constant 0 : i32
    %dma_wait3A_118 = tpu.memref_slice %arg3[%dma_wait3A_116, %dma_wait3A_117] : memref<5000x64xi32, #tpu.memory_space<hbm>> -> memref<156x64xi32, #tpu.memory_space<hbm>>
    tpu.wait_dma2 semaphore(%arg16 : memref<!tpu.dma_semaphore, #tpu.memory_space<semaphore_mem>>) src(%dma_wait3A_118 : memref<156x64xi32, #tpu.memory_space<hbm>>) dst(%arg7 : memref<156x64xi32, #tpu.memory_space<vmem>>)
    %dma_wait3A_119 = arith.constant 0 : i32
    %dma_wait3A_120 = arith.constant 0 : i32
    %dma_wait3A_121 = tpu.memref_slice %arg4[%dma_wait3A_119, %dma_wait3A_120] : memref<5000x64xi32, #tpu.memory_space<hbm>> -> memref<156x64xi32, #tpu.memory_space<hbm>>
    %dma_wait3A_122 = arith.constant 0 : i32
    %dma_wait3A_123 = arith.constant 0 : i32
    %dma_wait3A_124 = tpu.memref_slice %arg4[%dma_wait3A_122, %dma_wait3A_123] : memref<5000x64xi32, #tpu.memory_space<hbm>> -> memref<156x64xi32, #tpu.memory_space<hbm>>
    tpu.wait_dma2 semaphore(%arg17 : memref<!tpu.dma_semaphore, #tpu.memory_space<semaphore_mem>>) src(%dma_wait3A_124 : memref<156x64xi32, #tpu.memory_space<hbm>>) dst(%arg8 : memref<156x64xi32, #tpu.memory_space<vmem>>)
    %barrier3A = arith.constant 0 : index
    tpu.barrier barrier_id(%barrier3A)
    %dma_start3A_125 = arith.constant 0 : i32
    %dma_start3A_126 = arith.constant 0 : i32
    %dma_start3A_127 = tpu.memref_slice %arg7[%dma_start3A_125, %dma_start3A_126] : memref<156x64xi32, #tpu.memory_space<vmem>> -> memref<1x64xi32, #tpu.memory_space<vmem>>
    %dma_start3A_128 = tpu.memref_squeeze %dma_start3A_127 : memref<1x64xi32, #tpu.memory_space<vmem>> -> memref<64xi32, #tpu.memory_space<vmem>>
    %dma_start3A_129 = arith.constant 0 : i32
    %dma_start3A_130 = arith.constant 0 : i32
    %dma_start3A_131 = tpu.memref_slice %arg2[%dma_start3A_129, %dma_start3A_130] : memref<10000x128xf32, #tpu.memory_space<hbm>> -> memref<10000x128xf32, #tpu.memory_space<hbm>>
    tpu.enqueue_indirect_dma source(%dma_start3A_131 : memref<10000x128xf32, #tpu.memory_space<hbm>>) target(%arg11 : memref<64x128xf32, #tpu.memory_space<vmem>>) offsets(%dma_start3A_128 : memref<64xi32, #tpu.memory_space<vmem>>) semaphore(%arg15 : memref<!tpu.dma_semaphore, #tpu.memory_space<semaphore_mem>>)
    %dma_start3A_132 = arith.constant 1 : i32
    %dma_start3A_133 = arith.constant 0 : i32
    %dma_start3A_134 = tpu.memref_slice %arg7[%dma_start3A_132, %dma_start3A_133] : memref<156x64xi32, #tpu.memory_space<vmem>> -> memref<1x64xi32, #tpu.memory_space<vmem>>
    %dma_start3A_135 = tpu.memref_squeeze %dma_start3A_134 : memref<1x64xi32, #tpu.memory_space<vmem>> -> memref<64xi32, #tpu.memory_space<vmem>>
    %dma_start3A_136 = arith.constant 0 : i32
    %dma_start3A_137 = arith.constant 0 : i32
    %dma_start3A_138 = tpu.memref_slice %arg2[%dma_start3A_136, %dma_start3A_137] : memref<10000x128xf32, #tpu.memory_space<hbm>> -> memref<10000x128xf32, #tpu.memory_space<hbm>>
    tpu.enqueue_indirect_dma source(%dma_start3A_138 : memref<10000x128xf32, #tpu.memory_space<hbm>>) target(%arg12 : memref<64x128xf32, #tpu.memory_space<vmem>>) offsets(%dma_start3A_135 : memref<64xi32, #tpu.memory_space<vmem>>) semaphore(%arg16 : memref<!tpu.dma_semaphore, #tpu.memory_space<semaphore_mem>>)
    %dma_wait3A_139 = arith.constant 0 : i32
    %dma_wait3A_140 = arith.constant 0 : i32
    %dma_wait3A_141 = tpu.memref_slice %arg7[%dma_wait3A_139, %dma_wait3A_140] : memref<156x64xi32, #tpu.memory_space<vmem>> -> memref<1x64xi32, #tpu.memory_space<vmem>>
    %dma_wait3A_142 = tpu.memref_squeeze %dma_wait3A_141 : memref<1x64xi32, #tpu.memory_space<vmem>> -> memref<64xi32, #tpu.memory_space<vmem>>
    %dma_wait3A_143 = arith.constant 0 : i32
    %dma_wait3A_144 = arith.constant 0 : i32
    %dma_wait3A_145 = tpu.memref_slice %arg2[%dma_wait3A_143, %dma_wait3A_144] : memref<10000x128xf32, #tpu.memory_space<hbm>> -> memref<10000x128xf32, #tpu.memory_space<hbm>>
    tpu.wait_indirect_dma semaphore(%arg15 : memref<!tpu.dma_semaphore, #tpu.memory_space<semaphore_mem>>) src(%dma_wait3A_145 : memref<10000x128xf32, #tpu.memory_space<hbm>>) dst(%arg11 : memref<64x128xf32, #tpu.memory_space<vmem>>)
    %dma_start3A_146 = arith.constant 0 : i32
    %dma_start3A_147 = arith.constant 0 : i32
    %dma_start3A_148 = tpu.memref_slice %arg8[%dma_start3A_146, %dma_start3A_147] : memref<156x64xi32, #tpu.memory_space<vmem>> -> memref<1x64xi32, #tpu.memory_space<vmem>>
    %dma_start3A_149 = tpu.memref_squeeze %dma_start3A_148 : memref<1x64xi32, #tpu.memory_space<vmem>> -> memref<64xi32, #tpu.memory_space<vmem>>
    %dma_start3A_150 = arith.constant 0 : i32
    %dma_start3A_151 = arith.constant 0 : i32
    %dma_start3A_152 = tpu.memref_slice %arg14[%dma_start3A_150, %dma_start3A_151] : memref<10240x128xf32, #tpu.memory_space<vmem_shared>> -> memref<10240x128xf32, #tpu.memory_space<vmem_shared>>
    tpu.enqueue_indirect_dma source(%arg11 : memref<64x128xf32, #tpu.memory_space<vmem>>) target(%dma_start3A_152 : memref<10240x128xf32, #tpu.memory_space<vmem_shared>>) offsets(%dma_start3A_149 : memref<64xi32, #tpu.memory_space<vmem>>) semaphore(%arg18 : memref<!tpu.dma_semaphore, #tpu.memory_space<semaphore_mem>>) {add = true}
    %dma_start3A_153 = arith.constant 2 : i32
    %dma_start3A_154 = arith.constant 0 : i32
    %dma_start3A_155 = tpu.memref_slice %arg7[%dma_start3A_153, %dma_start3A_154] : memref<156x64xi32, #tpu.memory_space<vmem>> -> memref<1x64xi32, #tpu.memory_space<vmem>>
    %dma_start3A_156 = tpu.memref_squeeze %dma_start3A_155 : memref<1x64xi32, #tpu.memory_space<vmem>> -> memref<64xi32, #tpu.memory_space<vmem>>
    %dma_start3A_157 = arith.constant 0 : i32
    %dma_start3A_158 = arith.constant 0 : i32
    %dma_start3A_159 = tpu.memref_slice %arg2[%dma_start3A_157, %dma_start3A_158] : memref<10000x128xf32, #tpu.memory_space<hbm>> -> memref<10000x128xf32, #tpu.memory_space<hbm>>
    tpu.enqueue_indirect_dma source(%dma_start3A_159 : memref<10000x128xf32, #tpu.memory_space<hbm>>) target(%arg13 : memref<64x128xf32, #tpu.memory_space<vmem>>) offsets(%dma_start3A_156 : memref<64xi32, #tpu.memory_space<vmem>>) semaphore(%arg17 : memref<!tpu.dma_semaphore, #tpu.memory_space<semaphore_mem>>)
    %scan3A = arith.constant 0 : i32
    %scan3A_160 = arith.constant 0 : i32
    %scan3A_161 = arith.constant 51 : i32
    %scan3A_162 = arith.addi %scan3A_160, %scan3A_161 : i32
    %scan3A_163 = arith.constant 1 : i32
    scf.for %scan3A_357 = %scan3A_160 to %scan3A_162 step %scan3A_163  : i32 {
      %mul3A_358 = arith.constant 3 : i32
      %mul3A_359 = arith.muli %mul3A_358, %scan3A_357 : i32
      %add3A_360 = arith.constant 1 : i32
      %add3A_361 = arith.addi %add3A_360, %mul3A_359 : i32
      %add3A_362 = arith.constant 0 : i32
      %add3A_363 = arith.addi %add3A_361, %add3A_362 : i32
      %dma_wait3A_364 = arith.constant 0 : i32
      %dma_wait3A_365 = arith.constant 0 : i32
      %dma_wait3A_366 = tpu.memref_slice %arg7[%dma_wait3A_364, %dma_wait3A_365] : memref<156x64xi32, #tpu.memory_space<vmem>> -> memref<1x64xi32, #tpu.memory_space<vmem>>
      %dma_wait3A_367 = tpu.memref_squeeze %dma_wait3A_366 : memref<1x64xi32, #tpu.memory_space<vmem>> -> memref<64xi32, #tpu.memory_space<vmem>>
      %dma_wait3A_368 = arith.constant 0 : i32
      %dma_wait3A_369 = arith.constant 0 : i32
      %dma_wait3A_370 = tpu.memref_slice %arg2[%dma_wait3A_368, %dma_wait3A_369] : memref<10000x128xf32, #tpu.memory_space<hbm>> -> memref<10000x128xf32, #tpu.memory_space<hbm>>
      tpu.wait_indirect_dma semaphore(%arg16 : memref<!tpu.dma_semaphore, #tpu.memory_space<semaphore_mem>>) src(%dma_wait3A_370 : memref<10000x128xf32, #tpu.memory_space<hbm>>) dst(%arg12 : memref<64x128xf32, #tpu.memory_space<vmem>>)
      %dma_start3A_371 = arith.constant 0 : i32
      %dma_start3A_372 = tpu.memref_slice %arg8[%add3A_363, %dma_start3A_371] : memref<156x64xi32, #tpu.memory_space<vmem>> -> memref<1x64xi32, #tpu.memory_space<vmem>>
      %dma_start3A_373 = tpu.memref_squeeze %dma_start3A_372 : memref<1x64xi32, #tpu.memory_space<vmem>> -> memref<64xi32, #tpu.memory_space<vmem>>
      %dma_start3A_374 = arith.constant 0 : i32
      %dma_start3A_375 = arith.constant 0 : i32
      %dma_start3A_376 = tpu.memref_slice %arg14[%dma_start3A_374, %dma_start3A_375] : memref<10240x128xf32, #tpu.memory_space<vmem_shared>> -> memref<10240x128xf32, #tpu.memory_space<vmem_shared>>
      tpu.enqueue_indirect_dma source(%arg12 : memref<64x128xf32, #tpu.memory_space<vmem>>) target(%dma_start3A_376 : memref<10240x128xf32, #tpu.memory_space<vmem_shared>>) offsets(%dma_start3A_373 : memref<64xi32, #tpu.memory_space<vmem>>) semaphore(%arg19 : memref<!tpu.dma_semaphore, #tpu.memory_space<semaphore_mem>>) {add = true}
      %dma_wait3A_377 = arith.constant 0 : i32
      %dma_wait3A_378 = arith.constant 0 : i32
      %dma_wait3A_379 = tpu.memref_slice %arg8[%dma_wait3A_377, %dma_wait3A_378] : memref<156x64xi32, #tpu.memory_space<vmem>> -> memref<1x64xi32, #tpu.memory_space<vmem>>
      %dma_wait3A_380 = tpu.memref_squeeze %dma_wait3A_379 : memref<1x64xi32, #tpu.memory_space<vmem>> -> memref<64xi32, #tpu.memory_space<vmem>>
      %dma_wait3A_381 = arith.constant 0 : i32
      %dma_wait3A_382 = arith.constant 0 : i32
      %dma_wait3A_383 = tpu.memref_slice %arg14[%dma_wait3A_381, %dma_wait3A_382] : memref<10240x128xf32, #tpu.memory_space<vmem_shared>> -> memref<10240x128xf32, #tpu.memory_space<vmem_shared>>
      tpu.wait_indirect_dma semaphore(%arg18 : memref<!tpu.dma_semaphore, #tpu.memory_space<semaphore_mem>>) src(%arg11 : memref<64x128xf32, #tpu.memory_space<vmem>>) dst(%dma_wait3A_383 : memref<10240x128xf32, #tpu.memory_space<vmem_shared>>)
      %add3A_384 = arith.constant 3 : i32
      %add3A_385 = arith.addi %add3A_363, %add3A_384 : i32
      %sub3A = arith.constant 1 : i32
      %sub3A_386 = arith.subi %add3A_385, %sub3A : i32
      %dma_start3A_387 = arith.constant 0 : i32
      %dma_start3A_388 = tpu.memref_slice %arg7[%sub3A_386, %dma_start3A_387] : memref<156x64xi32, #tpu.memory_space<vmem>> -> memref<1x64xi32, #tpu.memory_space<vmem>>
      %dma_start3A_389 = tpu.memref_squeeze %dma_start3A_388 : memref<1x64xi32, #tpu.memory_space<vmem>> -> memref<64xi32, #tpu.memory_space<vmem>>
      %dma_start3A_390 = arith.constant 0 : i32
      %dma_start3A_391 = arith.constant 0 : i32
      %dma_start3A_392 = tpu.memref_slice %arg2[%dma_start3A_390, %dma_start3A_391] : memref<10000x128xf32, #tpu.memory_space<hbm>> -> memref<10000x128xf32, #tpu.memory_space<hbm>>
      tpu.enqueue_indirect_dma source(%dma_start3A_392 : memref<10000x128xf32, #tpu.memory_space<hbm>>) target(%arg11 : memref<64x128xf32, #tpu.memory_space<vmem>>) offsets(%dma_start3A_389 : memref<64xi32, #tpu.memory_space<vmem>>) semaphore(%arg15 : memref<!tpu.dma_semaphore, #tpu.memory_space<semaphore_mem>>)
      %add3A_393 = arith.constant 1 : i32
      %add3A_394 = arith.addi %add3A_361, %add3A_393 : i32
      %dma_wait3A_395 = arith.constant 0 : i32
      %dma_wait3A_396 = arith.constant 0 : i32
      %dma_wait3A_397 = tpu.memref_slice %arg7[%dma_wait3A_395, %dma_wait3A_396] : memref<156x64xi32, #tpu.memory_space<vmem>> -> memref<1x64xi32, #tpu.memory_space<vmem>>
      %dma_wait3A_398 = tpu.memref_squeeze %dma_wait3A_397 : memref<1x64xi32, #tpu.memory_space<vmem>> -> memref<64xi32, #tpu.memory_space<vmem>>
      %dma_wait3A_399 = arith.constant 0 : i32
      %dma_wait3A_400 = arith.constant 0 : i32
      %dma_wait3A_401 = tpu.memref_slice %arg2[%dma_wait3A_399, %dma_wait3A_400] : memref<10000x128xf32, #tpu.memory_space<hbm>> -> memref<10000x128xf32, #tpu.memory_space<hbm>>
      tpu.wait_indirect_dma semaphore(%arg17 : memref<!tpu.dma_semaphore, #tpu.memory_space<semaphore_mem>>) src(%dma_wait3A_401 : memref<10000x128xf32, #tpu.memory_space<hbm>>) dst(%arg13 : memref<64x128xf32, #tpu.memory_space<vmem>>)
      %dma_start3A_402 = arith.constant 0 : i32
      %dma_start3A_403 = tpu.memref_slice %arg8[%add3A_394, %dma_start3A_402] : memref<156x64xi32, #tpu.memory_space<vmem>> -> memref<1x64xi32, #tpu.memory_space<vmem>>
      %dma_start3A_404 = tpu.memref_squeeze %dma_start3A_403 : memref<1x64xi32, #tpu.memory_space<vmem>> -> memref<64xi32, #tpu.memory_space<vmem>>
      %dma_start3A_405 = arith.constant 0 : i32
      %dma_start3A_406 = arith.constant 0 : i32
      %dma_start3A_407 = tpu.memref_slice %arg14[%dma_start3A_405, %dma_start3A_406] : memref<10240x128xf32, #tpu.memory_space<vmem_shared>> -> memref<10240x128xf32, #tpu.memory_space<vmem_shared>>
      tpu.enqueue_indirect_dma source(%arg13 : memref<64x128xf32, #tpu.memory_space<vmem>>) target(%dma_start3A_407 : memref<10240x128xf32, #tpu.memory_space<vmem_shared>>) offsets(%dma_start3A_404 : memref<64xi32, #tpu.memory_space<vmem>>) semaphore(%arg20 : memref<!tpu.dma_semaphore, #tpu.memory_space<semaphore_mem>>) {add = true}
      %dma_wait3A_408 = arith.constant 0 : i32
      %dma_wait3A_409 = arith.constant 0 : i32
      %dma_wait3A_410 = tpu.memref_slice %arg8[%dma_wait3A_408, %dma_wait3A_409] : memref<156x64xi32, #tpu.memory_space<vmem>> -> memref<1x64xi32, #tpu.memory_space<vmem>>
      %dma_wait3A_411 = tpu.memref_squeeze %dma_wait3A_410 : memref<1x64xi32, #tpu.memory_space<vmem>> -> memref<64xi32, #tpu.memory_space<vmem>>
      %dma_wait3A_412 = arith.constant 0 : i32
      %dma_wait3A_413 = arith.constant 0 : i32
      %dma_wait3A_414 = tpu.memref_slice %arg14[%dma_wait3A_412, %dma_wait3A_413] : memref<10240x128xf32, #tpu.memory_space<vmem_shared>> -> memref<10240x128xf32, #tpu.memory_space<vmem_shared>>
      tpu.wait_indirect_dma semaphore(%arg19 : memref<!tpu.dma_semaphore, #tpu.memory_space<semaphore_mem>>) src(%arg12 : memref<64x128xf32, #tpu.memory_space<vmem>>) dst(%dma_wait3A_414 : memref<10240x128xf32, #tpu.memory_space<vmem_shared>>)
      %add3A_415 = arith.constant 3 : i32
      %add3A_416 = arith.addi %add3A_394, %add3A_415 : i32
      %sub3A_417 = arith.constant 1 : i32
      %sub3A_418 = arith.subi %add3A_416, %sub3A_417 : i32
      %dma_start3A_419 = arith.constant 0 : i32
      %dma_start3A_420 = tpu.memref_slice %arg7[%sub3A_418, %dma_start3A_419] : memref<156x64xi32, #tpu.memory_space<vmem>> -> memref<1x64xi32, #tpu.memory_space<vmem>>
      %dma_start3A_421 = tpu.memref_squeeze %dma_start3A_420 : memref<1x64xi32, #tpu.memory_space<vmem>> -> memref<64xi32, #tpu.memory_space<vmem>>
      %dma_start3A_422 = arith.constant 0 : i32
      %dma_start3A_423 = arith.constant 0 : i32
      %dma_start3A_424 = tpu.memref_slice %arg2[%dma_start3A_422, %dma_start3A_423] : memref<10000x128xf32, #tpu.memory_space<hbm>> -> memref<10000x128xf32, #tpu.memory_space<hbm>>
      tpu.enqueue_indirect_dma source(%dma_start3A_424 : memref<10000x128xf32, #tpu.memory_space<hbm>>) target(%arg12 : memref<64x128xf32, #tpu.memory_space<vmem>>) offsets(%dma_start3A_421 : memref<64xi32, #tpu.memory_space<vmem>>) semaphore(%arg16 : memref<!tpu.dma_semaphore, #tpu.memory_space<semaphore_mem>>)
      %add3A_425 = arith.constant 2 : i32
      %add3A_426 = arith.addi %add3A_361, %add3A_425 : i32
      %dma_wait3A_427 = arith.constant 0 : i32
      %dma_wait3A_428 = arith.constant 0 : i32
      %dma_wait3A_429 = tpu.memref_slice %arg7[%dma_wait3A_427, %dma_wait3A_428] : memref<156x64xi32, #tpu.memory_space<vmem>> -> memref<1x64xi32, #tpu.memory_space<vmem>>
      %dma_wait3A_430 = tpu.memref_squeeze %dma_wait3A_429 : memref<1x64xi32, #tpu.memory_space<vmem>> -> memref<64xi32, #tpu.memory_space<vmem>>
      %dma_wait3A_431 = arith.constant 0 : i32
      %dma_wait3A_432 = arith.constant 0 : i32
      %dma_wait3A_433 = tpu.memref_slice %arg2[%dma_wait3A_431, %dma_wait3A_432] : memref<10000x128xf32, #tpu.memory_space<hbm>> -> memref<10000x128xf32, #tpu.memory_space<hbm>>
      tpu.wait_indirect_dma semaphore(%arg15 : memref<!tpu.dma_semaphore, #tpu.memory_space<semaphore_mem>>) src(%dma_wait3A_433 : memref<10000x128xf32, #tpu.memory_space<hbm>>) dst(%arg11 : memref<64x128xf32, #tpu.memory_space<vmem>>)
      %dma_start3A_434 = arith.constant 0 : i32
      %dma_start3A_435 = tpu.memref_slice %arg8[%add3A_426, %dma_start3A_434] : memref<156x64xi32, #tpu.memory_space<vmem>> -> memref<1x64xi32, #tpu.memory_space<vmem>>
      %dma_start3A_436 = tpu.memref_squeeze %dma_start3A_435 : memref<1x64xi32, #tpu.memory_space<vmem>> -> memref<64xi32, #tpu.memory_space<vmem>>
      %dma_start3A_437 = arith.constant 0 : i32
      %dma_start3A_438 = arith.constant 0 : i32
      %dma_start3A_439 = tpu.memref_slice %arg14[%dma_start3A_437, %dma_start3A_438] : memref<10240x128xf32, #tpu.memory_space<vmem_shared>> -> memref<10240x128xf32, #tpu.memory_space<vmem_shared>>
      tpu.enqueue_indirect_dma source(%arg11 : memref<64x128xf32, #tpu.memory_space<vmem>>) target(%dma_start3A_439 : memref<10240x128xf32, #tpu.memory_space<vmem_shared>>) offsets(%dma_start3A_436 : memref<64xi32, #tpu.memory_space<vmem>>) semaphore(%arg18 : memref<!tpu.dma_semaphore, #tpu.memory_space<semaphore_mem>>) {add = true}
      %dma_wait3A_440 = arith.constant 0 : i32
      %dma_wait3A_441 = arith.constant 0 : i32
      %dma_wait3A_442 = tpu.memref_slice %arg8[%dma_wait3A_440, %dma_wait3A_441] : memref<156x64xi32, #tpu.memory_space<vmem>> -> memref<1x64xi32, #tpu.memory_space<vmem>>
      %dma_wait3A_443 = tpu.memref_squeeze %dma_wait3A_442 : memref<1x64xi32, #tpu.memory_space<vmem>> -> memref<64xi32, #tpu.memory_space<vmem>>
      %dma_wait3A_444 = arith.constant 0 : i32
      %dma_wait3A_445 = arith.constant 0 : i32
      %dma_wait3A_446 = tpu.memref_slice %arg14[%dma_wait3A_444, %dma_wait3A_445] : memref<10240x128xf32, #tpu.memory_space<vmem_shared>> -> memref<10240x128xf32, #tpu.memory_space<vmem_shared>>
      tpu.wait_indirect_dma semaphore(%arg20 : memref<!tpu.dma_semaphore, #tpu.memory_space<semaphore_mem>>) src(%arg13 : memref<64x128xf32, #tpu.memory_space<vmem>>) dst(%dma_wait3A_446 : memref<10240x128xf32, #tpu.memory_space<vmem_shared>>)
      %add3A_447 = arith.constant 3 : i32
      %add3A_448 = arith.addi %add3A_426, %add3A_447 : i32
      %sub3A_449 = arith.constant 1 : i32
      %sub3A_450 = arith.subi %add3A_448, %sub3A_449 : i32
      %dma_start3A_451 = arith.constant 0 : i32
      %dma_start3A_452 = tpu.memref_slice %arg7[%sub3A_450, %dma_start3A_451] : memref<156x64xi32, #tpu.memory_space<vmem>> -> memref<1x64xi32, #tpu.memory_space<vmem>>
      %dma_start3A_453 = tpu.memref_squeeze %dma_start3A_452 : memref<1x64xi32, #tpu.memory_space<vmem>> -> memref<64xi32, #tpu.memory_space<vmem>>
      %dma_start3A_454 = arith.constant 0 : i32
      %dma_start3A_455 = arith.constant 0 : i32
      %dma_start3A_456 = tpu.memref_slice %arg2[%dma_start3A_454, %dma_start3A_455] : memref<10000x128xf32, #tpu.memory_space<hbm>> -> memref<10000x128xf32, #tpu.memory_space<hbm>>
      tpu.enqueue_indirect_dma source(%dma_start3A_456 : memref<10000x128xf32, #tpu.memory_space<hbm>>) target(%arg13 : memref<64x128xf32, #tpu.memory_space<vmem>>) offsets(%dma_start3A_453 : memref<64xi32, #tpu.memory_space<vmem>>) semaphore(%arg17 : memref<!tpu.dma_semaphore, #tpu.memory_space<semaphore_mem>>)
    }
    %scan3A_164 = arith.constant 51 : i32
    %dma_wait3A_165 = arith.constant 0 : i32
    %dma_wait3A_166 = arith.constant 0 : i32
    %dma_wait3A_167 = tpu.memref_slice %arg7[%dma_wait3A_165, %dma_wait3A_166] : memref<156x64xi32, #tpu.memory_space<vmem>> -> memref<1x64xi32, #tpu.memory_space<vmem>>
    %dma_wait3A_168 = tpu.memref_squeeze %dma_wait3A_167 : memref<1x64xi32, #tpu.memory_space<vmem>> -> memref<64xi32, #tpu.memory_space<vmem>>
    %dma_wait3A_169 = arith.constant 0 : i32
    %dma_wait3A_170 = arith.constant 0 : i32
    %dma_wait3A_171 = tpu.memref_slice %arg2[%dma_wait3A_169, %dma_wait3A_170] : memref<10000x128xf32, #tpu.memory_space<hbm>> -> memref<10000x128xf32, #tpu.memory_space<hbm>>
    tpu.wait_indirect_dma semaphore(%arg16 : memref<!tpu.dma_semaphore, #tpu.memory_space<semaphore_mem>>) src(%dma_wait3A_171 : memref<10000x128xf32, #tpu.memory_space<hbm>>) dst(%arg12 : memref<64x128xf32, #tpu.memory_space<vmem>>)
    %dma_start3A_172 = arith.constant 154 : i32
    %dma_start3A_173 = arith.constant 0 : i32
    %dma_start3A_174 = tpu.memref_slice %arg8[%dma_start3A_172, %dma_start3A_173] : memref<156x64xi32, #tpu.memory_space<vmem>> -> memref<1x64xi32, #tpu.memory_space<vmem>>
    %dma_start3A_175 = tpu.memref_squeeze %dma_start3A_174 : memref<1x64xi32, #tpu.memory_space<vmem>> -> memref<64xi32, #tpu.memory_space<vmem>>
    %dma_start3A_176 = arith.constant 0 : i32
    %dma_start3A_177 = arith.constant 0 : i32
    %dma_start3A_178 = tpu.memref_slice %arg14[%dma_start3A_176, %dma_start3A_177] : memref<10240x128xf32, #tpu.memory_space<vmem_shared>> -> memref<10240x128xf32, #tpu.memory_space<vmem_shared>>
    tpu.enqueue_indirect_dma source(%arg12 : memref<64x128xf32, #tpu.memory_space<vmem>>) target(%dma_start3A_178 : memref<10240x128xf32, #tpu.memory_space<vmem_shared>>) offsets(%dma_start3A_175 : memref<64xi32, #tpu.memory_space<vmem>>) semaphore(%arg19 : memref<!tpu.dma_semaphore, #tpu.memory_space<semaphore_mem>>) {add = true}
    %dma_wait3A_179 = arith.constant 0 : i32
    %dma_wait3A_180 = arith.constant 0 : i32
    %dma_wait3A_181 = tpu.memref_slice %arg8[%dma_wait3A_179, %dma_wait3A_180] : memref<156x64xi32, #tpu.memory_space<vmem>> -> memref<1x64xi32, #tpu.memory_space<vmem>>
    %dma_wait3A_182 = tpu.memref_squeeze %dma_wait3A_181 : memref<1x64xi32, #tpu.memory_space<vmem>> -> memref<64xi32, #tpu.memory_space<vmem>>
    %dma_wait3A_183 = arith.constant 0 : i32
    %dma_wait3A_184 = arith.constant 0 : i32
    %dma_wait3A_185 = tpu.memref_slice %arg14[%dma_wait3A_183, %dma_wait3A_184] : memref<10240x128xf32, #tpu.memory_space<vmem_shared>> -> memref<10240x128xf32, #tpu.memory_space<vmem_shared>>
    tpu.wait_indirect_dma semaphore(%arg18 : memref<!tpu.dma_semaphore, #tpu.memory_space<semaphore_mem>>) src(%arg11 : memref<64x128xf32, #tpu.memory_space<vmem>>) dst(%dma_wait3A_185 : memref<10240x128xf32, #tpu.memory_space<vmem_shared>>)
    %dma_wait3A_186 = arith.constant 0 : i32
    %dma_wait3A_187 = arith.constant 0 : i32
    %dma_wait3A_188 = tpu.memref_slice %arg7[%dma_wait3A_186, %dma_wait3A_187] : memref<156x64xi32, #tpu.memory_space<vmem>> -> memref<1x64xi32, #tpu.memory_space<vmem>>
    %dma_wait3A_189 = tpu.memref_squeeze %dma_wait3A_188 : memref<1x64xi32, #tpu.memory_space<vmem>> -> memref<64xi32, #tpu.memory_space<vmem>>
    %dma_wait3A_190 = arith.constant 0 : i32
    %dma_wait3A_191 = arith.constant 0 : i32
    %dma_wait3A_192 = tpu.memref_slice %arg2[%dma_wait3A_190, %dma_wait3A_191] : memref<10000x128xf32, #tpu.memory_space<hbm>> -> memref<10000x128xf32, #tpu.memory_space<hbm>>
    tpu.wait_indirect_dma semaphore(%arg17 : memref<!tpu.dma_semaphore, #tpu.memory_space<semaphore_mem>>) src(%dma_wait3A_192 : memref<10000x128xf32, #tpu.memory_space<hbm>>) dst(%arg13 : memref<64x128xf32, #tpu.memory_space<vmem>>)
    %dma_start3A_193 = arith.constant 155 : i32
    %dma_start3A_194 = arith.constant 0 : i32
    %dma_start3A_195 = tpu.memref_slice %arg8[%dma_start3A_193, %dma_start3A_194] : memref<156x64xi32, #tpu.memory_space<vmem>> -> memref<1x64xi32, #tpu.memory_space<vmem>>
    %dma_start3A_196 = tpu.memref_squeeze %dma_start3A_195 : memref<1x64xi32, #tpu.memory_space<vmem>> -> memref<64xi32, #tpu.memory_space<vmem>>
    %dma_start3A_197 = arith.constant 0 : i32
    %dma_start3A_198 = arith.constant 0 : i32
    %dma_start3A_199 = tpu.memref_slice %arg14[%dma_start3A_197, %dma_start3A_198] : memref<10240x128xf32, #tpu.memory_space<vmem_shared>> -> memref<10240x128xf32, #tpu.memory_space<vmem_shared>>
    tpu.enqueue_indirect_dma source(%arg13 : memref<64x128xf32, #tpu.memory_space<vmem>>) target(%dma_start3A_199 : memref<10240x128xf32, #tpu.memory_space<vmem_shared>>) offsets(%dma_start3A_196 : memref<64xi32, #tpu.memory_space<vmem>>) semaphore(%arg20 : memref<!tpu.dma_semaphore, #tpu.memory_space<semaphore_mem>>) {add = true}
    %dma_wait3A_200 = arith.constant 0 : i32
    %dma_wait3A_201 = arith.constant 0 : i32
    %dma_wait3A_202 = tpu.memref_slice %arg8[%dma_wait3A_200, %dma_wait3A_201] : memref<156x64xi32, #tpu.memory_space<vmem>> -> memref<1x64xi32, #tpu.memory_space<vmem>>
    %dma_wait3A_203 = tpu.memref_squeeze %dma_wait3A_202 : memref<1x64xi32, #tpu.memory_space<vmem>> -> memref<64xi32, #tpu.memory_space<vmem>>
    %dma_wait3A_204 = arith.constant 0 : i32
    %dma_wait3A_205 = arith.constant 0 : i32
    %dma_wait3A_206 = tpu.memref_slice %arg14[%dma_wait3A_204, %dma_wait3A_205] : memref<10240x128xf32, #tpu.memory_space<vmem_shared>> -> memref<10240x128xf32, #tpu.memory_space<vmem_shared>>
    tpu.wait_indirect_dma semaphore(%arg19 : memref<!tpu.dma_semaphore, #tpu.memory_space<semaphore_mem>>) src(%arg12 : memref<64x128xf32, #tpu.memory_space<vmem>>) dst(%dma_wait3A_206 : memref<10240x128xf32, #tpu.memory_space<vmem_shared>>)
    %dma_wait3A_207 = arith.constant 0 : i32
    %dma_wait3A_208 = arith.constant 0 : i32
    %dma_wait3A_209 = tpu.memref_slice %arg8[%dma_wait3A_207, %dma_wait3A_208] : memref<156x64xi32, #tpu.memory_space<vmem>> -> memref<1x64xi32, #tpu.memory_space<vmem>>
    %dma_wait3A_210 = tpu.memref_squeeze %dma_wait3A_209 : memref<1x64xi32, #tpu.memory_space<vmem>> -> memref<64xi32, #tpu.memory_space<vmem>>
    %dma_wait3A_211 = arith.constant 0 : i32
    %dma_wait3A_212 = arith.constant 0 : i32
    %dma_wait3A_213 = tpu.memref_slice %arg14[%dma_wait3A_211, %dma_wait3A_212] : memref<10240x128xf32, #tpu.memory_space<vmem_shared>> -> memref<10240x128xf32, #tpu.memory_space<vmem_shared>>
    tpu.wait_indirect_dma semaphore(%arg20 : memref<!tpu.dma_semaphore, #tpu.memory_space<semaphore_mem>>) src(%arg13 : memref<64x128xf32, #tpu.memory_space<vmem>>) dst(%dma_wait3A_213 : memref<10240x128xf32, #tpu.memory_space<vmem_shared>>)
    %lt3A = arith.constant 8 : i32
    %lt3A_214 = arith.cmpi slt, %add3A, %lt3A : i32
    %convert_element_type3A = arith.extui %lt3A_214 : i1 to i32
    %cond3A = arith.constant 0 : i32
    %cond3A_215 = arith.cmpi ne, %convert_element_type3A, %cond3A : i32
    scf.if %cond3A_215 {
      %add3A_357 = arith.constant 4992 : i32
      %add3A_358 = arith.addi %add3A_357, %add3A : i32
      "tpu.region"() ({
        %run_scoped3A_375 = tpu.sem_alloc : memref<!tpu.dma_semaphore, #tpu.memory_space<semaphore_mem>>
        %dma_start3A_376 = arith.constant 0 : i32
        %dma_start3A_377 = tpu.memref_slice %arg3[%add3A_358, %dma_start3A_376] : memref<5000x64xi32, #tpu.memory_space<hbm>> -> memref<1x64xi32, #tpu.memory_space<hbm>>
        %dma_start3A_378 = arith.constant 0 : i32
        %dma_start3A_379 = tpu.memref_slice %arg3[%add3A_358, %dma_start3A_378] : memref<5000x64xi32, #tpu.memory_space<hbm>> -> memref<1x64xi32, #tpu.memory_space<hbm>>
        tpu.enqueue_dma source(%dma_start3A_379 : memref<1x64xi32, #tpu.memory_space<hbm>>) target(%arg9 : memref<1x64xi32, #tpu.memory_space<vmem>>) target_semaphore(%run_scoped3A_375 : memref<!tpu.dma_semaphore, #tpu.memory_space<semaphore_mem>>)
        %dma_wait3A_380 = arith.constant 0 : i32
        %dma_wait3A_381 = tpu.memref_slice %arg3[%add3A_358, %dma_wait3A_380] : memref<5000x64xi32, #tpu.memory_space<hbm>> -> memref<1x64xi32, #tpu.memory_space<hbm>>
        %dma_wait3A_382 = arith.constant 0 : i32
        %dma_wait3A_383 = tpu.memref_slice %arg3[%add3A_358, %dma_wait3A_382] : memref<5000x64xi32, #tpu.memory_space<hbm>> -> memref<1x64xi32, #tpu.memory_space<hbm>>
        tpu.wait_dma2 semaphore(%run_scoped3A_375 : memref<!tpu.dma_semaphore, #tpu.memory_space<semaphore_mem>>) src(%dma_wait3A_383 : memref<1x64xi32, #tpu.memory_space<hbm>>) dst(%arg9 : memref<1x64xi32, #tpu.memory_space<vmem>>)
        tpu.yield
      }) : () -> ()
      %add3A_359 = arith.constant 4992 : i32
      %add3A_360 = arith.addi %add3A_359, %add3A : i32
      "tpu.region"() ({
        %run_scoped3A_375 = tpu.sem_alloc : memref<!tpu.dma_semaphore, #tpu.memory_space<semaphore_mem>>
        %dma_start3A_376 = arith.constant 0 : i32
        %dma_start3A_377 = tpu.memref_slice %arg4[%add3A_360, %dma_start3A_376] : memref<5000x64xi32, #tpu.memory_space<hbm>> -> memref<1x64xi32, #tpu.memory_space<hbm>>
        %dma_start3A_378 = arith.constant 0 : i32
        %dma_start3A_379 = tpu.memref_slice %arg4[%add3A_360, %dma_start3A_378] : memref<5000x64xi32, #tpu.memory_space<hbm>> -> memref<1x64xi32, #tpu.memory_space<hbm>>
        tpu.enqueue_dma source(%dma_start3A_379 : memref<1x64xi32, #tpu.memory_space<hbm>>) target(%arg10 : memref<1x64xi32, #tpu.memory_space<vmem>>) target_semaphore(%run_scoped3A_375 : memref<!tpu.dma_semaphore, #tpu.memory_space<semaphore_mem>>)
        %dma_wait3A_380 = arith.constant 0 : i32
        %dma_wait3A_381 = tpu.memref_slice %arg4[%add3A_360, %dma_wait3A_380] : memref<5000x64xi32, #tpu.memory_space<hbm>> -> memref<1x64xi32, #tpu.memory_space<hbm>>
        %dma_wait3A_382 = arith.constant 0 : i32
        %dma_wait3A_383 = tpu.memref_slice %arg4[%add3A_360, %dma_wait3A_382] : memref<5000x64xi32, #tpu.memory_space<hbm>> -> memref<1x64xi32, #tpu.memory_space<hbm>>
        tpu.wait_dma2 semaphore(%run_scoped3A_375 : memref<!tpu.dma_semaphore, #tpu.memory_space<semaphore_mem>>) src(%dma_wait3A_383 : memref<1x64xi32, #tpu.memory_space<hbm>>) dst(%arg10 : memref<1x64xi32, #tpu.memory_space<vmem>>)
        tpu.yield
      }) : () -> ()
      %dma_start3A_361 = arith.constant 0 : i32
      %dma_start3A_362 = arith.constant 0 : i32
      %dma_start3A_363 = tpu.memref_slice %arg9[%dma_start3A_361, %dma_start3A_362] : memref<1x64xi32, #tpu.memory_space<vmem>> -> memref<1x64xi32, #tpu.memory_space<vmem>>
      %dma_start3A_364 = tpu.memref_squeeze %dma_start3A_363 : memref<1x64xi32, #tpu.memory_space<vmem>> -> memref<64xi32, #tpu.memory_space<vmem>>
      %dma_start3A_365 = arith.constant 0 : i32
      %dma_start3A_366 = arith.constant 0 : i32
      %dma_start3A_367 = tpu.memref_slice %arg2[%dma_start3A_365, %dma_start3A_366] : memref<10000x128xf32, #tpu.memory_space<hbm>> -> memref<10000x128xf32, #tpu.memory_space<hbm>>
      tpu.enqueue_indirect_dma source(%dma_start3A_367 : memref<10000x128xf32, #tpu.memory_space<hbm>>) target(%arg11 : memref<64x128xf32, #tpu.memory_space<vmem>>) offsets(%dma_start3A_364 : memref<64xi32, #tpu.memory_space<vmem>>) semaphore(%arg15 : memref<!tpu.dma_semaphore, #tpu.memory_space<semaphore_mem>>)
      %dma_wait3A_368 = arith.constant 0 : i32
      %dma_wait3A_369 = arith.constant 0 : i32
      %dma_wait3A_370 = tpu.memref_slice %arg9[%dma_wait3A_368, %dma_wait3A_369] : memref<1x64xi32, #tpu.memory_space<vmem>> -> memref<1x64xi32, #tpu.memory_space<vmem>>
      %dma_wait3A_371 = tpu.memref_squeeze %dma_wait3A_370 : memref<1x64xi32, #tpu.memory_space<vmem>> -> memref<64xi32, #tpu.memory_space<vmem>>
      %dma_wait3A_372 = arith.constant 0 : i32
      %dma_wait3A_373 = arith.constant 0 : i32
      %dma_wait3A_374 = tpu.memref_slice %arg2[%dma_wait3A_372, %dma_wait3A_373] : memref<10000x128xf32, #tpu.memory_space<hbm>> -> memref<10000x128xf32, #tpu.memory_space<hbm>>
      tpu.wait_indirect_dma semaphore(%arg15 : memref<!tpu.dma_semaphore, #tpu.memory_space<semaphore_mem>>) src(%dma_wait3A_374 : memref<10000x128xf32, #tpu.memory_space<hbm>>) dst(%arg11 : memref<64x128xf32, #tpu.memory_space<vmem>>)
      %run_scoped3A = arith.constant 0 : i32
      "tpu.region"() ({
        %run_scoped3A_375 = tpu.sem_alloc : memref<!tpu.dma_semaphore, #tpu.memory_space<semaphore_mem>>
        %dma_start3A_376 = arith.constant 0 : i32
        %dma_start3A_377 = tpu.memref_slice %arg10[%run_scoped3A, %dma_start3A_376] : memref<1x64xi32, #tpu.memory_space<vmem>> -> memref<1x64xi32, #tpu.memory_space<vmem>>
        %dma_start3A_378 = tpu.memref_squeeze %dma_start3A_377 : memref<1x64xi32, #tpu.memory_space<vmem>> -> memref<64xi32, #tpu.memory_space<vmem>>
        %dma_start3A_379 = arith.constant 0 : i32
        %dma_start3A_380 = arith.constant 0 : i32
        %dma_start3A_381 = tpu.memref_slice %arg14[%dma_start3A_379, %dma_start3A_380] : memref<10240x128xf32, #tpu.memory_space<vmem_shared>> -> memref<10240x128xf32, #tpu.memory_space<vmem_shared>>
        tpu.enqueue_indirect_dma source(%arg11 : memref<64x128xf32, #tpu.memory_space<vmem>>) target(%dma_start3A_381 : memref<10240x128xf32, #tpu.memory_space<vmem_shared>>) offsets(%dma_start3A_378 : memref<64xi32, #tpu.memory_space<vmem>>) semaphore(%run_scoped3A_375 : memref<!tpu.dma_semaphore, #tpu.memory_space<semaphore_mem>>) {add = true}
        %dma_wait3A_382 = arith.constant 0 : i32
        %dma_wait3A_383 = tpu.memref_slice %arg10[%run_scoped3A, %dma_wait3A_382] : memref<1x64xi32, #tpu.memory_space<vmem>> -> memref<1x64xi32, #tpu.memory_space<vmem>>
        %dma_wait3A_384 = tpu.memref_squeeze %dma_wait3A_383 : memref<1x64xi32, #tpu.memory_space<vmem>> -> memref<64xi32, #tpu.memory_space<vmem>>
        %dma_wait3A_385 = arith.constant 0 : i32
        %dma_wait3A_386 = arith.constant 0 : i32
        %dma_wait3A_387 = tpu.memref_slice %arg14[%dma_wait3A_385, %dma_wait3A_386] : memref<10240x128xf32, #tpu.memory_space<vmem_shared>> -> memref<10240x128xf32, #tpu.memory_space<vmem_shared>>
        tpu.wait_indirect_dma semaphore(%run_scoped3A_375 : memref<!tpu.dma_semaphore, #tpu.memory_space<semaphore_mem>>) src(%arg11 : memref<64x128xf32, #tpu.memory_space<vmem>>) dst(%dma_wait3A_387 : memref<10240x128xf32, #tpu.memory_space<vmem_shared>>)
        tpu.yield
      }) : () -> ()
    } else {
    }
    %barrier3A_216 = arith.constant 0 : index
    tpu.barrier barrier_id(%barrier3A_216)
    %add3A_217 = arith.constant 0 : i32
    %add3A_218 = arith.addi %mul3A_2, %add3A_217 : i32
    "tpu.region"() ({
      %run_scoped3A = tpu.sem_alloc : memref<!tpu.dma_semaphore, #tpu.memory_space<semaphore_mem>>
      %dma_start3A_357 = arith.constant 0 : i32
      %dma_start3A_358 = tpu.memref_slice %arg14[%add3A_218, %dma_start3A_357] : memref<10240x128xf32, #tpu.memory_space<vmem_shared>> -> memref<64x128xf32, #tpu.memory_space<vmem_shared>>
      %dma_start3A_359 = arith.constant 0 : i32
      %dma_start3A_360 = tpu.memref_slice %arg14[%add3A_218, %dma_start3A_359] : memref<10240x128xf32, #tpu.memory_space<vmem_shared>> -> memref<64x128xf32, #tpu.memory_space<vmem_shared>>
      tpu.enqueue_dma source(%dma_start3A_360 : memref<64x128xf32, #tpu.memory_space<vmem_shared>>) target(%arg11 : memref<64x128xf32, #tpu.memory_space<vmem>>) target_semaphore(%run_scoped3A : memref<!tpu.dma_semaphore, #tpu.memory_space<semaphore_mem>>)
      %dma_wait3A_361 = arith.constant 0 : i32
      %dma_wait3A_362 = tpu.memref_slice %arg14[%add3A_218, %dma_wait3A_361] : memref<10240x128xf32, #tpu.memory_space<vmem_shared>> -> memref<64x128xf32, #tpu.memory_space<vmem_shared>>
      %dma_wait3A_363 = arith.constant 0 : i32
      %dma_wait3A_364 = tpu.memref_slice %arg14[%add3A_218, %dma_wait3A_363] : memref<10240x128xf32, #tpu.memory_space<vmem_shared>> -> memref<64x128xf32, #tpu.memory_space<vmem_shared>>
      tpu.wait_dma2 semaphore(%run_scoped3A : memref<!tpu.dma_semaphore, #tpu.memory_space<semaphore_mem>>) src(%dma_wait3A_364 : memref<64x128xf32, #tpu.memory_space<vmem_shared>>) dst(%arg11 : memref<64x128xf32, #tpu.memory_space<vmem>>)
      tpu.yield
    }) : () -> ()
    %dma_start3A_219 = arith.constant 0 : i32
    %dma_start3A_220 = tpu.memref_slice %arg6[%arg0, %add3A_218, %dma_start3A_219] : memref<2x10240x128xf32, #tpu.memory_space<hbm>> -> memref<1x64x128xf32, #tpu.memory_space<hbm>>
    %dma_start3A_221 = tpu.memref_squeeze %dma_start3A_220 : memref<1x64x128xf32, #tpu.memory_space<hbm>> -> memref<64x128xf32, #tpu.memory_space<hbm>>
    %dma_start3A_222 = arith.constant 0 : i32
    %dma_start3A_223 = tpu.memref_slice %arg6[%arg0, %add3A_218, %dma_start3A_222] : memref<2x10240x128xf32, #tpu.memory_space<hbm>> -> memref<1x64x128xf32, #tpu.memory_space<hbm>>
    %dma_start3A_224 = tpu.memref_squeeze %dma_start3A_223 : memref<1x64x128xf32, #tpu.memory_space<hbm>> -> memref<64x128xf32, #tpu.memory_space<hbm>>
    tpu.enqueue_dma source(%arg11 : memref<64x128xf32, #tpu.memory_space<vmem>>) target(%dma_start3A_224 : memref<64x128xf32, #tpu.memory_space<hbm>>) target_semaphore(%arg18 : memref<!tpu.dma_semaphore, #tpu.memory_space<semaphore_mem>>)
    %add3A_225 = arith.constant 64 : i32
    %add3A_226 = arith.addi %mul3A_2, %add3A_225 : i32
    "tpu.region"() ({
      %run_scoped3A = tpu.sem_alloc : memref<!tpu.dma_semaphore, #tpu.memory_space<semaphore_mem>>
      %dma_start3A_357 = arith.constant 0 : i32
      %dma_start3A_358 = tpu.memref_slice %arg14[%add3A_226, %dma_start3A_357] : memref<10240x128xf32, #tpu.memory_space<vmem_shared>> -> memref<64x128xf32, #tpu.memory_space<vmem_shared>>
      %dma_start3A_359 = arith.constant 0 : i32
      %dma_start3A_360 = tpu.memref_slice %arg14[%add3A_226, %dma_start3A_359] : memref<10240x128xf32, #tpu.memory_space<vmem_shared>> -> memref<64x128xf32, #tpu.memory_space<vmem_shared>>
      tpu.enqueue_dma source(%dma_start3A_360 : memref<64x128xf32, #tpu.memory_space<vmem_shared>>) target(%arg12 : memref<64x128xf32, #tpu.memory_space<vmem>>) target_semaphore(%run_scoped3A : memref<!tpu.dma_semaphore, #tpu.memory_space<semaphore_mem>>)
      %dma_wait3A_361 = arith.constant 0 : i32
      %dma_wait3A_362 = tpu.memref_slice %arg14[%add3A_226, %dma_wait3A_361] : memref<10240x128xf32, #tpu.memory_space<vmem_shared>> -> memref<64x128xf32, #tpu.memory_space<vmem_shared>>
      %dma_wait3A_363 = arith.constant 0 : i32
      %dma_wait3A_364 = tpu.memref_slice %arg14[%add3A_226, %dma_wait3A_363] : memref<10240x128xf32, #tpu.memory_space<vmem_shared>> -> memref<64x128xf32, #tpu.memory_space<vmem_shared>>
      tpu.wait_dma2 semaphore(%run_scoped3A : memref<!tpu.dma_semaphore, #tpu.memory_space<semaphore_mem>>) src(%dma_wait3A_364 : memref<64x128xf32, #tpu.memory_space<vmem_shared>>) dst(%arg12 : memref<64x128xf32, #tpu.memory_space<vmem>>)
      tpu.yield
    }) : () -> ()
    %dma_start3A_227 = arith.constant 0 : i32
    %dma_start3A_228 = tpu.memref_slice %arg6[%arg0, %add3A_226, %dma_start3A_227] : memref<2x10240x128xf32, #tpu.memory_space<hbm>> -> memref<1x64x128xf32, #tpu.memory_space<hbm>>
    %dma_start3A_229 = tpu.memref_squeeze %dma_start3A_228 : memref<1x64x128xf32, #tpu.memory_space<hbm>> -> memref<64x128xf32, #tpu.memory_space<hbm>>
    %dma_start3A_230 = arith.constant 0 : i32
    %dma_start3A_231 = tpu.memref_slice %arg6[%arg0, %add3A_226, %dma_start3A_230] : memref<2x10240x128xf32, #tpu.memory_space<hbm>> -> memref<1x64x128xf32, #tpu.memory_space<hbm>>
    %dma_start3A_232 = tpu.memref_squeeze %dma_start3A_231 : memref<1x64x128xf32, #tpu.memory_space<hbm>> -> memref<64x128xf32, #tpu.memory_space<hbm>>
    tpu.enqueue_dma source(%arg12 : memref<64x128xf32, #tpu.memory_space<vmem>>) target(%dma_start3A_232 : memref<64x128xf32, #tpu.memory_space<hbm>>) target_semaphore(%arg19 : memref<!tpu.dma_semaphore, #tpu.memory_space<semaphore_mem>>)
    %add3A_233 = arith.constant 128 : i32
    %add3A_234 = arith.addi %mul3A_2, %add3A_233 : i32
    %dma_wait3A_235 = arith.constant 0 : i32
    %dma_wait3A_236 = tpu.memref_slice %arg6[%arg0, %mul3A_2, %dma_wait3A_235] : memref<2x10240x128xf32, #tpu.memory_space<hbm>> -> memref<1x64x128xf32, #tpu.memory_space<hbm>>
    %dma_wait3A_237 = tpu.memref_squeeze %dma_wait3A_236 : memref<1x64x128xf32, #tpu.memory_space<hbm>> -> memref<64x128xf32, #tpu.memory_space<hbm>>
    %dma_wait3A_238 = arith.constant 0 : i32
    %dma_wait3A_239 = tpu.memref_slice %arg6[%arg0, %mul3A_2, %dma_wait3A_238] : memref<2x10240x128xf32, #tpu.memory_space<hbm>> -> memref<1x64x128xf32, #tpu.memory_space<hbm>>
    %dma_wait3A_240 = tpu.memref_squeeze %dma_wait3A_239 : memref<1x64x128xf32, #tpu.memory_space<hbm>> -> memref<64x128xf32, #tpu.memory_space<hbm>>
    tpu.wait_dma2 semaphore(%arg18 : memref<!tpu.dma_semaphore, #tpu.memory_space<semaphore_mem>>) src(%arg11 : memref<64x128xf32, #tpu.memory_space<vmem>>) dst(%dma_wait3A_240 : memref<64x128xf32, #tpu.memory_space<hbm>>)
    "tpu.region"() ({
      %run_scoped3A = tpu.sem_alloc : memref<!tpu.dma_semaphore, #tpu.memory_space<semaphore_mem>>
      %dma_start3A_357 = arith.constant 0 : i32
      %dma_start3A_358 = tpu.memref_slice %arg14[%add3A_234, %dma_start3A_357] : memref<10240x128xf32, #tpu.memory_space<vmem_shared>> -> memref<64x128xf32, #tpu.memory_space<vmem_shared>>
      %dma_start3A_359 = arith.constant 0 : i32
      %dma_start3A_360 = tpu.memref_slice %arg14[%add3A_234, %dma_start3A_359] : memref<10240x128xf32, #tpu.memory_space<vmem_shared>> -> memref<64x128xf32, #tpu.memory_space<vmem_shared>>
      tpu.enqueue_dma source(%dma_start3A_360 : memref<64x128xf32, #tpu.memory_space<vmem_shared>>) target(%arg11 : memref<64x128xf32, #tpu.memory_space<vmem>>) target_semaphore(%run_scoped3A : memref<!tpu.dma_semaphore, #tpu.memory_space<semaphore_mem>>)
      %dma_wait3A_361 = arith.constant 0 : i32
      %dma_wait3A_362 = tpu.memref_slice %arg14[%add3A_234, %dma_wait3A_361] : memref<10240x128xf32, #tpu.memory_space<vmem_shared>> -> memref<64x128xf32, #tpu.memory_space<vmem_shared>>
      %dma_wait3A_363 = arith.constant 0 : i32
      %dma_wait3A_364 = tpu.memref_slice %arg14[%add3A_234, %dma_wait3A_363] : memref<10240x128xf32, #tpu.memory_space<vmem_shared>> -> memref<64x128xf32, #tpu.memory_space<vmem_shared>>
      tpu.wait_dma2 semaphore(%run_scoped3A : memref<!tpu.dma_semaphore, #tpu.memory_space<semaphore_mem>>) src(%dma_wait3A_364 : memref<64x128xf32, #tpu.memory_space<vmem_shared>>) dst(%arg11 : memref<64x128xf32, #tpu.memory_space<vmem>>)
      tpu.yield
    }) : () -> ()
    %dma_start3A_241 = arith.constant 0 : i32
    %dma_start3A_242 = tpu.memref_slice %arg6[%arg0, %add3A_234, %dma_start3A_241] : memref<2x10240x128xf32, #tpu.memory_space<hbm>> -> memref<1x64x128xf32, #tpu.memory_space<hbm>>
    %dma_start3A_243 = tpu.memref_squeeze %dma_start3A_242 : memref<1x64x128xf32, #tpu.memory_space<hbm>> -> memref<64x128xf32, #tpu.memory_space<hbm>>
    %dma_start3A_244 = arith.constant 0 : i32
    %dma_start3A_245 = tpu.memref_slice %arg6[%arg0, %add3A_234, %dma_start3A_244] : memref<2x10240x128xf32, #tpu.memory_space<hbm>> -> memref<1x64x128xf32, #tpu.memory_space<hbm>>
    %dma_start3A_246 = tpu.memref_squeeze %dma_start3A_245 : memref<1x64x128xf32, #tpu.memory_space<hbm>> -> memref<64x128xf32, #tpu.memory_space<hbm>>
    tpu.enqueue_dma source(%arg11 : memref<64x128xf32, #tpu.memory_space<vmem>>) target(%dma_start3A_246 : memref<64x128xf32, #tpu.memory_space<hbm>>) target_semaphore(%arg18 : memref<!tpu.dma_semaphore, #tpu.memory_space<semaphore_mem>>)
    %add3A_247 = arith.constant 192 : i32
    %add3A_248 = arith.addi %mul3A_2, %add3A_247 : i32
    %dma_wait3A_249 = arith.constant 0 : i32
    %dma_wait3A_250 = tpu.memref_slice %arg6[%arg0, %mul3A_2, %dma_wait3A_249] : memref<2x10240x128xf32, #tpu.memory_space<hbm>> -> memref<1x64x128xf32, #tpu.memory_space<hbm>>
    %dma_wait3A_251 = tpu.memref_squeeze %dma_wait3A_250 : memref<1x64x128xf32, #tpu.memory_space<hbm>> -> memref<64x128xf32, #tpu.memory_space<hbm>>
    %dma_wait3A_252 = arith.constant 0 : i32
    %dma_wait3A_253 = tpu.memref_slice %arg6[%arg0, %mul3A_2, %dma_wait3A_252] : memref<2x10240x128xf32, #tpu.memory_space<hbm>> -> memref<1x64x128xf32, #tpu.memory_space<hbm>>
    %dma_wait3A_254 = tpu.memref_squeeze %dma_wait3A_253 : memref<1x64x128xf32, #tpu.memory_space<hbm>> -> memref<64x128xf32, #tpu.memory_space<hbm>>
    tpu.wait_dma2 semaphore(%arg19 : memref<!tpu.dma_semaphore, #tpu.memory_space<semaphore_mem>>) src(%arg12 : memref<64x128xf32, #tpu.memory_space<vmem>>) dst(%dma_wait3A_254 : memref<64x128xf32, #tpu.memory_space<hbm>>)
    "tpu.region"() ({
      %run_scoped3A = tpu.sem_alloc : memref<!tpu.dma_semaphore, #tpu.memory_space<semaphore_mem>>
      %dma_start3A_357 = arith.constant 0 : i32
      %dma_start3A_358 = tpu.memref_slice %arg14[%add3A_248, %dma_start3A_357] : memref<10240x128xf32, #tpu.memory_space<vmem_shared>> -> memref<64x128xf32, #tpu.memory_space<vmem_shared>>
      %dma_start3A_359 = arith.constant 0 : i32
      %dma_start3A_360 = tpu.memref_slice %arg14[%add3A_248, %dma_start3A_359] : memref<10240x128xf32, #tpu.memory_space<vmem_shared>> -> memref<64x128xf32, #tpu.memory_space<vmem_shared>>
      tpu.enqueue_dma source(%dma_start3A_360 : memref<64x128xf32, #tpu.memory_space<vmem_shared>>) target(%arg12 : memref<64x128xf32, #tpu.memory_space<vmem>>) target_semaphore(%run_scoped3A : memref<!tpu.dma_semaphore, #tpu.memory_space<semaphore_mem>>)
      %dma_wait3A_361 = arith.constant 0 : i32
      %dma_wait3A_362 = tpu.memref_slice %arg14[%add3A_248, %dma_wait3A_361] : memref<10240x128xf32, #tpu.memory_space<vmem_shared>> -> memref<64x128xf32, #tpu.memory_space<vmem_shared>>
      %dma_wait3A_363 = arith.constant 0 : i32
      %dma_wait3A_364 = tpu.memref_slice %arg14[%add3A_248, %dma_wait3A_363] : memref<10240x128xf32, #tpu.memory_space<vmem_shared>> -> memref<64x128xf32, #tpu.memory_space<vmem_shared>>
      tpu.wait_dma2 semaphore(%run_scoped3A : memref<!tpu.dma_semaphore, #tpu.memory_space<semaphore_mem>>) src(%dma_wait3A_364 : memref<64x128xf32, #tpu.memory_space<vmem_shared>>) dst(%arg12 : memref<64x128xf32, #tpu.memory_space<vmem>>)
      tpu.yield
    }) : () -> ()
    %dma_start3A_255 = arith.constant 0 : i32
    %dma_start3A_256 = tpu.memref_slice %arg6[%arg0, %add3A_248, %dma_start3A_255] : memref<2x10240x128xf32, #tpu.memory_space<hbm>> -> memref<1x64x128xf32, #tpu.memory_space<hbm>>
    %dma_start3A_257 = tpu.memref_squeeze %dma_start3A_256 : memref<1x64x128xf32, #tpu.memory_space<hbm>> -> memref<64x128xf32, #tpu.memory_space<hbm>>
    %dma_start3A_258 = arith.constant 0 : i32
    %dma_start3A_259 = tpu.memref_slice %arg6[%arg0, %add3A_248, %dma_start3A_258] : memref<2x10240x128xf32, #tpu.memory_space<hbm>> -> memref<1x64x128xf32, #tpu.memory_space<hbm>>
    %dma_start3A_260 = tpu.memref_squeeze %dma_start3A_259 : memref<1x64x128xf32, #tpu.memory_space<hbm>> -> memref<64x128xf32, #tpu.memory_space<hbm>>
    tpu.enqueue_dma source(%arg12 : memref<64x128xf32, #tpu.memory_space<vmem>>) target(%dma_start3A_260 : memref<64x128xf32, #tpu.memory_space<hbm>>) target_semaphore(%arg19 : memref<!tpu.dma_semaphore, #tpu.memory_space<semaphore_mem>>)
    %add3A_261 = arith.constant 256 : i32
    %add3A_262 = arith.addi %mul3A_2, %add3A_261 : i32
    %dma_wait3A_263 = arith.constant 0 : i32
    %dma_wait3A_264 = tpu.memref_slice %arg6[%arg0, %mul3A_2, %dma_wait3A_263] : memref<2x10240x128xf32, #tpu.memory_space<hbm>> -> memref<1x64x128xf32, #tpu.memory_space<hbm>>
    %dma_wait3A_265 = tpu.memref_squeeze %dma_wait3A_264 : memref<1x64x128xf32, #tpu.memory_space<hbm>> -> memref<64x128xf32, #tpu.memory_space<hbm>>
    %dma_wait3A_266 = arith.constant 0 : i32
    %dma_wait3A_267 = tpu.memref_slice %arg6[%arg0, %mul3A_2, %dma_wait3A_266] : memref<2x10240x128xf32, #tpu.memory_space<hbm>> -> memref<1x64x128xf32, #tpu.memory_space<hbm>>
    %dma_wait3A_268 = tpu.memref_squeeze %dma_wait3A_267 : memref<1x64x128xf32, #tpu.memory_space<hbm>> -> memref<64x128xf32, #tpu.memory_space<hbm>>
    tpu.wait_dma2 semaphore(%arg18 : memref<!tpu.dma_semaphore, #tpu.memory_space<semaphore_mem>>) src(%arg11 : memref<64x128xf32, #tpu.memory_space<vmem>>) dst(%dma_wait3A_268 : memref<64x128xf32, #tpu.memory_space<hbm>>)
    "tpu.region"() ({
      %run_scoped3A = tpu.sem_alloc : memref<!tpu.dma_semaphore, #tpu.memory_space<semaphore_mem>>
      %dma_start3A_357 = arith.constant 0 : i32
      %dma_start3A_358 = tpu.memref_slice %arg14[%add3A_262, %dma_start3A_357] : memref<10240x128xf32, #tpu.memory_space<vmem_shared>> -> memref<64x128xf32, #tpu.memory_space<vmem_shared>>
      %dma_start3A_359 = arith.constant 0 : i32
      %dma_start3A_360 = tpu.memref_slice %arg14[%add3A_262, %dma_start3A_359] : memref<10240x128xf32, #tpu.memory_space<vmem_shared>> -> memref<64x128xf32, #tpu.memory_space<vmem_shared>>
      tpu.enqueue_dma source(%dma_start3A_360 : memref<64x128xf32, #tpu.memory_space<vmem_shared>>) target(%arg11 : memref<64x128xf32, #tpu.memory_space<vmem>>) target_semaphore(%run_scoped3A : memref<!tpu.dma_semaphore, #tpu.memory_space<semaphore_mem>>)
      %dma_wait3A_361 = arith.constant 0 : i32
      %dma_wait3A_362 = tpu.memref_slice %arg14[%add3A_262, %dma_wait3A_361] : memref<10240x128xf32, #tpu.memory_space<vmem_shared>> -> memref<64x128xf32, #tpu.memory_space<vmem_shared>>
      %dma_wait3A_363 = arith.constant 0 : i32
      %dma_wait3A_364 = tpu.memref_slice %arg14[%add3A_262, %dma_wait3A_363] : memref<10240x128xf32, #tpu.memory_space<vmem_shared>> -> memref<64x128xf32, #tpu.memory_space<vmem_shared>>
      tpu.wait_dma2 semaphore(%run_scoped3A : memref<!tpu.dma_semaphore, #tpu.memory_space<semaphore_mem>>) src(%dma_wait3A_364 : memref<64x128xf32, #tpu.memory_space<vmem_shared>>) dst(%arg11 : memref<64x128xf32, #tpu.memory_space<vmem>>)
      tpu.yield
    }) : () -> ()
    %dma_start3A_269 = arith.constant 0 : i32
    %dma_start3A_270 = tpu.memref_slice %arg6[%arg0, %add3A_262, %dma_start3A_269] : memref<2x10240x128xf32, #tpu.memory_space<hbm>> -> memref<1x64x128xf32, #tpu.memory_space<hbm>>
    %dma_start3A_271 = tpu.memref_squeeze %dma_start3A_270 : memref<1x64x128xf32, #tpu.memory_space<hbm>> -> memref<64x128xf32, #tpu.memory_space<hbm>>
    %dma_start3A_272 = arith.constant 0 : i32
    %dma_start3A_273 = tpu.memref_slice %arg6[%arg0, %add3A_262, %dma_start3A_272] : memref<2x10240x128xf32, #tpu.memory_space<hbm>> -> memref<1x64x128xf32, #tpu.memory_space<hbm>>
    %dma_start3A_274 = tpu.memref_squeeze %dma_start3A_273 : memref<1x64x128xf32, #tpu.memory_space<hbm>> -> memref<64x128xf32, #tpu.memory_space<hbm>>
    tpu.enqueue_dma source(%arg11 : memref<64x128xf32, #tpu.memory_space<vmem>>) target(%dma_start3A_274 : memref<64x128xf32, #tpu.memory_space<hbm>>) target_semaphore(%arg18 : memref<!tpu.dma_semaphore, #tpu.memory_space<semaphore_mem>>)
    %add3A_275 = arith.constant 320 : i32
    %add3A_276 = arith.addi %mul3A_2, %add3A_275 : i32
    %dma_wait3A_277 = arith.constant 0 : i32
    %dma_wait3A_278 = tpu.memref_slice %arg6[%arg0, %mul3A_2, %dma_wait3A_277] : memref<2x10240x128xf32, #tpu.memory_space<hbm>> -> memref<1x64x128xf32, #tpu.memory_space<hbm>>
    %dma_wait3A_279 = tpu.memref_squeeze %dma_wait3A_278 : memref<1x64x128xf32, #tpu.memory_space<hbm>> -> memref<64x128xf32, #tpu.memory_space<hbm>>
    %dma_wait3A_280 = arith.constant 0 : i32
    %dma_wait3A_281 = tpu.memref_slice %arg6[%arg0, %mul3A_2, %dma_wait3A_280] : memref<2x10240x128xf32, #tpu.memory_space<hbm>> -> memref<1x64x128xf32, #tpu.memory_space<hbm>>
    %dma_wait3A_282 = tpu.memref_squeeze %dma_wait3A_281 : memref<1x64x128xf32, #tpu.memory_space<hbm>> -> memref<64x128xf32, #tpu.memory_space<hbm>>
    tpu.wait_dma2 semaphore(%arg19 : memref<!tpu.dma_semaphore, #tpu.memory_space<semaphore_mem>>) src(%arg12 : memref<64x128xf32, #tpu.memory_space<vmem>>) dst(%dma_wait3A_282 : memref<64x128xf32, #tpu.memory_space<hbm>>)
    "tpu.region"() ({
      %run_scoped3A = tpu.sem_alloc : memref<!tpu.dma_semaphore, #tpu.memory_space<semaphore_mem>>
      %dma_start3A_357 = arith.constant 0 : i32
      %dma_start3A_358 = tpu.memref_slice %arg14[%add3A_276, %dma_start3A_357] : memref<10240x128xf32, #tpu.memory_space<vmem_shared>> -> memref<64x128xf32, #tpu.memory_space<vmem_shared>>
      %dma_start3A_359 = arith.constant 0 : i32
      %dma_start3A_360 = tpu.memref_slice %arg14[%add3A_276, %dma_start3A_359] : memref<10240x128xf32, #tpu.memory_space<vmem_shared>> -> memref<64x128xf32, #tpu.memory_space<vmem_shared>>
      tpu.enqueue_dma source(%dma_start3A_360 : memref<64x128xf32, #tpu.memory_space<vmem_shared>>) target(%arg12 : memref<64x128xf32, #tpu.memory_space<vmem>>) target_semaphore(%run_scoped3A : memref<!tpu.dma_semaphore, #tpu.memory_space<semaphore_mem>>)
      %dma_wait3A_361 = arith.constant 0 : i32
      %dma_wait3A_362 = tpu.memref_slice %arg14[%add3A_276, %dma_wait3A_361] : memref<10240x128xf32, #tpu.memory_space<vmem_shared>> -> memref<64x128xf32, #tpu.memory_space<vmem_shared>>
      %dma_wait3A_363 = arith.constant 0 : i32
      %dma_wait3A_364 = tpu.memref_slice %arg14[%add3A_276, %dma_wait3A_363] : memref<10240x128xf32, #tpu.memory_space<vmem_shared>> -> memref<64x128xf32, #tpu.memory_space<vmem_shared>>
      tpu.wait_dma2 semaphore(%run_scoped3A : memref<!tpu.dma_semaphore, #tpu.memory_space<semaphore_mem>>) src(%dma_wait3A_364 : memref<64x128xf32, #tpu.memory_space<vmem_shared>>) dst(%arg12 : memref<64x128xf32, #tpu.memory_space<vmem>>)
      tpu.yield
    }) : () -> ()
    %dma_start3A_283 = arith.constant 0 : i32
    %dma_start3A_284 = tpu.memref_slice %arg6[%arg0, %add3A_276, %dma_start3A_283] : memref<2x10240x128xf32, #tpu.memory_space<hbm>> -> memref<1x64x128xf32, #tpu.memory_space<hbm>>
    %dma_start3A_285 = tpu.memref_squeeze %dma_start3A_284 : memref<1x64x128xf32, #tpu.memory_space<hbm>> -> memref<64x128xf32, #tpu.memory_space<hbm>>
    %dma_start3A_286 = arith.constant 0 : i32
    %dma_start3A_287 = tpu.memref_slice %arg6[%arg0, %add3A_276, %dma_start3A_286] : memref<2x10240x128xf32, #tpu.memory_space<hbm>> -> memref<1x64x128xf32, #tpu.memory_space<hbm>>
    %dma_start3A_288 = tpu.memref_squeeze %dma_start3A_287 : memref<1x64x128xf32, #tpu.memory_space<hbm>> -> memref<64x128xf32, #tpu.memory_space<hbm>>
    tpu.enqueue_dma source(%arg12 : memref<64x128xf32, #tpu.memory_space<vmem>>) target(%dma_start3A_288 : memref<64x128xf32, #tpu.memory_space<hbm>>) target_semaphore(%arg19 : memref<!tpu.dma_semaphore, #tpu.memory_space<semaphore_mem>>)
    %add3A_289 = arith.constant 384 : i32
    %add3A_290 = arith.addi %mul3A_2, %add3A_289 : i32
    %dma_wait3A_291 = arith.constant 0 : i32
    %dma_wait3A_292 = tpu.memref_slice %arg6[%arg0, %mul3A_2, %dma_wait3A_291] : memref<2x10240x128xf32, #tpu.memory_space<hbm>> -> memref<1x64x128xf32, #tpu.memory_space<hbm>>
    %dma_wait3A_293 = tpu.memref_squeeze %dma_wait3A_292 : memref<1x64x128xf32, #tpu.memory_space<hbm>> -> memref<64x128xf32, #tpu.memory_space<hbm>>
    %dma_wait3A_294 = arith.constant 0 : i32
    %dma_wait3A_295 = tpu.memref_slice %arg6[%arg0, %mul3A_2, %dma_wait3A_294] : memref<2x10240x128xf32, #tpu.memory_space<hbm>> -> memref<1x64x128xf32, #tpu.memory_space<hbm>>
    %dma_wait3A_296 = tpu.memref_squeeze %dma_wait3A_295 : memref<1x64x128xf32, #tpu.memory_space<hbm>> -> memref<64x128xf32, #tpu.memory_space<hbm>>
    tpu.wait_dma2 semaphore(%arg18 : memref<!tpu.dma_semaphore, #tpu.memory_space<semaphore_mem>>) src(%arg11 : memref<64x128xf32, #tpu.memory_space<vmem>>) dst(%dma_wait3A_296 : memref<64x128xf32, #tpu.memory_space<hbm>>)
    "tpu.region"() ({
      %run_scoped3A = tpu.sem_alloc : memref<!tpu.dma_semaphore, #tpu.memory_space<semaphore_mem>>
      %dma_start3A_357 = arith.constant 0 : i32
      %dma_start3A_358 = tpu.memref_slice %arg14[%add3A_290, %dma_start3A_357] : memref<10240x128xf32, #tpu.memory_space<vmem_shared>> -> memref<64x128xf32, #tpu.memory_space<vmem_shared>>
      %dma_start3A_359 = arith.constant 0 : i32
      %dma_start3A_360 = tpu.memref_slice %arg14[%add3A_290, %dma_start3A_359] : memref<10240x128xf32, #tpu.memory_space<vmem_shared>> -> memref<64x128xf32, #tpu.memory_space<vmem_shared>>
      tpu.enqueue_dma source(%dma_start3A_360 : memref<64x128xf32, #tpu.memory_space<vmem_shared>>) target(%arg11 : memref<64x128xf32, #tpu.memory_space<vmem>>) target_semaphore(%run_scoped3A : memref<!tpu.dma_semaphore, #tpu.memory_space<semaphore_mem>>)
      %dma_wait3A_361 = arith.constant 0 : i32
      %dma_wait3A_362 = tpu.memref_slice %arg14[%add3A_290, %dma_wait3A_361] : memref<10240x128xf32, #tpu.memory_space<vmem_shared>> -> memref<64x128xf32, #tpu.memory_space<vmem_shared>>
      %dma_wait3A_363 = arith.constant 0 : i32
      %dma_wait3A_364 = tpu.memref_slice %arg14[%add3A_290, %dma_wait3A_363] : memref<10240x128xf32, #tpu.memory_space<vmem_shared>> -> memref<64x128xf32, #tpu.memory_space<vmem_shared>>
      tpu.wait_dma2 semaphore(%run_scoped3A : memref<!tpu.dma_semaphore, #tpu.memory_space<semaphore_mem>>) src(%dma_wait3A_364 : memref<64x128xf32, #tpu.memory_space<vmem_shared>>) dst(%arg11 : memref<64x128xf32, #tpu.memory_space<vmem>>)
      tpu.yield
    }) : () -> ()
    %dma_start3A_297 = arith.constant 0 : i32
    %dma_start3A_298 = tpu.memref_slice %arg6[%arg0, %add3A_290, %dma_start3A_297] : memref<2x10240x128xf32, #tpu.memory_space<hbm>> -> memref<1x64x128xf32, #tpu.memory_space<hbm>>
    %dma_start3A_299 = tpu.memref_squeeze %dma_start3A_298 : memref<1x64x128xf32, #tpu.memory_space<hbm>> -> memref<64x128xf32, #tpu.memory_space<hbm>>
    %dma_start3A_300 = arith.constant 0 : i32
    %dma_start3A_301 = tpu.memref_slice %arg6[%arg0, %add3A_290, %dma_start3A_300] : memref<2x10240x128xf32, #tpu.memory_space<hbm>> -> memref<1x64x128xf32, #tpu.memory_space<hbm>>
    %dma_start3A_302 = tpu.memref_squeeze %dma_start3A_301 : memref<1x64x128xf32, #tpu.memory_space<hbm>> -> memref<64x128xf32, #tpu.memory_space<hbm>>
    tpu.enqueue_dma source(%arg11 : memref<64x128xf32, #tpu.memory_space<vmem>>) target(%dma_start3A_302 : memref<64x128xf32, #tpu.memory_space<hbm>>) target_semaphore(%arg18 : memref<!tpu.dma_semaphore, #tpu.memory_space<semaphore_mem>>)
    %add3A_303 = arith.constant 448 : i32
    %add3A_304 = arith.addi %mul3A_2, %add3A_303 : i32
    %dma_wait3A_305 = arith.constant 0 : i32
    %dma_wait3A_306 = tpu.memref_slice %arg6[%arg0, %mul3A_2, %dma_wait3A_305] : memref<2x10240x128xf32, #tpu.memory_space<hbm>> -> memref<1x64x128xf32, #tpu.memory_space<hbm>>
    %dma_wait3A_307 = tpu.memref_squeeze %dma_wait3A_306 : memref<1x64x128xf32, #tpu.memory_space<hbm>> -> memref<64x128xf32, #tpu.memory_space<hbm>>
    %dma_wait3A_308 = arith.constant 0 : i32
    %dma_wait3A_309 = tpu.memref_slice %arg6[%arg0, %mul3A_2, %dma_wait3A_308] : memref<2x10240x128xf32, #tpu.memory_space<hbm>> -> memref<1x64x128xf32, #tpu.memory_space<hbm>>
    %dma_wait3A_310 = tpu.memref_squeeze %dma_wait3A_309 : memref<1x64x128xf32, #tpu.memory_space<hbm>> -> memref<64x128xf32, #tpu.memory_space<hbm>>
    tpu.wait_dma2 semaphore(%arg19 : memref<!tpu.dma_semaphore, #tpu.memory_space<semaphore_mem>>) src(%arg12 : memref<64x128xf32, #tpu.memory_space<vmem>>) dst(%dma_wait3A_310 : memref<64x128xf32, #tpu.memory_space<hbm>>)
    "tpu.region"() ({
      %run_scoped3A = tpu.sem_alloc : memref<!tpu.dma_semaphore, #tpu.memory_space<semaphore_mem>>
      %dma_start3A_357 = arith.constant 0 : i32
      %dma_start3A_358 = tpu.memref_slice %arg14[%add3A_304, %dma_start3A_357] : memref<10240x128xf32, #tpu.memory_space<vmem_shared>> -> memref<64x128xf32, #tpu.memory_space<vmem_shared>>
      %dma_start3A_359 = arith.constant 0 : i32
      %dma_start3A_360 = tpu.memref_slice %arg14[%add3A_304, %dma_start3A_359] : memref<10240x128xf32, #tpu.memory_space<vmem_shared>> -> memref<64x128xf32, #tpu.memory_space<vmem_shared>>
      tpu.enqueue_dma source(%dma_start3A_360 : memref<64x128xf32, #tpu.memory_space<vmem_shared>>) target(%arg12 : memref<64x128xf32, #tpu.memory_space<vmem>>) target_semaphore(%run_scoped3A : memref<!tpu.dma_semaphore, #tpu.memory_space<semaphore_mem>>)
      %dma_wait3A_361 = arith.constant 0 : i32
      %dma_wait3A_362 = tpu.memref_slice %arg14[%add3A_304, %dma_wait3A_361] : memref<10240x128xf32, #tpu.memory_space<vmem_shared>> -> memref<64x128xf32, #tpu.memory_space<vmem_shared>>
      %dma_wait3A_363 = arith.constant 0 : i32
      %dma_wait3A_364 = tpu.memref_slice %arg14[%add3A_304, %dma_wait3A_363] : memref<10240x128xf32, #tpu.memory_space<vmem_shared>> -> memref<64x128xf32, #tpu.memory_space<vmem_shared>>
      tpu.wait_dma2 semaphore(%run_scoped3A : memref<!tpu.dma_semaphore, #tpu.memory_space<semaphore_mem>>) src(%dma_wait3A_364 : memref<64x128xf32, #tpu.memory_space<vmem_shared>>) dst(%arg12 : memref<64x128xf32, #tpu.memory_space<vmem>>)
      tpu.yield
    }) : () -> ()
    %dma_start3A_311 = arith.constant 0 : i32
    %dma_start3A_312 = tpu.memref_slice %arg6[%arg0, %add3A_304, %dma_start3A_311] : memref<2x10240x128xf32, #tpu.memory_space<hbm>> -> memref<1x64x128xf32, #tpu.memory_space<hbm>>
    %dma_start3A_313 = tpu.memref_squeeze %dma_start3A_312 : memref<1x64x128xf32, #tpu.memory_space<hbm>> -> memref<64x128xf32, #tpu.memory_space<hbm>>
    %dma_start3A_314 = arith.constant 0 : i32
    %dma_start3A_315 = tpu.memref_slice %arg6[%arg0, %add3A_304, %dma_start3A_314] : memref<2x10240x128xf32, #tpu.memory_space<hbm>> -> memref<1x64x128xf32, #tpu.memory_space<hbm>>
    %dma_start3A_316 = tpu.memref_squeeze %dma_start3A_315 : memref<1x64x128xf32, #tpu.memory_space<hbm>> -> memref<64x128xf32, #tpu.memory_space<hbm>>
    tpu.enqueue_dma source(%arg12 : memref<64x128xf32, #tpu.memory_space<vmem>>) target(%dma_start3A_316 : memref<64x128xf32, #tpu.memory_space<hbm>>) target_semaphore(%arg19 : memref<!tpu.dma_semaphore, #tpu.memory_space<semaphore_mem>>)
    %add3A_317 = arith.constant 512 : i32
    %add3A_318 = arith.addi %mul3A_2, %add3A_317 : i32
    %dma_wait3A_319 = arith.constant 0 : i32
    %dma_wait3A_320 = tpu.memref_slice %arg6[%arg0, %mul3A_2, %dma_wait3A_319] : memref<2x10240x128xf32, #tpu.memory_space<hbm>> -> memref<1x64x128xf32, #tpu.memory_space<hbm>>
    %dma_wait3A_321 = tpu.memref_squeeze %dma_wait3A_320 : memref<1x64x128xf32, #tpu.memory_space<hbm>> -> memref<64x128xf32, #tpu.memory_space<hbm>>
    %dma_wait3A_322 = arith.constant 0 : i32
    %dma_wait3A_323 = tpu.memref_slice %arg6[%arg0, %mul3A_2, %dma_wait3A_322] : memref<2x10240x128xf32, #tpu.memory_space<hbm>> -> memref<1x64x128xf32, #tpu.memory_space<hbm>>
    %dma_wait3A_324 = tpu.memref_squeeze %dma_wait3A_323 : memref<1x64x128xf32, #tpu.memory_space<hbm>> -> memref<64x128xf32, #tpu.memory_space<hbm>>
    tpu.wait_dma2 semaphore(%arg18 : memref<!tpu.dma_semaphore, #tpu.memory_space<semaphore_mem>>) src(%arg11 : memref<64x128xf32, #tpu.memory_space<vmem>>) dst(%dma_wait3A_324 : memref<64x128xf32, #tpu.memory_space<hbm>>)
    "tpu.region"() ({
      %run_scoped3A = tpu.sem_alloc : memref<!tpu.dma_semaphore, #tpu.memory_space<semaphore_mem>>
      %dma_start3A_357 = arith.constant 0 : i32
      %dma_start3A_358 = tpu.memref_slice %arg14[%add3A_318, %dma_start3A_357] : memref<10240x128xf32, #tpu.memory_space<vmem_shared>> -> memref<64x128xf32, #tpu.memory_space<vmem_shared>>
      %dma_start3A_359 = arith.constant 0 : i32
      %dma_start3A_360 = tpu.memref_slice %arg14[%add3A_318, %dma_start3A_359] : memref<10240x128xf32, #tpu.memory_space<vmem_shared>> -> memref<64x128xf32, #tpu.memory_space<vmem_shared>>
      tpu.enqueue_dma source(%dma_start3A_360 : memref<64x128xf32, #tpu.memory_space<vmem_shared>>) target(%arg11 : memref<64x128xf32, #tpu.memory_space<vmem>>) target_semaphore(%run_scoped3A : memref<!tpu.dma_semaphore, #tpu.memory_space<semaphore_mem>>)
      %dma_wait3A_361 = arith.constant 0 : i32
      %dma_wait3A_362 = tpu.memref_slice %arg14[%add3A_318, %dma_wait3A_361] : memref<10240x128xf32, #tpu.memory_space<vmem_shared>> -> memref<64x128xf32, #tpu.memory_space<vmem_shared>>
      %dma_wait3A_363 = arith.constant 0 : i32
      %dma_wait3A_364 = tpu.memref_slice %arg14[%add3A_318, %dma_wait3A_363] : memref<10240x128xf32, #tpu.memory_space<vmem_shared>> -> memref<64x128xf32, #tpu.memory_space<vmem_shared>>
      tpu.wait_dma2 semaphore(%run_scoped3A : memref<!tpu.dma_semaphore, #tpu.memory_space<semaphore_mem>>) src(%dma_wait3A_364 : memref<64x128xf32, #tpu.memory_space<vmem_shared>>) dst(%arg11 : memref<64x128xf32, #tpu.memory_space<vmem>>)
      tpu.yield
    }) : () -> ()
    %dma_start3A_325 = arith.constant 0 : i32
    %dma_start3A_326 = tpu.memref_slice %arg6[%arg0, %add3A_318, %dma_start3A_325] : memref<2x10240x128xf32, #tpu.memory_space<hbm>> -> memref<1x64x128xf32, #tpu.memory_space<hbm>>
    %dma_start3A_327 = tpu.memref_squeeze %dma_start3A_326 : memref<1x64x128xf32, #tpu.memory_space<hbm>> -> memref<64x128xf32, #tpu.memory_space<hbm>>
    %dma_start3A_328 = arith.constant 0 : i32
    %dma_start3A_329 = tpu.memref_slice %arg6[%arg0, %add3A_318, %dma_start3A_328] : memref<2x10240x128xf32, #tpu.memory_space<hbm>> -> memref<1x64x128xf32, #tpu.memory_space<hbm>>
    %dma_start3A_330 = tpu.memref_squeeze %dma_start3A_329 : memref<1x64x128xf32, #tpu.memory_space<hbm>> -> memref<64x128xf32, #tpu.memory_space<hbm>>
    tpu.enqueue_dma source(%arg11 : memref<64x128xf32, #tpu.memory_space<vmem>>) target(%dma_start3A_330 : memref<64x128xf32, #tpu.memory_space<hbm>>) target_semaphore(%arg18 : memref<!tpu.dma_semaphore, #tpu.memory_space<semaphore_mem>>)
    %add3A_331 = arith.constant 576 : i32
    %add3A_332 = arith.addi %mul3A_2, %add3A_331 : i32
    %dma_wait3A_333 = arith.constant 0 : i32
    %dma_wait3A_334 = tpu.memref_slice %arg6[%arg0, %mul3A_2, %dma_wait3A_333] : memref<2x10240x128xf32, #tpu.memory_space<hbm>> -> memref<1x64x128xf32, #tpu.memory_space<hbm>>
    %dma_wait3A_335 = tpu.memref_squeeze %dma_wait3A_334 : memref<1x64x128xf32, #tpu.memory_space<hbm>> -> memref<64x128xf32, #tpu.memory_space<hbm>>
    %dma_wait3A_336 = arith.constant 0 : i32
    %dma_wait3A_337 = tpu.memref_slice %arg6[%arg0, %mul3A_2, %dma_wait3A_336] : memref<2x10240x128xf32, #tpu.memory_space<hbm>> -> memref<1x64x128xf32, #tpu.memory_space<hbm>>
    %dma_wait3A_338 = tpu.memref_squeeze %dma_wait3A_337 : memref<1x64x128xf32, #tpu.memory_space<hbm>> -> memref<64x128xf32, #tpu.memory_space<hbm>>
    tpu.wait_dma2 semaphore(%arg19 : memref<!tpu.dma_semaphore, #tpu.memory_space<semaphore_mem>>) src(%arg12 : memref<64x128xf32, #tpu.memory_space<vmem>>) dst(%dma_wait3A_338 : memref<64x128xf32, #tpu.memory_space<hbm>>)
    "tpu.region"() ({
      %run_scoped3A = tpu.sem_alloc : memref<!tpu.dma_semaphore, #tpu.memory_space<semaphore_mem>>
      %dma_start3A_357 = arith.constant 0 : i32
      %dma_start3A_358 = tpu.memref_slice %arg14[%add3A_332, %dma_start3A_357] : memref<10240x128xf32, #tpu.memory_space<vmem_shared>> -> memref<64x128xf32, #tpu.memory_space<vmem_shared>>
      %dma_start3A_359 = arith.constant 0 : i32
      %dma_start3A_360 = tpu.memref_slice %arg14[%add3A_332, %dma_start3A_359] : memref<10240x128xf32, #tpu.memory_space<vmem_shared>> -> memref<64x128xf32, #tpu.memory_space<vmem_shared>>
      tpu.enqueue_dma source(%dma_start3A_360 : memref<64x128xf32, #tpu.memory_space<vmem_shared>>) target(%arg12 : memref<64x128xf32, #tpu.memory_space<vmem>>) target_semaphore(%run_scoped3A : memref<!tpu.dma_semaphore, #tpu.memory_space<semaphore_mem>>)
      %dma_wait3A_361 = arith.constant 0 : i32
      %dma_wait3A_362 = tpu.memref_slice %arg14[%add3A_332, %dma_wait3A_361] : memref<10240x128xf32, #tpu.memory_space<vmem_shared>> -> memref<64x128xf32, #tpu.memory_space<vmem_shared>>
      %dma_wait3A_363 = arith.constant 0 : i32
      %dma_wait3A_364 = tpu.memref_slice %arg14[%add3A_332, %dma_wait3A_363] : memref<10240x128xf32, #tpu.memory_space<vmem_shared>> -> memref<64x128xf32, #tpu.memory_space<vmem_shared>>
      tpu.wait_dma2 semaphore(%run_scoped3A : memref<!tpu.dma_semaphore, #tpu.memory_space<semaphore_mem>>) src(%dma_wait3A_364 : memref<64x128xf32, #tpu.memory_space<vmem_shared>>) dst(%arg12 : memref<64x128xf32, #tpu.memory_space<vmem>>)
      tpu.yield
    }) : () -> ()
    %dma_start3A_339 = arith.constant 0 : i32
    %dma_start3A_340 = tpu.memref_slice %arg6[%arg0, %add3A_332, %dma_start3A_339] : memref<2x10240x128xf32, #tpu.memory_space<hbm>> -> memref<1x64x128xf32, #tpu.memory_space<hbm>>
    %dma_start3A_341 = tpu.memref_squeeze %dma_start3A_340 : memref<1x64x128xf32, #tpu.memory_space<hbm>> -> memref<64x128xf32, #tpu.memory_space<hbm>>
    %dma_start3A_342 = arith.constant 0 : i32
    %dma_start3A_343 = tpu.memref_slice %arg6[%arg0, %add3A_332, %dma_start3A_342] : memref<2x10240x128xf32, #tpu.memory_space<hbm>> -> memref<1x64x128xf32, #tpu.memory_space<hbm>>
    %dma_start3A_344 = tpu.memref_squeeze %dma_start3A_343 : memref<1x64x128xf32, #tpu.memory_space<hbm>> -> memref<64x128xf32, #tpu.memory_space<hbm>>
    tpu.enqueue_dma source(%arg12 : memref<64x128xf32, #tpu.memory_space<vmem>>) target(%dma_start3A_344 : memref<64x128xf32, #tpu.memory_space<hbm>>) target_semaphore(%arg19 : memref<!tpu.dma_semaphore, #tpu.memory_space<semaphore_mem>>)
    %dma_wait3A_345 = arith.constant 0 : i32
    %dma_wait3A_346 = tpu.memref_slice %arg6[%arg0, %mul3A_2, %dma_wait3A_345] : memref<2x10240x128xf32, #tpu.memory_space<hbm>> -> memref<1x64x128xf32, #tpu.memory_space<hbm>>
    %dma_wait3A_347 = tpu.memref_squeeze %dma_wait3A_346 : memref<1x64x128xf32, #tpu.memory_space<hbm>> -> memref<64x128xf32, #tpu.memory_space<hbm>>
    %dma_wait3A_348 = arith.constant 0 : i32
    %dma_wait3A_349 = tpu.memref_slice %arg6[%arg0, %mul3A_2, %dma_wait3A_348] : memref<2x10240x128xf32, #tpu.memory_space<hbm>> -> memref<1x64x128xf32, #tpu.memory_space<hbm>>
    %dma_wait3A_350 = tpu.memref_squeeze %dma_wait3A_349 : memref<1x64x128xf32, #tpu.memory_space<hbm>> -> memref<64x128xf32, #tpu.memory_space<hbm>>
    tpu.wait_dma2 semaphore(%arg18 : memref<!tpu.dma_semaphore, #tpu.memory_space<semaphore_mem>>) src(%arg11 : memref<64x128xf32, #tpu.memory_space<vmem>>) dst(%dma_wait3A_350 : memref<64x128xf32, #tpu.memory_space<hbm>>)
    %dma_wait3A_351 = arith.constant 0 : i32
    %dma_wait3A_352 = tpu.memref_slice %arg6[%arg0, %mul3A_2, %dma_wait3A_351] : memref<2x10240x128xf32, #tpu.memory_space<hbm>> -> memref<1x64x128xf32, #tpu.memory_space<hbm>>
    %dma_wait3A_353 = tpu.memref_squeeze %dma_wait3A_352 : memref<1x64x128xf32, #tpu.memory_space<hbm>> -> memref<64x128xf32, #tpu.memory_space<hbm>>
    %dma_wait3A_354 = arith.constant 0 : i32
    %dma_wait3A_355 = tpu.memref_slice %arg6[%arg0, %mul3A_2, %dma_wait3A_354] : memref<2x10240x128xf32, #tpu.memory_space<hbm>> -> memref<1x64x128xf32, #tpu.memory_space<hbm>>
    %dma_wait3A_356 = tpu.memref_squeeze %dma_wait3A_355 : memref<1x64x128xf32, #tpu.memory_space<hbm>> -> memref<64x128xf32, #tpu.memory_space<hbm>>
    tpu.wait_dma2 semaphore(%arg19 : memref<!tpu.dma_semaphore, #tpu.memory_space<semaphore_mem>>) src(%arg12 : memref<64x128xf32, #tpu.memory_space<vmem>>) dst(%dma_wait3A_356 : memref<64x128xf32, #tpu.memory_space<hbm>>)
    return
  }
}

#map = affine_map<(d0, d1) -> (0, 0)>
#map1 = affine_map<(d0, d1) -> (0)>
module attributes {stable_mosaic.version = 14 : i64} {
  func.func @_deg_kernel(%arg0: i32, %arg1: i32, %arg2: memref<5000x64xi32, #tpu.memory_space<hbm>>, %arg3: memref<320000xf32, #tpu.memory_space<hbm>>, %arg4: memref<156x64xi32, #tpu.memory_space<vmem>>, %arg5: memref<1x64xi32, #tpu.memory_space<vmem>>, %arg6: memref<10000xf32, #tpu.memory_space<vmem>>) attributes {dimension_semantics = [#tpu.dimension_semantics<core_parallel>, #tpu.dimension_semantics<subcore_parallel>], iteration_bounds = array<i64: 2, 16>, scalar_prefetch = 0 : i64, scratch_operands = 3 : i64, tpu.core_type = #tpu.core_type<sc_vector_subcore>, window_params = [{transform_indices = #map}, {transform_indices = #map1}]} {
    %mul3A = arith.constant 16 : i32
    %mul3A_0 = arith.muli %arg0, %mul3A : i32
    %add3A = arith.addi %mul3A_0, %arg1 : i32
    %scan3A = arith.constant 0 : i32
    %scan3A_1 = arith.constant 0 : i32
    %scan3A_2 = arith.constant 625 : i32
    %scan3A_3 = arith.addi %scan3A_1, %scan3A_2 : i32
    %scan3A_4 = arith.constant 1 : i32
    scf.for %scan3A_19 = %scan3A_1 to %scan3A_3 step %scan3A_4  : i32 {
      %broadcast_in_dim3A_20 = arith.constant 0.000000e+00 : f32
      %broadcast_in_dim3A_21 = vector.broadcast %broadcast_in_dim3A_20 : f32 to vector<16xf32>
      %mul3A_22 = arith.constant 16 : i32
      %mul3A_23 = arith.muli %scan3A_19, %mul3A_22 : i32
      %swap3A = arith.index_cast %mul3A_23 : i32 to index
      %swap3A_24 = tpu.vector_load %arg6[%swap3A] {strides = array<i32>} : memref<10000xf32, #tpu.memory_space<vmem>>, vector<16xf32>,
      tpu.vector_store %arg6[%swap3A], %broadcast_in_dim3A_21 {strides = array<i32>} : memref<10000xf32, #tpu.memory_space<vmem>>, vector<16xf32>,
    }
    %scan3A_5 = arith.constant 625 : i32
    %mul3A_6 = arith.constant 156 : i32
    %mul3A_7 = arith.muli %add3A, %mul3A_6 : i32
    "tpu.region"() ({
      %run_scoped3A = tpu.sem_alloc : memref<!tpu.dma_semaphore, #tpu.memory_space<semaphore_mem>>
      %dma_start3A = arith.constant 0 : i32
      %dma_start3A_19 = tpu.memref_slice %arg2[%mul3A_7, %dma_start3A] : memref<5000x64xi32, #tpu.memory_space<hbm>> -> memref<156x64xi32, #tpu.memory_space<hbm>>
      %dma_start3A_20 = arith.constant 0 : i32
      %dma_start3A_21 = tpu.memref_slice %arg2[%mul3A_7, %dma_start3A_20] : memref<5000x64xi32, #tpu.memory_space<hbm>> -> memref<156x64xi32, #tpu.memory_space<hbm>>
      tpu.enqueue_dma source(%dma_start3A_21 : memref<156x64xi32, #tpu.memory_space<hbm>>) target(%arg4 : memref<156x64xi32, #tpu.memory_space<vmem>>) target_semaphore(%run_scoped3A : memref<!tpu.dma_semaphore, #tpu.memory_space<semaphore_mem>>)
      %dma_wait3A = arith.constant 0 : i32
      %dma_wait3A_22 = tpu.memref_slice %arg2[%mul3A_7, %dma_wait3A] : memref<5000x64xi32, #tpu.memory_space<hbm>> -> memref<156x64xi32, #tpu.memory_space<hbm>>
      %dma_wait3A_23 = arith.constant 0 : i32
      %dma_wait3A_24 = tpu.memref_slice %arg2[%mul3A_7, %dma_wait3A_23] : memref<5000x64xi32, #tpu.memory_space<hbm>> -> memref<156x64xi32, #tpu.memory_space<hbm>>
      tpu.wait_dma2 semaphore(%run_scoped3A : memref<!tpu.dma_semaphore, #tpu.memory_space<semaphore_mem>>) src(%dma_wait3A_24 : memref<156x64xi32, #tpu.memory_space<hbm>>) dst(%arg4 : memref<156x64xi32, #tpu.memory_space<vmem>>)
      tpu.yield
    }) : () -> ()
    %broadcast_in_dim3A = arith.constant 1.000000e+00 : f32
    %broadcast_in_dim3A_8 = vector.broadcast %broadcast_in_dim3A : f32 to vector<16xf32>
    %scan3A_9 = arith.constant 0 : i32
    %scan3A_10 = arith.constant 0 : i32
    %scan3A_11 = arith.constant 156 : i32
    %scan3A_12 = arith.addi %scan3A_10, %scan3A_11 : i32
    %scan3A_13 = arith.constant 1 : i32
    scf.for %scan3A_19 = %scan3A_10 to %scan3A_12 step %scan3A_13  : i32 {
      %get3A = arith.index_cast %scan3A_19 : i32 to index
      %get3A_20 = arith.constant 0 : index
      %get3A_21 = tpu.vector_load %arg4[%get3A, %get3A_20] {strides = array<i32>} : memref<156x64xi32, #tpu.memory_space<vmem>>, vector<16xi32>,
      tpu.vector_store_idx %arg6[%get3A_21], %broadcast_in_dim3A_8 {add = true} : memref<10000xf32, #tpu.memory_space<vmem>>[vector<16xi32>], vector<16xf32>,
      %get3A_22 = arith.index_cast %scan3A_19 : i32 to index
      %get3A_23 = arith.constant 16 : index
      %get3A_24 = tpu.vector_load %arg4[%get3A_22, %get3A_23] {strides = array<i32>} : memref<156x64xi32, #tpu.memory_space<vmem>>, vector<16xi32>,
      tpu.vector_store_idx %arg6[%get3A_24], %broadcast_in_dim3A_8 {add = true} : memref<10000xf32, #tpu.memory_space<vmem>>[vector<16xi32>], vector<16xf32>,
      %get3A_25 = arith.index_cast %scan3A_19 : i32 to index
      %get3A_26 = arith.constant 32 : index
      %get3A_27 = tpu.vector_load %arg4[%get3A_25, %get3A_26] {strides = array<i32>} : memref<156x64xi32, #tpu.memory_space<vmem>>, vector<16xi32>,
      tpu.vector_store_idx %arg6[%get3A_27], %broadcast_in_dim3A_8 {add = true} : memref<10000xf32, #tpu.memory_space<vmem>>[vector<16xi32>], vector<16xf32>,
      %get3A_28 = arith.index_cast %scan3A_19 : i32 to index
      %get3A_29 = arith.constant 48 : index
      %get3A_30 = tpu.vector_load %arg4[%get3A_28, %get3A_29] {strides = array<i32>} : memref<156x64xi32, #tpu.memory_space<vmem>>, vector<16xi32>,
      tpu.vector_store_idx %arg6[%get3A_30], %broadcast_in_dim3A_8 {add = true} : memref<10000xf32, #tpu.memory_space<vmem>>[vector<16xi32>], vector<16xf32>,
    }
    %scan3A_14 = arith.constant 156 : i32
    %lt3A = arith.constant 8 : i32
    %lt3A_15 = arith.cmpi slt, %add3A, %lt3A : i32
    %convert_element_type3A = arith.extui %lt3A_15 : i1 to i32
    %cond3A = arith.constant 0 : i32
    %cond3A_16 = arith.cmpi ne, %convert_element_type3A, %cond3A : i32
    scf.if %cond3A_16 {
      %add3A_19 = arith.constant 4992 : i32
      %add3A_20 = arith.addi %add3A_19, %add3A : i32
      "tpu.region"() ({
        %run_scoped3A = tpu.sem_alloc : memref<!tpu.dma_semaphore, #tpu.memory_space<semaphore_mem>>
        %dma_start3A = arith.constant 0 : i32
        %dma_start3A_36 = tpu.memref_slice %arg2[%add3A_20, %dma_start3A] : memref<5000x64xi32, #tpu.memory_space<hbm>> -> memref<1x64xi32, #tpu.memory_space<hbm>>
        %dma_start3A_37 = arith.constant 0 : i32
        %dma_start3A_38 = tpu.memref_slice %arg2[%add3A_20, %dma_start3A_37] : memref<5000x64xi32, #tpu.memory_space<hbm>> -> memref<1x64xi32, #tpu.memory_space<hbm>>
        tpu.enqueue_dma source(%dma_start3A_38 : memref<1x64xi32, #tpu.memory_space<hbm>>) target(%arg5 : memref<1x64xi32, #tpu.memory_space<vmem>>) target_semaphore(%run_scoped3A : memref<!tpu.dma_semaphore, #tpu.memory_space<semaphore_mem>>)
        %dma_wait3A = arith.constant 0 : i32
        %dma_wait3A_39 = tpu.memref_slice %arg2[%add3A_20, %dma_wait3A] : memref<5000x64xi32, #tpu.memory_space<hbm>> -> memref<1x64xi32, #tpu.memory_space<hbm>>
        %dma_wait3A_40 = arith.constant 0 : i32
        %dma_wait3A_41 = tpu.memref_slice %arg2[%add3A_20, %dma_wait3A_40] : memref<5000x64xi32, #tpu.memory_space<hbm>> -> memref<1x64xi32, #tpu.memory_space<hbm>>
        tpu.wait_dma2 semaphore(%run_scoped3A : memref<!tpu.dma_semaphore, #tpu.memory_space<semaphore_mem>>) src(%dma_wait3A_41 : memref<1x64xi32, #tpu.memory_space<hbm>>) dst(%arg5 : memref<1x64xi32, #tpu.memory_space<vmem>>)
        tpu.yield
      }) : () -> ()
      %get3A = arith.constant 0 : i32
      %get3A_21 = arith.index_cast %get3A : i32 to index
      %get3A_22 = arith.constant 0 : index
      %get3A_23 = tpu.vector_load %arg5[%get3A_21, %get3A_22] {strides = array<i32>} : memref<1x64xi32, #tpu.memory_space<vmem>>, vector<16xi32>,
      tpu.vector_store_idx %arg6[%get3A_23], %broadcast_in_dim3A_8 {add = true} : memref<10000xf32, #tpu.memory_space<vmem>>[vector<16xi32>], vector<16xf32>,
      %get3A_24 = arith.constant 0 : i32
      %get3A_25 = arith.index_cast %get3A_24 : i32 to index
      %get3A_26 = arith.constant 16 : index
      %get3A_27 = tpu.vector_load %arg5[%get3A_25, %get3A_26] {strides = array<i32>} : memref<1x64xi32, #tpu.memory_space<vmem>>, vector<16xi32>,
      tpu.vector_store_idx %arg6[%get3A_27], %broadcast_in_dim3A_8 {add = true} : memref<10000xf32, #tpu.memory_space<vmem>>[vector<16xi32>], vector<16xf32>,
      %get3A_28 = arith.constant 0 : i32
      %get3A_29 = arith.index_cast %get3A_28 : i32 to index
      %get3A_30 = arith.constant 32 : index
      %get3A_31 = tpu.vector_load %arg5[%get3A_29, %get3A_30] {strides = array<i32>} : memref<1x64xi32, #tpu.memory_space<vmem>>, vector<16xi32>,
      tpu.vector_store_idx %arg6[%get3A_31], %broadcast_in_dim3A_8 {add = true} : memref<10000xf32, #tpu.memory_space<vmem>>[vector<16xi32>], vector<16xf32>,
      %get3A_32 = arith.constant 0 : i32
      %get3A_33 = arith.index_cast %get3A_32 : i32 to index
      %get3A_34 = arith.constant 48 : index
      %get3A_35 = tpu.vector_load %arg5[%get3A_33, %get3A_34] {strides = array<i32>} : memref<1x64xi32, #tpu.memory_space<vmem>>, vector<16xi32>,
      tpu.vector_store_idx %arg6[%get3A_35], %broadcast_in_dim3A_8 {add = true} : memref<10000xf32, #tpu.memory_space<vmem>>[vector<16xi32>], vector<16xf32>,
    } else {
    }
    %mul3A_17 = arith.constant 10000 : i32
    %mul3A_18 = arith.muli %add3A, %mul3A_17 : i32
    "tpu.region"() ({
      %run_scoped3A = tpu.sem_alloc : memref<!tpu.dma_semaphore, #tpu.memory_space<semaphore_mem>>
      %dma_start3A = tpu.memref_slice %arg3[%mul3A_18] : memref<320000xf32, #tpu.memory_space<hbm>> -> memref<10000xf32, #tpu.memory_space<hbm>>
      %dma_start3A_19 = tpu.memref_slice %arg3[%mul3A_18] : memref<320000xf32, #tpu.memory_space<hbm>> -> memref<10000xf32, #tpu.memory_space<hbm>>
      tpu.enqueue_dma source(%arg6 : memref<10000xf32, #tpu.memory_space<vmem>>) target(%dma_start3A_19 : memref<10000xf32, #tpu.memory_space<hbm>>) target_semaphore(%run_scoped3A : memref<!tpu.dma_semaphore, #tpu.memory_space<semaphore_mem>>)
      %dma_wait3A = tpu.memref_slice %arg3[%mul3A_18] : memref<320000xf32, #tpu.memory_space<hbm>> -> memref<10000xf32, #tpu.memory_space<hbm>>
      %dma_wait3A_20 = tpu.memref_slice %arg3[%mul3A_18] : memref<320000xf32, #tpu.memory_space<hbm>> -> memref<10000xf32, #tpu.memory_space<hbm>>
      tpu.wait_dma2 semaphore(%run_scoped3A : memref<!tpu.dma_semaphore, #tpu.memory_space<semaphore_mem>>) src(%arg6 : memref<10000xf32, #tpu.memory_space<vmem>>) dst(%dma_wait3A_20 : memref<10000xf32, #tpu.memory_space<hbm>>)
      tpu.yield
    }) : () -> ()
    return
  }
}

#map = affine_map<(d0, d1) -> (0, 0)>
#map1 = affine_map<(d0, d1) -> (0, 0, 0)>
module attributes {stable_mosaic.version = 14 : i64} {
  func.func @agg(%arg0: i32, %arg1: i32, %arg2: memref<10000x64xf32, #tpu.memory_space<hbm>>, %arg3: memref<2500x128xi32, #tpu.memory_space<hbm>>, %arg4: memref<2500x128xi32, #tpu.memory_space<hbm>>, %arg5: memref<128x64xf32, #tpu.memory_space<hbm>>, %arg6: memref<2x10240x64xf32, #tpu.memory_space<hbm>>, %arg7: memref<78x128xi32, #tpu.memory_space<vmem>>, %arg8: memref<78x128xi32, #tpu.memory_space<vmem>>, %arg9: memref<1x128xi32, #tpu.memory_space<vmem>>, %arg10: memref<1x128xi32, #tpu.memory_space<vmem>>, %arg11: memref<128x64xf32, #tpu.memory_space<vmem>>, %arg12: memref<128x64xf32, #tpu.memory_space<vmem>>, %arg13: memref<128x64xf32, #tpu.memory_space<vmem>>, %arg14: memref<128x64xf32, #tpu.memory_space<vmem>>, %arg15: memref<128x64xf32, #tpu.memory_space<vmem>>, %arg16: memref<10240x64xf32, #tpu.memory_space<vmem_shared>>, %arg17: memref<!tpu.dma_semaphore, #tpu.memory_space<semaphore_mem>>, %arg18: memref<!tpu.dma_semaphore, #tpu.memory_space<semaphore_mem>>, %arg19: memref<!tpu.dma_semaphore, #tpu.memory_space<semaphore_mem>>, %arg20: memref<!tpu.dma_semaphore, #tpu.memory_space<semaphore_mem>>, %arg21: memref<!tpu.dma_semaphore, #tpu.memory_space<semaphore_mem>>, %arg22: memref<!tpu.dma_semaphore, #tpu.memory_space<semaphore_mem>>, %arg23: memref<!tpu.dma_semaphore, #tpu.memory_space<semaphore_mem>>, %arg24: memref<!tpu.dma_semaphore, #tpu.memory_space<semaphore_mem>>, %arg25: memref<!tpu.dma_semaphore, #tpu.memory_space<semaphore_mem>>, %arg26: memref<!tpu.dma_semaphore, #tpu.memory_space<semaphore_mem>>) attributes {dimension_semantics = [#tpu.dimension_semantics<core_parallel>, #tpu.dimension_semantics<subcore_parallel>], iteration_bounds = array<i64: 2, 16>, scalar_prefetch = 0 : i64, scratch_operands = 20 : i64, tpu.core_type = #tpu.core_type<sc_vector_subcore>, window_params = [{transform_indices = #map}, {transform_indices = #map}, {transform_indices = #map}, {transform_indices = #map}, {transform_indices = #map1}]} {
    %mul3A = arith.constant 16 : i32
    %mul3A_0 = arith.muli %arg0, %mul3A : i32
    %add3A = arith.addi %mul3A_0, %arg1 : i32
    %mul3A_1 = arith.constant 640 : i32
    %mul3A_2 = arith.muli %arg1, %mul3A_1 : i32
    "tpu.region"() ({
      %run_scoped3A = tpu.sem_alloc : memref<!tpu.dma_semaphore, #tpu.memory_space<semaphore_mem>>
      tpu.enqueue_dma source(%arg5 : memref<128x64xf32, #tpu.memory_space<hbm>>) target(%arg11 : memref<128x64xf32, #tpu.memory_space<vmem>>) target_semaphore(%run_scoped3A : memref<!tpu.dma_semaphore, #tpu.memory_space<semaphore_mem>>)
      tpu.wait_dma2 semaphore(%run_scoped3A : memref<!tpu.dma_semaphore, #tpu.memory_space<semaphore_mem>>) src(%arg5 : memref<128x64xf32, #tpu.memory_space<hbm>>) dst(%arg11 : memref<128x64xf32, #tpu.memory_space<vmem>>)
      tpu.yield
    }) : () -> ()
    %add3A_3 = arith.constant 0 : i32
    %add3A_4 = arith.addi %mul3A_2, %add3A_3 : i32
    %dma_start3A = arith.constant 0 : i32
    %dma_start3A_5 = tpu.memref_slice %arg16[%add3A_4, %dma_start3A] : memref<10240x64xf32, #tpu.memory_space<vmem_shared>> -> memref<128x64xf32, #tpu.memory_space<vmem_shared>>
    %dma_start3A_6 = arith.constant 0 : i32
    %dma_start3A_7 = tpu.memref_slice %arg16[%add3A_4, %dma_start3A_6] : memref<10240x64xf32, #tpu.memory_space<vmem_shared>> -> memref<128x64xf32, #tpu.memory_space<vmem_shared>>
    tpu.enqueue_dma source(%arg11 : memref<128x64xf32, #tpu.memory_space<vmem>>) target(%dma_start3A_7 : memref<128x64xf32, #tpu.memory_space<vmem_shared>>) target_semaphore(%arg22 : memref<!tpu.dma_semaphore, #tpu.memory_space<semaphore_mem>>)
    %add3A_8 = arith.constant 128 : i32
    %add3A_9 = arith.addi %mul3A_2, %add3A_8 : i32
    %dma_start3A_10 = arith.constant 0 : i32
    %dma_start3A_11 = tpu.memref_slice %arg16[%add3A_9, %dma_start3A_10] : memref<10240x64xf32, #tpu.memory_space<vmem_shared>> -> memref<128x64xf32, #tpu.memory_space<vmem_shared>>
    %dma_start3A_12 = arith.constant 0 : i32
    %dma_start3A_13 = tpu.memref_slice %arg16[%add3A_9, %dma_start3A_12] : memref<10240x64xf32, #tpu.memory_space<vmem_shared>> -> memref<128x64xf32, #tpu.memory_space<vmem_shared>>
    tpu.enqueue_dma source(%arg11 : memref<128x64xf32, #tpu.memory_space<vmem>>) target(%dma_start3A_13 : memref<128x64xf32, #tpu.memory_space<vmem_shared>>) target_semaphore(%arg22 : memref<!tpu.dma_semaphore, #tpu.memory_space<semaphore_mem>>)
    %add3A_14 = arith.constant 256 : i32
    %add3A_15 = arith.addi %mul3A_2, %add3A_14 : i32
    %dma_start3A_16 = arith.constant 0 : i32
    %dma_start3A_17 = tpu.memref_slice %arg16[%add3A_15, %dma_start3A_16] : memref<10240x64xf32, #tpu.memory_space<vmem_shared>> -> memref<128x64xf32, #tpu.memory_space<vmem_shared>>
    %dma_start3A_18 = arith.constant 0 : i32
    %dma_start3A_19 = tpu.memref_slice %arg16[%add3A_15, %dma_start3A_18] : memref<10240x64xf32, #tpu.memory_space<vmem_shared>> -> memref<128x64xf32, #tpu.memory_space<vmem_shared>>
    tpu.enqueue_dma source(%arg11 : memref<128x64xf32, #tpu.memory_space<vmem>>) target(%dma_start3A_19 : memref<128x64xf32, #tpu.memory_space<vmem_shared>>) target_semaphore(%arg22 : memref<!tpu.dma_semaphore, #tpu.memory_space<semaphore_mem>>)
    %add3A_20 = arith.constant 384 : i32
    %add3A_21 = arith.addi %mul3A_2, %add3A_20 : i32
    %dma_start3A_22 = arith.constant 0 : i32
    %dma_start3A_23 = tpu.memref_slice %arg16[%add3A_21, %dma_start3A_22] : memref<10240x64xf32, #tpu.memory_space<vmem_shared>> -> memref<128x64xf32, #tpu.memory_space<vmem_shared>>
    %dma_start3A_24 = arith.constant 0 : i32
    %dma_start3A_25 = tpu.memref_slice %arg16[%add3A_21, %dma_start3A_24] : memref<10240x64xf32, #tpu.memory_space<vmem_shared>> -> memref<128x64xf32, #tpu.memory_space<vmem_shared>>
    tpu.enqueue_dma source(%arg11 : memref<128x64xf32, #tpu.memory_space<vmem>>) target(%dma_start3A_25 : memref<128x64xf32, #tpu.memory_space<vmem_shared>>) target_semaphore(%arg22 : memref<!tpu.dma_semaphore, #tpu.memory_space<semaphore_mem>>)
    %add3A_26 = arith.constant 512 : i32
    %add3A_27 = arith.addi %mul3A_2, %add3A_26 : i32
    %dma_start3A_28 = arith.constant 0 : i32
    %dma_start3A_29 = tpu.memref_slice %arg16[%add3A_27, %dma_start3A_28] : memref<10240x64xf32, #tpu.memory_space<vmem_shared>> -> memref<128x64xf32, #tpu.memory_space<vmem_shared>>
    %dma_start3A_30 = arith.constant 0 : i32
    %dma_start3A_31 = tpu.memref_slice %arg16[%add3A_27, %dma_start3A_30] : memref<10240x64xf32, #tpu.memory_space<vmem_shared>> -> memref<128x64xf32, #tpu.memory_space<vmem_shared>>
    tpu.enqueue_dma source(%arg11 : memref<128x64xf32, #tpu.memory_space<vmem>>) target(%dma_start3A_31 : memref<128x64xf32, #tpu.memory_space<vmem_shared>>) target_semaphore(%arg22 : memref<!tpu.dma_semaphore, #tpu.memory_space<semaphore_mem>>)
    %mul3A_32 = arith.constant 78 : i32
    %mul3A_33 = arith.muli %add3A, %mul3A_32 : i32
    %dma_start3A_34 = arith.constant 0 : i32
    %dma_start3A_35 = tpu.memref_slice %arg3[%mul3A_33, %dma_start3A_34] : memref<2500x128xi32, #tpu.memory_space<hbm>> -> memref<78x128xi32, #tpu.memory_space<hbm>>
    %dma_start3A_36 = arith.constant 0 : i32
    %dma_start3A_37 = tpu.memref_slice %arg3[%mul3A_33, %dma_start3A_36] : memref<2500x128xi32, #tpu.memory_space<hbm>> -> memref<78x128xi32, #tpu.memory_space<hbm>>
    tpu.enqueue_dma source(%dma_start3A_37 : memref<78x128xi32, #tpu.memory_space<hbm>>) target(%arg7 : memref<78x128xi32, #tpu.memory_space<vmem>>) target_semaphore(%arg18 : memref<!tpu.dma_semaphore, #tpu.memory_space<semaphore_mem>>)
    %mul3A_38 = arith.constant 78 : i32
    %mul3A_39 = arith.muli %add3A, %mul3A_38 : i32
    %dma_start3A_40 = arith.constant 0 : i32
    %dma_start3A_41 = tpu.memref_slice %arg4[%mul3A_39, %dma_start3A_40] : memref<2500x128xi32, #tpu.memory_space<hbm>> -> memref<78x128xi32, #tpu.memory_space<hbm>>
    %dma_start3A_42 = arith.constant 0 : i32
    %dma_start3A_43 = tpu.memref_slice %arg4[%mul3A_39, %dma_start3A_42] : memref<2500x128xi32, #tpu.memory_space<hbm>> -> memref<78x128xi32, #tpu.memory_space<hbm>>
    tpu.enqueue_dma source(%dma_start3A_43 : memref<78x128xi32, #tpu.memory_space<hbm>>) target(%arg8 : memref<78x128xi32, #tpu.memory_space<vmem>>) target_semaphore(%arg19 : memref<!tpu.dma_semaphore, #tpu.memory_space<semaphore_mem>>)
    %dma_wait3A = arith.constant 0 : i32
    %dma_wait3A_44 = tpu.memref_slice %arg16[%mul3A_2, %dma_wait3A] : memref<10240x64xf32, #tpu.memory_space<vmem_shared>> -> memref<128x64xf32, #tpu.memory_space<vmem_shared>>
    %dma_wait3A_45 = arith.constant 0 : i32
    %dma_wait3A_46 = tpu.memref_slice %arg16[%mul3A_2, %dma_wait3A_45] : memref<10240x64xf32, #tpu.memory_space<vmem_shared>> -> memref<128x64xf32, #tpu.memory_space<vmem_shared>>
    tpu.wait_dma2 semaphore(%arg22 : memref<!tpu.dma_semaphore, #tpu.memory_space<semaphore_mem>>) src(%arg11 : memref<128x64xf32, #tpu.memory_space<vmem>>) dst(%dma_wait3A_46 : memref<128x64xf32, #tpu.memory_space<vmem_shared>>)
    %dma_wait3A_47 = arith.constant 0 : i32
    %dma_wait3A_48 = tpu.memref_slice %arg16[%mul3A_2, %dma_wait3A_47] : memref<10240x64xf32, #tpu.memory_space<vmem_shared>> -> memref<128x64xf32, #tpu.memory_space<vmem_shared>>
    %dma_wait3A_49 = arith.constant 0 : i32
    %dma_wait3A_50 = tpu.memref_slice %arg16[%mul3A_2, %dma_wait3A_49] : memref<10240x64xf32, #tpu.memory_space<vmem_shared>> -> memref<128x64xf32, #tpu.memory_space<vmem_shared>>
    tpu.wait_dma2 semaphore(%arg22 : memref<!tpu.dma_semaphore, #tpu.memory_space<semaphore_mem>>) src(%arg11 : memref<128x64xf32, #tpu.memory_space<vmem>>) dst(%dma_wait3A_50 : memref<128x64xf32, #tpu.memory_space<vmem_shared>>)
    %dma_wait3A_51 = arith.constant 0 : i32
    %dma_wait3A_52 = tpu.memref_slice %arg16[%mul3A_2, %dma_wait3A_51] : memref<10240x64xf32, #tpu.memory_space<vmem_shared>> -> memref<128x64xf32, #tpu.memory_space<vmem_shared>>
    %dma_wait3A_53 = arith.constant 0 : i32
    %dma_wait3A_54 = tpu.memref_slice %arg16[%mul3A_2, %dma_wait3A_53] : memref<10240x64xf32, #tpu.memory_space<vmem_shared>> -> memref<128x64xf32, #tpu.memory_space<vmem_shared>>
    tpu.wait_dma2 semaphore(%arg22 : memref<!tpu.dma_semaphore, #tpu.memory_space<semaphore_mem>>) src(%arg11 : memref<128x64xf32, #tpu.memory_space<vmem>>) dst(%dma_wait3A_54 : memref<128x64xf32, #tpu.memory_space<vmem_shared>>)
    %dma_wait3A_55 = arith.constant 0 : i32
    %dma_wait3A_56 = tpu.memref_slice %arg16[%mul3A_2, %dma_wait3A_55] : memref<10240x64xf32, #tpu.memory_space<vmem_shared>> -> memref<128x64xf32, #tpu.memory_space<vmem_shared>>
    %dma_wait3A_57 = arith.constant 0 : i32
    %dma_wait3A_58 = tpu.memref_slice %arg16[%mul3A_2, %dma_wait3A_57] : memref<10240x64xf32, #tpu.memory_space<vmem_shared>> -> memref<128x64xf32, #tpu.memory_space<vmem_shared>>
    tpu.wait_dma2 semaphore(%arg22 : memref<!tpu.dma_semaphore, #tpu.memory_space<semaphore_mem>>) src(%arg11 : memref<128x64xf32, #tpu.memory_space<vmem>>) dst(%dma_wait3A_58 : memref<128x64xf32, #tpu.memory_space<vmem_shared>>)
    %dma_wait3A_59 = arith.constant 0 : i32
    %dma_wait3A_60 = tpu.memref_slice %arg16[%mul3A_2, %dma_wait3A_59] : memref<10240x64xf32, #tpu.memory_space<vmem_shared>> -> memref<128x64xf32, #tpu.memory_space<vmem_shared>>
    %dma_wait3A_61 = arith.constant 0 : i32
    %dma_wait3A_62 = tpu.memref_slice %arg16[%mul3A_2, %dma_wait3A_61] : memref<10240x64xf32, #tpu.memory_space<vmem_shared>> -> memref<128x64xf32, #tpu.memory_space<vmem_shared>>
    tpu.wait_dma2 semaphore(%arg22 : memref<!tpu.dma_semaphore, #tpu.memory_space<semaphore_mem>>) src(%arg11 : memref<128x64xf32, #tpu.memory_space<vmem>>) dst(%dma_wait3A_62 : memref<128x64xf32, #tpu.memory_space<vmem_shared>>)
    %dma_wait3A_63 = arith.constant 0 : i32
    %dma_wait3A_64 = arith.constant 0 : i32
    %dma_wait3A_65 = tpu.memref_slice %arg3[%dma_wait3A_63, %dma_wait3A_64] : memref<2500x128xi32, #tpu.memory_space<hbm>> -> memref<78x128xi32, #tpu.memory_space<hbm>>
    %dma_wait3A_66 = arith.constant 0 : i32
    %dma_wait3A_67 = arith.constant 0 : i32
    %dma_wait3A_68 = tpu.memref_slice %arg3[%dma_wait3A_66, %dma_wait3A_67] : memref<2500x128xi32, #tpu.memory_space<hbm>> -> memref<78x128xi32, #tpu.memory_space<hbm>>
    tpu.wait_dma2 semaphore(%arg18 : memref<!tpu.dma_semaphore, #tpu.memory_space<semaphore_mem>>) src(%dma_wait3A_68 : memref<78x128xi32, #tpu.memory_space<hbm>>) dst(%arg7 : memref<78x128xi32, #tpu.memory_space<vmem>>)
    %dma_wait3A_69 = arith.constant 0 : i32
    %dma_wait3A_70 = arith.constant 0 : i32
    %dma_wait3A_71 = tpu.memref_slice %arg4[%dma_wait3A_69, %dma_wait3A_70] : memref<2500x128xi32, #tpu.memory_space<hbm>> -> memref<78x128xi32, #tpu.memory_space<hbm>>
    %dma_wait3A_72 = arith.constant 0 : i32
    %dma_wait3A_73 = arith.constant 0 : i32
    %dma_wait3A_74 = tpu.memref_slice %arg4[%dma_wait3A_72, %dma_wait3A_73] : memref<2500x128xi32, #tpu.memory_space<hbm>> -> memref<78x128xi32, #tpu.memory_space<hbm>>
    tpu.wait_dma2 semaphore(%arg19 : memref<!tpu.dma_semaphore, #tpu.memory_space<semaphore_mem>>) src(%dma_wait3A_74 : memref<78x128xi32, #tpu.memory_space<hbm>>) dst(%arg8 : memref<78x128xi32, #tpu.memory_space<vmem>>)
    %barrier3A = arith.constant 0 : index
    tpu.barrier barrier_id(%barrier3A)
    %dma_start3A_75 = arith.constant 0 : i32
    %dma_start3A_76 = arith.constant 0 : i32
    %dma_start3A_77 = tpu.memref_slice %arg7[%dma_start3A_75, %dma_start3A_76] : memref<78x128xi32, #tpu.memory_space<vmem>> -> memref<1x128xi32, #tpu.memory_space<vmem>>
    %dma_start3A_78 = tpu.memref_squeeze %dma_start3A_77 : memref<1x128xi32, #tpu.memory_space<vmem>> -> memref<128xi32, #tpu.memory_space<vmem>>
    %dma_start3A_79 = arith.constant 0 : i32
    %dma_start3A_80 = arith.constant 0 : i32
    %dma_start3A_81 = tpu.memref_slice %arg2[%dma_start3A_79, %dma_start3A_80] : memref<10000x64xf32, #tpu.memory_space<hbm>> -> memref<10000x64xf32, #tpu.memory_space<hbm>>
    tpu.enqueue_indirect_dma source(%dma_start3A_81 : memref<10000x64xf32, #tpu.memory_space<hbm>>) target(%arg11 : memref<128x64xf32, #tpu.memory_space<vmem>>) offsets(%dma_start3A_78 : memref<128xi32, #tpu.memory_space<vmem>>) semaphore(%arg17 : memref<!tpu.dma_semaphore, #tpu.memory_space<semaphore_mem>>)
    %dma_start3A_82 = arith.constant 1 : i32
    %dma_start3A_83 = arith.constant 0 : i32
    %dma_start3A_84 = tpu.memref_slice %arg7[%dma_start3A_82, %dma_start3A_83] : memref<78x128xi32, #tpu.memory_space<vmem>> -> memref<1x128xi32, #tpu.memory_space<vmem>>
    %dma_start3A_85 = tpu.memref_squeeze %dma_start3A_84 : memref<1x128xi32, #tpu.memory_space<vmem>> -> memref<128xi32, #tpu.memory_space<vmem>>
    %dma_start3A_86 = arith.constant 0 : i32
    %dma_start3A_87 = arith.constant 0 : i32
    %dma_start3A_88 = tpu.memref_slice %arg2[%dma_start3A_86, %dma_start3A_87] : memref<10000x64xf32, #tpu.memory_space<hbm>> -> memref<10000x64xf32, #tpu.memory_space<hbm>>
    tpu.enqueue_indirect_dma source(%dma_start3A_88 : memref<10000x64xf32, #tpu.memory_space<hbm>>) target(%arg12 : memref<128x64xf32, #tpu.memory_space<vmem>>) offsets(%dma_start3A_85 : memref<128xi32, #tpu.memory_space<vmem>>) semaphore(%arg18 : memref<!tpu.dma_semaphore, #tpu.memory_space<semaphore_mem>>)
    %dma_start3A_89 = arith.constant 2 : i32
    %dma_start3A_90 = arith.constant 0 : i32
    %dma_start3A_91 = tpu.memref_slice %arg7[%dma_start3A_89, %dma_start3A_90] : memref<78x128xi32, #tpu.memory_space<vmem>> -> memref<1x128xi32, #tpu.memory_space<vmem>>
    %dma_start3A_92 = tpu.memref_squeeze %dma_start3A_91 : memref<1x128xi32, #tpu.memory_space<vmem>> -> memref<128xi32, #tpu.memory_space<vmem>>
    %dma_start3A_93 = arith.constant 0 : i32
    %dma_start3A_94 = arith.constant 0 : i32
    %dma_start3A_95 = tpu.memref_slice %arg2[%dma_start3A_93, %dma_start3A_94] : memref<10000x64xf32, #tpu.memory_space<hbm>> -> memref<10000x64xf32, #tpu.memory_space<hbm>>
    tpu.enqueue_indirect_dma source(%dma_start3A_95 : memref<10000x64xf32, #tpu.memory_space<hbm>>) target(%arg13 : memref<128x64xf32, #tpu.memory_space<vmem>>) offsets(%dma_start3A_92 : memref<128xi32, #tpu.memory_space<vmem>>) semaphore(%arg19 : memref<!tpu.dma_semaphore, #tpu.memory_space<semaphore_mem>>)
    %dma_start3A_96 = arith.constant 3 : i32
    %dma_start3A_97 = arith.constant 0 : i32
    %dma_start3A_98 = tpu.memref_slice %arg7[%dma_start3A_96, %dma_start3A_97] : memref<78x128xi32, #tpu.memory_space<vmem>> -> memref<1x128xi32, #tpu.memory_space<vmem>>
    %dma_start3A_99 = tpu.memref_squeeze %dma_start3A_98 : memref<1x128xi32, #tpu.memory_space<vmem>> -> memref<128xi32, #tpu.memory_space<vmem>>
    %dma_start3A_100 = arith.constant 0 : i32
    %dma_start3A_101 = arith.constant 0 : i32
    %dma_start3A_102 = tpu.memref_slice %arg2[%dma_start3A_100, %dma_start3A_101] : memref<10000x64xf32, #tpu.memory_space<hbm>> -> memref<10000x64xf32, #tpu.memory_space<hbm>>
    tpu.enqueue_indirect_dma source(%dma_start3A_102 : memref<10000x64xf32, #tpu.memory_space<hbm>>) target(%arg14 : memref<128x64xf32, #tpu.memory_space<vmem>>) offsets(%dma_start3A_99 : memref<128xi32, #tpu.memory_space<vmem>>) semaphore(%arg20 : memref<!tpu.dma_semaphore, #tpu.memory_space<semaphore_mem>>)
    %dma_wait3A_103 = arith.constant 0 : i32
    %dma_wait3A_104 = arith.constant 0 : i32
    %dma_wait3A_105 = tpu.memref_slice %arg7[%dma_wait3A_103, %dma_wait3A_104] : memref<78x128xi32, #tpu.memory_space<vmem>> -> memref<1x128xi32, #tpu.memory_space<vmem>>
    %dma_wait3A_106 = tpu.memref_squeeze %dma_wait3A_105 : memref<1x128xi32, #tpu.memory_space<vmem>> -> memref<128xi32, #tpu.memory_space<vmem>>
    %dma_wait3A_107 = arith.constant 0 : i32
    %dma_wait3A_108 = arith.constant 0 : i32
    %dma_wait3A_109 = tpu.memref_slice %arg2[%dma_wait3A_107, %dma_wait3A_108] : memref<10000x64xf32, #tpu.memory_space<hbm>> -> memref<10000x64xf32, #tpu.memory_space<hbm>>
    tpu.wait_indirect_dma semaphore(%arg17 : memref<!tpu.dma_semaphore, #tpu.memory_space<semaphore_mem>>) src(%dma_wait3A_109 : memref<10000x64xf32, #tpu.memory_space<hbm>>) dst(%arg11 : memref<128x64xf32, #tpu.memory_space<vmem>>)
    %dma_start3A_110 = arith.constant 0 : i32
    %dma_start3A_111 = arith.constant 0 : i32
    %dma_start3A_112 = tpu.memref_slice %arg8[%dma_start3A_110, %dma_start3A_111] : memref<78x128xi32, #tpu.memory_space<vmem>> -> memref<1x128xi32, #tpu.memory_space<vmem>>
    %dma_start3A_113 = tpu.memref_squeeze %dma_start3A_112 : memref<1x128xi32, #tpu.memory_space<vmem>> -> memref<128xi32, #tpu.memory_space<vmem>>
    %dma_start3A_114 = arith.constant 0 : i32
    %dma_start3A_115 = arith.constant 0 : i32
    %dma_start3A_116 = tpu.memref_slice %arg16[%dma_start3A_114, %dma_start3A_115] : memref<10240x64xf32, #tpu.memory_space<vmem_shared>> -> memref<10240x64xf32, #tpu.memory_space<vmem_shared>>
    tpu.enqueue_indirect_dma source(%arg11 : memref<128x64xf32, #tpu.memory_space<vmem>>) target(%dma_start3A_116 : memref<10240x64xf32, #tpu.memory_space<vmem_shared>>) offsets(%dma_start3A_113 : memref<128xi32, #tpu.memory_space<vmem>>) semaphore(%arg22 : memref<!tpu.dma_semaphore, #tpu.memory_space<semaphore_mem>>) {add = true}
    %dma_start3A_117 = arith.constant 4 : i32
    %dma_start3A_118 = arith.constant 0 : i32
    %dma_start3A_119 = tpu.memref_slice %arg7[%dma_start3A_117, %dma_start3A_118] : memref<78x128xi32, #tpu.memory_space<vmem>> -> memref<1x128xi32, #tpu.memory_space<vmem>>
    %dma_start3A_120 = tpu.memref_squeeze %dma_start3A_119 : memref<1x128xi32, #tpu.memory_space<vmem>> -> memref<128xi32, #tpu.memory_space<vmem>>
    %dma_start3A_121 = arith.constant 0 : i32
    %dma_start3A_122 = arith.constant 0 : i32
    %dma_start3A_123 = tpu.memref_slice %arg2[%dma_start3A_121, %dma_start3A_122] : memref<10000x64xf32, #tpu.memory_space<hbm>> -> memref<10000x64xf32, #tpu.memory_space<hbm>>
    tpu.enqueue_indirect_dma source(%dma_start3A_123 : memref<10000x64xf32, #tpu.memory_space<hbm>>) target(%arg15 : memref<128x64xf32, #tpu.memory_space<vmem>>) offsets(%dma_start3A_120 : memref<128xi32, #tpu.memory_space<vmem>>) semaphore(%arg21 : memref<!tpu.dma_semaphore, #tpu.memory_space<semaphore_mem>>)
    %scan3A = arith.constant 0 : i32
    %scan3A_124 = arith.constant 0 : i32
    %scan3A_125 = arith.constant 14 : i32
    %scan3A_126 = arith.addi %scan3A_124, %scan3A_125 : i32
    %scan3A_127 = arith.constant 1 : i32
    scf.for %scan3A_377 = %scan3A_124 to %scan3A_126 step %scan3A_127  : i32 {
      %mul3A_378 = arith.constant 5 : i32
      %mul3A_379 = arith.muli %mul3A_378, %scan3A_377 : i32
      %add3A_380 = arith.constant 1 : i32
      %add3A_381 = arith.addi %add3A_380, %mul3A_379 : i32
      %add3A_382 = arith.constant 0 : i32
      %add3A_383 = arith.addi %add3A_381, %add3A_382 : i32
      %dma_wait3A_384 = arith.constant 0 : i32
      %dma_wait3A_385 = arith.constant 0 : i32
      %dma_wait3A_386 = tpu.memref_slice %arg7[%dma_wait3A_384, %dma_wait3A_385] : memref<78x128xi32, #tpu.memory_space<vmem>> -> memref<1x128xi32, #tpu.memory_space<vmem>>
      %dma_wait3A_387 = tpu.memref_squeeze %dma_wait3A_386 : memref<1x128xi32, #tpu.memory_space<vmem>> -> memref<128xi32, #tpu.memory_space<vmem>>
      %dma_wait3A_388 = arith.constant 0 : i32
      %dma_wait3A_389 = arith.constant 0 : i32
      %dma_wait3A_390 = tpu.memref_slice %arg2[%dma_wait3A_388, %dma_wait3A_389] : memref<10000x64xf32, #tpu.memory_space<hbm>> -> memref<10000x64xf32, #tpu.memory_space<hbm>>
      tpu.wait_indirect_dma semaphore(%arg18 : memref<!tpu.dma_semaphore, #tpu.memory_space<semaphore_mem>>) src(%dma_wait3A_390 : memref<10000x64xf32, #tpu.memory_space<hbm>>) dst(%arg12 : memref<128x64xf32, #tpu.memory_space<vmem>>)
      %dma_start3A_391 = arith.constant 0 : i32
      %dma_start3A_392 = tpu.memref_slice %arg8[%add3A_383, %dma_start3A_391] : memref<78x128xi32, #tpu.memory_space<vmem>> -> memref<1x128xi32, #tpu.memory_space<vmem>>
      %dma_start3A_393 = tpu.memref_squeeze %dma_start3A_392 : memref<1x128xi32, #tpu.memory_space<vmem>> -> memref<128xi32, #tpu.memory_space<vmem>>
      %dma_start3A_394 = arith.constant 0 : i32
      %dma_start3A_395 = arith.constant 0 : i32
      %dma_start3A_396 = tpu.memref_slice %arg16[%dma_start3A_394, %dma_start3A_395] : memref<10240x64xf32, #tpu.memory_space<vmem_shared>> -> memref<10240x64xf32, #tpu.memory_space<vmem_shared>>
      tpu.enqueue_indirect_dma source(%arg12 : memref<128x64xf32, #tpu.memory_space<vmem>>) target(%dma_start3A_396 : memref<10240x64xf32, #tpu.memory_space<vmem_shared>>) offsets(%dma_start3A_393 : memref<128xi32, #tpu.memory_space<vmem>>) semaphore(%arg23 : memref<!tpu.dma_semaphore, #tpu.memory_space<semaphore_mem>>) {add = true}
      %dma_wait3A_397 = arith.constant 0 : i32
      %dma_wait3A_398 = arith.constant 0 : i32
      %dma_wait3A_399 = tpu.memref_slice %arg8[%dma_wait3A_397, %dma_wait3A_398] : memref<78x128xi32, #tpu.memory_space<vmem>> -> memref<1x128xi32, #tpu.memory_space<vmem>>
      %dma_wait3A_400 = tpu.memref_squeeze %dma_wait3A_399 : memref<1x128xi32, #tpu.memory_space<vmem>> -> memref<128xi32, #tpu.memory_space<vmem>>
      %dma_wait3A_401 = arith.constant 0 : i32
      %dma_wait3A_402 = arith.constant 0 : i32
      %dma_wait3A_403 = tpu.memref_slice %arg16[%dma_wait3A_401, %dma_wait3A_402] : memref<10240x64xf32, #tpu.memory_space<vmem_shared>> -> memref<10240x64xf32, #tpu.memory_space<vmem_shared>>
      tpu.wait_indirect_dma semaphore(%arg22 : memref<!tpu.dma_semaphore, #tpu.memory_space<semaphore_mem>>) src(%arg11 : memref<128x64xf32, #tpu.memory_space<vmem>>) dst(%dma_wait3A_403 : memref<10240x64xf32, #tpu.memory_space<vmem_shared>>)
      %add3A_404 = arith.constant 5 : i32
      %add3A_405 = arith.addi %add3A_383, %add3A_404 : i32
      %sub3A = arith.constant 1 : i32
      %sub3A_406 = arith.subi %add3A_405, %sub3A : i32
      %dma_start3A_407 = arith.constant 0 : i32
      %dma_start3A_408 = tpu.memref_slice %arg7[%sub3A_406, %dma_start3A_407] : memref<78x128xi32, #tpu.memory_space<vmem>> -> memref<1x128xi32, #tpu.memory_space<vmem>>
      %dma_start3A_409 = tpu.memref_squeeze %dma_start3A_408 : memref<1x128xi32, #tpu.memory_space<vmem>> -> memref<128xi32, #tpu.memory_space<vmem>>
      %dma_start3A_410 = arith.constant 0 : i32
      %dma_start3A_411 = arith.constant 0 : i32
      %dma_start3A_412 = tpu.memref_slice %arg2[%dma_start3A_410, %dma_start3A_411] : memref<10000x64xf32, #tpu.memory_space<hbm>> -> memref<10000x64xf32, #tpu.memory_space<hbm>>
      tpu.enqueue_indirect_dma source(%dma_start3A_412 : memref<10000x64xf32, #tpu.memory_space<hbm>>) target(%arg11 : memref<128x64xf32, #tpu.memory_space<vmem>>) offsets(%dma_start3A_409 : memref<128xi32, #tpu.memory_space<vmem>>) semaphore(%arg17 : memref<!tpu.dma_semaphore, #tpu.memory_space<semaphore_mem>>)
      %add3A_413 = arith.constant 1 : i32
      %add3A_414 = arith.addi %add3A_381, %add3A_413 : i32
      %dma_wait3A_415 = arith.constant 0 : i32
      %dma_wait3A_416 = arith.constant 0 : i32
      %dma_wait3A_417 = tpu.memref_slice %arg7[%dma_wait3A_415, %dma_wait3A_416] : memref<78x128xi32, #tpu.memory_space<vmem>> -> memref<1x128xi32, #tpu.memory_space<vmem>>
      %dma_wait3A_418 = tpu.memref_squeeze %dma_wait3A_417 : memref<1x128xi32, #tpu.memory_space<vmem>> -> memref<128xi32, #tpu.memory_space<vmem>>
      %dma_wait3A_419 = arith.constant 0 : i32
      %dma_wait3A_420 = arith.constant 0 : i32
      %dma_wait3A_421 = tpu.memref_slice %arg2[%dma_wait3A_419, %dma_wait3A_420] : memref<10000x64xf32, #tpu.memory_space<hbm>> -> memref<10000x64xf32, #tpu.memory_space<hbm>>
      tpu.wait_indirect_dma semaphore(%arg19 : memref<!tpu.dma_semaphore, #tpu.memory_space<semaphore_mem>>) src(%dma_wait3A_421 : memref<10000x64xf32, #tpu.memory_space<hbm>>) dst(%arg13 : memref<128x64xf32, #tpu.memory_space<vmem>>)
      %dma_start3A_422 = arith.constant 0 : i32
      %dma_start3A_423 = tpu.memref_slice %arg8[%add3A_414, %dma_start3A_422] : memref<78x128xi32, #tpu.memory_space<vmem>> -> memref<1x128xi32, #tpu.memory_space<vmem>>
      %dma_start3A_424 = tpu.memref_squeeze %dma_start3A_423 : memref<1x128xi32, #tpu.memory_space<vmem>> -> memref<128xi32, #tpu.memory_space<vmem>>
      %dma_start3A_425 = arith.constant 0 : i32
      %dma_start3A_426 = arith.constant 0 : i32
      %dma_start3A_427 = tpu.memref_slice %arg16[%dma_start3A_425, %dma_start3A_426] : memref<10240x64xf32, #tpu.memory_space<vmem_shared>> -> memref<10240x64xf32, #tpu.memory_space<vmem_shared>>
      tpu.enqueue_indirect_dma source(%arg13 : memref<128x64xf32, #tpu.memory_space<vmem>>) target(%dma_start3A_427 : memref<10240x64xf32, #tpu.memory_space<vmem_shared>>) offsets(%dma_start3A_424 : memref<128xi32, #tpu.memory_space<vmem>>) semaphore(%arg24 : memref<!tpu.dma_semaphore, #tpu.memory_space<semaphore_mem>>) {add = true}
      %dma_wait3A_428 = arith.constant 0 : i32
      %dma_wait3A_429 = arith.constant 0 : i32
      %dma_wait3A_430 = tpu.memref_slice %arg8[%dma_wait3A_428, %dma_wait3A_429] : memref<78x128xi32, #tpu.memory_space<vmem>> -> memref<1x128xi32, #tpu.memory_space<vmem>>
      %dma_wait3A_431 = tpu.memref_squeeze %dma_wait3A_430 : memref<1x128xi32, #tpu.memory_space<vmem>> -> memref<128xi32, #tpu.memory_space<vmem>>
      %dma_wait3A_432 = arith.constant 0 : i32
      %dma_wait3A_433 = arith.constant 0 : i32
      %dma_wait3A_434 = tpu.memref_slice %arg16[%dma_wait3A_432, %dma_wait3A_433] : memref<10240x64xf32, #tpu.memory_space<vmem_shared>> -> memref<10240x64xf32, #tpu.memory_space<vmem_shared>>
      tpu.wait_indirect_dma semaphore(%arg23 : memref<!tpu.dma_semaphore, #tpu.memory_space<semaphore_mem>>) src(%arg12 : memref<128x64xf32, #tpu.memory_space<vmem>>) dst(%dma_wait3A_434 : memref<10240x64xf32, #tpu.memory_space<vmem_shared>>)
      %add3A_435 = arith.constant 5 : i32
      %add3A_436 = arith.addi %add3A_414, %add3A_435 : i32
      %sub3A_437 = arith.constant 1 : i32
      %sub3A_438 = arith.subi %add3A_436, %sub3A_437 : i32
      %dma_start3A_439 = arith.constant 0 : i32
      %dma_start3A_440 = tpu.memref_slice %arg7[%sub3A_438, %dma_start3A_439] : memref<78x128xi32, #tpu.memory_space<vmem>> -> memref<1x128xi32, #tpu.memory_space<vmem>>
      %dma_start3A_441 = tpu.memref_squeeze %dma_start3A_440 : memref<1x128xi32, #tpu.memory_space<vmem>> -> memref<128xi32, #tpu.memory_space<vmem>>
      %dma_start3A_442 = arith.constant 0 : i32
      %dma_start3A_443 = arith.constant 0 : i32
      %dma_start3A_444 = tpu.memref_slice %arg2[%dma_start3A_442, %dma_start3A_443] : memref<10000x64xf32, #tpu.memory_space<hbm>> -> memref<10000x64xf32, #tpu.memory_space<hbm>>
      tpu.enqueue_indirect_dma source(%dma_start3A_444 : memref<10000x64xf32, #tpu.memory_space<hbm>>) target(%arg12 : memref<128x64xf32, #tpu.memory_space<vmem>>) offsets(%dma_start3A_441 : memref<128xi32, #tpu.memory_space<vmem>>) semaphore(%arg18 : memref<!tpu.dma_semaphore, #tpu.memory_space<semaphore_mem>>)
      %add3A_445 = arith.constant 2 : i32
      %add3A_446 = arith.addi %add3A_381, %add3A_445 : i32
      %dma_wait3A_447 = arith.constant 0 : i32
      %dma_wait3A_448 = arith.constant 0 : i32
      %dma_wait3A_449 = tpu.memref_slice %arg7[%dma_wait3A_447, %dma_wait3A_448] : memref<78x128xi32, #tpu.memory_space<vmem>> -> memref<1x128xi32, #tpu.memory_space<vmem>>
      %dma_wait3A_450 = tpu.memref_squeeze %dma_wait3A_449 : memref<1x128xi32, #tpu.memory_space<vmem>> -> memref<128xi32, #tpu.memory_space<vmem>>
      %dma_wait3A_451 = arith.constant 0 : i32
      %dma_wait3A_452 = arith.constant 0 : i32
      %dma_wait3A_453 = tpu.memref_slice %arg2[%dma_wait3A_451, %dma_wait3A_452] : memref<10000x64xf32, #tpu.memory_space<hbm>> -> memref<10000x64xf32, #tpu.memory_space<hbm>>
      tpu.wait_indirect_dma semaphore(%arg20 : memref<!tpu.dma_semaphore, #tpu.memory_space<semaphore_mem>>) src(%dma_wait3A_453 : memref<10000x64xf32, #tpu.memory_space<hbm>>) dst(%arg14 : memref<128x64xf32, #tpu.memory_space<vmem>>)
      %dma_start3A_454 = arith.constant 0 : i32
      %dma_start3A_455 = tpu.memref_slice %arg8[%add3A_446, %dma_start3A_454] : memref<78x128xi32, #tpu.memory_space<vmem>> -> memref<1x128xi32, #tpu.memory_space<vmem>>
      %dma_start3A_456 = tpu.memref_squeeze %dma_start3A_455 : memref<1x128xi32, #tpu.memory_space<vmem>> -> memref<128xi32, #tpu.memory_space<vmem>>
      %dma_start3A_457 = arith.constant 0 : i32
      %dma_start3A_458 = arith.constant 0 : i32
      %dma_start3A_459 = tpu.memref_slice %arg16[%dma_start3A_457, %dma_start3A_458] : memref<10240x64xf32, #tpu.memory_space<vmem_shared>> -> memref<10240x64xf32, #tpu.memory_space<vmem_shared>>
      tpu.enqueue_indirect_dma source(%arg14 : memref<128x64xf32, #tpu.memory_space<vmem>>) target(%dma_start3A_459 : memref<10240x64xf32, #tpu.memory_space<vmem_shared>>) offsets(%dma_start3A_456 : memref<128xi32, #tpu.memory_space<vmem>>) semaphore(%arg25 : memref<!tpu.dma_semaphore, #tpu.memory_space<semaphore_mem>>) {add = true}
      %dma_wait3A_460 = arith.constant 0 : i32
      %dma_wait3A_461 = arith.constant 0 : i32
      %dma_wait3A_462 = tpu.memref_slice %arg8[%dma_wait3A_460, %dma_wait3A_461] : memref<78x128xi32, #tpu.memory_space<vmem>> -> memref<1x128xi32, #tpu.memory_space<vmem>>
      %dma_wait3A_463 = tpu.memref_squeeze %dma_wait3A_462 : memref<1x128xi32, #tpu.memory_space<vmem>> -> memref<128xi32, #tpu.memory_space<vmem>>
      %dma_wait3A_464 = arith.constant 0 : i32
      %dma_wait3A_465 = arith.constant 0 : i32
      %dma_wait3A_466 = tpu.memref_slice %arg16[%dma_wait3A_464, %dma_wait3A_465] : memref<10240x64xf32, #tpu.memory_space<vmem_shared>> -> memref<10240x64xf32, #tpu.memory_space<vmem_shared>>
      tpu.wait_indirect_dma semaphore(%arg24 : memref<!tpu.dma_semaphore, #tpu.memory_space<semaphore_mem>>) src(%arg13 : memref<128x64xf32, #tpu.memory_space<vmem>>) dst(%dma_wait3A_466 : memref<10240x64xf32, #tpu.memory_space<vmem_shared>>)
      %add3A_467 = arith.constant 5 : i32
      %add3A_468 = arith.addi %add3A_446, %add3A_467 : i32
      %sub3A_469 = arith.constant 1 : i32
      %sub3A_470 = arith.subi %add3A_468, %sub3A_469 : i32
      %dma_start3A_471 = arith.constant 0 : i32
      %dma_start3A_472 = tpu.memref_slice %arg7[%sub3A_470, %dma_start3A_471] : memref<78x128xi32, #tpu.memory_space<vmem>> -> memref<1x128xi32, #tpu.memory_space<vmem>>
      %dma_start3A_473 = tpu.memref_squeeze %dma_start3A_472 : memref<1x128xi32, #tpu.memory_space<vmem>> -> memref<128xi32, #tpu.memory_space<vmem>>
      %dma_start3A_474 = arith.constant 0 : i32
      %dma_start3A_475 = arith.constant 0 : i32
      %dma_start3A_476 = tpu.memref_slice %arg2[%dma_start3A_474, %dma_start3A_475] : memref<10000x64xf32, #tpu.memory_space<hbm>> -> memref<10000x64xf32, #tpu.memory_space<hbm>>
      tpu.enqueue_indirect_dma source(%dma_start3A_476 : memref<10000x64xf32, #tpu.memory_space<hbm>>) target(%arg13 : memref<128x64xf32, #tpu.memory_space<vmem>>) offsets(%dma_start3A_473 : memref<128xi32, #tpu.memory_space<vmem>>) semaphore(%arg19 : memref<!tpu.dma_semaphore, #tpu.memory_space<semaphore_mem>>)
      %add3A_477 = arith.constant 3 : i32
      %add3A_478 = arith.addi %add3A_381, %add3A_477 : i32
      %dma_wait3A_479 = arith.constant 0 : i32
      %dma_wait3A_480 = arith.constant 0 : i32
      %dma_wait3A_481 = tpu.memref_slice %arg7[%dma_wait3A_479, %dma_wait3A_480] : memref<78x128xi32, #tpu.memory_space<vmem>> -> memref<1x128xi32, #tpu.memory_space<vmem>>
      %dma_wait3A_482 = tpu.memref_squeeze %dma_wait3A_481 : memref<1x128xi32, #tpu.memory_space<vmem>> -> memref<128xi32, #tpu.memory_space<vmem>>
      %dma_wait3A_483 = arith.constant 0 : i32
      %dma_wait3A_484 = arith.constant 0 : i32
      %dma_wait3A_485 = tpu.memref_slice %arg2[%dma_wait3A_483, %dma_wait3A_484] : memref<10000x64xf32, #tpu.memory_space<hbm>> -> memref<10000x64xf32, #tpu.memory_space<hbm>>
      tpu.wait_indirect_dma semaphore(%arg21 : memref<!tpu.dma_semaphore, #tpu.memory_space<semaphore_mem>>) src(%dma_wait3A_485 : memref<10000x64xf32, #tpu.memory_space<hbm>>) dst(%arg15 : memref<128x64xf32, #tpu.memory_space<vmem>>)
      %dma_start3A_486 = arith.constant 0 : i32
      %dma_start3A_487 = tpu.memref_slice %arg8[%add3A_478, %dma_start3A_486] : memref<78x128xi32, #tpu.memory_space<vmem>> -> memref<1x128xi32, #tpu.memory_space<vmem>>
      %dma_start3A_488 = tpu.memref_squeeze %dma_start3A_487 : memref<1x128xi32, #tpu.memory_space<vmem>> -> memref<128xi32, #tpu.memory_space<vmem>>
      %dma_start3A_489 = arith.constant 0 : i32
      %dma_start3A_490 = arith.constant 0 : i32
      %dma_start3A_491 = tpu.memref_slice %arg16[%dma_start3A_489, %dma_start3A_490] : memref<10240x64xf32, #tpu.memory_space<vmem_shared>> -> memref<10240x64xf32, #tpu.memory_space<vmem_shared>>
      tpu.enqueue_indirect_dma source(%arg15 : memref<128x64xf32, #tpu.memory_space<vmem>>) target(%dma_start3A_491 : memref<10240x64xf32, #tpu.memory_space<vmem_shared>>) offsets(%dma_start3A_488 : memref<128xi32, #tpu.memory_space<vmem>>) semaphore(%arg26 : memref<!tpu.dma_semaphore, #tpu.memory_space<semaphore_mem>>) {add = true}
      %dma_wait3A_492 = arith.constant 0 : i32
      %dma_wait3A_493 = arith.constant 0 : i32
      %dma_wait3A_494 = tpu.memref_slice %arg8[%dma_wait3A_492, %dma_wait3A_493] : memref<78x128xi32, #tpu.memory_space<vmem>> -> memref<1x128xi32, #tpu.memory_space<vmem>>
      %dma_wait3A_495 = tpu.memref_squeeze %dma_wait3A_494 : memref<1x128xi32, #tpu.memory_space<vmem>> -> memref<128xi32, #tpu.memory_space<vmem>>
      %dma_wait3A_496 = arith.constant 0 : i32
      %dma_wait3A_497 = arith.constant 0 : i32
      %dma_wait3A_498 = tpu.memref_slice %arg16[%dma_wait3A_496, %dma_wait3A_497] : memref<10240x64xf32, #tpu.memory_space<vmem_shared>> -> memref<10240x64xf32, #tpu.memory_space<vmem_shared>>
      tpu.wait_indirect_dma semaphore(%arg25 : memref<!tpu.dma_semaphore, #tpu.memory_space<semaphore_mem>>) src(%arg14 : memref<128x64xf32, #tpu.memory_space<vmem>>) dst(%dma_wait3A_498 : memref<10240x64xf32, #tpu.memory_space<vmem_shared>>)
      %add3A_499 = arith.constant 5 : i32
      %add3A_500 = arith.addi %add3A_478, %add3A_499 : i32
      %sub3A_501 = arith.constant 1 : i32
      %sub3A_502 = arith.subi %add3A_500, %sub3A_501 : i32
      %dma_start3A_503 = arith.constant 0 : i32
      %dma_start3A_504 = tpu.memref_slice %arg7[%sub3A_502, %dma_start3A_503] : memref<78x128xi32, #tpu.memory_space<vmem>> -> memref<1x128xi32, #tpu.memory_space<vmem>>
      %dma_start3A_505 = tpu.memref_squeeze %dma_start3A_504 : memref<1x128xi32, #tpu.memory_space<vmem>> -> memref<128xi32, #tpu.memory_space<vmem>>
      %dma_start3A_506 = arith.constant 0 : i32
      %dma_start3A_507 = arith.constant 0 : i32
      %dma_start3A_508 = tpu.memref_slice %arg2[%dma_start3A_506, %dma_start3A_507] : memref<10000x64xf32, #tpu.memory_space<hbm>> -> memref<10000x64xf32, #tpu.memory_space<hbm>>
      tpu.enqueue_indirect_dma source(%dma_start3A_508 : memref<10000x64xf32, #tpu.memory_space<hbm>>) target(%arg14 : memref<128x64xf32, #tpu.memory_space<vmem>>) offsets(%dma_start3A_505 : memref<128xi32, #tpu.memory_space<vmem>>) semaphore(%arg20 : memref<!tpu.dma_semaphore, #tpu.memory_space<semaphore_mem>>)
      %add3A_509 = arith.constant 4 : i32
      %add3A_510 = arith.addi %add3A_381, %add3A_509 : i32
      %dma_wait3A_511 = arith.constant 0 : i32
      %dma_wait3A_512 = arith.constant 0 : i32
      %dma_wait3A_513 = tpu.memref_slice %arg7[%dma_wait3A_511, %dma_wait3A_512] : memref<78x128xi32, #tpu.memory_space<vmem>> -> memref<1x128xi32, #tpu.memory_space<vmem>>
      %dma_wait3A_514 = tpu.memref_squeeze %dma_wait3A_513 : memref<1x128xi32, #tpu.memory_space<vmem>> -> memref<128xi32, #tpu.memory_space<vmem>>
      %dma_wait3A_515 = arith.constant 0 : i32
      %dma_wait3A_516 = arith.constant 0 : i32
      %dma_wait3A_517 = tpu.memref_slice %arg2[%dma_wait3A_515, %dma_wait3A_516] : memref<10000x64xf32, #tpu.memory_space<hbm>> -> memref<10000x64xf32, #tpu.memory_space<hbm>>
      tpu.wait_indirect_dma semaphore(%arg17 : memref<!tpu.dma_semaphore, #tpu.memory_space<semaphore_mem>>) src(%dma_wait3A_517 : memref<10000x64xf32, #tpu.memory_space<hbm>>) dst(%arg11 : memref<128x64xf32, #tpu.memory_space<vmem>>)
      %dma_start3A_518 = arith.constant 0 : i32
      %dma_start3A_519 = tpu.memref_slice %arg8[%add3A_510, %dma_start3A_518] : memref<78x128xi32, #tpu.memory_space<vmem>> -> memref<1x128xi32, #tpu.memory_space<vmem>>
      %dma_start3A_520 = tpu.memref_squeeze %dma_start3A_519 : memref<1x128xi32, #tpu.memory_space<vmem>> -> memref<128xi32, #tpu.memory_space<vmem>>
      %dma_start3A_521 = arith.constant 0 : i32
      %dma_start3A_522 = arith.constant 0 : i32
      %dma_start3A_523 = tpu.memref_slice %arg16[%dma_start3A_521, %dma_start3A_522] : memref<10240x64xf32, #tpu.memory_space<vmem_shared>> -> memref<10240x64xf32, #tpu.memory_space<vmem_shared>>
      tpu.enqueue_indirect_dma source(%arg11 : memref<128x64xf32, #tpu.memory_space<vmem>>) target(%dma_start3A_523 : memref<10240x64xf32, #tpu.memory_space<vmem_shared>>) offsets(%dma_start3A_520 : memref<128xi32, #tpu.memory_space<vmem>>) semaphore(%arg22 : memref<!tpu.dma_semaphore, #tpu.memory_space<semaphore_mem>>) {add = true}
      %dma_wait3A_524 = arith.constant 0 : i32
      %dma_wait3A_525 = arith.constant 0 : i32
      %dma_wait3A_526 = tpu.memref_slice %arg8[%dma_wait3A_524, %dma_wait3A_525] : memref<78x128xi32, #tpu.memory_space<vmem>> -> memref<1x128xi32, #tpu.memory_space<vmem>>
      %dma_wait3A_527 = tpu.memref_squeeze %dma_wait3A_526 : memref<1x128xi32, #tpu.memory_space<vmem>> -> memref<128xi32, #tpu.memory_space<vmem>>
      %dma_wait3A_528 = arith.constant 0 : i32
      %dma_wait3A_529 = arith.constant 0 : i32
      %dma_wait3A_530 = tpu.memref_slice %arg16[%dma_wait3A_528, %dma_wait3A_529] : memref<10240x64xf32, #tpu.memory_space<vmem_shared>> -> memref<10240x64xf32, #tpu.memory_space<vmem_shared>>
      tpu.wait_indirect_dma semaphore(%arg26 : memref<!tpu.dma_semaphore, #tpu.memory_space<semaphore_mem>>) src(%arg15 : memref<128x64xf32, #tpu.memory_space<vmem>>) dst(%dma_wait3A_530 : memref<10240x64xf32, #tpu.memory_space<vmem_shared>>)
      %add3A_531 = arith.constant 5 : i32
      %add3A_532 = arith.addi %add3A_510, %add3A_531 : i32
      %sub3A_533 = arith.constant 1 : i32
      %sub3A_534 = arith.subi %add3A_532, %sub3A_533 : i32
      %dma_start3A_535 = arith.constant 0 : i32
      %dma_start3A_536 = tpu.memref_slice %arg7[%sub3A_534, %dma_start3A_535] : memref<78x128xi32, #tpu.memory_space<vmem>> -> memref<1x128xi32, #tpu.memory_space<vmem>>
      %dma_start3A_537 = tpu.memref_squeeze %dma_start3A_536 : memref<1x128xi32, #tpu.memory_space<vmem>> -> memref<128xi32, #tpu.memory_space<vmem>>
      %dma_start3A_538 = arith.constant 0 : i32
      %dma_start3A_539 = arith.constant 0 : i32
      %dma_start3A_540 = tpu.memref_slice %arg2[%dma_start3A_538, %dma_start3A_539] : memref<10000x64xf32, #tpu.memory_space<hbm>> -> memref<10000x64xf32, #tpu.memory_space<hbm>>
      tpu.enqueue_indirect_dma source(%dma_start3A_540 : memref<10000x64xf32, #tpu.memory_space<hbm>>) target(%arg15 : memref<128x64xf32, #tpu.memory_space<vmem>>) offsets(%dma_start3A_537 : memref<128xi32, #tpu.memory_space<vmem>>) semaphore(%arg21 : memref<!tpu.dma_semaphore, #tpu.memory_space<semaphore_mem>>)
    }
    %scan3A_128 = arith.constant 14 : i32
    %dma_wait3A_129 = arith.constant 0 : i32
    %dma_wait3A_130 = arith.constant 0 : i32
    %dma_wait3A_131 = tpu.memref_slice %arg7[%dma_wait3A_129, %dma_wait3A_130] : memref<78x128xi32, #tpu.memory_space<vmem>> -> memref<1x128xi32, #tpu.memory_space<vmem>>
    %dma_wait3A_132 = tpu.memref_squeeze %dma_wait3A_131 : memref<1x128xi32, #tpu.memory_space<vmem>> -> memref<128xi32, #tpu.memory_space<vmem>>
    %dma_wait3A_133 = arith.constant 0 : i32
    %dma_wait3A_134 = arith.constant 0 : i32
    %dma_wait3A_135 = tpu.memref_slice %arg2[%dma_wait3A_133, %dma_wait3A_134] : memref<10000x64xf32, #tpu.memory_space<hbm>> -> memref<10000x64xf32, #tpu.memory_space<hbm>>
    tpu.wait_indirect_dma semaphore(%arg18 : memref<!tpu.dma_semaphore, #tpu.memory_space<semaphore_mem>>) src(%dma_wait3A_135 : memref<10000x64xf32, #tpu.memory_space<hbm>>) dst(%arg12 : memref<128x64xf32, #tpu.memory_space<vmem>>)
    %dma_start3A_136 = arith.constant 71 : i32
    %dma_start3A_137 = arith.constant 0 : i32
    %dma_start3A_138 = tpu.memref_slice %arg8[%dma_start3A_136, %dma_start3A_137] : memref<78x128xi32, #tpu.memory_space<vmem>> -> memref<1x128xi32, #tpu.memory_space<vmem>>
    %dma_start3A_139 = tpu.memref_squeeze %dma_start3A_138 : memref<1x128xi32, #tpu.memory_space<vmem>> -> memref<128xi32, #tpu.memory_space<vmem>>
    %dma_start3A_140 = arith.constant 0 : i32
    %dma_start3A_141 = arith.constant 0 : i32
    %dma_start3A_142 = tpu.memref_slice %arg16[%dma_start3A_140, %dma_start3A_141] : memref<10240x64xf32, #tpu.memory_space<vmem_shared>> -> memref<10240x64xf32, #tpu.memory_space<vmem_shared>>
    tpu.enqueue_indirect_dma source(%arg12 : memref<128x64xf32, #tpu.memory_space<vmem>>) target(%dma_start3A_142 : memref<10240x64xf32, #tpu.memory_space<vmem_shared>>) offsets(%dma_start3A_139 : memref<128xi32, #tpu.memory_space<vmem>>) semaphore(%arg23 : memref<!tpu.dma_semaphore, #tpu.memory_space<semaphore_mem>>) {add = true}
    %dma_wait3A_143 = arith.constant 0 : i32
    %dma_wait3A_144 = arith.constant 0 : i32
    %dma_wait3A_145 = tpu.memref_slice %arg8[%dma_wait3A_143, %dma_wait3A_144] : memref<78x128xi32, #tpu.memory_space<vmem>> -> memref<1x128xi32, #tpu.memory_space<vmem>>
    %dma_wait3A_146 = tpu.memref_squeeze %dma_wait3A_145 : memref<1x128xi32, #tpu.memory_space<vmem>> -> memref<128xi32, #tpu.memory_space<vmem>>
    %dma_wait3A_147 = arith.constant 0 : i32
    %dma_wait3A_148 = arith.constant 0 : i32
    %dma_wait3A_149 = tpu.memref_slice %arg16[%dma_wait3A_147, %dma_wait3A_148] : memref<10240x64xf32, #tpu.memory_space<vmem_shared>> -> memref<10240x64xf32, #tpu.memory_space<vmem_shared>>
    tpu.wait_indirect_dma semaphore(%arg22 : memref<!tpu.dma_semaphore, #tpu.memory_space<semaphore_mem>>) src(%arg11 : memref<128x64xf32, #tpu.memory_space<vmem>>) dst(%dma_wait3A_149 : memref<10240x64xf32, #tpu.memory_space<vmem_shared>>)
    %dma_start3A_150 = arith.constant 75 : i32
    %dma_start3A_151 = arith.constant 0 : i32
    %dma_start3A_152 = tpu.memref_slice %arg7[%dma_start3A_150, %dma_start3A_151] : memref<78x128xi32, #tpu.memory_space<vmem>> -> memref<1x128xi32, #tpu.memory_space<vmem>>
    %dma_start3A_153 = tpu.memref_squeeze %dma_start3A_152 : memref<1x128xi32, #tpu.memory_space<vmem>> -> memref<128xi32, #tpu.memory_space<vmem>>
    %dma_start3A_154 = arith.constant 0 : i32
    %dma_start3A_155 = arith.constant 0 : i32
    %dma_start3A_156 = tpu.memref_slice %arg2[%dma_start3A_154, %dma_start3A_155] : memref<10000x64xf32, #tpu.memory_space<hbm>> -> memref<10000x64xf32, #tpu.memory_space<hbm>>
    tpu.enqueue_indirect_dma source(%dma_start3A_156 : memref<10000x64xf32, #tpu.memory_space<hbm>>) target(%arg11 : memref<128x64xf32, #tpu.memory_space<vmem>>) offsets(%dma_start3A_153 : memref<128xi32, #tpu.memory_space<vmem>>) semaphore(%arg17 : memref<!tpu.dma_semaphore, #tpu.memory_space<semaphore_mem>>)
    %dma_wait3A_157 = arith.constant 0 : i32
    %dma_wait3A_158 = arith.constant 0 : i32
    %dma_wait3A_159 = tpu.memref_slice %arg7[%dma_wait3A_157, %dma_wait3A_158] : memref<78x128xi32, #tpu.memory_space<vmem>> -> memref<1x128xi32, #tpu.memory_space<vmem>>
    %dma_wait3A_160 = tpu.memref_squeeze %dma_wait3A_159 : memref<1x128xi32, #tpu.memory_space<vmem>> -> memref<128xi32, #tpu.memory_space<vmem>>
    %dma_wait3A_161 = arith.constant 0 : i32
    %dma_wait3A_162 = arith.constant 0 : i32
    %dma_wait3A_163 = tpu.memref_slice %arg2[%dma_wait3A_161, %dma_wait3A_162] : memref<10000x64xf32, #tpu.memory_space<hbm>> -> memref<10000x64xf32, #tpu.memory_space<hbm>>
    tpu.wait_indirect_dma semaphore(%arg19 : memref<!tpu.dma_semaphore, #tpu.memory_space<semaphore_mem>>) src(%dma_wait3A_163 : memref<10000x64xf32, #tpu.memory_space<hbm>>) dst(%arg13 : memref<128x64xf32, #tpu.memory_space<vmem>>)
    %dma_start3A_164 = arith.constant 72 : i32
    %dma_start3A_165 = arith.constant 0 : i32
    %dma_start3A_166 = tpu.memref_slice %arg8[%dma_start3A_164, %dma_start3A_165] : memref<78x128xi32, #tpu.memory_space<vmem>> -> memref<1x128xi32, #tpu.memory_space<vmem>>
    %dma_start3A_167 = tpu.memref_squeeze %dma_start3A_166 : memref<1x128xi32, #tpu.memory_space<vmem>> -> memref<128xi32, #tpu.memory_space<vmem>>
    %dma_start3A_168 = arith.constant 0 : i32
    %dma_start3A_169 = arith.constant 0 : i32
    %dma_start3A_170 = tpu.memref_slice %arg16[%dma_start3A_168, %dma_start3A_169] : memref<10240x64xf32, #tpu.memory_space<vmem_shared>> -> memref<10240x64xf32, #tpu.memory_space<vmem_shared>>
    tpu.enqueue_indirect_dma source(%arg13 : memref<128x64xf32, #tpu.memory_space<vmem>>) target(%dma_start3A_170 : memref<10240x64xf32, #tpu.memory_space<vmem_shared>>) offsets(%dma_start3A_167 : memref<128xi32, #tpu.memory_space<vmem>>) semaphore(%arg24 : memref<!tpu.dma_semaphore, #tpu.memory_space<semaphore_mem>>) {add = true}
    %dma_wait3A_171 = arith.constant 0 : i32
    %dma_wait3A_172 = arith.constant 0 : i32
    %dma_wait3A_173 = tpu.memref_slice %arg8[%dma_wait3A_171, %dma_wait3A_172] : memref<78x128xi32, #tpu.memory_space<vmem>> -> memref<1x128xi32, #tpu.memory_space<vmem>>
    %dma_wait3A_174 = tpu.memref_squeeze %dma_wait3A_173 : memref<1x128xi32, #tpu.memory_space<vmem>> -> memref<128xi32, #tpu.memory_space<vmem>>
    %dma_wait3A_175 = arith.constant 0 : i32
    %dma_wait3A_176 = arith.constant 0 : i32
    %dma_wait3A_177 = tpu.memref_slice %arg16[%dma_wait3A_175, %dma_wait3A_176] : memref<10240x64xf32, #tpu.memory_space<vmem_shared>> -> memref<10240x64xf32, #tpu.memory_space<vmem_shared>>
    tpu.wait_indirect_dma semaphore(%arg23 : memref<!tpu.dma_semaphore, #tpu.memory_space<semaphore_mem>>) src(%arg12 : memref<128x64xf32, #tpu.memory_space<vmem>>) dst(%dma_wait3A_177 : memref<10240x64xf32, #tpu.memory_space<vmem_shared>>)
    %dma_start3A_178 = arith.constant 76 : i32
    %dma_start3A_179 = arith.constant 0 : i32
    %dma_start3A_180 = tpu.memref_slice %arg7[%dma_start3A_178, %dma_start3A_179] : memref<78x128xi32, #tpu.memory_space<vmem>> -> memref<1x128xi32, #tpu.memory_space<vmem>>
    %dma_start3A_181 = tpu.memref_squeeze %dma_start3A_180 : memref<1x128xi32, #tpu.memory_space<vmem>> -> memref<128xi32, #tpu.memory_space<vmem>>
    %dma_start3A_182 = arith.constant 0 : i32
    %dma_start3A_183 = arith.constant 0 : i32
    %dma_start3A_184 = tpu.memref_slice %arg2[%dma_start3A_182, %dma_start3A_183] : memref<10000x64xf32, #tpu.memory_space<hbm>> -> memref<10000x64xf32, #tpu.memory_space<hbm>>
    tpu.enqueue_indirect_dma source(%dma_start3A_184 : memref<10000x64xf32, #tpu.memory_space<hbm>>) target(%arg12 : memref<128x64xf32, #tpu.memory_space<vmem>>) offsets(%dma_start3A_181 : memref<128xi32, #tpu.memory_space<vmem>>) semaphore(%arg18 : memref<!tpu.dma_semaphore, #tpu.memory_space<semaphore_mem>>)
    %dma_wait3A_185 = arith.constant 0 : i32
    %dma_wait3A_186 = arith.constant 0 : i32
    %dma_wait3A_187 = tpu.memref_slice %arg7[%dma_wait3A_185, %dma_wait3A_186] : memref<78x128xi32, #tpu.memory_space<vmem>> -> memref<1x128xi32, #tpu.memory_space<vmem>>
    %dma_wait3A_188 = tpu.memref_squeeze %dma_wait3A_187 : memref<1x128xi32, #tpu.memory_space<vmem>> -> memref<128xi32, #tpu.memory_space<vmem>>
    %dma_wait3A_189 = arith.constant 0 : i32
    %dma_wait3A_190 = arith.constant 0 : i32
    %dma_wait3A_191 = tpu.memref_slice %arg2[%dma_wait3A_189, %dma_wait3A_190] : memref<10000x64xf32, #tpu.memory_space<hbm>> -> memref<10000x64xf32, #tpu.memory_space<hbm>>
    tpu.wait_indirect_dma semaphore(%arg20 : memref<!tpu.dma_semaphore, #tpu.memory_space<semaphore_mem>>) src(%dma_wait3A_191 : memref<10000x64xf32, #tpu.memory_space<hbm>>) dst(%arg14 : memref<128x64xf32, #tpu.memory_space<vmem>>)
    %dma_start3A_192 = arith.constant 73 : i32
    %dma_start3A_193 = arith.constant 0 : i32
    %dma_start3A_194 = tpu.memref_slice %arg8[%dma_start3A_192, %dma_start3A_193] : memref<78x128xi32, #tpu.memory_space<vmem>> -> memref<1x128xi32, #tpu.memory_space<vmem>>
    %dma_start3A_195 = tpu.memref_squeeze %dma_start3A_194 : memref<1x128xi32, #tpu.memory_space<vmem>> -> memref<128xi32, #tpu.memory_space<vmem>>
    %dma_start3A_196 = arith.constant 0 : i32
    %dma_start3A_197 = arith.constant 0 : i32
    %dma_start3A_198 = tpu.memref_slice %arg16[%dma_start3A_196, %dma_start3A_197] : memref<10240x64xf32, #tpu.memory_space<vmem_shared>> -> memref<10240x64xf32, #tpu.memory_space<vmem_shared>>
    tpu.enqueue_indirect_dma source(%arg14 : memref<128x64xf32, #tpu.memory_space<vmem>>) target(%dma_start3A_198 : memref<10240x64xf32, #tpu.memory_space<vmem_shared>>) offsets(%dma_start3A_195 : memref<128xi32, #tpu.memory_space<vmem>>) semaphore(%arg25 : memref<!tpu.dma_semaphore, #tpu.memory_space<semaphore_mem>>) {add = true}
    %dma_wait3A_199 = arith.constant 0 : i32
    %dma_wait3A_200 = arith.constant 0 : i32
    %dma_wait3A_201 = tpu.memref_slice %arg8[%dma_wait3A_199, %dma_wait3A_200] : memref<78x128xi32, #tpu.memory_space<vmem>> -> memref<1x128xi32, #tpu.memory_space<vmem>>
    %dma_wait3A_202 = tpu.memref_squeeze %dma_wait3A_201 : memref<1x128xi32, #tpu.memory_space<vmem>> -> memref<128xi32, #tpu.memory_space<vmem>>
    %dma_wait3A_203 = arith.constant 0 : i32
    %dma_wait3A_204 = arith.constant 0 : i32
    %dma_wait3A_205 = tpu.memref_slice %arg16[%dma_wait3A_203, %dma_wait3A_204] : memref<10240x64xf32, #tpu.memory_space<vmem_shared>> -> memref<10240x64xf32, #tpu.memory_space<vmem_shared>>
    tpu.wait_indirect_dma semaphore(%arg24 : memref<!tpu.dma_semaphore, #tpu.memory_space<semaphore_mem>>) src(%arg13 : memref<128x64xf32, #tpu.memory_space<vmem>>) dst(%dma_wait3A_205 : memref<10240x64xf32, #tpu.memory_space<vmem_shared>>)
    %dma_start3A_206 = arith.constant 77 : i32
    %dma_start3A_207 = arith.constant 0 : i32
    %dma_start3A_208 = tpu.memref_slice %arg7[%dma_start3A_206, %dma_start3A_207] : memref<78x128xi32, #tpu.memory_space<vmem>> -> memref<1x128xi32, #tpu.memory_space<vmem>>
    %dma_start3A_209 = tpu.memref_squeeze %dma_start3A_208 : memref<1x128xi32, #tpu.memory_space<vmem>> -> memref<128xi32, #tpu.memory_space<vmem>>
    %dma_start3A_210 = arith.constant 0 : i32
    %dma_start3A_211 = arith.constant 0 : i32
    %dma_start3A_212 = tpu.memref_slice %arg2[%dma_start3A_210, %dma_start3A_211] : memref<10000x64xf32, #tpu.memory_space<hbm>> -> memref<10000x64xf32, #tpu.memory_space<hbm>>
    tpu.enqueue_indirect_dma source(%dma_start3A_212 : memref<10000x64xf32, #tpu.memory_space<hbm>>) target(%arg13 : memref<128x64xf32, #tpu.memory_space<vmem>>) offsets(%dma_start3A_209 : memref<128xi32, #tpu.memory_space<vmem>>) semaphore(%arg19 : memref<!tpu.dma_semaphore, #tpu.memory_space<semaphore_mem>>)
    %dma_wait3A_213 = arith.constant 0 : i32
    %dma_wait3A_214 = arith.constant 0 : i32
    %dma_wait3A_215 = tpu.memref_slice %arg7[%dma_wait3A_213, %dma_wait3A_214] : memref<78x128xi32, #tpu.memory_space<vmem>> -> memref<1x128xi32, #tpu.memory_space<vmem>>
    %dma_wait3A_216 = tpu.memref_squeeze %dma_wait3A_215 : memref<1x128xi32, #tpu.memory_space<vmem>> -> memref<128xi32, #tpu.memory_space<vmem>>
    %dma_wait3A_217 = arith.constant 0 : i32
    %dma_wait3A_218 = arith.constant 0 : i32
    %dma_wait3A_219 = tpu.memref_slice %arg2[%dma_wait3A_217, %dma_wait3A_218] : memref<10000x64xf32, #tpu.memory_space<hbm>> -> memref<10000x64xf32, #tpu.memory_space<hbm>>
    tpu.wait_indirect_dma semaphore(%arg21 : memref<!tpu.dma_semaphore, #tpu.memory_space<semaphore_mem>>) src(%dma_wait3A_219 : memref<10000x64xf32, #tpu.memory_space<hbm>>) dst(%arg15 : memref<128x64xf32, #tpu.memory_space<vmem>>)
    %dma_start3A_220 = arith.constant 74 : i32
    %dma_start3A_221 = arith.constant 0 : i32
    %dma_start3A_222 = tpu.memref_slice %arg8[%dma_start3A_220, %dma_start3A_221] : memref<78x128xi32, #tpu.memory_space<vmem>> -> memref<1x128xi32, #tpu.memory_space<vmem>>
    %dma_start3A_223 = tpu.memref_squeeze %dma_start3A_222 : memref<1x128xi32, #tpu.memory_space<vmem>> -> memref<128xi32, #tpu.memory_space<vmem>>
    %dma_start3A_224 = arith.constant 0 : i32
    %dma_start3A_225 = arith.constant 0 : i32
    %dma_start3A_226 = tpu.memref_slice %arg16[%dma_start3A_224, %dma_start3A_225] : memref<10240x64xf32, #tpu.memory_space<vmem_shared>> -> memref<10240x64xf32, #tpu.memory_space<vmem_shared>>
    tpu.enqueue_indirect_dma source(%arg15 : memref<128x64xf32, #tpu.memory_space<vmem>>) target(%dma_start3A_226 : memref<10240x64xf32, #tpu.memory_space<vmem_shared>>) offsets(%dma_start3A_223 : memref<128xi32, #tpu.memory_space<vmem>>) semaphore(%arg26 : memref<!tpu.dma_semaphore, #tpu.memory_space<semaphore_mem>>) {add = true}
    %dma_wait3A_227 = arith.constant 0 : i32
    %dma_wait3A_228 = arith.constant 0 : i32
    %dma_wait3A_229 = tpu.memref_slice %arg8[%dma_wait3A_227, %dma_wait3A_228] : memref<78x128xi32, #tpu.memory_space<vmem>> -> memref<1x128xi32, #tpu.memory_space<vmem>>
    %dma_wait3A_230 = tpu.memref_squeeze %dma_wait3A_229 : memref<1x128xi32, #tpu.memory_space<vmem>> -> memref<128xi32, #tpu.memory_space<vmem>>
    %dma_wait3A_231 = arith.constant 0 : i32
    %dma_wait3A_232 = arith.constant 0 : i32
    %dma_wait3A_233 = tpu.memref_slice %arg16[%dma_wait3A_231, %dma_wait3A_232] : memref<10240x64xf32, #tpu.memory_space<vmem_shared>> -> memref<10240x64xf32, #tpu.memory_space<vmem_shared>>
    tpu.wait_indirect_dma semaphore(%arg25 : memref<!tpu.dma_semaphore, #tpu.memory_space<semaphore_mem>>) src(%arg14 : memref<128x64xf32, #tpu.memory_space<vmem>>) dst(%dma_wait3A_233 : memref<10240x64xf32, #tpu.memory_space<vmem_shared>>)
    %dma_wait3A_234 = arith.constant 0 : i32
    %dma_wait3A_235 = arith.constant 0 : i32
    %dma_wait3A_236 = tpu.memref_slice %arg7[%dma_wait3A_234, %dma_wait3A_235] : memref<78x128xi32, #tpu.memory_space<vmem>> -> memref<1x128xi32, #tpu.memory_space<vmem>>
    %dma_wait3A_237 = tpu.memref_squeeze %dma_wait3A_236 : memref<1x128xi32, #tpu.memory_space<vmem>> -> memref<128xi32, #tpu.memory_space<vmem>>
    %dma_wait3A_238 = arith.constant 0 : i32
    %dma_wait3A_239 = arith.constant 0 : i32
    %dma_wait3A_240 = tpu.memref_slice %arg2[%dma_wait3A_238, %dma_wait3A_239] : memref<10000x64xf32, #tpu.memory_space<hbm>> -> memref<10000x64xf32, #tpu.memory_space<hbm>>
    tpu.wait_indirect_dma semaphore(%arg17 : memref<!tpu.dma_semaphore, #tpu.memory_space<semaphore_mem>>) src(%dma_wait3A_240 : memref<10000x64xf32, #tpu.memory_space<hbm>>) dst(%arg11 : memref<128x64xf32, #tpu.memory_space<vmem>>)
    %dma_start3A_241 = arith.constant 75 : i32
    %dma_start3A_242 = arith.constant 0 : i32
    %dma_start3A_243 = tpu.memref_slice %arg8[%dma_start3A_241, %dma_start3A_242] : memref<78x128xi32, #tpu.memory_space<vmem>> -> memref<1x128xi32, #tpu.memory_space<vmem>>
    %dma_start3A_244 = tpu.memref_squeeze %dma_start3A_243 : memref<1x128xi32, #tpu.memory_space<vmem>> -> memref<128xi32, #tpu.memory_space<vmem>>
    %dma_start3A_245 = arith.constant 0 : i32
    %dma_start3A_246 = arith.constant 0 : i32
    %dma_start3A_247 = tpu.memref_slice %arg16[%dma_start3A_245, %dma_start3A_246] : memref<10240x64xf32, #tpu.memory_space<vmem_shared>> -> memref<10240x64xf32, #tpu.memory_space<vmem_shared>>
    tpu.enqueue_indirect_dma source(%arg11 : memref<128x64xf32, #tpu.memory_space<vmem>>) target(%dma_start3A_247 : memref<10240x64xf32, #tpu.memory_space<vmem_shared>>) offsets(%dma_start3A_244 : memref<128xi32, #tpu.memory_space<vmem>>) semaphore(%arg22 : memref<!tpu.dma_semaphore, #tpu.memory_space<semaphore_mem>>) {add = true}
    %dma_wait3A_248 = arith.constant 0 : i32
    %dma_wait3A_249 = arith.constant 0 : i32
    %dma_wait3A_250 = tpu.memref_slice %arg8[%dma_wait3A_248, %dma_wait3A_249] : memref<78x128xi32, #tpu.memory_space<vmem>> -> memref<1x128xi32, #tpu.memory_space<vmem>>
    %dma_wait3A_251 = tpu.memref_squeeze %dma_wait3A_250 : memref<1x128xi32, #tpu.memory_space<vmem>> -> memref<128xi32, #tpu.memory_space<vmem>>
    %dma_wait3A_252 = arith.constant 0 : i32
    %dma_wait3A_253 = arith.constant 0 : i32
    %dma_wait3A_254 = tpu.memref_slice %arg16[%dma_wait3A_252, %dma_wait3A_253] : memref<10240x64xf32, #tpu.memory_space<vmem_shared>> -> memref<10240x64xf32, #tpu.memory_space<vmem_shared>>
    tpu.wait_indirect_dma semaphore(%arg26 : memref<!tpu.dma_semaphore, #tpu.memory_space<semaphore_mem>>) src(%arg15 : memref<128x64xf32, #tpu.memory_space<vmem>>) dst(%dma_wait3A_254 : memref<10240x64xf32, #tpu.memory_space<vmem_shared>>)
    %dma_wait3A_255 = arith.constant 0 : i32
    %dma_wait3A_256 = arith.constant 0 : i32
    %dma_wait3A_257 = tpu.memref_slice %arg7[%dma_wait3A_255, %dma_wait3A_256] : memref<78x128xi32, #tpu.memory_space<vmem>> -> memref<1x128xi32, #tpu.memory_space<vmem>>
    %dma_wait3A_258 = tpu.memref_squeeze %dma_wait3A_257 : memref<1x128xi32, #tpu.memory_space<vmem>> -> memref<128xi32, #tpu.memory_space<vmem>>
    %dma_wait3A_259 = arith.constant 0 : i32
    %dma_wait3A_260 = arith.constant 0 : i32
    %dma_wait3A_261 = tpu.memref_slice %arg2[%dma_wait3A_259, %dma_wait3A_260] : memref<10000x64xf32, #tpu.memory_space<hbm>> -> memref<10000x64xf32, #tpu.memory_space<hbm>>
    tpu.wait_indirect_dma semaphore(%arg18 : memref<!tpu.dma_semaphore, #tpu.memory_space<semaphore_mem>>) src(%dma_wait3A_261 : memref<10000x64xf32, #tpu.memory_space<hbm>>) dst(%arg12 : memref<128x64xf32, #tpu.memory_space<vmem>>)
    %dma_start3A_262 = arith.constant 76 : i32
    %dma_start3A_263 = arith.constant 0 : i32
    %dma_start3A_264 = tpu.memref_slice %arg8[%dma_start3A_262, %dma_start3A_263] : memref<78x128xi32, #tpu.memory_space<vmem>> -> memref<1x128xi32, #tpu.memory_space<vmem>>
    %dma_start3A_265 = tpu.memref_squeeze %dma_start3A_264 : memref<1x128xi32, #tpu.memory_space<vmem>> -> memref<128xi32, #tpu.memory_space<vmem>>
    %dma_start3A_266 = arith.constant 0 : i32
    %dma_start3A_267 = arith.constant 0 : i32
    %dma_start3A_268 = tpu.memref_slice %arg16[%dma_start3A_266, %dma_start3A_267] : memref<10240x64xf32, #tpu.memory_space<vmem_shared>> -> memref<10240x64xf32, #tpu.memory_space<vmem_shared>>
    tpu.enqueue_indirect_dma source(%arg12 : memref<128x64xf32, #tpu.memory_space<vmem>>) target(%dma_start3A_268 : memref<10240x64xf32, #tpu.memory_space<vmem_shared>>) offsets(%dma_start3A_265 : memref<128xi32, #tpu.memory_space<vmem>>) semaphore(%arg23 : memref<!tpu.dma_semaphore, #tpu.memory_space<semaphore_mem>>) {add = true}
    %dma_wait3A_269 = arith.constant 0 : i32
    %dma_wait3A_270 = arith.constant 0 : i32
    %dma_wait3A_271 = tpu.memref_slice %arg8[%dma_wait3A_269, %dma_wait3A_270] : memref<78x128xi32, #tpu.memory_space<vmem>> -> memref<1x128xi32, #tpu.memory_space<vmem>>
    %dma_wait3A_272 = tpu.memref_squeeze %dma_wait3A_271 : memref<1x128xi32, #tpu.memory_space<vmem>> -> memref<128xi32, #tpu.memory_space<vmem>>
    %dma_wait3A_273 = arith.constant 0 : i32
    %dma_wait3A_274 = arith.constant 0 : i32
    %dma_wait3A_275 = tpu.memref_slice %arg16[%dma_wait3A_273, %dma_wait3A_274] : memref<10240x64xf32, #tpu.memory_space<vmem_shared>> -> memref<10240x64xf32, #tpu.memory_space<vmem_shared>>
    tpu.wait_indirect_dma semaphore(%arg22 : memref<!tpu.dma_semaphore, #tpu.memory_space<semaphore_mem>>) src(%arg11 : memref<128x64xf32, #tpu.memory_space<vmem>>) dst(%dma_wait3A_275 : memref<10240x64xf32, #tpu.memory_space<vmem_shared>>)
    %dma_wait3A_276 = arith.constant 0 : i32
    %dma_wait3A_277 = arith.constant 0 : i32
    %dma_wait3A_278 = tpu.memref_slice %arg7[%dma_wait3A_276, %dma_wait3A_277] : memref<78x128xi32, #tpu.memory_space<vmem>> -> memref<1x128xi32, #tpu.memory_space<vmem>>
    %dma_wait3A_279 = tpu.memref_squeeze %dma_wait3A_278 : memref<1x128xi32, #tpu.memory_space<vmem>> -> memref<128xi32, #tpu.memory_space<vmem>>
    %dma_wait3A_280 = arith.constant 0 : i32
    %dma_wait3A_281 = arith.constant 0 : i32
    %dma_wait3A_282 = tpu.memref_slice %arg2[%dma_wait3A_280, %dma_wait3A_281] : memref<10000x64xf32, #tpu.memory_space<hbm>> -> memref<10000x64xf32, #tpu.memory_space<hbm>>
    tpu.wait_indirect_dma semaphore(%arg19 : memref<!tpu.dma_semaphore, #tpu.memory_space<semaphore_mem>>) src(%dma_wait3A_282 : memref<10000x64xf32, #tpu.memory_space<hbm>>) dst(%arg13 : memref<128x64xf32, #tpu.memory_space<vmem>>)
    %dma_start3A_283 = arith.constant 77 : i32
    %dma_start3A_284 = arith.constant 0 : i32
    %dma_start3A_285 = tpu.memref_slice %arg8[%dma_start3A_283, %dma_start3A_284] : memref<78x128xi32, #tpu.memory_space<vmem>> -> memref<1x128xi32, #tpu.memory_space<vmem>>
    %dma_start3A_286 = tpu.memref_squeeze %dma_start3A_285 : memref<1x128xi32, #tpu.memory_space<vmem>> -> memref<128xi32, #tpu.memory_space<vmem>>
    %dma_start3A_287 = arith.constant 0 : i32
    %dma_start3A_288 = arith.constant 0 : i32
    %dma_start3A_289 = tpu.memref_slice %arg16[%dma_start3A_287, %dma_start3A_288] : memref<10240x64xf32, #tpu.memory_space<vmem_shared>> -> memref<10240x64xf32, #tpu.memory_space<vmem_shared>>
    tpu.enqueue_indirect_dma source(%arg13 : memref<128x64xf32, #tpu.memory_space<vmem>>) target(%dma_start3A_289 : memref<10240x64xf32, #tpu.memory_space<vmem_shared>>) offsets(%dma_start3A_286 : memref<128xi32, #tpu.memory_space<vmem>>) semaphore(%arg24 : memref<!tpu.dma_semaphore, #tpu.memory_space<semaphore_mem>>) {add = true}
    %dma_wait3A_290 = arith.constant 0 : i32
    %dma_wait3A_291 = arith.constant 0 : i32
    %dma_wait3A_292 = tpu.memref_slice %arg8[%dma_wait3A_290, %dma_wait3A_291] : memref<78x128xi32, #tpu.memory_space<vmem>> -> memref<1x128xi32, #tpu.memory_space<vmem>>
    %dma_wait3A_293 = tpu.memref_squeeze %dma_wait3A_292 : memref<1x128xi32, #tpu.memory_space<vmem>> -> memref<128xi32, #tpu.memory_space<vmem>>
    %dma_wait3A_294 = arith.constant 0 : i32
    %dma_wait3A_295 = arith.constant 0 : i32
    %dma_wait3A_296 = tpu.memref_slice %arg16[%dma_wait3A_294, %dma_wait3A_295] : memref<10240x64xf32, #tpu.memory_space<vmem_shared>> -> memref<10240x64xf32, #tpu.memory_space<vmem_shared>>
    tpu.wait_indirect_dma semaphore(%arg23 : memref<!tpu.dma_semaphore, #tpu.memory_space<semaphore_mem>>) src(%arg12 : memref<128x64xf32, #tpu.memory_space<vmem>>) dst(%dma_wait3A_296 : memref<10240x64xf32, #tpu.memory_space<vmem_shared>>)
    %dma_wait3A_297 = arith.constant 0 : i32
    %dma_wait3A_298 = arith.constant 0 : i32
    %dma_wait3A_299 = tpu.memref_slice %arg8[%dma_wait3A_297, %dma_wait3A_298] : memref<78x128xi32, #tpu.memory_space<vmem>> -> memref<1x128xi32, #tpu.memory_space<vmem>>
    %dma_wait3A_300 = tpu.memref_squeeze %dma_wait3A_299 : memref<1x128xi32, #tpu.memory_space<vmem>> -> memref<128xi32, #tpu.memory_space<vmem>>
    %dma_wait3A_301 = arith.constant 0 : i32
    %dma_wait3A_302 = arith.constant 0 : i32
    %dma_wait3A_303 = tpu.memref_slice %arg16[%dma_wait3A_301, %dma_wait3A_302] : memref<10240x64xf32, #tpu.memory_space<vmem_shared>> -> memref<10240x64xf32, #tpu.memory_space<vmem_shared>>
    tpu.wait_indirect_dma semaphore(%arg24 : memref<!tpu.dma_semaphore, #tpu.memory_space<semaphore_mem>>) src(%arg13 : memref<128x64xf32, #tpu.memory_space<vmem>>) dst(%dma_wait3A_303 : memref<10240x64xf32, #tpu.memory_space<vmem_shared>>)
    %lt3A = arith.constant 4 : i32
    %lt3A_304 = arith.cmpi slt, %add3A, %lt3A : i32
    %convert_element_type3A = arith.extui %lt3A_304 : i1 to i32
    %cond3A = arith.constant 0 : i32
    %cond3A_305 = arith.cmpi ne, %convert_element_type3A, %cond3A : i32
    scf.if %cond3A_305 {
      %add3A_377 = arith.constant 2496 : i32
      %add3A_378 = arith.addi %add3A_377, %add3A : i32
      "tpu.region"() ({
        %run_scoped3A_395 = tpu.sem_alloc : memref<!tpu.dma_semaphore, #tpu.memory_space<semaphore_mem>>
        %dma_start3A_396 = arith.constant 0 : i32
        %dma_start3A_397 = tpu.memref_slice %arg3[%add3A_378, %dma_start3A_396] : memref<2500x128xi32, #tpu.memory_space<hbm>> -> memref<1x128xi32, #tpu.memory_space<hbm>>
        %dma_start3A_398 = arith.constant 0 : i32
        %dma_start3A_399 = tpu.memref_slice %arg3[%add3A_378, %dma_start3A_398] : memref<2500x128xi32, #tpu.memory_space<hbm>> -> memref<1x128xi32, #tpu.memory_space<hbm>>
        tpu.enqueue_dma source(%dma_start3A_399 : memref<1x128xi32, #tpu.memory_space<hbm>>) target(%arg9 : memref<1x128xi32, #tpu.memory_space<vmem>>) target_semaphore(%run_scoped3A_395 : memref<!tpu.dma_semaphore, #tpu.memory_space<semaphore_mem>>)
        %dma_wait3A_400 = arith.constant 0 : i32
        %dma_wait3A_401 = tpu.memref_slice %arg3[%add3A_378, %dma_wait3A_400] : memref<2500x128xi32, #tpu.memory_space<hbm>> -> memref<1x128xi32, #tpu.memory_space<hbm>>
        %dma_wait3A_402 = arith.constant 0 : i32
        %dma_wait3A_403 = tpu.memref_slice %arg3[%add3A_378, %dma_wait3A_402] : memref<2500x128xi32, #tpu.memory_space<hbm>> -> memref<1x128xi32, #tpu.memory_space<hbm>>
        tpu.wait_dma2 semaphore(%run_scoped3A_395 : memref<!tpu.dma_semaphore, #tpu.memory_space<semaphore_mem>>) src(%dma_wait3A_403 : memref<1x128xi32, #tpu.memory_space<hbm>>) dst(%arg9 : memref<1x128xi32, #tpu.memory_space<vmem>>)
        tpu.yield
      }) : () -> ()
      %add3A_379 = arith.constant 2496 : i32
      %add3A_380 = arith.addi %add3A_379, %add3A : i32
      "tpu.region"() ({
        %run_scoped3A_395 = tpu.sem_alloc : memref<!tpu.dma_semaphore, #tpu.memory_space<semaphore_mem>>
        %dma_start3A_396 = arith.constant 0 : i32
        %dma_start3A_397 = tpu.memref_slice %arg4[%add3A_380, %dma_start3A_396] : memref<2500x128xi32, #tpu.memory_space<hbm>> -> memref<1x128xi32, #tpu.memory_space<hbm>>
        %dma_start3A_398 = arith.constant 0 : i32
        %dma_start3A_399 = tpu.memref_slice %arg4[%add3A_380, %dma_start3A_398] : memref<2500x128xi32, #tpu.memory_space<hbm>> -> memref<1x128xi32, #tpu.memory_space<hbm>>
        tpu.enqueue_dma source(%dma_start3A_399 : memref<1x128xi32, #tpu.memory_space<hbm>>) target(%arg10 : memref<1x128xi32, #tpu.memory_space<vmem>>) target_semaphore(%run_scoped3A_395 : memref<!tpu.dma_semaphore, #tpu.memory_space<semaphore_mem>>)
        %dma_wait3A_400 = arith.constant 0 : i32
        %dma_wait3A_401 = tpu.memref_slice %arg4[%add3A_380, %dma_wait3A_400] : memref<2500x128xi32, #tpu.memory_space<hbm>> -> memref<1x128xi32, #tpu.memory_space<hbm>>
        %dma_wait3A_402 = arith.constant 0 : i32
        %dma_wait3A_403 = tpu.memref_slice %arg4[%add3A_380, %dma_wait3A_402] : memref<2500x128xi32, #tpu.memory_space<hbm>> -> memref<1x128xi32, #tpu.memory_space<hbm>>
        tpu.wait_dma2 semaphore(%run_scoped3A_395 : memref<!tpu.dma_semaphore, #tpu.memory_space<semaphore_mem>>) src(%dma_wait3A_403 : memref<1x128xi32, #tpu.memory_space<hbm>>) dst(%arg10 : memref<1x128xi32, #tpu.memory_space<vmem>>)
        tpu.yield
      }) : () -> ()
      %dma_start3A_381 = arith.constant 0 : i32
      %dma_start3A_382 = arith.constant 0 : i32
      %dma_start3A_383 = tpu.memref_slice %arg9[%dma_start3A_381, %dma_start3A_382] : memref<1x128xi32, #tpu.memory_space<vmem>> -> memref<1x128xi32, #tpu.memory_space<vmem>>
      %dma_start3A_384 = tpu.memref_squeeze %dma_start3A_383 : memref<1x128xi32, #tpu.memory_space<vmem>> -> memref<128xi32, #tpu.memory_space<vmem>>
      %dma_start3A_385 = arith.constant 0 : i32
      %dma_start3A_386 = arith.constant 0 : i32
      %dma_start3A_387 = tpu.memref_slice %arg2[%dma_start3A_385, %dma_start3A_386] : memref<10000x64xf32, #tpu.memory_space<hbm>> -> memref<10000x64xf32, #tpu.memory_space<hbm>>
      tpu.enqueue_indirect_dma source(%dma_start3A_387 : memref<10000x64xf32, #tpu.memory_space<hbm>>) target(%arg11 : memref<128x64xf32, #tpu.memory_space<vmem>>) offsets(%dma_start3A_384 : memref<128xi32, #tpu.memory_space<vmem>>) semaphore(%arg17 : memref<!tpu.dma_semaphore, #tpu.memory_space<semaphore_mem>>)
      %dma_wait3A_388 = arith.constant 0 : i32
      %dma_wait3A_389 = arith.constant 0 : i32
      %dma_wait3A_390 = tpu.memref_slice %arg9[%dma_wait3A_388, %dma_wait3A_389] : memref<1x128xi32, #tpu.memory_space<vmem>> -> memref<1x128xi32, #tpu.memory_space<vmem>>
      %dma_wait3A_391 = tpu.memref_squeeze %dma_wait3A_390 : memref<1x128xi32, #tpu.memory_space<vmem>> -> memref<128xi32, #tpu.memory_space<vmem>>
      %dma_wait3A_392 = arith.constant 0 : i32
      %dma_wait3A_393 = arith.constant 0 : i32
      %dma_wait3A_394 = tpu.memref_slice %arg2[%dma_wait3A_392, %dma_wait3A_393] : memref<10000x64xf32, #tpu.memory_space<hbm>> -> memref<10000x64xf32, #tpu.memory_space<hbm>>
      tpu.wait_indirect_dma semaphore(%arg17 : memref<!tpu.dma_semaphore, #tpu.memory_space<semaphore_mem>>) src(%dma_wait3A_394 : memref<10000x64xf32, #tpu.memory_space<hbm>>) dst(%arg11 : memref<128x64xf32, #tpu.memory_space<vmem>>)
      %run_scoped3A = arith.constant 0 : i32
      "tpu.region"() ({
        %run_scoped3A_395 = tpu.sem_alloc : memref<!tpu.dma_semaphore, #tpu.memory_space<semaphore_mem>>
        %dma_start3A_396 = arith.constant 0 : i32
        %dma_start3A_397 = tpu.memref_slice %arg10[%run_scoped3A, %dma_start3A_396] : memref<1x128xi32, #tpu.memory_space<vmem>> -> memref<1x128xi32, #tpu.memory_space<vmem>>
        %dma_start3A_398 = tpu.memref_squeeze %dma_start3A_397 : memref<1x128xi32, #tpu.memory_space<vmem>> -> memref<128xi32, #tpu.memory_space<vmem>>
        %dma_start3A_399 = arith.constant 0 : i32
        %dma_start3A_400 = arith.constant 0 : i32
        %dma_start3A_401 = tpu.memref_slice %arg16[%dma_start3A_399, %dma_start3A_400] : memref<10240x64xf32, #tpu.memory_space<vmem_shared>> -> memref<10240x64xf32, #tpu.memory_space<vmem_shared>>
        tpu.enqueue_indirect_dma source(%arg11 : memref<128x64xf32, #tpu.memory_space<vmem>>) target(%dma_start3A_401 : memref<10240x64xf32, #tpu.memory_space<vmem_shared>>) offsets(%dma_start3A_398 : memref<128xi32, #tpu.memory_space<vmem>>) semaphore(%run_scoped3A_395 : memref<!tpu.dma_semaphore, #tpu.memory_space<semaphore_mem>>) {add = true}
        %dma_wait3A_402 = arith.constant 0 : i32
        %dma_wait3A_403 = tpu.memref_slice %arg10[%run_scoped3A, %dma_wait3A_402] : memref<1x128xi32, #tpu.memory_space<vmem>> -> memref<1x128xi32, #tpu.memory_space<vmem>>
        %dma_wait3A_404 = tpu.memref_squeeze %dma_wait3A_403 : memref<1x128xi32, #tpu.memory_space<vmem>> -> memref<128xi32, #tpu.memory_space<vmem>>
        %dma_wait3A_405 = arith.constant 0 : i32
        %dma_wait3A_406 = arith.constant 0 : i32
        %dma_wait3A_407 = tpu.memref_slice %arg16[%dma_wait3A_405, %dma_wait3A_406] : memref<10240x64xf32, #tpu.memory_space<vmem_shared>> -> memref<10240x64xf32, #tpu.memory_space<vmem_shared>>
        tpu.wait_indirect_dma semaphore(%run_scoped3A_395 : memref<!tpu.dma_semaphore, #tpu.memory_space<semaphore_mem>>) src(%arg11 : memref<128x64xf32, #tpu.memory_space<vmem>>) dst(%dma_wait3A_407 : memref<10240x64xf32, #tpu.memory_space<vmem_shared>>)
        tpu.yield
      }) : () -> ()
    } else {
    }
    %barrier3A_306 = arith.constant 0 : index
    tpu.barrier barrier_id(%barrier3A_306)
    %add3A_307 = arith.constant 0 : i32
    %add3A_308 = arith.addi %mul3A_2, %add3A_307 : i32
    "tpu.region"() ({
      %run_scoped3A = tpu.sem_alloc : memref<!tpu.dma_semaphore, #tpu.memory_space<semaphore_mem>>
      %dma_start3A_377 = arith.constant 0 : i32
      %dma_start3A_378 = tpu.memref_slice %arg16[%add3A_308, %dma_start3A_377] : memref<10240x64xf32, #tpu.memory_space<vmem_shared>> -> memref<128x64xf32, #tpu.memory_space<vmem_shared>>
      %dma_start3A_379 = arith.constant 0 : i32
      %dma_start3A_380 = tpu.memref_slice %arg16[%add3A_308, %dma_start3A_379] : memref<10240x64xf32, #tpu.memory_space<vmem_shared>> -> memref<128x64xf32, #tpu.memory_space<vmem_shared>>
      tpu.enqueue_dma source(%dma_start3A_380 : memref<128x64xf32, #tpu.memory_space<vmem_shared>>) target(%arg11 : memref<128x64xf32, #tpu.memory_space<vmem>>) target_semaphore(%run_scoped3A : memref<!tpu.dma_semaphore, #tpu.memory_space<semaphore_mem>>)
      %dma_wait3A_381 = arith.constant 0 : i32
      %dma_wait3A_382 = tpu.memref_slice %arg16[%add3A_308, %dma_wait3A_381] : memref<10240x64xf32, #tpu.memory_space<vmem_shared>> -> memref<128x64xf32, #tpu.memory_space<vmem_shared>>
      %dma_wait3A_383 = arith.constant 0 : i32
      %dma_wait3A_384 = tpu.memref_slice %arg16[%add3A_308, %dma_wait3A_383] : memref<10240x64xf32, #tpu.memory_space<vmem_shared>> -> memref<128x64xf32, #tpu.memory_space<vmem_shared>>
      tpu.wait_dma2 semaphore(%run_scoped3A : memref<!tpu.dma_semaphore, #tpu.memory_space<semaphore_mem>>) src(%dma_wait3A_384 : memref<128x64xf32, #tpu.memory_space<vmem_shared>>) dst(%arg11 : memref<128x64xf32, #tpu.memory_space<vmem>>)
      tpu.yield
    }) : () -> ()
    %dma_start3A_309 = arith.constant 0 : i32
    %dma_start3A_310 = tpu.memref_slice %arg6[%arg0, %add3A_308, %dma_start3A_309] : memref<2x10240x64xf32, #tpu.memory_space<hbm>> -> memref<1x128x64xf32, #tpu.memory_space<hbm>>
    %dma_start3A_311 = tpu.memref_squeeze %dma_start3A_310 : memref<1x128x64xf32, #tpu.memory_space<hbm>> -> memref<128x64xf32, #tpu.memory_space<hbm>>
    %dma_start3A_312 = arith.constant 0 : i32
    %dma_start3A_313 = tpu.memref_slice %arg6[%arg0, %add3A_308, %dma_start3A_312] : memref<2x10240x64xf32, #tpu.memory_space<hbm>> -> memref<1x128x64xf32, #tpu.memory_space<hbm>>
    %dma_start3A_314 = tpu.memref_squeeze %dma_start3A_313 : memref<1x128x64xf32, #tpu.memory_space<hbm>> -> memref<128x64xf32, #tpu.memory_space<hbm>>
    tpu.enqueue_dma source(%arg11 : memref<128x64xf32, #tpu.memory_space<vmem>>) target(%dma_start3A_314 : memref<128x64xf32, #tpu.memory_space<hbm>>) target_semaphore(%arg22 : memref<!tpu.dma_semaphore, #tpu.memory_space<semaphore_mem>>)
    %add3A_315 = arith.constant 128 : i32
    %add3A_316 = arith.addi %mul3A_2, %add3A_315 : i32
    "tpu.region"() ({
      %run_scoped3A = tpu.sem_alloc : memref<!tpu.dma_semaphore, #tpu.memory_space<semaphore_mem>>
      %dma_start3A_377 = arith.constant 0 : i32
      %dma_start3A_378 = tpu.memref_slice %arg16[%add3A_316, %dma_start3A_377] : memref<10240x64xf32, #tpu.memory_space<vmem_shared>> -> memref<128x64xf32, #tpu.memory_space<vmem_shared>>
      %dma_start3A_379 = arith.constant 0 : i32
      %dma_start3A_380 = tpu.memref_slice %arg16[%add3A_316, %dma_start3A_379] : memref<10240x64xf32, #tpu.memory_space<vmem_shared>> -> memref<128x64xf32, #tpu.memory_space<vmem_shared>>
      tpu.enqueue_dma source(%dma_start3A_380 : memref<128x64xf32, #tpu.memory_space<vmem_shared>>) target(%arg12 : memref<128x64xf32, #tpu.memory_space<vmem>>) target_semaphore(%run_scoped3A : memref<!tpu.dma_semaphore, #tpu.memory_space<semaphore_mem>>)
      %dma_wait3A_381 = arith.constant 0 : i32
      %dma_wait3A_382 = tpu.memref_slice %arg16[%add3A_316, %dma_wait3A_381] : memref<10240x64xf32, #tpu.memory_space<vmem_shared>> -> memref<128x64xf32, #tpu.memory_space<vmem_shared>>
      %dma_wait3A_383 = arith.constant 0 : i32
      %dma_wait3A_384 = tpu.memref_slice %arg16[%add3A_316, %dma_wait3A_383] : memref<10240x64xf32, #tpu.memory_space<vmem_shared>> -> memref<128x64xf32, #tpu.memory_space<vmem_shared>>
      tpu.wait_dma2 semaphore(%run_scoped3A : memref<!tpu.dma_semaphore, #tpu.memory_space<semaphore_mem>>) src(%dma_wait3A_384 : memref<128x64xf32, #tpu.memory_space<vmem_shared>>) dst(%arg12 : memref<128x64xf32, #tpu.memory_space<vmem>>)
      tpu.yield
    }) : () -> ()
    %dma_start3A_317 = arith.constant 0 : i32
    %dma_start3A_318 = tpu.memref_slice %arg6[%arg0, %add3A_316, %dma_start3A_317] : memref<2x10240x64xf32, #tpu.memory_space<hbm>> -> memref<1x128x64xf32, #tpu.memory_space<hbm>>
    %dma_start3A_319 = tpu.memref_squeeze %dma_start3A_318 : memref<1x128x64xf32, #tpu.memory_space<hbm>> -> memref<128x64xf32, #tpu.memory_space<hbm>>
    %dma_start3A_320 = arith.constant 0 : i32
    %dma_start3A_321 = tpu.memref_slice %arg6[%arg0, %add3A_316, %dma_start3A_320] : memref<2x10240x64xf32, #tpu.memory_space<hbm>> -> memref<1x128x64xf32, #tpu.memory_space<hbm>>
    %dma_start3A_322 = tpu.memref_squeeze %dma_start3A_321 : memref<1x128x64xf32, #tpu.memory_space<hbm>> -> memref<128x64xf32, #tpu.memory_space<hbm>>
    tpu.enqueue_dma source(%arg12 : memref<128x64xf32, #tpu.memory_space<vmem>>) target(%dma_start3A_322 : memref<128x64xf32, #tpu.memory_space<hbm>>) target_semaphore(%arg23 : memref<!tpu.dma_semaphore, #tpu.memory_space<semaphore_mem>>)
    %add3A_323 = arith.constant 256 : i32
    %add3A_324 = arith.addi %mul3A_2, %add3A_323 : i32
    %dma_wait3A_325 = arith.constant 0 : i32
    %dma_wait3A_326 = tpu.memref_slice %arg6[%arg0, %mul3A_2, %dma_wait3A_325] : memref<2x10240x64xf32, #tpu.memory_space<hbm>> -> memref<1x128x64xf32, #tpu.memory_space<hbm>>
    %dma_wait3A_327 = tpu.memref_squeeze %dma_wait3A_326 : memref<1x128x64xf32, #tpu.memory_space<hbm>> -> memref<128x64xf32, #tpu.memory_space<hbm>>
    %dma_wait3A_328 = arith.constant 0 : i32
    %dma_wait3A_329 = tpu.memref_slice %arg6[%arg0, %mul3A_2, %dma_wait3A_328] : memref<2x10240x64xf32, #tpu.memory_space<hbm>> -> memref<1x128x64xf32, #tpu.memory_space<hbm>>
    %dma_wait3A_330 = tpu.memref_squeeze %dma_wait3A_329 : memref<1x128x64xf32, #tpu.memory_space<hbm>> -> memref<128x64xf32, #tpu.memory_space<hbm>>
    tpu.wait_dma2 semaphore(%arg22 : memref<!tpu.dma_semaphore, #tpu.memory_space<semaphore_mem>>) src(%arg11 : memref<128x64xf32, #tpu.memory_space<vmem>>) dst(%dma_wait3A_330 : memref<128x64xf32, #tpu.memory_space<hbm>>)
    "tpu.region"() ({
      %run_scoped3A = tpu.sem_alloc : memref<!tpu.dma_semaphore, #tpu.memory_space<semaphore_mem>>
      %dma_start3A_377 = arith.constant 0 : i32
      %dma_start3A_378 = tpu.memref_slice %arg16[%add3A_324, %dma_start3A_377] : memref<10240x64xf32, #tpu.memory_space<vmem_shared>> -> memref<128x64xf32, #tpu.memory_space<vmem_shared>>
      %dma_start3A_379 = arith.constant 0 : i32
      %dma_start3A_380 = tpu.memref_slice %arg16[%add3A_324, %dma_start3A_379] : memref<10240x64xf32, #tpu.memory_space<vmem_shared>> -> memref<128x64xf32, #tpu.memory_space<vmem_shared>>
      tpu.enqueue_dma source(%dma_start3A_380 : memref<128x64xf32, #tpu.memory_space<vmem_shared>>) target(%arg11 : memref<128x64xf32, #tpu.memory_space<vmem>>) target_semaphore(%run_scoped3A : memref<!tpu.dma_semaphore, #tpu.memory_space<semaphore_mem>>)
      %dma_wait3A_381 = arith.constant 0 : i32
      %dma_wait3A_382 = tpu.memref_slice %arg16[%add3A_324, %dma_wait3A_381] : memref<10240x64xf32, #tpu.memory_space<vmem_shared>> -> memref<128x64xf32, #tpu.memory_space<vmem_shared>>
      %dma_wait3A_383 = arith.constant 0 : i32
      %dma_wait3A_384 = tpu.memref_slice %arg16[%add3A_324, %dma_wait3A_383] : memref<10240x64xf32, #tpu.memory_space<vmem_shared>> -> memref<128x64xf32, #tpu.memory_space<vmem_shared>>
      tpu.wait_dma2 semaphore(%run_scoped3A : memref<!tpu.dma_semaphore, #tpu.memory_space<semaphore_mem>>) src(%dma_wait3A_384 : memref<128x64xf32, #tpu.memory_space<vmem_shared>>) dst(%arg11 : memref<128x64xf32, #tpu.memory_space<vmem>>)
      tpu.yield
    }) : () -> ()
    %dma_start3A_331 = arith.constant 0 : i32
    %dma_start3A_332 = tpu.memref_slice %arg6[%arg0, %add3A_324, %dma_start3A_331] : memref<2x10240x64xf32, #tpu.memory_space<hbm>> -> memref<1x128x64xf32, #tpu.memory_space<hbm>>
    %dma_start3A_333 = tpu.memref_squeeze %dma_start3A_332 : memref<1x128x64xf32, #tpu.memory_space<hbm>> -> memref<128x64xf32, #tpu.memory_space<hbm>>
    %dma_start3A_334 = arith.constant 0 : i32
    %dma_start3A_335 = tpu.memref_slice %arg6[%arg0, %add3A_324, %dma_start3A_334] : memref<2x10240x64xf32, #tpu.memory_space<hbm>> -> memref<1x128x64xf32, #tpu.memory_space<hbm>>
    %dma_start3A_336 = tpu.memref_squeeze %dma_start3A_335 : memref<1x128x64xf32, #tpu.memory_space<hbm>> -> memref<128x64xf32, #tpu.memory_space<hbm>>
    tpu.enqueue_dma source(%arg11 : memref<128x64xf32, #tpu.memory_space<vmem>>) target(%dma_start3A_336 : memref<128x64xf32, #tpu.memory_space<hbm>>) target_semaphore(%arg22 : memref<!tpu.dma_semaphore, #tpu.memory_space<semaphore_mem>>)
    %add3A_337 = arith.constant 384 : i32
    %add3A_338 = arith.addi %mul3A_2, %add3A_337 : i32
    %dma_wait3A_339 = arith.constant 0 : i32
    %dma_wait3A_340 = tpu.memref_slice %arg6[%arg0, %mul3A_2, %dma_wait3A_339] : memref<2x10240x64xf32, #tpu.memory_space<hbm>> -> memref<1x128x64xf32, #tpu.memory_space<hbm>>
    %dma_wait3A_341 = tpu.memref_squeeze %dma_wait3A_340 : memref<1x128x64xf32, #tpu.memory_space<hbm>> -> memref<128x64xf32, #tpu.memory_space<hbm>>
    %dma_wait3A_342 = arith.constant 0 : i32
    %dma_wait3A_343 = tpu.memref_slice %arg6[%arg0, %mul3A_2, %dma_wait3A_342] : memref<2x10240x64xf32, #tpu.memory_space<hbm>> -> memref<1x128x64xf32, #tpu.memory_space<hbm>>
    %dma_wait3A_344 = tpu.memref_squeeze %dma_wait3A_343 : memref<1x128x64xf32, #tpu.memory_space<hbm>> -> memref<128x64xf32, #tpu.memory_space<hbm>>
    tpu.wait_dma2 semaphore(%arg23 : memref<!tpu.dma_semaphore, #tpu.memory_space<semaphore_mem>>) src(%arg12 : memref<128x64xf32, #tpu.memory_space<vmem>>) dst(%dma_wait3A_344 : memref<128x64xf32, #tpu.memory_space<hbm>>)
    "tpu.region"() ({
      %run_scoped3A = tpu.sem_alloc : memref<!tpu.dma_semaphore, #tpu.memory_space<semaphore_mem>>
      %dma_start3A_377 = arith.constant 0 : i32
      %dma_start3A_378 = tpu.memref_slice %arg16[%add3A_338, %dma_start3A_377] : memref<10240x64xf32, #tpu.memory_space<vmem_shared>> -> memref<128x64xf32, #tpu.memory_space<vmem_shared>>
      %dma_start3A_379 = arith.constant 0 : i32
      %dma_start3A_380 = tpu.memref_slice %arg16[%add3A_338, %dma_start3A_379] : memref<10240x64xf32, #tpu.memory_space<vmem_shared>> -> memref<128x64xf32, #tpu.memory_space<vmem_shared>>
      tpu.enqueue_dma source(%dma_start3A_380 : memref<128x64xf32, #tpu.memory_space<vmem_shared>>) target(%arg12 : memref<128x64xf32, #tpu.memory_space<vmem>>) target_semaphore(%run_scoped3A : memref<!tpu.dma_semaphore, #tpu.memory_space<semaphore_mem>>)
      %dma_wait3A_381 = arith.constant 0 : i32
      %dma_wait3A_382 = tpu.memref_slice %arg16[%add3A_338, %dma_wait3A_381] : memref<10240x64xf32, #tpu.memory_space<vmem_shared>> -> memref<128x64xf32, #tpu.memory_space<vmem_shared>>
      %dma_wait3A_383 = arith.constant 0 : i32
      %dma_wait3A_384 = tpu.memref_slice %arg16[%add3A_338, %dma_wait3A_383] : memref<10240x64xf32, #tpu.memory_space<vmem_shared>> -> memref<128x64xf32, #tpu.memory_space<vmem_shared>>
      tpu.wait_dma2 semaphore(%run_scoped3A : memref<!tpu.dma_semaphore, #tpu.memory_space<semaphore_mem>>) src(%dma_wait3A_384 : memref<128x64xf32, #tpu.memory_space<vmem_shared>>) dst(%arg12 : memref<128x64xf32, #tpu.memory_space<vmem>>)
      tpu.yield
    }) : () -> ()
    %dma_start3A_345 = arith.constant 0 : i32
    %dma_start3A_346 = tpu.memref_slice %arg6[%arg0, %add3A_338, %dma_start3A_345] : memref<2x10240x64xf32, #tpu.memory_space<hbm>> -> memref<1x128x64xf32, #tpu.memory_space<hbm>>
    %dma_start3A_347 = tpu.memref_squeeze %dma_start3A_346 : memref<1x128x64xf32, #tpu.memory_space<hbm>> -> memref<128x64xf32, #tpu.memory_space<hbm>>
    %dma_start3A_348 = arith.constant 0 : i32
    %dma_start3A_349 = tpu.memref_slice %arg6[%arg0, %add3A_338, %dma_start3A_348] : memref<2x10240x64xf32, #tpu.memory_space<hbm>> -> memref<1x128x64xf32, #tpu.memory_space<hbm>>
    %dma_start3A_350 = tpu.memref_squeeze %dma_start3A_349 : memref<1x128x64xf32, #tpu.memory_space<hbm>> -> memref<128x64xf32, #tpu.memory_space<hbm>>
    tpu.enqueue_dma source(%arg12 : memref<128x64xf32, #tpu.memory_space<vmem>>) target(%dma_start3A_350 : memref<128x64xf32, #tpu.memory_space<hbm>>) target_semaphore(%arg23 : memref<!tpu.dma_semaphore, #tpu.memory_space<semaphore_mem>>)
    %add3A_351 = arith.constant 512 : i32
    %add3A_352 = arith.addi %mul3A_2, %add3A_351 : i32
    %dma_wait3A_353 = arith.constant 0 : i32
    %dma_wait3A_354 = tpu.memref_slice %arg6[%arg0, %mul3A_2, %dma_wait3A_353] : memref<2x10240x64xf32, #tpu.memory_space<hbm>> -> memref<1x128x64xf32, #tpu.memory_space<hbm>>
    %dma_wait3A_355 = tpu.memref_squeeze %dma_wait3A_354 : memref<1x128x64xf32, #tpu.memory_space<hbm>> -> memref<128x64xf32, #tpu.memory_space<hbm>>
    %dma_wait3A_356 = arith.constant 0 : i32
    %dma_wait3A_357 = tpu.memref_slice %arg6[%arg0, %mul3A_2, %dma_wait3A_356] : memref<2x10240x64xf32, #tpu.memory_space<hbm>> -> memref<1x128x64xf32, #tpu.memory_space<hbm>>
    %dma_wait3A_358 = tpu.memref_squeeze %dma_wait3A_357 : memref<1x128x64xf32, #tpu.memory_space<hbm>> -> memref<128x64xf32, #tpu.memory_space<hbm>>
    tpu.wait_dma2 semaphore(%arg22 : memref<!tpu.dma_semaphore, #tpu.memory_space<semaphore_mem>>) src(%arg11 : memref<128x64xf32, #tpu.memory_space<vmem>>) dst(%dma_wait3A_358 : memref<128x64xf32, #tpu.memory_space<hbm>>)
    "tpu.region"() ({
      %run_scoped3A = tpu.sem_alloc : memref<!tpu.dma_semaphore, #tpu.memory_space<semaphore_mem>>
      %dma_start3A_377 = arith.constant 0 : i32
      %dma_start3A_378 = tpu.memref_slice %arg16[%add3A_352, %dma_start3A_377] : memref<10240x64xf32, #tpu.memory_space<vmem_shared>> -> memref<128x64xf32, #tpu.memory_space<vmem_shared>>
      %dma_start3A_379 = arith.constant 0 : i32
      %dma_start3A_380 = tpu.memref_slice %arg16[%add3A_352, %dma_start3A_379] : memref<10240x64xf32, #tpu.memory_space<vmem_shared>> -> memref<128x64xf32, #tpu.memory_space<vmem_shared>>
      tpu.enqueue_dma source(%dma_start3A_380 : memref<128x64xf32, #tpu.memory_space<vmem_shared>>) target(%arg11 : memref<128x64xf32, #tpu.memory_space<vmem>>) target_semaphore(%run_scoped3A : memref<!tpu.dma_semaphore, #tpu.memory_space<semaphore_mem>>)
      %dma_wait3A_381 = arith.constant 0 : i32
      %dma_wait3A_382 = tpu.memref_slice %arg16[%add3A_352, %dma_wait3A_381] : memref<10240x64xf32, #tpu.memory_space<vmem_shared>> -> memref<128x64xf32, #tpu.memory_space<vmem_shared>>
      %dma_wait3A_383 = arith.constant 0 : i32
      %dma_wait3A_384 = tpu.memref_slice %arg16[%add3A_352, %dma_wait3A_383] : memref<10240x64xf32, #tpu.memory_space<vmem_shared>> -> memref<128x64xf32, #tpu.memory_space<vmem_shared>>
      tpu.wait_dma2 semaphore(%run_scoped3A : memref<!tpu.dma_semaphore, #tpu.memory_space<semaphore_mem>>) src(%dma_wait3A_384 : memref<128x64xf32, #tpu.memory_space<vmem_shared>>) dst(%arg11 : memref<128x64xf32, #tpu.memory_space<vmem>>)
      tpu.yield
    }) : () -> ()
    %dma_start3A_359 = arith.constant 0 : i32
    %dma_start3A_360 = tpu.memref_slice %arg6[%arg0, %add3A_352, %dma_start3A_359] : memref<2x10240x64xf32, #tpu.memory_space<hbm>> -> memref<1x128x64xf32, #tpu.memory_space<hbm>>
    %dma_start3A_361 = tpu.memref_squeeze %dma_start3A_360 : memref<1x128x64xf32, #tpu.memory_space<hbm>> -> memref<128x64xf32, #tpu.memory_space<hbm>>
    %dma_start3A_362 = arith.constant 0 : i32
    %dma_start3A_363 = tpu.memref_slice %arg6[%arg0, %add3A_352, %dma_start3A_362] : memref<2x10240x64xf32, #tpu.memory_space<hbm>> -> memref<1x128x64xf32, #tpu.memory_space<hbm>>
    %dma_start3A_364 = tpu.memref_squeeze %dma_start3A_363 : memref<1x128x64xf32, #tpu.memory_space<hbm>> -> memref<128x64xf32, #tpu.memory_space<hbm>>
    tpu.enqueue_dma source(%arg11 : memref<128x64xf32, #tpu.memory_space<vmem>>) target(%dma_start3A_364 : memref<128x64xf32, #tpu.memory_space<hbm>>) target_semaphore(%arg22 : memref<!tpu.dma_semaphore, #tpu.memory_space<semaphore_mem>>)
    %dma_wait3A_365 = arith.constant 0 : i32
    %dma_wait3A_366 = tpu.memref_slice %arg6[%arg0, %mul3A_2, %dma_wait3A_365] : memref<2x10240x64xf32, #tpu.memory_space<hbm>> -> memref<1x128x64xf32, #tpu.memory_space<hbm>>
    %dma_wait3A_367 = tpu.memref_squeeze %dma_wait3A_366 : memref<1x128x64xf32, #tpu.memory_space<hbm>> -> memref<128x64xf32, #tpu.memory_space<hbm>>
    %dma_wait3A_368 = arith.constant 0 : i32
    %dma_wait3A_369 = tpu.memref_slice %arg6[%arg0, %mul3A_2, %dma_wait3A_368] : memref<2x10240x64xf32, #tpu.memory_space<hbm>> -> memref<1x128x64xf32, #tpu.memory_space<hbm>>
    %dma_wait3A_370 = tpu.memref_squeeze %dma_wait3A_369 : memref<1x128x64xf32, #tpu.memory_space<hbm>> -> memref<128x64xf32, #tpu.memory_space<hbm>>
    tpu.wait_dma2 semaphore(%arg23 : memref<!tpu.dma_semaphore, #tpu.memory_space<semaphore_mem>>) src(%arg12 : memref<128x64xf32, #tpu.memory_space<vmem>>) dst(%dma_wait3A_370 : memref<128x64xf32, #tpu.memory_space<hbm>>)
    %dma_wait3A_371 = arith.constant 0 : i32
    %dma_wait3A_372 = tpu.memref_slice %arg6[%arg0, %mul3A_2, %dma_wait3A_371] : memref<2x10240x64xf32, #tpu.memory_space<hbm>> -> memref<1x128x64xf32, #tpu.memory_space<hbm>>
    %dma_wait3A_373 = tpu.memref_squeeze %dma_wait3A_372 : memref<1x128x64xf32, #tpu.memory_space<hbm>> -> memref<128x64xf32, #tpu.memory_space<hbm>>
    %dma_wait3A_374 = arith.constant 0 : i32
    %dma_wait3A_375 = tpu.memref_slice %arg6[%arg0, %mul3A_2, %dma_wait3A_374] : memref<2x10240x64xf32, #tpu.memory_space<hbm>> -> memref<1x128x64xf32, #tpu.memory_space<hbm>>
    %dma_wait3A_376 = tpu.memref_squeeze %dma_wait3A_375 : memref<1x128x64xf32, #tpu.memory_space<hbm>> -> memref<128x64xf32, #tpu.memory_space<hbm>>
    tpu.wait_dma2 semaphore(%arg22 : memref<!tpu.dma_semaphore, #tpu.memory_space<semaphore_mem>>) src(%arg11 : memref<128x64xf32, #tpu.memory_space<vmem>>) dst(%dma_wait3A_376 : memref<128x64xf32, #tpu.memory_space<hbm>>)
    return
  }
}

#map = affine_map<(d0, d1) -> (0, 0)>
#map1 = affine_map<(d0, d1) -> (0, 0, 0)>
module attributes {stable_mosaic.version = 14 : i64} {
  func.func @agg(%arg0: i32, %arg1: i32, %arg2: memref<10000x128xf32, #tpu.memory_space<hbm>>, %arg3: memref<5000x64xi32, #tpu.memory_space<hbm>>, %arg4: memref<5000x64xi32, #tpu.memory_space<hbm>>, %arg5: memref<64x128xf32, #tpu.memory_space<hbm>>, %arg6: memref<2x10240x128xf32, #tpu.memory_space<hbm>>, %arg7: memref<156x64xi32, #tpu.memory_space<vmem>>, %arg8: memref<156x64xi32, #tpu.memory_space<vmem>>, %arg9: memref<1x64xi32, #tpu.memory_space<vmem>>, %arg10: memref<1x64xi32, #tpu.memory_space<vmem>>, %arg11: memref<64x128xf32, #tpu.memory_space<vmem>>, %arg12: memref<64x128xf32, #tpu.memory_space<vmem>>, %arg13: memref<64x128xf32, #tpu.memory_space<vmem>>, %arg14: memref<10240x128xf32, #tpu.memory_space<vmem_shared>>, %arg15: memref<!tpu.dma_semaphore, #tpu.memory_space<semaphore_mem>>, %arg16: memref<!tpu.dma_semaphore, #tpu.memory_space<semaphore_mem>>, %arg17: memref<!tpu.dma_semaphore, #tpu.memory_space<semaphore_mem>>, %arg18: memref<!tpu.dma_semaphore, #tpu.memory_space<semaphore_mem>>, %arg19: memref<!tpu.dma_semaphore, #tpu.memory_space<semaphore_mem>>, %arg20: memref<!tpu.dma_semaphore, #tpu.memory_space<semaphore_mem>>) attributes {dimension_semantics = [#tpu.dimension_semantics<core_parallel>, #tpu.dimension_semantics<subcore_parallel>], iteration_bounds = array<i64: 2, 16>, scalar_prefetch = 0 : i64, scratch_operands = 14 : i64, tpu.core_type = #tpu.core_type<sc_vector_subcore>, window_params = [{transform_indices = #map}, {transform_indices = #map}, {transform_indices = #map}, {transform_indices = #map}, {transform_indices = #map1}]} {
    %mul3A = arith.constant 16 : i32
    %mul3A_0 = arith.muli %arg0, %mul3A : i32
    %add3A = arith.addi %mul3A_0, %arg1 : i32
    %mul3A_1 = arith.constant 640 : i32
    %mul3A_2 = arith.muli %arg1, %mul3A_1 : i32
    "tpu.region"() ({
      %run_scoped3A = tpu.sem_alloc : memref<!tpu.dma_semaphore, #tpu.memory_space<semaphore_mem>>
      tpu.enqueue_dma source(%arg5 : memref<64x128xf32, #tpu.memory_space<hbm>>) target(%arg11 : memref<64x128xf32, #tpu.memory_space<vmem>>) target_semaphore(%run_scoped3A : memref<!tpu.dma_semaphore, #tpu.memory_space<semaphore_mem>>)
      tpu.wait_dma2 semaphore(%run_scoped3A : memref<!tpu.dma_semaphore, #tpu.memory_space<semaphore_mem>>) src(%arg5 : memref<64x128xf32, #tpu.memory_space<hbm>>) dst(%arg11 : memref<64x128xf32, #tpu.memory_space<vmem>>)
      tpu.yield
    }) : () -> ()
    %add3A_3 = arith.constant 0 : i32
    %add3A_4 = arith.addi %mul3A_2, %add3A_3 : i32
    %dma_start3A = arith.constant 0 : i32
    %dma_start3A_5 = tpu.memref_slice %arg14[%add3A_4, %dma_start3A] : memref<10240x128xf32, #tpu.memory_space<vmem_shared>> -> memref<64x128xf32, #tpu.memory_space<vmem_shared>>
    %dma_start3A_6 = arith.constant 0 : i32
    %dma_start3A_7 = tpu.memref_slice %arg14[%add3A_4, %dma_start3A_6] : memref<10240x128xf32, #tpu.memory_space<vmem_shared>> -> memref<64x128xf32, #tpu.memory_space<vmem_shared>>
    tpu.enqueue_dma source(%arg11 : memref<64x128xf32, #tpu.memory_space<vmem>>) target(%dma_start3A_7 : memref<64x128xf32, #tpu.memory_space<vmem_shared>>) target_semaphore(%arg18 : memref<!tpu.dma_semaphore, #tpu.memory_space<semaphore_mem>>)
    %add3A_8 = arith.constant 64 : i32
    %add3A_9 = arith.addi %mul3A_2, %add3A_8 : i32
    %dma_start3A_10 = arith.constant 0 : i32
    %dma_start3A_11 = tpu.memref_slice %arg14[%add3A_9, %dma_start3A_10] : memref<10240x128xf32, #tpu.memory_space<vmem_shared>> -> memref<64x128xf32, #tpu.memory_space<vmem_shared>>
    %dma_start3A_12 = arith.constant 0 : i32
    %dma_start3A_13 = tpu.memref_slice %arg14[%add3A_9, %dma_start3A_12] : memref<10240x128xf32, #tpu.memory_space<vmem_shared>> -> memref<64x128xf32, #tpu.memory_space<vmem_shared>>
    tpu.enqueue_dma source(%arg11 : memref<64x128xf32, #tpu.memory_space<vmem>>) target(%dma_start3A_13 : memref<64x128xf32, #tpu.memory_space<vmem_shared>>) target_semaphore(%arg18 : memref<!tpu.dma_semaphore, #tpu.memory_space<semaphore_mem>>)
    %add3A_14 = arith.constant 128 : i32
    %add3A_15 = arith.addi %mul3A_2, %add3A_14 : i32
    %dma_start3A_16 = arith.constant 0 : i32
    %dma_start3A_17 = tpu.memref_slice %arg14[%add3A_15, %dma_start3A_16] : memref<10240x128xf32, #tpu.memory_space<vmem_shared>> -> memref<64x128xf32, #tpu.memory_space<vmem_shared>>
    %dma_start3A_18 = arith.constant 0 : i32
    %dma_start3A_19 = tpu.memref_slice %arg14[%add3A_15, %dma_start3A_18] : memref<10240x128xf32, #tpu.memory_space<vmem_shared>> -> memref<64x128xf32, #tpu.memory_space<vmem_shared>>
    tpu.enqueue_dma source(%arg11 : memref<64x128xf32, #tpu.memory_space<vmem>>) target(%dma_start3A_19 : memref<64x128xf32, #tpu.memory_space<vmem_shared>>) target_semaphore(%arg18 : memref<!tpu.dma_semaphore, #tpu.memory_space<semaphore_mem>>)
    %add3A_20 = arith.constant 192 : i32
    %add3A_21 = arith.addi %mul3A_2, %add3A_20 : i32
    %dma_start3A_22 = arith.constant 0 : i32
    %dma_start3A_23 = tpu.memref_slice %arg14[%add3A_21, %dma_start3A_22] : memref<10240x128xf32, #tpu.memory_space<vmem_shared>> -> memref<64x128xf32, #tpu.memory_space<vmem_shared>>
    %dma_start3A_24 = arith.constant 0 : i32
    %dma_start3A_25 = tpu.memref_slice %arg14[%add3A_21, %dma_start3A_24] : memref<10240x128xf32, #tpu.memory_space<vmem_shared>> -> memref<64x128xf32, #tpu.memory_space<vmem_shared>>
    tpu.enqueue_dma source(%arg11 : memref<64x128xf32, #tpu.memory_space<vmem>>) target(%dma_start3A_25 : memref<64x128xf32, #tpu.memory_space<vmem_shared>>) target_semaphore(%arg18 : memref<!tpu.dma_semaphore, #tpu.memory_space<semaphore_mem>>)
    %add3A_26 = arith.constant 256 : i32
    %add3A_27 = arith.addi %mul3A_2, %add3A_26 : i32
    %dma_start3A_28 = arith.constant 0 : i32
    %dma_start3A_29 = tpu.memref_slice %arg14[%add3A_27, %dma_start3A_28] : memref<10240x128xf32, #tpu.memory_space<vmem_shared>> -> memref<64x128xf32, #tpu.memory_space<vmem_shared>>
    %dma_start3A_30 = arith.constant 0 : i32
    %dma_start3A_31 = tpu.memref_slice %arg14[%add3A_27, %dma_start3A_30] : memref<10240x128xf32, #tpu.memory_space<vmem_shared>> -> memref<64x128xf32, #tpu.memory_space<vmem_shared>>
    tpu.enqueue_dma source(%arg11 : memref<64x128xf32, #tpu.memory_space<vmem>>) target(%dma_start3A_31 : memref<64x128xf32, #tpu.memory_space<vmem_shared>>) target_semaphore(%arg18 : memref<!tpu.dma_semaphore, #tpu.memory_space<semaphore_mem>>)
    %add3A_32 = arith.constant 320 : i32
    %add3A_33 = arith.addi %mul3A_2, %add3A_32 : i32
    %dma_start3A_34 = arith.constant 0 : i32
    %dma_start3A_35 = tpu.memref_slice %arg14[%add3A_33, %dma_start3A_34] : memref<10240x128xf32, #tpu.memory_space<vmem_shared>> -> memref<64x128xf32, #tpu.memory_space<vmem_shared>>
    %dma_start3A_36 = arith.constant 0 : i32
    %dma_start3A_37 = tpu.memref_slice %arg14[%add3A_33, %dma_start3A_36] : memref<10240x128xf32, #tpu.memory_space<vmem_shared>> -> memref<64x128xf32, #tpu.memory_space<vmem_shared>>
    tpu.enqueue_dma source(%arg11 : memref<64x128xf32, #tpu.memory_space<vmem>>) target(%dma_start3A_37 : memref<64x128xf32, #tpu.memory_space<vmem_shared>>) target_semaphore(%arg18 : memref<!tpu.dma_semaphore, #tpu.memory_space<semaphore_mem>>)
    %add3A_38 = arith.constant 384 : i32
    %add3A_39 = arith.addi %mul3A_2, %add3A_38 : i32
    %dma_start3A_40 = arith.constant 0 : i32
    %dma_start3A_41 = tpu.memref_slice %arg14[%add3A_39, %dma_start3A_40] : memref<10240x128xf32, #tpu.memory_space<vmem_shared>> -> memref<64x128xf32, #tpu.memory_space<vmem_shared>>
    %dma_start3A_42 = arith.constant 0 : i32
    %dma_start3A_43 = tpu.memref_slice %arg14[%add3A_39, %dma_start3A_42] : memref<10240x128xf32, #tpu.memory_space<vmem_shared>> -> memref<64x128xf32, #tpu.memory_space<vmem_shared>>
    tpu.enqueue_dma source(%arg11 : memref<64x128xf32, #tpu.memory_space<vmem>>) target(%dma_start3A_43 : memref<64x128xf32, #tpu.memory_space<vmem_shared>>) target_semaphore(%arg18 : memref<!tpu.dma_semaphore, #tpu.memory_space<semaphore_mem>>)
    %add3A_44 = arith.constant 448 : i32
    %add3A_45 = arith.addi %mul3A_2, %add3A_44 : i32
    %dma_start3A_46 = arith.constant 0 : i32
    %dma_start3A_47 = tpu.memref_slice %arg14[%add3A_45, %dma_start3A_46] : memref<10240x128xf32, #tpu.memory_space<vmem_shared>> -> memref<64x128xf32, #tpu.memory_space<vmem_shared>>
    %dma_start3A_48 = arith.constant 0 : i32
    %dma_start3A_49 = tpu.memref_slice %arg14[%add3A_45, %dma_start3A_48] : memref<10240x128xf32, #tpu.memory_space<vmem_shared>> -> memref<64x128xf32, #tpu.memory_space<vmem_shared>>
    tpu.enqueue_dma source(%arg11 : memref<64x128xf32, #tpu.memory_space<vmem>>) target(%dma_start3A_49 : memref<64x128xf32, #tpu.memory_space<vmem_shared>>) target_semaphore(%arg18 : memref<!tpu.dma_semaphore, #tpu.memory_space<semaphore_mem>>)
    %add3A_50 = arith.constant 512 : i32
    %add3A_51 = arith.addi %mul3A_2, %add3A_50 : i32
    %dma_start3A_52 = arith.constant 0 : i32
    %dma_start3A_53 = tpu.memref_slice %arg14[%add3A_51, %dma_start3A_52] : memref<10240x128xf32, #tpu.memory_space<vmem_shared>> -> memref<64x128xf32, #tpu.memory_space<vmem_shared>>
    %dma_start3A_54 = arith.constant 0 : i32
    %dma_start3A_55 = tpu.memref_slice %arg14[%add3A_51, %dma_start3A_54] : memref<10240x128xf32, #tpu.memory_space<vmem_shared>> -> memref<64x128xf32, #tpu.memory_space<vmem_shared>>
    tpu.enqueue_dma source(%arg11 : memref<64x128xf32, #tpu.memory_space<vmem>>) target(%dma_start3A_55 : memref<64x128xf32, #tpu.memory_space<vmem_shared>>) target_semaphore(%arg18 : memref<!tpu.dma_semaphore, #tpu.memory_space<semaphore_mem>>)
    %add3A_56 = arith.constant 576 : i32
    %add3A_57 = arith.addi %mul3A_2, %add3A_56 : i32
    %dma_start3A_58 = arith.constant 0 : i32
    %dma_start3A_59 = tpu.memref_slice %arg14[%add3A_57, %dma_start3A_58] : memref<10240x128xf32, #tpu.memory_space<vmem_shared>> -> memref<64x128xf32, #tpu.memory_space<vmem_shared>>
    %dma_start3A_60 = arith.constant 0 : i32
    %dma_start3A_61 = tpu.memref_slice %arg14[%add3A_57, %dma_start3A_60] : memref<10240x128xf32, #tpu.memory_space<vmem_shared>> -> memref<64x128xf32, #tpu.memory_space<vmem_shared>>
    tpu.enqueue_dma source(%arg11 : memref<64x128xf32, #tpu.memory_space<vmem>>) target(%dma_start3A_61 : memref<64x128xf32, #tpu.memory_space<vmem_shared>>) target_semaphore(%arg18 : memref<!tpu.dma_semaphore, #tpu.memory_space<semaphore_mem>>)
    %mul3A_62 = arith.constant 156 : i32
    %mul3A_63 = arith.muli %add3A, %mul3A_62 : i32
    %dma_start3A_64 = arith.constant 0 : i32
    %dma_start3A_65 = tpu.memref_slice %arg3[%mul3A_63, %dma_start3A_64] : memref<5000x64xi32, #tpu.memory_space<hbm>> -> memref<156x64xi32, #tpu.memory_space<hbm>>
    %dma_start3A_66 = arith.constant 0 : i32
    %dma_start3A_67 = tpu.memref_slice %arg3[%mul3A_63, %dma_start3A_66] : memref<5000x64xi32, #tpu.memory_space<hbm>> -> memref<156x64xi32, #tpu.memory_space<hbm>>
    tpu.enqueue_dma source(%dma_start3A_67 : memref<156x64xi32, #tpu.memory_space<hbm>>) target(%arg7 : memref<156x64xi32, #tpu.memory_space<vmem>>) target_semaphore(%arg16 : memref<!tpu.dma_semaphore, #tpu.memory_space<semaphore_mem>>)
    %mul3A_68 = arith.constant 156 : i32
    %mul3A_69 = arith.muli %add3A, %mul3A_68 : i32
    %dma_start3A_70 = arith.constant 0 : i32
    %dma_start3A_71 = tpu.memref_slice %arg4[%mul3A_69, %dma_start3A_70] : memref<5000x64xi32, #tpu.memory_space<hbm>> -> memref<156x64xi32, #tpu.memory_space<hbm>>
    %dma_start3A_72 = arith.constant 0 : i32
    %dma_start3A_73 = tpu.memref_slice %arg4[%mul3A_69, %dma_start3A_72] : memref<5000x64xi32, #tpu.memory_space<hbm>> -> memref<156x64xi32, #tpu.memory_space<hbm>>
    tpu.enqueue_dma source(%dma_start3A_73 : memref<156x64xi32, #tpu.memory_space<hbm>>) target(%arg8 : memref<156x64xi32, #tpu.memory_space<vmem>>) target_semaphore(%arg17 : memref<!tpu.dma_semaphore, #tpu.memory_space<semaphore_mem>>)
    %dma_wait3A = arith.constant 0 : i32
    %dma_wait3A_74 = tpu.memref_slice %arg14[%mul3A_2, %dma_wait3A] : memref<10240x128xf32, #tpu.memory_space<vmem_shared>> -> memref<64x128xf32, #tpu.memory_space<vmem_shared>>
    %dma_wait3A_75 = arith.constant 0 : i32
    %dma_wait3A_76 = tpu.memref_slice %arg14[%mul3A_2, %dma_wait3A_75] : memref<10240x128xf32, #tpu.memory_space<vmem_shared>> -> memref<64x128xf32, #tpu.memory_space<vmem_shared>>
    tpu.wait_dma2 semaphore(%arg18 : memref<!tpu.dma_semaphore, #tpu.memory_space<semaphore_mem>>) src(%arg11 : memref<64x128xf32, #tpu.memory_space<vmem>>) dst(%dma_wait3A_76 : memref<64x128xf32, #tpu.memory_space<vmem_shared>>)
    %dma_wait3A_77 = arith.constant 0 : i32
    %dma_wait3A_78 = tpu.memref_slice %arg14[%mul3A_2, %dma_wait3A_77] : memref<10240x128xf32, #tpu.memory_space<vmem_shared>> -> memref<64x128xf32, #tpu.memory_space<vmem_shared>>
    %dma_wait3A_79 = arith.constant 0 : i32
    %dma_wait3A_80 = tpu.memref_slice %arg14[%mul3A_2, %dma_wait3A_79] : memref<10240x128xf32, #tpu.memory_space<vmem_shared>> -> memref<64x128xf32, #tpu.memory_space<vmem_shared>>
    tpu.wait_dma2 semaphore(%arg18 : memref<!tpu.dma_semaphore, #tpu.memory_space<semaphore_mem>>) src(%arg11 : memref<64x128xf32, #tpu.memory_space<vmem>>) dst(%dma_wait3A_80 : memref<64x128xf32, #tpu.memory_space<vmem_shared>>)
    %dma_wait3A_81 = arith.constant 0 : i32
    %dma_wait3A_82 = tpu.memref_slice %arg14[%mul3A_2, %dma_wait3A_81] : memref<10240x128xf32, #tpu.memory_space<vmem_shared>> -> memref<64x128xf32, #tpu.memory_space<vmem_shared>>
    %dma_wait3A_83 = arith.constant 0 : i32
    %dma_wait3A_84 = tpu.memref_slice %arg14[%mul3A_2, %dma_wait3A_83] : memref<10240x128xf32, #tpu.memory_space<vmem_shared>> -> memref<64x128xf32, #tpu.memory_space<vmem_shared>>
    tpu.wait_dma2 semaphore(%arg18 : memref<!tpu.dma_semaphore, #tpu.memory_space<semaphore_mem>>) src(%arg11 : memref<64x128xf32, #tpu.memory_space<vmem>>) dst(%dma_wait3A_84 : memref<64x128xf32, #tpu.memory_space<vmem_shared>>)
    %dma_wait3A_85 = arith.constant 0 : i32
    %dma_wait3A_86 = tpu.memref_slice %arg14[%mul3A_2, %dma_wait3A_85] : memref<10240x128xf32, #tpu.memory_space<vmem_shared>> -> memref<64x128xf32, #tpu.memory_space<vmem_shared>>
    %dma_wait3A_87 = arith.constant 0 : i32
    %dma_wait3A_88 = tpu.memref_slice %arg14[%mul3A_2, %dma_wait3A_87] : memref<10240x128xf32, #tpu.memory_space<vmem_shared>> -> memref<64x128xf32, #tpu.memory_space<vmem_shared>>
    tpu.wait_dma2 semaphore(%arg18 : memref<!tpu.dma_semaphore, #tpu.memory_space<semaphore_mem>>) src(%arg11 : memref<64x128xf32, #tpu.memory_space<vmem>>) dst(%dma_wait3A_88 : memref<64x128xf32, #tpu.memory_space<vmem_shared>>)
    %dma_wait3A_89 = arith.constant 0 : i32
    %dma_wait3A_90 = tpu.memref_slice %arg14[%mul3A_2, %dma_wait3A_89] : memref<10240x128xf32, #tpu.memory_space<vmem_shared>> -> memref<64x128xf32, #tpu.memory_space<vmem_shared>>
    %dma_wait3A_91 = arith.constant 0 : i32
    %dma_wait3A_92 = tpu.memref_slice %arg14[%mul3A_2, %dma_wait3A_91] : memref<10240x128xf32, #tpu.memory_space<vmem_shared>> -> memref<64x128xf32, #tpu.memory_space<vmem_shared>>
    tpu.wait_dma2 semaphore(%arg18 : memref<!tpu.dma_semaphore, #tpu.memory_space<semaphore_mem>>) src(%arg11 : memref<64x128xf32, #tpu.memory_space<vmem>>) dst(%dma_wait3A_92 : memref<64x128xf32, #tpu.memory_space<vmem_shared>>)
    %dma_wait3A_93 = arith.constant 0 : i32
    %dma_wait3A_94 = tpu.memref_slice %arg14[%mul3A_2, %dma_wait3A_93] : memref<10240x128xf32, #tpu.memory_space<vmem_shared>> -> memref<64x128xf32, #tpu.memory_space<vmem_shared>>
    %dma_wait3A_95 = arith.constant 0 : i32
    %dma_wait3A_96 = tpu.memref_slice %arg14[%mul3A_2, %dma_wait3A_95] : memref<10240x128xf32, #tpu.memory_space<vmem_shared>> -> memref<64x128xf32, #tpu.memory_space<vmem_shared>>
    tpu.wait_dma2 semaphore(%arg18 : memref<!tpu.dma_semaphore, #tpu.memory_space<semaphore_mem>>) src(%arg11 : memref<64x128xf32, #tpu.memory_space<vmem>>) dst(%dma_wait3A_96 : memref<64x128xf32, #tpu.memory_space<vmem_shared>>)
    %dma_wait3A_97 = arith.constant 0 : i32
    %dma_wait3A_98 = tpu.memref_slice %arg14[%mul3A_2, %dma_wait3A_97] : memref<10240x128xf32, #tpu.memory_space<vmem_shared>> -> memref<64x128xf32, #tpu.memory_space<vmem_shared>>
    %dma_wait3A_99 = arith.constant 0 : i32
    %dma_wait3A_100 = tpu.memref_slice %arg14[%mul3A_2, %dma_wait3A_99] : memref<10240x128xf32, #tpu.memory_space<vmem_shared>> -> memref<64x128xf32, #tpu.memory_space<vmem_shared>>
    tpu.wait_dma2 semaphore(%arg18 : memref<!tpu.dma_semaphore, #tpu.memory_space<semaphore_mem>>) src(%arg11 : memref<64x128xf32, #tpu.memory_space<vmem>>) dst(%dma_wait3A_100 : memref<64x128xf32, #tpu.memory_space<vmem_shared>>)
    %dma_wait3A_101 = arith.constant 0 : i32
    %dma_wait3A_102 = tpu.memref_slice %arg14[%mul3A_2, %dma_wait3A_101] : memref<10240x128xf32, #tpu.memory_space<vmem_shared>> -> memref<64x128xf32, #tpu.memory_space<vmem_shared>>
    %dma_wait3A_103 = arith.constant 0 : i32
    %dma_wait3A_104 = tpu.memref_slice %arg14[%mul3A_2, %dma_wait3A_103] : memref<10240x128xf32, #tpu.memory_space<vmem_shared>> -> memref<64x128xf32, #tpu.memory_space<vmem_shared>>
    tpu.wait_dma2 semaphore(%arg18 : memref<!tpu.dma_semaphore, #tpu.memory_space<semaphore_mem>>) src(%arg11 : memref<64x128xf32, #tpu.memory_space<vmem>>) dst(%dma_wait3A_104 : memref<64x128xf32, #tpu.memory_space<vmem_shared>>)
    %dma_wait3A_105 = arith.constant 0 : i32
    %dma_wait3A_106 = tpu.memref_slice %arg14[%mul3A_2, %dma_wait3A_105] : memref<10240x128xf32, #tpu.memory_space<vmem_shared>> -> memref<64x128xf32, #tpu.memory_space<vmem_shared>>
    %dma_wait3A_107 = arith.constant 0 : i32
    %dma_wait3A_108 = tpu.memref_slice %arg14[%mul3A_2, %dma_wait3A_107] : memref<10240x128xf32, #tpu.memory_space<vmem_shared>> -> memref<64x128xf32, #tpu.memory_space<vmem_shared>>
    tpu.wait_dma2 semaphore(%arg18 : memref<!tpu.dma_semaphore, #tpu.memory_space<semaphore_mem>>) src(%arg11 : memref<64x128xf32, #tpu.memory_space<vmem>>) dst(%dma_wait3A_108 : memref<64x128xf32, #tpu.memory_space<vmem_shared>>)
    %dma_wait3A_109 = arith.constant 0 : i32
    %dma_wait3A_110 = tpu.memref_slice %arg14[%mul3A_2, %dma_wait3A_109] : memref<10240x128xf32, #tpu.memory_space<vmem_shared>> -> memref<64x128xf32, #tpu.memory_space<vmem_shared>>
    %dma_wait3A_111 = arith.constant 0 : i32
    %dma_wait3A_112 = tpu.memref_slice %arg14[%mul3A_2, %dma_wait3A_111] : memref<10240x128xf32, #tpu.memory_space<vmem_shared>> -> memref<64x128xf32, #tpu.memory_space<vmem_shared>>
    tpu.wait_dma2 semaphore(%arg18 : memref<!tpu.dma_semaphore, #tpu.memory_space<semaphore_mem>>) src(%arg11 : memref<64x128xf32, #tpu.memory_space<vmem>>) dst(%dma_wait3A_112 : memref<64x128xf32, #tpu.memory_space<vmem_shared>>)
    %dma_wait3A_113 = arith.constant 0 : i32
    %dma_wait3A_114 = arith.constant 0 : i32
    %dma_wait3A_115 = tpu.memref_slice %arg3[%dma_wait3A_113, %dma_wait3A_114] : memref<5000x64xi32, #tpu.memory_space<hbm>> -> memref<156x64xi32, #tpu.memory_space<hbm>>
    %dma_wait3A_116 = arith.constant 0 : i32
    %dma_wait3A_117 = arith.constant 0 : i32
    %dma_wait3A_118 = tpu.memref_slice %arg3[%dma_wait3A_116, %dma_wait3A_117] : memref<5000x64xi32, #tpu.memory_space<hbm>> -> memref<156x64xi32, #tpu.memory_space<hbm>>
    tpu.wait_dma2 semaphore(%arg16 : memref<!tpu.dma_semaphore, #tpu.memory_space<semaphore_mem>>) src(%dma_wait3A_118 : memref<156x64xi32, #tpu.memory_space<hbm>>) dst(%arg7 : memref<156x64xi32, #tpu.memory_space<vmem>>)
    %dma_wait3A_119 = arith.constant 0 : i32
    %dma_wait3A_120 = arith.constant 0 : i32
    %dma_wait3A_121 = tpu.memref_slice %arg4[%dma_wait3A_119, %dma_wait3A_120] : memref<5000x64xi32, #tpu.memory_space<hbm>> -> memref<156x64xi32, #tpu.memory_space<hbm>>
    %dma_wait3A_122 = arith.constant 0 : i32
    %dma_wait3A_123 = arith.constant 0 : i32
    %dma_wait3A_124 = tpu.memref_slice %arg4[%dma_wait3A_122, %dma_wait3A_123] : memref<5000x64xi32, #tpu.memory_space<hbm>> -> memref<156x64xi32, #tpu.memory_space<hbm>>
    tpu.wait_dma2 semaphore(%arg17 : memref<!tpu.dma_semaphore, #tpu.memory_space<semaphore_mem>>) src(%dma_wait3A_124 : memref<156x64xi32, #tpu.memory_space<hbm>>) dst(%arg8 : memref<156x64xi32, #tpu.memory_space<vmem>>)
    %barrier3A = arith.constant 0 : index
    tpu.barrier barrier_id(%barrier3A)
    %dma_start3A_125 = arith.constant 0 : i32
    %dma_start3A_126 = arith.constant 0 : i32
    %dma_start3A_127 = tpu.memref_slice %arg7[%dma_start3A_125, %dma_start3A_126] : memref<156x64xi32, #tpu.memory_space<vmem>> -> memref<1x64xi32, #tpu.memory_space<vmem>>
    %dma_start3A_128 = tpu.memref_squeeze %dma_start3A_127 : memref<1x64xi32, #tpu.memory_space<vmem>> -> memref<64xi32, #tpu.memory_space<vmem>>
    %dma_start3A_129 = arith.constant 0 : i32
    %dma_start3A_130 = arith.constant 0 : i32
    %dma_start3A_131 = tpu.memref_slice %arg2[%dma_start3A_129, %dma_start3A_130] : memref<10000x128xf32, #tpu.memory_space<hbm>> -> memref<10000x128xf32, #tpu.memory_space<hbm>>
    tpu.enqueue_indirect_dma source(%dma_start3A_131 : memref<10000x128xf32, #tpu.memory_space<hbm>>) target(%arg11 : memref<64x128xf32, #tpu.memory_space<vmem>>) offsets(%dma_start3A_128 : memref<64xi32, #tpu.memory_space<vmem>>) semaphore(%arg15 : memref<!tpu.dma_semaphore, #tpu.memory_space<semaphore_mem>>)
    %dma_start3A_132 = arith.constant 1 : i32
    %dma_start3A_133 = arith.constant 0 : i32
    %dma_start3A_134 = tpu.memref_slice %arg7[%dma_start3A_132, %dma_start3A_133] : memref<156x64xi32, #tpu.memory_space<vmem>> -> memref<1x64xi32, #tpu.memory_space<vmem>>
    %dma_start3A_135 = tpu.memref_squeeze %dma_start3A_134 : memref<1x64xi32, #tpu.memory_space<vmem>> -> memref<64xi32, #tpu.memory_space<vmem>>
    %dma_start3A_136 = arith.constant 0 : i32
    %dma_start3A_137 = arith.constant 0 : i32
    %dma_start3A_138 = tpu.memref_slice %arg2[%dma_start3A_136, %dma_start3A_137] : memref<10000x128xf32, #tpu.memory_space<hbm>> -> memref<10000x128xf32, #tpu.memory_space<hbm>>
    tpu.enqueue_indirect_dma source(%dma_start3A_138 : memref<10000x128xf32, #tpu.memory_space<hbm>>) target(%arg12 : memref<64x128xf32, #tpu.memory_space<vmem>>) offsets(%dma_start3A_135 : memref<64xi32, #tpu.memory_space<vmem>>) semaphore(%arg16 : memref<!tpu.dma_semaphore, #tpu.memory_space<semaphore_mem>>)
    %dma_wait3A_139 = arith.constant 0 : i32
    %dma_wait3A_140 = arith.constant 0 : i32
    %dma_wait3A_141 = tpu.memref_slice %arg7[%dma_wait3A_139, %dma_wait3A_140] : memref<156x64xi32, #tpu.memory_space<vmem>> -> memref<1x64xi32, #tpu.memory_space<vmem>>
    %dma_wait3A_142 = tpu.memref_squeeze %dma_wait3A_141 : memref<1x64xi32, #tpu.memory_space<vmem>> -> memref<64xi32, #tpu.memory_space<vmem>>
    %dma_wait3A_143 = arith.constant 0 : i32
    %dma_wait3A_144 = arith.constant 0 : i32
    %dma_wait3A_145 = tpu.memref_slice %arg2[%dma_wait3A_143, %dma_wait3A_144] : memref<10000x128xf32, #tpu.memory_space<hbm>> -> memref<10000x128xf32, #tpu.memory_space<hbm>>
    tpu.wait_indirect_dma semaphore(%arg15 : memref<!tpu.dma_semaphore, #tpu.memory_space<semaphore_mem>>) src(%dma_wait3A_145 : memref<10000x128xf32, #tpu.memory_space<hbm>>) dst(%arg11 : memref<64x128xf32, #tpu.memory_space<vmem>>)
    %dma_start3A_146 = arith.constant 0 : i32
    %dma_start3A_147 = arith.constant 0 : i32
    %dma_start3A_148 = tpu.memref_slice %arg8[%dma_start3A_146, %dma_start3A_147] : memref<156x64xi32, #tpu.memory_space<vmem>> -> memref<1x64xi32, #tpu.memory_space<vmem>>
    %dma_start3A_149 = tpu.memref_squeeze %dma_start3A_148 : memref<1x64xi32, #tpu.memory_space<vmem>> -> memref<64xi32, #tpu.memory_space<vmem>>
    %dma_start3A_150 = arith.constant 0 : i32
    %dma_start3A_151 = arith.constant 0 : i32
    %dma_start3A_152 = tpu.memref_slice %arg14[%dma_start3A_150, %dma_start3A_151] : memref<10240x128xf32, #tpu.memory_space<vmem_shared>> -> memref<10240x128xf32, #tpu.memory_space<vmem_shared>>
    tpu.enqueue_indirect_dma source(%arg11 : memref<64x128xf32, #tpu.memory_space<vmem>>) target(%dma_start3A_152 : memref<10240x128xf32, #tpu.memory_space<vmem_shared>>) offsets(%dma_start3A_149 : memref<64xi32, #tpu.memory_space<vmem>>) semaphore(%arg18 : memref<!tpu.dma_semaphore, #tpu.memory_space<semaphore_mem>>) {add = true}
    %dma_start3A_153 = arith.constant 2 : i32
    %dma_start3A_154 = arith.constant 0 : i32
    %dma_start3A_155 = tpu.memref_slice %arg7[%dma_start3A_153, %dma_start3A_154] : memref<156x64xi32, #tpu.memory_space<vmem>> -> memref<1x64xi32, #tpu.memory_space<vmem>>
    %dma_start3A_156 = tpu.memref_squeeze %dma_start3A_155 : memref<1x64xi32, #tpu.memory_space<vmem>> -> memref<64xi32, #tpu.memory_space<vmem>>
    %dma_start3A_157 = arith.constant 0 : i32
    %dma_start3A_158 = arith.constant 0 : i32
    %dma_start3A_159 = tpu.memref_slice %arg2[%dma_start3A_157, %dma_start3A_158] : memref<10000x128xf32, #tpu.memory_space<hbm>> -> memref<10000x128xf32, #tpu.memory_space<hbm>>
    tpu.enqueue_indirect_dma source(%dma_start3A_159 : memref<10000x128xf32, #tpu.memory_space<hbm>>) target(%arg13 : memref<64x128xf32, #tpu.memory_space<vmem>>) offsets(%dma_start3A_156 : memref<64xi32, #tpu.memory_space<vmem>>) semaphore(%arg17 : memref<!tpu.dma_semaphore, #tpu.memory_space<semaphore_mem>>)
    %scan3A = arith.constant 0 : i32
    %scan3A_160 = arith.constant 0 : i32
    %scan3A_161 = arith.constant 51 : i32
    %scan3A_162 = arith.addi %scan3A_160, %scan3A_161 : i32
    %scan3A_163 = arith.constant 1 : i32
    scf.for %scan3A_357 = %scan3A_160 to %scan3A_162 step %scan3A_163  : i32 {
      %mul3A_358 = arith.constant 3 : i32
      %mul3A_359 = arith.muli %mul3A_358, %scan3A_357 : i32
      %add3A_360 = arith.constant 1 : i32
      %add3A_361 = arith.addi %add3A_360, %mul3A_359 : i32
      %add3A_362 = arith.constant 0 : i32
      %add3A_363 = arith.addi %add3A_361, %add3A_362 : i32
      %dma_wait3A_364 = arith.constant 0 : i32
      %dma_wait3A_365 = arith.constant 0 : i32
      %dma_wait3A_366 = tpu.memref_slice %arg7[%dma_wait3A_364, %dma_wait3A_365] : memref<156x64xi32, #tpu.memory_space<vmem>> -> memref<1x64xi32, #tpu.memory_space<vmem>>
      %dma_wait3A_367 = tpu.memref_squeeze %dma_wait3A_366 : memref<1x64xi32, #tpu.memory_space<vmem>> -> memref<64xi32, #tpu.memory_space<vmem>>
      %dma_wait3A_368 = arith.constant 0 : i32
      %dma_wait3A_369 = arith.constant 0 : i32
      %dma_wait3A_370 = tpu.memref_slice %arg2[%dma_wait3A_368, %dma_wait3A_369] : memref<10000x128xf32, #tpu.memory_space<hbm>> -> memref<10000x128xf32, #tpu.memory_space<hbm>>
      tpu.wait_indirect_dma semaphore(%arg16 : memref<!tpu.dma_semaphore, #tpu.memory_space<semaphore_mem>>) src(%dma_wait3A_370 : memref<10000x128xf32, #tpu.memory_space<hbm>>) dst(%arg12 : memref<64x128xf32, #tpu.memory_space<vmem>>)
      %dma_start3A_371 = arith.constant 0 : i32
      %dma_start3A_372 = tpu.memref_slice %arg8[%add3A_363, %dma_start3A_371] : memref<156x64xi32, #tpu.memory_space<vmem>> -> memref<1x64xi32, #tpu.memory_space<vmem>>
      %dma_start3A_373 = tpu.memref_squeeze %dma_start3A_372 : memref<1x64xi32, #tpu.memory_space<vmem>> -> memref<64xi32, #tpu.memory_space<vmem>>
      %dma_start3A_374 = arith.constant 0 : i32
      %dma_start3A_375 = arith.constant 0 : i32
      %dma_start3A_376 = tpu.memref_slice %arg14[%dma_start3A_374, %dma_start3A_375] : memref<10240x128xf32, #tpu.memory_space<vmem_shared>> -> memref<10240x128xf32, #tpu.memory_space<vmem_shared>>
      tpu.enqueue_indirect_dma source(%arg12 : memref<64x128xf32, #tpu.memory_space<vmem>>) target(%dma_start3A_376 : memref<10240x128xf32, #tpu.memory_space<vmem_shared>>) offsets(%dma_start3A_373 : memref<64xi32, #tpu.memory_space<vmem>>) semaphore(%arg19 : memref<!tpu.dma_semaphore, #tpu.memory_space<semaphore_mem>>) {add = true}
      %dma_wait3A_377 = arith.constant 0 : i32
      %dma_wait3A_378 = arith.constant 0 : i32
      %dma_wait3A_379 = tpu.memref_slice %arg8[%dma_wait3A_377, %dma_wait3A_378] : memref<156x64xi32, #tpu.memory_space<vmem>> -> memref<1x64xi32, #tpu.memory_space<vmem>>
      %dma_wait3A_380 = tpu.memref_squeeze %dma_wait3A_379 : memref<1x64xi32, #tpu.memory_space<vmem>> -> memref<64xi32, #tpu.memory_space<vmem>>
      %dma_wait3A_381 = arith.constant 0 : i32
      %dma_wait3A_382 = arith.constant 0 : i32
      %dma_wait3A_383 = tpu.memref_slice %arg14[%dma_wait3A_381, %dma_wait3A_382] : memref<10240x128xf32, #tpu.memory_space<vmem_shared>> -> memref<10240x128xf32, #tpu.memory_space<vmem_shared>>
      tpu.wait_indirect_dma semaphore(%arg18 : memref<!tpu.dma_semaphore, #tpu.memory_space<semaphore_mem>>) src(%arg11 : memref<64x128xf32, #tpu.memory_space<vmem>>) dst(%dma_wait3A_383 : memref<10240x128xf32, #tpu.memory_space<vmem_shared>>)
      %add3A_384 = arith.constant 3 : i32
      %add3A_385 = arith.addi %add3A_363, %add3A_384 : i32
      %sub3A = arith.constant 1 : i32
      %sub3A_386 = arith.subi %add3A_385, %sub3A : i32
      %dma_start3A_387 = arith.constant 0 : i32
      %dma_start3A_388 = tpu.memref_slice %arg7[%sub3A_386, %dma_start3A_387] : memref<156x64xi32, #tpu.memory_space<vmem>> -> memref<1x64xi32, #tpu.memory_space<vmem>>
      %dma_start3A_389 = tpu.memref_squeeze %dma_start3A_388 : memref<1x64xi32, #tpu.memory_space<vmem>> -> memref<64xi32, #tpu.memory_space<vmem>>
      %dma_start3A_390 = arith.constant 0 : i32
      %dma_start3A_391 = arith.constant 0 : i32
      %dma_start3A_392 = tpu.memref_slice %arg2[%dma_start3A_390, %dma_start3A_391] : memref<10000x128xf32, #tpu.memory_space<hbm>> -> memref<10000x128xf32, #tpu.memory_space<hbm>>
      tpu.enqueue_indirect_dma source(%dma_start3A_392 : memref<10000x128xf32, #tpu.memory_space<hbm>>) target(%arg11 : memref<64x128xf32, #tpu.memory_space<vmem>>) offsets(%dma_start3A_389 : memref<64xi32, #tpu.memory_space<vmem>>) semaphore(%arg15 : memref<!tpu.dma_semaphore, #tpu.memory_space<semaphore_mem>>)
      %add3A_393 = arith.constant 1 : i32
      %add3A_394 = arith.addi %add3A_361, %add3A_393 : i32
      %dma_wait3A_395 = arith.constant 0 : i32
      %dma_wait3A_396 = arith.constant 0 : i32
      %dma_wait3A_397 = tpu.memref_slice %arg7[%dma_wait3A_395, %dma_wait3A_396] : memref<156x64xi32, #tpu.memory_space<vmem>> -> memref<1x64xi32, #tpu.memory_space<vmem>>
      %dma_wait3A_398 = tpu.memref_squeeze %dma_wait3A_397 : memref<1x64xi32, #tpu.memory_space<vmem>> -> memref<64xi32, #tpu.memory_space<vmem>>
      %dma_wait3A_399 = arith.constant 0 : i32
      %dma_wait3A_400 = arith.constant 0 : i32
      %dma_wait3A_401 = tpu.memref_slice %arg2[%dma_wait3A_399, %dma_wait3A_400] : memref<10000x128xf32, #tpu.memory_space<hbm>> -> memref<10000x128xf32, #tpu.memory_space<hbm>>
      tpu.wait_indirect_dma semaphore(%arg17 : memref<!tpu.dma_semaphore, #tpu.memory_space<semaphore_mem>>) src(%dma_wait3A_401 : memref<10000x128xf32, #tpu.memory_space<hbm>>) dst(%arg13 : memref<64x128xf32, #tpu.memory_space<vmem>>)
      %dma_start3A_402 = arith.constant 0 : i32
      %dma_start3A_403 = tpu.memref_slice %arg8[%add3A_394, %dma_start3A_402] : memref<156x64xi32, #tpu.memory_space<vmem>> -> memref<1x64xi32, #tpu.memory_space<vmem>>
      %dma_start3A_404 = tpu.memref_squeeze %dma_start3A_403 : memref<1x64xi32, #tpu.memory_space<vmem>> -> memref<64xi32, #tpu.memory_space<vmem>>
      %dma_start3A_405 = arith.constant 0 : i32
      %dma_start3A_406 = arith.constant 0 : i32
      %dma_start3A_407 = tpu.memref_slice %arg14[%dma_start3A_405, %dma_start3A_406] : memref<10240x128xf32, #tpu.memory_space<vmem_shared>> -> memref<10240x128xf32, #tpu.memory_space<vmem_shared>>
      tpu.enqueue_indirect_dma source(%arg13 : memref<64x128xf32, #tpu.memory_space<vmem>>) target(%dma_start3A_407 : memref<10240x128xf32, #tpu.memory_space<vmem_shared>>) offsets(%dma_start3A_404 : memref<64xi32, #tpu.memory_space<vmem>>) semaphore(%arg20 : memref<!tpu.dma_semaphore, #tpu.memory_space<semaphore_mem>>) {add = true}
      %dma_wait3A_408 = arith.constant 0 : i32
      %dma_wait3A_409 = arith.constant 0 : i32
      %dma_wait3A_410 = tpu.memref_slice %arg8[%dma_wait3A_408, %dma_wait3A_409] : memref<156x64xi32, #tpu.memory_space<vmem>> -> memref<1x64xi32, #tpu.memory_space<vmem>>
      %dma_wait3A_411 = tpu.memref_squeeze %dma_wait3A_410 : memref<1x64xi32, #tpu.memory_space<vmem>> -> memref<64xi32, #tpu.memory_space<vmem>>
      %dma_wait3A_412 = arith.constant 0 : i32
      %dma_wait3A_413 = arith.constant 0 : i32
      %dma_wait3A_414 = tpu.memref_slice %arg14[%dma_wait3A_412, %dma_wait3A_413] : memref<10240x128xf32, #tpu.memory_space<vmem_shared>> -> memref<10240x128xf32, #tpu.memory_space<vmem_shared>>
      tpu.wait_indirect_dma semaphore(%arg19 : memref<!tpu.dma_semaphore, #tpu.memory_space<semaphore_mem>>) src(%arg12 : memref<64x128xf32, #tpu.memory_space<vmem>>) dst(%dma_wait3A_414 : memref<10240x128xf32, #tpu.memory_space<vmem_shared>>)
      %add3A_415 = arith.constant 3 : i32
      %add3A_416 = arith.addi %add3A_394, %add3A_415 : i32
      %sub3A_417 = arith.constant 1 : i32
      %sub3A_418 = arith.subi %add3A_416, %sub3A_417 : i32
      %dma_start3A_419 = arith.constant 0 : i32
      %dma_start3A_420 = tpu.memref_slice %arg7[%sub3A_418, %dma_start3A_419] : memref<156x64xi32, #tpu.memory_space<vmem>> -> memref<1x64xi32, #tpu.memory_space<vmem>>
      %dma_start3A_421 = tpu.memref_squeeze %dma_start3A_420 : memref<1x64xi32, #tpu.memory_space<vmem>> -> memref<64xi32, #tpu.memory_space<vmem>>
      %dma_start3A_422 = arith.constant 0 : i32
      %dma_start3A_423 = arith.constant 0 : i32
      %dma_start3A_424 = tpu.memref_slice %arg2[%dma_start3A_422, %dma_start3A_423] : memref<10000x128xf32, #tpu.memory_space<hbm>> -> memref<10000x128xf32, #tpu.memory_space<hbm>>
      tpu.enqueue_indirect_dma source(%dma_start3A_424 : memref<10000x128xf32, #tpu.memory_space<hbm>>) target(%arg12 : memref<64x128xf32, #tpu.memory_space<vmem>>) offsets(%dma_start3A_421 : memref<64xi32, #tpu.memory_space<vmem>>) semaphore(%arg16 : memref<!tpu.dma_semaphore, #tpu.memory_space<semaphore_mem>>)
      %add3A_425 = arith.constant 2 : i32
      %add3A_426 = arith.addi %add3A_361, %add3A_425 : i32
      %dma_wait3A_427 = arith.constant 0 : i32
      %dma_wait3A_428 = arith.constant 0 : i32
      %dma_wait3A_429 = tpu.memref_slice %arg7[%dma_wait3A_427, %dma_wait3A_428] : memref<156x64xi32, #tpu.memory_space<vmem>> -> memref<1x64xi32, #tpu.memory_space<vmem>>
      %dma_wait3A_430 = tpu.memref_squeeze %dma_wait3A_429 : memref<1x64xi32, #tpu.memory_space<vmem>> -> memref<64xi32, #tpu.memory_space<vmem>>
      %dma_wait3A_431 = arith.constant 0 : i32
      %dma_wait3A_432 = arith.constant 0 : i32
      %dma_wait3A_433 = tpu.memref_slice %arg2[%dma_wait3A_431, %dma_wait3A_432] : memref<10000x128xf32, #tpu.memory_space<hbm>> -> memref<10000x128xf32, #tpu.memory_space<hbm>>
      tpu.wait_indirect_dma semaphore(%arg15 : memref<!tpu.dma_semaphore, #tpu.memory_space<semaphore_mem>>) src(%dma_wait3A_433 : memref<10000x128xf32, #tpu.memory_space<hbm>>) dst(%arg11 : memref<64x128xf32, #tpu.memory_space<vmem>>)
      %dma_start3A_434 = arith.constant 0 : i32
      %dma_start3A_435 = tpu.memref_slice %arg8[%add3A_426, %dma_start3A_434] : memref<156x64xi32, #tpu.memory_space<vmem>> -> memref<1x64xi32, #tpu.memory_space<vmem>>
      %dma_start3A_436 = tpu.memref_squeeze %dma_start3A_435 : memref<1x64xi32, #tpu.memory_space<vmem>> -> memref<64xi32, #tpu.memory_space<vmem>>
      %dma_start3A_437 = arith.constant 0 : i32
      %dma_start3A_438 = arith.constant 0 : i32
      %dma_start3A_439 = tpu.memref_slice %arg14[%dma_start3A_437, %dma_start3A_438] : memref<10240x128xf32, #tpu.memory_space<vmem_shared>> -> memref<10240x128xf32, #tpu.memory_space<vmem_shared>>
      tpu.enqueue_indirect_dma source(%arg11 : memref<64x128xf32, #tpu.memory_space<vmem>>) target(%dma_start3A_439 : memref<10240x128xf32, #tpu.memory_space<vmem_shared>>) offsets(%dma_start3A_436 : memref<64xi32, #tpu.memory_space<vmem>>) semaphore(%arg18 : memref<!tpu.dma_semaphore, #tpu.memory_space<semaphore_mem>>) {add = true}
      %dma_wait3A_440 = arith.constant 0 : i32
      %dma_wait3A_441 = arith.constant 0 : i32
      %dma_wait3A_442 = tpu.memref_slice %arg8[%dma_wait3A_440, %dma_wait3A_441] : memref<156x64xi32, #tpu.memory_space<vmem>> -> memref<1x64xi32, #tpu.memory_space<vmem>>
      %dma_wait3A_443 = tpu.memref_squeeze %dma_wait3A_442 : memref<1x64xi32, #tpu.memory_space<vmem>> -> memref<64xi32, #tpu.memory_space<vmem>>
      %dma_wait3A_444 = arith.constant 0 : i32
      %dma_wait3A_445 = arith.constant 0 : i32
      %dma_wait3A_446 = tpu.memref_slice %arg14[%dma_wait3A_444, %dma_wait3A_445] : memref<10240x128xf32, #tpu.memory_space<vmem_shared>> -> memref<10240x128xf32, #tpu.memory_space<vmem_shared>>
      tpu.wait_indirect_dma semaphore(%arg20 : memref<!tpu.dma_semaphore, #tpu.memory_space<semaphore_mem>>) src(%arg13 : memref<64x128xf32, #tpu.memory_space<vmem>>) dst(%dma_wait3A_446 : memref<10240x128xf32, #tpu.memory_space<vmem_shared>>)
      %add3A_447 = arith.constant 3 : i32
      %add3A_448 = arith.addi %add3A_426, %add3A_447 : i32
      %sub3A_449 = arith.constant 1 : i32
      %sub3A_450 = arith.subi %add3A_448, %sub3A_449 : i32
      %dma_start3A_451 = arith.constant 0 : i32
      %dma_start3A_452 = tpu.memref_slice %arg7[%sub3A_450, %dma_start3A_451] : memref<156x64xi32, #tpu.memory_space<vmem>> -> memref<1x64xi32, #tpu.memory_space<vmem>>
      %dma_start3A_453 = tpu.memref_squeeze %dma_start3A_452 : memref<1x64xi32, #tpu.memory_space<vmem>> -> memref<64xi32, #tpu.memory_space<vmem>>
      %dma_start3A_454 = arith.constant 0 : i32
      %dma_start3A_455 = arith.constant 0 : i32
      %dma_start3A_456 = tpu.memref_slice %arg2[%dma_start3A_454, %dma_start3A_455] : memref<10000x128xf32, #tpu.memory_space<hbm>> -> memref<10000x128xf32, #tpu.memory_space<hbm>>
      tpu.enqueue_indirect_dma source(%dma_start3A_456 : memref<10000x128xf32, #tpu.memory_space<hbm>>) target(%arg13 : memref<64x128xf32, #tpu.memory_space<vmem>>) offsets(%dma_start3A_453 : memref<64xi32, #tpu.memory_space<vmem>>) semaphore(%arg17 : memref<!tpu.dma_semaphore, #tpu.memory_space<semaphore_mem>>)
    }
    %scan3A_164 = arith.constant 51 : i32
    %dma_wait3A_165 = arith.constant 0 : i32
    %dma_wait3A_166 = arith.constant 0 : i32
    %dma_wait3A_167 = tpu.memref_slice %arg7[%dma_wait3A_165, %dma_wait3A_166] : memref<156x64xi32, #tpu.memory_space<vmem>> -> memref<1x64xi32, #tpu.memory_space<vmem>>
    %dma_wait3A_168 = tpu.memref_squeeze %dma_wait3A_167 : memref<1x64xi32, #tpu.memory_space<vmem>> -> memref<64xi32, #tpu.memory_space<vmem>>
    %dma_wait3A_169 = arith.constant 0 : i32
    %dma_wait3A_170 = arith.constant 0 : i32
    %dma_wait3A_171 = tpu.memref_slice %arg2[%dma_wait3A_169, %dma_wait3A_170] : memref<10000x128xf32, #tpu.memory_space<hbm>> -> memref<10000x128xf32, #tpu.memory_space<hbm>>
    tpu.wait_indirect_dma semaphore(%arg16 : memref<!tpu.dma_semaphore, #tpu.memory_space<semaphore_mem>>) src(%dma_wait3A_171 : memref<10000x128xf32, #tpu.memory_space<hbm>>) dst(%arg12 : memref<64x128xf32, #tpu.memory_space<vmem>>)
    %dma_start3A_172 = arith.constant 154 : i32
    %dma_start3A_173 = arith.constant 0 : i32
    %dma_start3A_174 = tpu.memref_slice %arg8[%dma_start3A_172, %dma_start3A_173] : memref<156x64xi32, #tpu.memory_space<vmem>> -> memref<1x64xi32, #tpu.memory_space<vmem>>
    %dma_start3A_175 = tpu.memref_squeeze %dma_start3A_174 : memref<1x64xi32, #tpu.memory_space<vmem>> -> memref<64xi32, #tpu.memory_space<vmem>>
    %dma_start3A_176 = arith.constant 0 : i32
    %dma_start3A_177 = arith.constant 0 : i32
    %dma_start3A_178 = tpu.memref_slice %arg14[%dma_start3A_176, %dma_start3A_177] : memref<10240x128xf32, #tpu.memory_space<vmem_shared>> -> memref<10240x128xf32, #tpu.memory_space<vmem_shared>>
    tpu.enqueue_indirect_dma source(%arg12 : memref<64x128xf32, #tpu.memory_space<vmem>>) target(%dma_start3A_178 : memref<10240x128xf32, #tpu.memory_space<vmem_shared>>) offsets(%dma_start3A_175 : memref<64xi32, #tpu.memory_space<vmem>>) semaphore(%arg19 : memref<!tpu.dma_semaphore, #tpu.memory_space<semaphore_mem>>) {add = true}
    %dma_wait3A_179 = arith.constant 0 : i32
    %dma_wait3A_180 = arith.constant 0 : i32
    %dma_wait3A_181 = tpu.memref_slice %arg8[%dma_wait3A_179, %dma_wait3A_180] : memref<156x64xi32, #tpu.memory_space<vmem>> -> memref<1x64xi32, #tpu.memory_space<vmem>>
    %dma_wait3A_182 = tpu.memref_squeeze %dma_wait3A_181 : memref<1x64xi32, #tpu.memory_space<vmem>> -> memref<64xi32, #tpu.memory_space<vmem>>
    %dma_wait3A_183 = arith.constant 0 : i32
    %dma_wait3A_184 = arith.constant 0 : i32
    %dma_wait3A_185 = tpu.memref_slice %arg14[%dma_wait3A_183, %dma_wait3A_184] : memref<10240x128xf32, #tpu.memory_space<vmem_shared>> -> memref<10240x128xf32, #tpu.memory_space<vmem_shared>>
    tpu.wait_indirect_dma semaphore(%arg18 : memref<!tpu.dma_semaphore, #tpu.memory_space<semaphore_mem>>) src(%arg11 : memref<64x128xf32, #tpu.memory_space<vmem>>) dst(%dma_wait3A_185 : memref<10240x128xf32, #tpu.memory_space<vmem_shared>>)
    %dma_wait3A_186 = arith.constant 0 : i32
    %dma_wait3A_187 = arith.constant 0 : i32
    %dma_wait3A_188 = tpu.memref_slice %arg7[%dma_wait3A_186, %dma_wait3A_187] : memref<156x64xi32, #tpu.memory_space<vmem>> -> memref<1x64xi32, #tpu.memory_space<vmem>>
    %dma_wait3A_189 = tpu.memref_squeeze %dma_wait3A_188 : memref<1x64xi32, #tpu.memory_space<vmem>> -> memref<64xi32, #tpu.memory_space<vmem>>
    %dma_wait3A_190 = arith.constant 0 : i32
    %dma_wait3A_191 = arith.constant 0 : i32
    %dma_wait3A_192 = tpu.memref_slice %arg2[%dma_wait3A_190, %dma_wait3A_191] : memref<10000x128xf32, #tpu.memory_space<hbm>> -> memref<10000x128xf32, #tpu.memory_space<hbm>>
    tpu.wait_indirect_dma semaphore(%arg17 : memref<!tpu.dma_semaphore, #tpu.memory_space<semaphore_mem>>) src(%dma_wait3A_192 : memref<10000x128xf32, #tpu.memory_space<hbm>>) dst(%arg13 : memref<64x128xf32, #tpu.memory_space<vmem>>)
    %dma_start3A_193 = arith.constant 155 : i32
    %dma_start3A_194 = arith.constant 0 : i32
    %dma_start3A_195 = tpu.memref_slice %arg8[%dma_start3A_193, %dma_start3A_194] : memref<156x64xi32, #tpu.memory_space<vmem>> -> memref<1x64xi32, #tpu.memory_space<vmem>>
    %dma_start3A_196 = tpu.memref_squeeze %dma_start3A_195 : memref<1x64xi32, #tpu.memory_space<vmem>> -> memref<64xi32, #tpu.memory_space<vmem>>
    %dma_start3A_197 = arith.constant 0 : i32
    %dma_start3A_198 = arith.constant 0 : i32
    %dma_start3A_199 = tpu.memref_slice %arg14[%dma_start3A_197, %dma_start3A_198] : memref<10240x128xf32, #tpu.memory_space<vmem_shared>> -> memref<10240x128xf32, #tpu.memory_space<vmem_shared>>
    tpu.enqueue_indirect_dma source(%arg13 : memref<64x128xf32, #tpu.memory_space<vmem>>) target(%dma_start3A_199 : memref<10240x128xf32, #tpu.memory_space<vmem_shared>>) offsets(%dma_start3A_196 : memref<64xi32, #tpu.memory_space<vmem>>) semaphore(%arg20 : memref<!tpu.dma_semaphore, #tpu.memory_space<semaphore_mem>>) {add = true}
    %dma_wait3A_200 = arith.constant 0 : i32
    %dma_wait3A_201 = arith.constant 0 : i32
    %dma_wait3A_202 = tpu.memref_slice %arg8[%dma_wait3A_200, %dma_wait3A_201] : memref<156x64xi32, #tpu.memory_space<vmem>> -> memref<1x64xi32, #tpu.memory_space<vmem>>
    %dma_wait3A_203 = tpu.memref_squeeze %dma_wait3A_202 : memref<1x64xi32, #tpu.memory_space<vmem>> -> memref<64xi32, #tpu.memory_space<vmem>>
    %dma_wait3A_204 = arith.constant 0 : i32
    %dma_wait3A_205 = arith.constant 0 : i32
    %dma_wait3A_206 = tpu.memref_slice %arg14[%dma_wait3A_204, %dma_wait3A_205] : memref<10240x128xf32, #tpu.memory_space<vmem_shared>> -> memref<10240x128xf32, #tpu.memory_space<vmem_shared>>
    tpu.wait_indirect_dma semaphore(%arg19 : memref<!tpu.dma_semaphore, #tpu.memory_space<semaphore_mem>>) src(%arg12 : memref<64x128xf32, #tpu.memory_space<vmem>>) dst(%dma_wait3A_206 : memref<10240x128xf32, #tpu.memory_space<vmem_shared>>)
    %dma_wait3A_207 = arith.constant 0 : i32
    %dma_wait3A_208 = arith.constant 0 : i32
    %dma_wait3A_209 = tpu.memref_slice %arg8[%dma_wait3A_207, %dma_wait3A_208] : memref<156x64xi32, #tpu.memory_space<vmem>> -> memref<1x64xi32, #tpu.memory_space<vmem>>
    %dma_wait3A_210 = tpu.memref_squeeze %dma_wait3A_209 : memref<1x64xi32, #tpu.memory_space<vmem>> -> memref<64xi32, #tpu.memory_space<vmem>>
    %dma_wait3A_211 = arith.constant 0 : i32
    %dma_wait3A_212 = arith.constant 0 : i32
    %dma_wait3A_213 = tpu.memref_slice %arg14[%dma_wait3A_211, %dma_wait3A_212] : memref<10240x128xf32, #tpu.memory_space<vmem_shared>> -> memref<10240x128xf32, #tpu.memory_space<vmem_shared>>
    tpu.wait_indirect_dma semaphore(%arg20 : memref<!tpu.dma_semaphore, #tpu.memory_space<semaphore_mem>>) src(%arg13 : memref<64x128xf32, #tpu.memory_space<vmem>>) dst(%dma_wait3A_213 : memref<10240x128xf32, #tpu.memory_space<vmem_shared>>)
    %lt3A = arith.constant 8 : i32
    %lt3A_214 = arith.cmpi slt, %add3A, %lt3A : i32
    %convert_element_type3A = arith.extui %lt3A_214 : i1 to i32
    %cond3A = arith.constant 0 : i32
    %cond3A_215 = arith.cmpi ne, %convert_element_type3A, %cond3A : i32
    scf.if %cond3A_215 {
      %add3A_357 = arith.constant 4992 : i32
      %add3A_358 = arith.addi %add3A_357, %add3A : i32
      "tpu.region"() ({
        %run_scoped3A_375 = tpu.sem_alloc : memref<!tpu.dma_semaphore, #tpu.memory_space<semaphore_mem>>
        %dma_start3A_376 = arith.constant 0 : i32
        %dma_start3A_377 = tpu.memref_slice %arg3[%add3A_358, %dma_start3A_376] : memref<5000x64xi32, #tpu.memory_space<hbm>> -> memref<1x64xi32, #tpu.memory_space<hbm>>
        %dma_start3A_378 = arith.constant 0 : i32
        %dma_start3A_379 = tpu.memref_slice %arg3[%add3A_358, %dma_start3A_378] : memref<5000x64xi32, #tpu.memory_space<hbm>> -> memref<1x64xi32, #tpu.memory_space<hbm>>
        tpu.enqueue_dma source(%dma_start3A_379 : memref<1x64xi32, #tpu.memory_space<hbm>>) target(%arg9 : memref<1x64xi32, #tpu.memory_space<vmem>>) target_semaphore(%run_scoped3A_375 : memref<!tpu.dma_semaphore, #tpu.memory_space<semaphore_mem>>)
        %dma_wait3A_380 = arith.constant 0 : i32
        %dma_wait3A_381 = tpu.memref_slice %arg3[%add3A_358, %dma_wait3A_380] : memref<5000x64xi32, #tpu.memory_space<hbm>> -> memref<1x64xi32, #tpu.memory_space<hbm>>
        %dma_wait3A_382 = arith.constant 0 : i32
        %dma_wait3A_383 = tpu.memref_slice %arg3[%add3A_358, %dma_wait3A_382] : memref<5000x64xi32, #tpu.memory_space<hbm>> -> memref<1x64xi32, #tpu.memory_space<hbm>>
        tpu.wait_dma2 semaphore(%run_scoped3A_375 : memref<!tpu.dma_semaphore, #tpu.memory_space<semaphore_mem>>) src(%dma_wait3A_383 : memref<1x64xi32, #tpu.memory_space<hbm>>) dst(%arg9 : memref<1x64xi32, #tpu.memory_space<vmem>>)
        tpu.yield
      }) : () -> ()
      %add3A_359 = arith.constant 4992 : i32
      %add3A_360 = arith.addi %add3A_359, %add3A : i32
      "tpu.region"() ({
        %run_scoped3A_375 = tpu.sem_alloc : memref<!tpu.dma_semaphore, #tpu.memory_space<semaphore_mem>>
        %dma_start3A_376 = arith.constant 0 : i32
        %dma_start3A_377 = tpu.memref_slice %arg4[%add3A_360, %dma_start3A_376] : memref<5000x64xi32, #tpu.memory_space<hbm>> -> memref<1x64xi32, #tpu.memory_space<hbm>>
        %dma_start3A_378 = arith.constant 0 : i32
        %dma_start3A_379 = tpu.memref_slice %arg4[%add3A_360, %dma_start3A_378] : memref<5000x64xi32, #tpu.memory_space<hbm>> -> memref<1x64xi32, #tpu.memory_space<hbm>>
        tpu.enqueue_dma source(%dma_start3A_379 : memref<1x64xi32, #tpu.memory_space<hbm>>) target(%arg10 : memref<1x64xi32, #tpu.memory_space<vmem>>) target_semaphore(%run_scoped3A_375 : memref<!tpu.dma_semaphore, #tpu.memory_space<semaphore_mem>>)
        %dma_wait3A_380 = arith.constant 0 : i32
        %dma_wait3A_381 = tpu.memref_slice %arg4[%add3A_360, %dma_wait3A_380] : memref<5000x64xi32, #tpu.memory_space<hbm>> -> memref<1x64xi32, #tpu.memory_space<hbm>>
        %dma_wait3A_382 = arith.constant 0 : i32
        %dma_wait3A_383 = tpu.memref_slice %arg4[%add3A_360, %dma_wait3A_382] : memref<5000x64xi32, #tpu.memory_space<hbm>> -> memref<1x64xi32, #tpu.memory_space<hbm>>
        tpu.wait_dma2 semaphore(%run_scoped3A_375 : memref<!tpu.dma_semaphore, #tpu.memory_space<semaphore_mem>>) src(%dma_wait3A_383 : memref<1x64xi32, #tpu.memory_space<hbm>>) dst(%arg10 : memref<1x64xi32, #tpu.memory_space<vmem>>)
        tpu.yield
      }) : () -> ()
      %dma_start3A_361 = arith.constant 0 : i32
      %dma_start3A_362 = arith.constant 0 : i32
      %dma_start3A_363 = tpu.memref_slice %arg9[%dma_start3A_361, %dma_start3A_362] : memref<1x64xi32, #tpu.memory_space<vmem>> -> memref<1x64xi32, #tpu.memory_space<vmem>>
      %dma_start3A_364 = tpu.memref_squeeze %dma_start3A_363 : memref<1x64xi32, #tpu.memory_space<vmem>> -> memref<64xi32, #tpu.memory_space<vmem>>
      %dma_start3A_365 = arith.constant 0 : i32
      %dma_start3A_366 = arith.constant 0 : i32
      %dma_start3A_367 = tpu.memref_slice %arg2[%dma_start3A_365, %dma_start3A_366] : memref<10000x128xf32, #tpu.memory_space<hbm>> -> memref<10000x128xf32, #tpu.memory_space<hbm>>
      tpu.enqueue_indirect_dma source(%dma_start3A_367 : memref<10000x128xf32, #tpu.memory_space<hbm>>) target(%arg11 : memref<64x128xf32, #tpu.memory_space<vmem>>) offsets(%dma_start3A_364 : memref<64xi32, #tpu.memory_space<vmem>>) semaphore(%arg15 : memref<!tpu.dma_semaphore, #tpu.memory_space<semaphore_mem>>)
      %dma_wait3A_368 = arith.constant 0 : i32
      %dma_wait3A_369 = arith.constant 0 : i32
      %dma_wait3A_370 = tpu.memref_slice %arg9[%dma_wait3A_368, %dma_wait3A_369] : memref<1x64xi32, #tpu.memory_space<vmem>> -> memref<1x64xi32, #tpu.memory_space<vmem>>
      %dma_wait3A_371 = tpu.memref_squeeze %dma_wait3A_370 : memref<1x64xi32, #tpu.memory_space<vmem>> -> memref<64xi32, #tpu.memory_space<vmem>>
      %dma_wait3A_372 = arith.constant 0 : i32
      %dma_wait3A_373 = arith.constant 0 : i32
      %dma_wait3A_374 = tpu.memref_slice %arg2[%dma_wait3A_372, %dma_wait3A_373] : memref<10000x128xf32, #tpu.memory_space<hbm>> -> memref<10000x128xf32, #tpu.memory_space<hbm>>
      tpu.wait_indirect_dma semaphore(%arg15 : memref<!tpu.dma_semaphore, #tpu.memory_space<semaphore_mem>>) src(%dma_wait3A_374 : memref<10000x128xf32, #tpu.memory_space<hbm>>) dst(%arg11 : memref<64x128xf32, #tpu.memory_space<vmem>>)
      %run_scoped3A = arith.constant 0 : i32
      "tpu.region"() ({
        %run_scoped3A_375 = tpu.sem_alloc : memref<!tpu.dma_semaphore, #tpu.memory_space<semaphore_mem>>
        %dma_start3A_376 = arith.constant 0 : i32
        %dma_start3A_377 = tpu.memref_slice %arg10[%run_scoped3A, %dma_start3A_376] : memref<1x64xi32, #tpu.memory_space<vmem>> -> memref<1x64xi32, #tpu.memory_space<vmem>>
        %dma_start3A_378 = tpu.memref_squeeze %dma_start3A_377 : memref<1x64xi32, #tpu.memory_space<vmem>> -> memref<64xi32, #tpu.memory_space<vmem>>
        %dma_start3A_379 = arith.constant 0 : i32
        %dma_start3A_380 = arith.constant 0 : i32
        %dma_start3A_381 = tpu.memref_slice %arg14[%dma_start3A_379, %dma_start3A_380] : memref<10240x128xf32, #tpu.memory_space<vmem_shared>> -> memref<10240x128xf32, #tpu.memory_space<vmem_shared>>
        tpu.enqueue_indirect_dma source(%arg11 : memref<64x128xf32, #tpu.memory_space<vmem>>) target(%dma_start3A_381 : memref<10240x128xf32, #tpu.memory_space<vmem_shared>>) offsets(%dma_start3A_378 : memref<64xi32, #tpu.memory_space<vmem>>) semaphore(%run_scoped3A_375 : memref<!tpu.dma_semaphore, #tpu.memory_space<semaphore_mem>>) {add = true}
        %dma_wait3A_382 = arith.constant 0 : i32
        %dma_wait3A_383 = tpu.memref_slice %arg10[%run_scoped3A, %dma_wait3A_382] : memref<1x64xi32, #tpu.memory_space<vmem>> -> memref<1x64xi32, #tpu.memory_space<vmem>>
        %dma_wait3A_384 = tpu.memref_squeeze %dma_wait3A_383 : memref<1x64xi32, #tpu.memory_space<vmem>> -> memref<64xi32, #tpu.memory_space<vmem>>
        %dma_wait3A_385 = arith.constant 0 : i32
        %dma_wait3A_386 = arith.constant 0 : i32
        %dma_wait3A_387 = tpu.memref_slice %arg14[%dma_wait3A_385, %dma_wait3A_386] : memref<10240x128xf32, #tpu.memory_space<vmem_shared>> -> memref<10240x128xf32, #tpu.memory_space<vmem_shared>>
        tpu.wait_indirect_dma semaphore(%run_scoped3A_375 : memref<!tpu.dma_semaphore, #tpu.memory_space<semaphore_mem>>) src(%arg11 : memref<64x128xf32, #tpu.memory_space<vmem>>) dst(%dma_wait3A_387 : memref<10240x128xf32, #tpu.memory_space<vmem_shared>>)
        tpu.yield
      }) : () -> ()
    } else {
    }
    %barrier3A_216 = arith.constant 0 : index
    tpu.barrier barrier_id(%barrier3A_216)
    %add3A_217 = arith.constant 0 : i32
    %add3A_218 = arith.addi %mul3A_2, %add3A_217 : i32
    "tpu.region"() ({
      %run_scoped3A = tpu.sem_alloc : memref<!tpu.dma_semaphore, #tpu.memory_space<semaphore_mem>>
      %dma_start3A_357 = arith.constant 0 : i32
      %dma_start3A_358 = tpu.memref_slice %arg14[%add3A_218, %dma_start3A_357] : memref<10240x128xf32, #tpu.memory_space<vmem_shared>> -> memref<64x128xf32, #tpu.memory_space<vmem_shared>>
      %dma_start3A_359 = arith.constant 0 : i32
      %dma_start3A_360 = tpu.memref_slice %arg14[%add3A_218, %dma_start3A_359] : memref<10240x128xf32, #tpu.memory_space<vmem_shared>> -> memref<64x128xf32, #tpu.memory_space<vmem_shared>>
      tpu.enqueue_dma source(%dma_start3A_360 : memref<64x128xf32, #tpu.memory_space<vmem_shared>>) target(%arg11 : memref<64x128xf32, #tpu.memory_space<vmem>>) target_semaphore(%run_scoped3A : memref<!tpu.dma_semaphore, #tpu.memory_space<semaphore_mem>>)
      %dma_wait3A_361 = arith.constant 0 : i32
      %dma_wait3A_362 = tpu.memref_slice %arg14[%add3A_218, %dma_wait3A_361] : memref<10240x128xf32, #tpu.memory_space<vmem_shared>> -> memref<64x128xf32, #tpu.memory_space<vmem_shared>>
      %dma_wait3A_363 = arith.constant 0 : i32
      %dma_wait3A_364 = tpu.memref_slice %arg14[%add3A_218, %dma_wait3A_363] : memref<10240x128xf32, #tpu.memory_space<vmem_shared>> -> memref<64x128xf32, #tpu.memory_space<vmem_shared>>
      tpu.wait_dma2 semaphore(%run_scoped3A : memref<!tpu.dma_semaphore, #tpu.memory_space<semaphore_mem>>) src(%dma_wait3A_364 : memref<64x128xf32, #tpu.memory_space<vmem_shared>>) dst(%arg11 : memref<64x128xf32, #tpu.memory_space<vmem>>)
      tpu.yield
    }) : () -> ()
    %dma_start3A_219 = arith.constant 0 : i32
    %dma_start3A_220 = tpu.memref_slice %arg6[%arg0, %add3A_218, %dma_start3A_219] : memref<2x10240x128xf32, #tpu.memory_space<hbm>> -> memref<1x64x128xf32, #tpu.memory_space<hbm>>
    %dma_start3A_221 = tpu.memref_squeeze %dma_start3A_220 : memref<1x64x128xf32, #tpu.memory_space<hbm>> -> memref<64x128xf32, #tpu.memory_space<hbm>>
    %dma_start3A_222 = arith.constant 0 : i32
    %dma_start3A_223 = tpu.memref_slice %arg6[%arg0, %add3A_218, %dma_start3A_222] : memref<2x10240x128xf32, #tpu.memory_space<hbm>> -> memref<1x64x128xf32, #tpu.memory_space<hbm>>
    %dma_start3A_224 = tpu.memref_squeeze %dma_start3A_223 : memref<1x64x128xf32, #tpu.memory_space<hbm>> -> memref<64x128xf32, #tpu.memory_space<hbm>>
    tpu.enqueue_dma source(%arg11 : memref<64x128xf32, #tpu.memory_space<vmem>>) target(%dma_start3A_224 : memref<64x128xf32, #tpu.memory_space<hbm>>) target_semaphore(%arg18 : memref<!tpu.dma_semaphore, #tpu.memory_space<semaphore_mem>>)
    %add3A_225 = arith.constant 64 : i32
    %add3A_226 = arith.addi %mul3A_2, %add3A_225 : i32
    "tpu.region"() ({
      %run_scoped3A = tpu.sem_alloc : memref<!tpu.dma_semaphore, #tpu.memory_space<semaphore_mem>>
      %dma_start3A_357 = arith.constant 0 : i32
      %dma_start3A_358 = tpu.memref_slice %arg14[%add3A_226, %dma_start3A_357] : memref<10240x128xf32, #tpu.memory_space<vmem_shared>> -> memref<64x128xf32, #tpu.memory_space<vmem_shared>>
      %dma_start3A_359 = arith.constant 0 : i32
      %dma_start3A_360 = tpu.memref_slice %arg14[%add3A_226, %dma_start3A_359] : memref<10240x128xf32, #tpu.memory_space<vmem_shared>> -> memref<64x128xf32, #tpu.memory_space<vmem_shared>>
      tpu.enqueue_dma source(%dma_start3A_360 : memref<64x128xf32, #tpu.memory_space<vmem_shared>>) target(%arg12 : memref<64x128xf32, #tpu.memory_space<vmem>>) target_semaphore(%run_scoped3A : memref<!tpu.dma_semaphore, #tpu.memory_space<semaphore_mem>>)
      %dma_wait3A_361 = arith.constant 0 : i32
      %dma_wait3A_362 = tpu.memref_slice %arg14[%add3A_226, %dma_wait3A_361] : memref<10240x128xf32, #tpu.memory_space<vmem_shared>> -> memref<64x128xf32, #tpu.memory_space<vmem_shared>>
      %dma_wait3A_363 = arith.constant 0 : i32
      %dma_wait3A_364 = tpu.memref_slice %arg14[%add3A_226, %dma_wait3A_363] : memref<10240x128xf32, #tpu.memory_space<vmem_shared>> -> memref<64x128xf32, #tpu.memory_space<vmem_shared>>
      tpu.wait_dma2 semaphore(%run_scoped3A : memref<!tpu.dma_semaphore, #tpu.memory_space<semaphore_mem>>) src(%dma_wait3A_364 : memref<64x128xf32, #tpu.memory_space<vmem_shared>>) dst(%arg12 : memref<64x128xf32, #tpu.memory_space<vmem>>)
      tpu.yield
    }) : () -> ()
    %dma_start3A_227 = arith.constant 0 : i32
    %dma_start3A_228 = tpu.memref_slice %arg6[%arg0, %add3A_226, %dma_start3A_227] : memref<2x10240x128xf32, #tpu.memory_space<hbm>> -> memref<1x64x128xf32, #tpu.memory_space<hbm>>
    %dma_start3A_229 = tpu.memref_squeeze %dma_start3A_228 : memref<1x64x128xf32, #tpu.memory_space<hbm>> -> memref<64x128xf32, #tpu.memory_space<hbm>>
    %dma_start3A_230 = arith.constant 0 : i32
    %dma_start3A_231 = tpu.memref_slice %arg6[%arg0, %add3A_226, %dma_start3A_230] : memref<2x10240x128xf32, #tpu.memory_space<hbm>> -> memref<1x64x128xf32, #tpu.memory_space<hbm>>
    %dma_start3A_232 = tpu.memref_squeeze %dma_start3A_231 : memref<1x64x128xf32, #tpu.memory_space<hbm>> -> memref<64x128xf32, #tpu.memory_space<hbm>>
    tpu.enqueue_dma source(%arg12 : memref<64x128xf32, #tpu.memory_space<vmem>>) target(%dma_start3A_232 : memref<64x128xf32, #tpu.memory_space<hbm>>) target_semaphore(%arg19 : memref<!tpu.dma_semaphore, #tpu.memory_space<semaphore_mem>>)
    %add3A_233 = arith.constant 128 : i32
    %add3A_234 = arith.addi %mul3A_2, %add3A_233 : i32
    %dma_wait3A_235 = arith.constant 0 : i32
    %dma_wait3A_236 = tpu.memref_slice %arg6[%arg0, %mul3A_2, %dma_wait3A_235] : memref<2x10240x128xf32, #tpu.memory_space<hbm>> -> memref<1x64x128xf32, #tpu.memory_space<hbm>>
    %dma_wait3A_237 = tpu.memref_squeeze %dma_wait3A_236 : memref<1x64x128xf32, #tpu.memory_space<hbm>> -> memref<64x128xf32, #tpu.memory_space<hbm>>
    %dma_wait3A_238 = arith.constant 0 : i32
    %dma_wait3A_239 = tpu.memref_slice %arg6[%arg0, %mul3A_2, %dma_wait3A_238] : memref<2x10240x128xf32, #tpu.memory_space<hbm>> -> memref<1x64x128xf32, #tpu.memory_space<hbm>>
    %dma_wait3A_240 = tpu.memref_squeeze %dma_wait3A_239 : memref<1x64x128xf32, #tpu.memory_space<hbm>> -> memref<64x128xf32, #tpu.memory_space<hbm>>
    tpu.wait_dma2 semaphore(%arg18 : memref<!tpu.dma_semaphore, #tpu.memory_space<semaphore_mem>>) src(%arg11 : memref<64x128xf32, #tpu.memory_space<vmem>>) dst(%dma_wait3A_240 : memref<64x128xf32, #tpu.memory_space<hbm>>)
    "tpu.region"() ({
      %run_scoped3A = tpu.sem_alloc : memref<!tpu.dma_semaphore, #tpu.memory_space<semaphore_mem>>
      %dma_start3A_357 = arith.constant 0 : i32
      %dma_start3A_358 = tpu.memref_slice %arg14[%add3A_234, %dma_start3A_357] : memref<10240x128xf32, #tpu.memory_space<vmem_shared>> -> memref<64x128xf32, #tpu.memory_space<vmem_shared>>
      %dma_start3A_359 = arith.constant 0 : i32
      %dma_start3A_360 = tpu.memref_slice %arg14[%add3A_234, %dma_start3A_359] : memref<10240x128xf32, #tpu.memory_space<vmem_shared>> -> memref<64x128xf32, #tpu.memory_space<vmem_shared>>
      tpu.enqueue_dma source(%dma_start3A_360 : memref<64x128xf32, #tpu.memory_space<vmem_shared>>) target(%arg11 : memref<64x128xf32, #tpu.memory_space<vmem>>) target_semaphore(%run_scoped3A : memref<!tpu.dma_semaphore, #tpu.memory_space<semaphore_mem>>)
      %dma_wait3A_361 = arith.constant 0 : i32
      %dma_wait3A_362 = tpu.memref_slice %arg14[%add3A_234, %dma_wait3A_361] : memref<10240x128xf32, #tpu.memory_space<vmem_shared>> -> memref<64x128xf32, #tpu.memory_space<vmem_shared>>
      %dma_wait3A_363 = arith.constant 0 : i32
      %dma_wait3A_364 = tpu.memref_slice %arg14[%add3A_234, %dma_wait3A_363] : memref<10240x128xf32, #tpu.memory_space<vmem_shared>> -> memref<64x128xf32, #tpu.memory_space<vmem_shared>>
      tpu.wait_dma2 semaphore(%run_scoped3A : memref<!tpu.dma_semaphore, #tpu.memory_space<semaphore_mem>>) src(%dma_wait3A_364 : memref<64x128xf32, #tpu.memory_space<vmem_shared>>) dst(%arg11 : memref<64x128xf32, #tpu.memory_space<vmem>>)
      tpu.yield
    }) : () -> ()
    %dma_start3A_241 = arith.constant 0 : i32
    %dma_start3A_242 = tpu.memref_slice %arg6[%arg0, %add3A_234, %dma_start3A_241] : memref<2x10240x128xf32, #tpu.memory_space<hbm>> -> memref<1x64x128xf32, #tpu.memory_space<hbm>>
    %dma_start3A_243 = tpu.memref_squeeze %dma_start3A_242 : memref<1x64x128xf32, #tpu.memory_space<hbm>> -> memref<64x128xf32, #tpu.memory_space<hbm>>
    %dma_start3A_244 = arith.constant 0 : i32
    %dma_start3A_245 = tpu.memref_slice %arg6[%arg0, %add3A_234, %dma_start3A_244] : memref<2x10240x128xf32, #tpu.memory_space<hbm>> -> memref<1x64x128xf32, #tpu.memory_space<hbm>>
    %dma_start3A_246 = tpu.memref_squeeze %dma_start3A_245 : memref<1x64x128xf32, #tpu.memory_space<hbm>> -> memref<64x128xf32, #tpu.memory_space<hbm>>
    tpu.enqueue_dma source(%arg11 : memref<64x128xf32, #tpu.memory_space<vmem>>) target(%dma_start3A_246 : memref<64x128xf32, #tpu.memory_space<hbm>>) target_semaphore(%arg18 : memref<!tpu.dma_semaphore, #tpu.memory_space<semaphore_mem>>)
    %add3A_247 = arith.constant 192 : i32
    %add3A_248 = arith.addi %mul3A_2, %add3A_247 : i32
    %dma_wait3A_249 = arith.constant 0 : i32
    %dma_wait3A_250 = tpu.memref_slice %arg6[%arg0, %mul3A_2, %dma_wait3A_249] : memref<2x10240x128xf32, #tpu.memory_space<hbm>> -> memref<1x64x128xf32, #tpu.memory_space<hbm>>
    %dma_wait3A_251 = tpu.memref_squeeze %dma_wait3A_250 : memref<1x64x128xf32, #tpu.memory_space<hbm>> -> memref<64x128xf32, #tpu.memory_space<hbm>>
    %dma_wait3A_252 = arith.constant 0 : i32
    %dma_wait3A_253 = tpu.memref_slice %arg6[%arg0, %mul3A_2, %dma_wait3A_252] : memref<2x10240x128xf32, #tpu.memory_space<hbm>> -> memref<1x64x128xf32, #tpu.memory_space<hbm>>
    %dma_wait3A_254 = tpu.memref_squeeze %dma_wait3A_253 : memref<1x64x128xf32, #tpu.memory_space<hbm>> -> memref<64x128xf32, #tpu.memory_space<hbm>>
    tpu.wait_dma2 semaphore(%arg19 : memref<!tpu.dma_semaphore, #tpu.memory_space<semaphore_mem>>) src(%arg12 : memref<64x128xf32, #tpu.memory_space<vmem>>) dst(%dma_wait3A_254 : memref<64x128xf32, #tpu.memory_space<hbm>>)
    "tpu.region"() ({
      %run_scoped3A = tpu.sem_alloc : memref<!tpu.dma_semaphore, #tpu.memory_space<semaphore_mem>>
      %dma_start3A_357 = arith.constant 0 : i32
      %dma_start3A_358 = tpu.memref_slice %arg14[%add3A_248, %dma_start3A_357] : memref<10240x128xf32, #tpu.memory_space<vmem_shared>> -> memref<64x128xf32, #tpu.memory_space<vmem_shared>>
      %dma_start3A_359 = arith.constant 0 : i32
      %dma_start3A_360 = tpu.memref_slice %arg14[%add3A_248, %dma_start3A_359] : memref<10240x128xf32, #tpu.memory_space<vmem_shared>> -> memref<64x128xf32, #tpu.memory_space<vmem_shared>>
      tpu.enqueue_dma source(%dma_start3A_360 : memref<64x128xf32, #tpu.memory_space<vmem_shared>>) target(%arg12 : memref<64x128xf32, #tpu.memory_space<vmem>>) target_semaphore(%run_scoped3A : memref<!tpu.dma_semaphore, #tpu.memory_space<semaphore_mem>>)
      %dma_wait3A_361 = arith.constant 0 : i32
      %dma_wait3A_362 = tpu.memref_slice %arg14[%add3A_248, %dma_wait3A_361] : memref<10240x128xf32, #tpu.memory_space<vmem_shared>> -> memref<64x128xf32, #tpu.memory_space<vmem_shared>>
      %dma_wait3A_363 = arith.constant 0 : i32
      %dma_wait3A_364 = tpu.memref_slice %arg14[%add3A_248, %dma_wait3A_363] : memref<10240x128xf32, #tpu.memory_space<vmem_shared>> -> memref<64x128xf32, #tpu.memory_space<vmem_shared>>
      tpu.wait_dma2 semaphore(%run_scoped3A : memref<!tpu.dma_semaphore, #tpu.memory_space<semaphore_mem>>) src(%dma_wait3A_364 : memref<64x128xf32, #tpu.memory_space<vmem_shared>>) dst(%arg12 : memref<64x128xf32, #tpu.memory_space<vmem>>)
      tpu.yield
    }) : () -> ()
    %dma_start3A_255 = arith.constant 0 : i32
    %dma_start3A_256 = tpu.memref_slice %arg6[%arg0, %add3A_248, %dma_start3A_255] : memref<2x10240x128xf32, #tpu.memory_space<hbm>> -> memref<1x64x128xf32, #tpu.memory_space<hbm>>
    %dma_start3A_257 = tpu.memref_squeeze %dma_start3A_256 : memref<1x64x128xf32, #tpu.memory_space<hbm>> -> memref<64x128xf32, #tpu.memory_space<hbm>>
    %dma_start3A_258 = arith.constant 0 : i32
    %dma_start3A_259 = tpu.memref_slice %arg6[%arg0, %add3A_248, %dma_start3A_258] : memref<2x10240x128xf32, #tpu.memory_space<hbm>> -> memref<1x64x128xf32, #tpu.memory_space<hbm>>
    %dma_start3A_260 = tpu.memref_squeeze %dma_start3A_259 : memref<1x64x128xf32, #tpu.memory_space<hbm>> -> memref<64x128xf32, #tpu.memory_space<hbm>>
    tpu.enqueue_dma source(%arg12 : memref<64x128xf32, #tpu.memory_space<vmem>>) target(%dma_start3A_260 : memref<64x128xf32, #tpu.memory_space<hbm>>) target_semaphore(%arg19 : memref<!tpu.dma_semaphore, #tpu.memory_space<semaphore_mem>>)
    %add3A_261 = arith.constant 256 : i32
    %add3A_262 = arith.addi %mul3A_2, %add3A_261 : i32
    %dma_wait3A_263 = arith.constant 0 : i32
    %dma_wait3A_264 = tpu.memref_slice %arg6[%arg0, %mul3A_2, %dma_wait3A_263] : memref<2x10240x128xf32, #tpu.memory_space<hbm>> -> memref<1x64x128xf32, #tpu.memory_space<hbm>>
    %dma_wait3A_265 = tpu.memref_squeeze %dma_wait3A_264 : memref<1x64x128xf32, #tpu.memory_space<hbm>> -> memref<64x128xf32, #tpu.memory_space<hbm>>
    %dma_wait3A_266 = arith.constant 0 : i32
    %dma_wait3A_267 = tpu.memref_slice %arg6[%arg0, %mul3A_2, %dma_wait3A_266] : memref<2x10240x128xf32, #tpu.memory_space<hbm>> -> memref<1x64x128xf32, #tpu.memory_space<hbm>>
    %dma_wait3A_268 = tpu.memref_squeeze %dma_wait3A_267 : memref<1x64x128xf32, #tpu.memory_space<hbm>> -> memref<64x128xf32, #tpu.memory_space<hbm>>
    tpu.wait_dma2 semaphore(%arg18 : memref<!tpu.dma_semaphore, #tpu.memory_space<semaphore_mem>>) src(%arg11 : memref<64x128xf32, #tpu.memory_space<vmem>>) dst(%dma_wait3A_268 : memref<64x128xf32, #tpu.memory_space<hbm>>)
    "tpu.region"() ({
      %run_scoped3A = tpu.sem_alloc : memref<!tpu.dma_semaphore, #tpu.memory_space<semaphore_mem>>
      %dma_start3A_357 = arith.constant 0 : i32
      %dma_start3A_358 = tpu.memref_slice %arg14[%add3A_262, %dma_start3A_357] : memref<10240x128xf32, #tpu.memory_space<vmem_shared>> -> memref<64x128xf32, #tpu.memory_space<vmem_shared>>
      %dma_start3A_359 = arith.constant 0 : i32
      %dma_start3A_360 = tpu.memref_slice %arg14[%add3A_262, %dma_start3A_359] : memref<10240x128xf32, #tpu.memory_space<vmem_shared>> -> memref<64x128xf32, #tpu.memory_space<vmem_shared>>
      tpu.enqueue_dma source(%dma_start3A_360 : memref<64x128xf32, #tpu.memory_space<vmem_shared>>) target(%arg11 : memref<64x128xf32, #tpu.memory_space<vmem>>) target_semaphore(%run_scoped3A : memref<!tpu.dma_semaphore, #tpu.memory_space<semaphore_mem>>)
      %dma_wait3A_361 = arith.constant 0 : i32
      %dma_wait3A_362 = tpu.memref_slice %arg14[%add3A_262, %dma_wait3A_361] : memref<10240x128xf32, #tpu.memory_space<vmem_shared>> -> memref<64x128xf32, #tpu.memory_space<vmem_shared>>
      %dma_wait3A_363 = arith.constant 0 : i32
      %dma_wait3A_364 = tpu.memref_slice %arg14[%add3A_262, %dma_wait3A_363] : memref<10240x128xf32, #tpu.memory_space<vmem_shared>> -> memref<64x128xf32, #tpu.memory_space<vmem_shared>>
      tpu.wait_dma2 semaphore(%run_scoped3A : memref<!tpu.dma_semaphore, #tpu.memory_space<semaphore_mem>>) src(%dma_wait3A_364 : memref<64x128xf32, #tpu.memory_space<vmem_shared>>) dst(%arg11 : memref<64x128xf32, #tpu.memory_space<vmem>>)
      tpu.yield
    }) : () -> ()
    %dma_start3A_269 = arith.constant 0 : i32
    %dma_start3A_270 = tpu.memref_slice %arg6[%arg0, %add3A_262, %dma_start3A_269] : memref<2x10240x128xf32, #tpu.memory_space<hbm>> -> memref<1x64x128xf32, #tpu.memory_space<hbm>>
    %dma_start3A_271 = tpu.memref_squeeze %dma_start3A_270 : memref<1x64x128xf32, #tpu.memory_space<hbm>> -> memref<64x128xf32, #tpu.memory_space<hbm>>
    %dma_start3A_272 = arith.constant 0 : i32
    %dma_start3A_273 = tpu.memref_slice %arg6[%arg0, %add3A_262, %dma_start3A_272] : memref<2x10240x128xf32, #tpu.memory_space<hbm>> -> memref<1x64x128xf32, #tpu.memory_space<hbm>>
    %dma_start3A_274 = tpu.memref_squeeze %dma_start3A_273 : memref<1x64x128xf32, #tpu.memory_space<hbm>> -> memref<64x128xf32, #tpu.memory_space<hbm>>
    tpu.enqueue_dma source(%arg11 : memref<64x128xf32, #tpu.memory_space<vmem>>) target(%dma_start3A_274 : memref<64x128xf32, #tpu.memory_space<hbm>>) target_semaphore(%arg18 : memref<!tpu.dma_semaphore, #tpu.memory_space<semaphore_mem>>)
    %add3A_275 = arith.constant 320 : i32
    %add3A_276 = arith.addi %mul3A_2, %add3A_275 : i32
    %dma_wait3A_277 = arith.constant 0 : i32
    %dma_wait3A_278 = tpu.memref_slice %arg6[%arg0, %mul3A_2, %dma_wait3A_277] : memref<2x10240x128xf32, #tpu.memory_space<hbm>> -> memref<1x64x128xf32, #tpu.memory_space<hbm>>
    %dma_wait3A_279 = tpu.memref_squeeze %dma_wait3A_278 : memref<1x64x128xf32, #tpu.memory_space<hbm>> -> memref<64x128xf32, #tpu.memory_space<hbm>>
    %dma_wait3A_280 = arith.constant 0 : i32
    %dma_wait3A_281 = tpu.memref_slice %arg6[%arg0, %mul3A_2, %dma_wait3A_280] : memref<2x10240x128xf32, #tpu.memory_space<hbm>> -> memref<1x64x128xf32, #tpu.memory_space<hbm>>
    %dma_wait3A_282 = tpu.memref_squeeze %dma_wait3A_281 : memref<1x64x128xf32, #tpu.memory_space<hbm>> -> memref<64x128xf32, #tpu.memory_space<hbm>>
    tpu.wait_dma2 semaphore(%arg19 : memref<!tpu.dma_semaphore, #tpu.memory_space<semaphore_mem>>) src(%arg12 : memref<64x128xf32, #tpu.memory_space<vmem>>) dst(%dma_wait3A_282 : memref<64x128xf32, #tpu.memory_space<hbm>>)
    "tpu.region"() ({
      %run_scoped3A = tpu.sem_alloc : memref<!tpu.dma_semaphore, #tpu.memory_space<semaphore_mem>>
      %dma_start3A_357 = arith.constant 0 : i32
      %dma_start3A_358 = tpu.memref_slice %arg14[%add3A_276, %dma_start3A_357] : memref<10240x128xf32, #tpu.memory_space<vmem_shared>> -> memref<64x128xf32, #tpu.memory_space<vmem_shared>>
      %dma_start3A_359 = arith.constant 0 : i32
      %dma_start3A_360 = tpu.memref_slice %arg14[%add3A_276, %dma_start3A_359] : memref<10240x128xf32, #tpu.memory_space<vmem_shared>> -> memref<64x128xf32, #tpu.memory_space<vmem_shared>>
      tpu.enqueue_dma source(%dma_start3A_360 : memref<64x128xf32, #tpu.memory_space<vmem_shared>>) target(%arg12 : memref<64x128xf32, #tpu.memory_space<vmem>>) target_semaphore(%run_scoped3A : memref<!tpu.dma_semaphore, #tpu.memory_space<semaphore_mem>>)
      %dma_wait3A_361 = arith.constant 0 : i32
      %dma_wait3A_362 = tpu.memref_slice %arg14[%add3A_276, %dma_wait3A_361] : memref<10240x128xf32, #tpu.memory_space<vmem_shared>> -> memref<64x128xf32, #tpu.memory_space<vmem_shared>>
      %dma_wait3A_363 = arith.constant 0 : i32
      %dma_wait3A_364 = tpu.memref_slice %arg14[%add3A_276, %dma_wait3A_363] : memref<10240x128xf32, #tpu.memory_space<vmem_shared>> -> memref<64x128xf32, #tpu.memory_space<vmem_shared>>
      tpu.wait_dma2 semaphore(%run_scoped3A : memref<!tpu.dma_semaphore, #tpu.memory_space<semaphore_mem>>) src(%dma_wait3A_364 : memref<64x128xf32, #tpu.memory_space<vmem_shared>>) dst(%arg12 : memref<64x128xf32, #tpu.memory_space<vmem>>)
      tpu.yield
    }) : () -> ()
    %dma_start3A_283 = arith.constant 0 : i32
    %dma_start3A_284 = tpu.memref_slice %arg6[%arg0, %add3A_276, %dma_start3A_283] : memref<2x10240x128xf32, #tpu.memory_space<hbm>> -> memref<1x64x128xf32, #tpu.memory_space<hbm>>
    %dma_start3A_285 = tpu.memref_squeeze %dma_start3A_284 : memref<1x64x128xf32, #tpu.memory_space<hbm>> -> memref<64x128xf32, #tpu.memory_space<hbm>>
    %dma_start3A_286 = arith.constant 0 : i32
    %dma_start3A_287 = tpu.memref_slice %arg6[%arg0, %add3A_276, %dma_start3A_286] : memref<2x10240x128xf32, #tpu.memory_space<hbm>> -> memref<1x64x128xf32, #tpu.memory_space<hbm>>
    %dma_start3A_288 = tpu.memref_squeeze %dma_start3A_287 : memref<1x64x128xf32, #tpu.memory_space<hbm>> -> memref<64x128xf32, #tpu.memory_space<hbm>>
    tpu.enqueue_dma source(%arg12 : memref<64x128xf32, #tpu.memory_space<vmem>>) target(%dma_start3A_288 : memref<64x128xf32, #tpu.memory_space<hbm>>) target_semaphore(%arg19 : memref<!tpu.dma_semaphore, #tpu.memory_space<semaphore_mem>>)
    %add3A_289 = arith.constant 384 : i32
    %add3A_290 = arith.addi %mul3A_2, %add3A_289 : i32
    %dma_wait3A_291 = arith.constant 0 : i32
    %dma_wait3A_292 = tpu.memref_slice %arg6[%arg0, %mul3A_2, %dma_wait3A_291] : memref<2x10240x128xf32, #tpu.memory_space<hbm>> -> memref<1x64x128xf32, #tpu.memory_space<hbm>>
    %dma_wait3A_293 = tpu.memref_squeeze %dma_wait3A_292 : memref<1x64x128xf32, #tpu.memory_space<hbm>> -> memref<64x128xf32, #tpu.memory_space<hbm>>
    %dma_wait3A_294 = arith.constant 0 : i32
    %dma_wait3A_295 = tpu.memref_slice %arg6[%arg0, %mul3A_2, %dma_wait3A_294] : memref<2x10240x128xf32, #tpu.memory_space<hbm>> -> memref<1x64x128xf32, #tpu.memory_space<hbm>>
    %dma_wait3A_296 = tpu.memref_squeeze %dma_wait3A_295 : memref<1x64x128xf32, #tpu.memory_space<hbm>> -> memref<64x128xf32, #tpu.memory_space<hbm>>
    tpu.wait_dma2 semaphore(%arg18 : memref<!tpu.dma_semaphore, #tpu.memory_space<semaphore_mem>>) src(%arg11 : memref<64x128xf32, #tpu.memory_space<vmem>>) dst(%dma_wait3A_296 : memref<64x128xf32, #tpu.memory_space<hbm>>)
    "tpu.region"() ({
      %run_scoped3A = tpu.sem_alloc : memref<!tpu.dma_semaphore, #tpu.memory_space<semaphore_mem>>
      %dma_start3A_357 = arith.constant 0 : i32
      %dma_start3A_358 = tpu.memref_slice %arg14[%add3A_290, %dma_start3A_357] : memref<10240x128xf32, #tpu.memory_space<vmem_shared>> -> memref<64x128xf32, #tpu.memory_space<vmem_shared>>
      %dma_start3A_359 = arith.constant 0 : i32
      %dma_start3A_360 = tpu.memref_slice %arg14[%add3A_290, %dma_start3A_359] : memref<10240x128xf32, #tpu.memory_space<vmem_shared>> -> memref<64x128xf32, #tpu.memory_space<vmem_shared>>
      tpu.enqueue_dma source(%dma_start3A_360 : memref<64x128xf32, #tpu.memory_space<vmem_shared>>) target(%arg11 : memref<64x128xf32, #tpu.memory_space<vmem>>) target_semaphore(%run_scoped3A : memref<!tpu.dma_semaphore, #tpu.memory_space<semaphore_mem>>)
      %dma_wait3A_361 = arith.constant 0 : i32
      %dma_wait3A_362 = tpu.memref_slice %arg14[%add3A_290, %dma_wait3A_361] : memref<10240x128xf32, #tpu.memory_space<vmem_shared>> -> memref<64x128xf32, #tpu.memory_space<vmem_shared>>
      %dma_wait3A_363 = arith.constant 0 : i32
      %dma_wait3A_364 = tpu.memref_slice %arg14[%add3A_290, %dma_wait3A_363] : memref<10240x128xf32, #tpu.memory_space<vmem_shared>> -> memref<64x128xf32, #tpu.memory_space<vmem_shared>>
      tpu.wait_dma2 semaphore(%run_scoped3A : memref<!tpu.dma_semaphore, #tpu.memory_space<semaphore_mem>>) src(%dma_wait3A_364 : memref<64x128xf32, #tpu.memory_space<vmem_shared>>) dst(%arg11 : memref<64x128xf32, #tpu.memory_space<vmem>>)
      tpu.yield
    }) : () -> ()
    %dma_start3A_297 = arith.constant 0 : i32
    %dma_start3A_298 = tpu.memref_slice %arg6[%arg0, %add3A_290, %dma_start3A_297] : memref<2x10240x128xf32, #tpu.memory_space<hbm>> -> memref<1x64x128xf32, #tpu.memory_space<hbm>>
    %dma_start3A_299 = tpu.memref_squeeze %dma_start3A_298 : memref<1x64x128xf32, #tpu.memory_space<hbm>> -> memref<64x128xf32, #tpu.memory_space<hbm>>
    %dma_start3A_300 = arith.constant 0 : i32
    %dma_start3A_301 = tpu.memref_slice %arg6[%arg0, %add3A_290, %dma_start3A_300] : memref<2x10240x128xf32, #tpu.memory_space<hbm>> -> memref<1x64x128xf32, #tpu.memory_space<hbm>>
    %dma_start3A_302 = tpu.memref_squeeze %dma_start3A_301 : memref<1x64x128xf32, #tpu.memory_space<hbm>> -> memref<64x128xf32, #tpu.memory_space<hbm>>
    tpu.enqueue_dma source(%arg11 : memref<64x128xf32, #tpu.memory_space<vmem>>) target(%dma_start3A_302 : memref<64x128xf32, #tpu.memory_space<hbm>>) target_semaphore(%arg18 : memref<!tpu.dma_semaphore, #tpu.memory_space<semaphore_mem>>)
    %add3A_303 = arith.constant 448 : i32
    %add3A_304 = arith.addi %mul3A_2, %add3A_303 : i32
    %dma_wait3A_305 = arith.constant 0 : i32
    %dma_wait3A_306 = tpu.memref_slice %arg6[%arg0, %mul3A_2, %dma_wait3A_305] : memref<2x10240x128xf32, #tpu.memory_space<hbm>> -> memref<1x64x128xf32, #tpu.memory_space<hbm>>
    %dma_wait3A_307 = tpu.memref_squeeze %dma_wait3A_306 : memref<1x64x128xf32, #tpu.memory_space<hbm>> -> memref<64x128xf32, #tpu.memory_space<hbm>>
    %dma_wait3A_308 = arith.constant 0 : i32
    %dma_wait3A_309 = tpu.memref_slice %arg6[%arg0, %mul3A_2, %dma_wait3A_308] : memref<2x10240x128xf32, #tpu.memory_space<hbm>> -> memref<1x64x128xf32, #tpu.memory_space<hbm>>
    %dma_wait3A_310 = tpu.memref_squeeze %dma_wait3A_309 : memref<1x64x128xf32, #tpu.memory_space<hbm>> -> memref<64x128xf32, #tpu.memory_space<hbm>>
    tpu.wait_dma2 semaphore(%arg19 : memref<!tpu.dma_semaphore, #tpu.memory_space<semaphore_mem>>) src(%arg12 : memref<64x128xf32, #tpu.memory_space<vmem>>) dst(%dma_wait3A_310 : memref<64x128xf32, #tpu.memory_space<hbm>>)
    "tpu.region"() ({
      %run_scoped3A = tpu.sem_alloc : memref<!tpu.dma_semaphore, #tpu.memory_space<semaphore_mem>>
      %dma_start3A_357 = arith.constant 0 : i32
      %dma_start3A_358 = tpu.memref_slice %arg14[%add3A_304, %dma_start3A_357] : memref<10240x128xf32, #tpu.memory_space<vmem_shared>> -> memref<64x128xf32, #tpu.memory_space<vmem_shared>>
      %dma_start3A_359 = arith.constant 0 : i32
      %dma_start3A_360 = tpu.memref_slice %arg14[%add3A_304, %dma_start3A_359] : memref<10240x128xf32, #tpu.memory_space<vmem_shared>> -> memref<64x128xf32, #tpu.memory_space<vmem_shared>>
      tpu.enqueue_dma source(%dma_start3A_360 : memref<64x128xf32, #tpu.memory_space<vmem_shared>>) target(%arg12 : memref<64x128xf32, #tpu.memory_space<vmem>>) target_semaphore(%run_scoped3A : memref<!tpu.dma_semaphore, #tpu.memory_space<semaphore_mem>>)
      %dma_wait3A_361 = arith.constant 0 : i32
      %dma_wait3A_362 = tpu.memref_slice %arg14[%add3A_304, %dma_wait3A_361] : memref<10240x128xf32, #tpu.memory_space<vmem_shared>> -> memref<64x128xf32, #tpu.memory_space<vmem_shared>>
      %dma_wait3A_363 = arith.constant 0 : i32
      %dma_wait3A_364 = tpu.memref_slice %arg14[%add3A_304, %dma_wait3A_363] : memref<10240x128xf32, #tpu.memory_space<vmem_shared>> -> memref<64x128xf32, #tpu.memory_space<vmem_shared>>
      tpu.wait_dma2 semaphore(%run_scoped3A : memref<!tpu.dma_semaphore, #tpu.memory_space<semaphore_mem>>) src(%dma_wait3A_364 : memref<64x128xf32, #tpu.memory_space<vmem_shared>>) dst(%arg12 : memref<64x128xf32, #tpu.memory_space<vmem>>)
      tpu.yield
    }) : () -> ()
    %dma_start3A_311 = arith.constant 0 : i32
    %dma_start3A_312 = tpu.memref_slice %arg6[%arg0, %add3A_304, %dma_start3A_311] : memref<2x10240x128xf32, #tpu.memory_space<hbm>> -> memref<1x64x128xf32, #tpu.memory_space<hbm>>
    %dma_start3A_313 = tpu.memref_squeeze %dma_start3A_312 : memref<1x64x128xf32, #tpu.memory_space<hbm>> -> memref<64x128xf32, #tpu.memory_space<hbm>>
    %dma_start3A_314 = arith.constant 0 : i32
    %dma_start3A_315 = tpu.memref_slice %arg6[%arg0, %add3A_304, %dma_start3A_314] : memref<2x10240x128xf32, #tpu.memory_space<hbm>> -> memref<1x64x128xf32, #tpu.memory_space<hbm>>
    %dma_start3A_316 = tpu.memref_squeeze %dma_start3A_315 : memref<1x64x128xf32, #tpu.memory_space<hbm>> -> memref<64x128xf32, #tpu.memory_space<hbm>>
    tpu.enqueue_dma source(%arg12 : memref<64x128xf32, #tpu.memory_space<vmem>>) target(%dma_start3A_316 : memref<64x128xf32, #tpu.memory_space<hbm>>) target_semaphore(%arg19 : memref<!tpu.dma_semaphore, #tpu.memory_space<semaphore_mem>>)
    %add3A_317 = arith.constant 512 : i32
    %add3A_318 = arith.addi %mul3A_2, %add3A_317 : i32
    %dma_wait3A_319 = arith.constant 0 : i32
    %dma_wait3A_320 = tpu.memref_slice %arg6[%arg0, %mul3A_2, %dma_wait3A_319] : memref<2x10240x128xf32, #tpu.memory_space<hbm>> -> memref<1x64x128xf32, #tpu.memory_space<hbm>>
    %dma_wait3A_321 = tpu.memref_squeeze %dma_wait3A_320 : memref<1x64x128xf32, #tpu.memory_space<hbm>> -> memref<64x128xf32, #tpu.memory_space<hbm>>
    %dma_wait3A_322 = arith.constant 0 : i32
    %dma_wait3A_323 = tpu.memref_slice %arg6[%arg0, %mul3A_2, %dma_wait3A_322] : memref<2x10240x128xf32, #tpu.memory_space<hbm>> -> memref<1x64x128xf32, #tpu.memory_space<hbm>>
    %dma_wait3A_324 = tpu.memref_squeeze %dma_wait3A_323 : memref<1x64x128xf32, #tpu.memory_space<hbm>> -> memref<64x128xf32, #tpu.memory_space<hbm>>
    tpu.wait_dma2 semaphore(%arg18 : memref<!tpu.dma_semaphore, #tpu.memory_space<semaphore_mem>>) src(%arg11 : memref<64x128xf32, #tpu.memory_space<vmem>>) dst(%dma_wait3A_324 : memref<64x128xf32, #tpu.memory_space<hbm>>)
    "tpu.region"() ({
      %run_scoped3A = tpu.sem_alloc : memref<!tpu.dma_semaphore, #tpu.memory_space<semaphore_mem>>
      %dma_start3A_357 = arith.constant 0 : i32
      %dma_start3A_358 = tpu.memref_slice %arg14[%add3A_318, %dma_start3A_357] : memref<10240x128xf32, #tpu.memory_space<vmem_shared>> -> memref<64x128xf32, #tpu.memory_space<vmem_shared>>
      %dma_start3A_359 = arith.constant 0 : i32
      %dma_start3A_360 = tpu.memref_slice %arg14[%add3A_318, %dma_start3A_359] : memref<10240x128xf32, #tpu.memory_space<vmem_shared>> -> memref<64x128xf32, #tpu.memory_space<vmem_shared>>
      tpu.enqueue_dma source(%dma_start3A_360 : memref<64x128xf32, #tpu.memory_space<vmem_shared>>) target(%arg11 : memref<64x128xf32, #tpu.memory_space<vmem>>) target_semaphore(%run_scoped3A : memref<!tpu.dma_semaphore, #tpu.memory_space<semaphore_mem>>)
      %dma_wait3A_361 = arith.constant 0 : i32
      %dma_wait3A_362 = tpu.memref_slice %arg14[%add3A_318, %dma_wait3A_361] : memref<10240x128xf32, #tpu.memory_space<vmem_shared>> -> memref<64x128xf32, #tpu.memory_space<vmem_shared>>
      %dma_wait3A_363 = arith.constant 0 : i32
      %dma_wait3A_364 = tpu.memref_slice %arg14[%add3A_318, %dma_wait3A_363] : memref<10240x128xf32, #tpu.memory_space<vmem_shared>> -> memref<64x128xf32, #tpu.memory_space<vmem_shared>>
      tpu.wait_dma2 semaphore(%run_scoped3A : memref<!tpu.dma_semaphore, #tpu.memory_space<semaphore_mem>>) src(%dma_wait3A_364 : memref<64x128xf32, #tpu.memory_space<vmem_shared>>) dst(%arg11 : memref<64x128xf32, #tpu.memory_space<vmem>>)
      tpu.yield
    }) : () -> ()
    %dma_start3A_325 = arith.constant 0 : i32
    %dma_start3A_326 = tpu.memref_slice %arg6[%arg0, %add3A_318, %dma_start3A_325] : memref<2x10240x128xf32, #tpu.memory_space<hbm>> -> memref<1x64x128xf32, #tpu.memory_space<hbm>>
    %dma_start3A_327 = tpu.memref_squeeze %dma_start3A_326 : memref<1x64x128xf32, #tpu.memory_space<hbm>> -> memref<64x128xf32, #tpu.memory_space<hbm>>
    %dma_start3A_328 = arith.constant 0 : i32
    %dma_start3A_329 = tpu.memref_slice %arg6[%arg0, %add3A_318, %dma_start3A_328] : memref<2x10240x128xf32, #tpu.memory_space<hbm>> -> memref<1x64x128xf32, #tpu.memory_space<hbm>>
    %dma_start3A_330 = tpu.memref_squeeze %dma_start3A_329 : memref<1x64x128xf32, #tpu.memory_space<hbm>> -> memref<64x128xf32, #tpu.memory_space<hbm>>
    tpu.enqueue_dma source(%arg11 : memref<64x128xf32, #tpu.memory_space<vmem>>) target(%dma_start3A_330 : memref<64x128xf32, #tpu.memory_space<hbm>>) target_semaphore(%arg18 : memref<!tpu.dma_semaphore, #tpu.memory_space<semaphore_mem>>)
    %add3A_331 = arith.constant 576 : i32
    %add3A_332 = arith.addi %mul3A_2, %add3A_331 : i32
    %dma_wait3A_333 = arith.constant 0 : i32
    %dma_wait3A_334 = tpu.memref_slice %arg6[%arg0, %mul3A_2, %dma_wait3A_333] : memref<2x10240x128xf32, #tpu.memory_space<hbm>> -> memref<1x64x128xf32, #tpu.memory_space<hbm>>
    %dma_wait3A_335 = tpu.memref_squeeze %dma_wait3A_334 : memref<1x64x128xf32, #tpu.memory_space<hbm>> -> memref<64x128xf32, #tpu.memory_space<hbm>>
    %dma_wait3A_336 = arith.constant 0 : i32
    %dma_wait3A_337 = tpu.memref_slice %arg6[%arg0, %mul3A_2, %dma_wait3A_336] : memref<2x10240x128xf32, #tpu.memory_space<hbm>> -> memref<1x64x128xf32, #tpu.memory_space<hbm>>
    %dma_wait3A_338 = tpu.memref_squeeze %dma_wait3A_337 : memref<1x64x128xf32, #tpu.memory_space<hbm>> -> memref<64x128xf32, #tpu.memory_space<hbm>>
    tpu.wait_dma2 semaphore(%arg19 : memref<!tpu.dma_semaphore, #tpu.memory_space<semaphore_mem>>) src(%arg12 : memref<64x128xf32, #tpu.memory_space<vmem>>) dst(%dma_wait3A_338 : memref<64x128xf32, #tpu.memory_space<hbm>>)
    "tpu.region"() ({
      %run_scoped3A = tpu.sem_alloc : memref<!tpu.dma_semaphore, #tpu.memory_space<semaphore_mem>>
      %dma_start3A_357 = arith.constant 0 : i32
      %dma_start3A_358 = tpu.memref_slice %arg14[%add3A_332, %dma_start3A_357] : memref<10240x128xf32, #tpu.memory_space<vmem_shared>> -> memref<64x128xf32, #tpu.memory_space<vmem_shared>>
      %dma_start3A_359 = arith.constant 0 : i32
      %dma_start3A_360 = tpu.memref_slice %arg14[%add3A_332, %dma_start3A_359] : memref<10240x128xf32, #tpu.memory_space<vmem_shared>> -> memref<64x128xf32, #tpu.memory_space<vmem_shared>>
      tpu.enqueue_dma source(%dma_start3A_360 : memref<64x128xf32, #tpu.memory_space<vmem_shared>>) target(%arg12 : memref<64x128xf32, #tpu.memory_space<vmem>>) target_semaphore(%run_scoped3A : memref<!tpu.dma_semaphore, #tpu.memory_space<semaphore_mem>>)
      %dma_wait3A_361 = arith.constant 0 : i32
      %dma_wait3A_362 = tpu.memref_slice %arg14[%add3A_332, %dma_wait3A_361] : memref<10240x128xf32, #tpu.memory_space<vmem_shared>> -> memref<64x128xf32, #tpu.memory_space<vmem_shared>>
      %dma_wait3A_363 = arith.constant 0 : i32
      %dma_wait3A_364 = tpu.memref_slice %arg14[%add3A_332, %dma_wait3A_363] : memref<10240x128xf32, #tpu.memory_space<vmem_shared>> -> memref<64x128xf32, #tpu.memory_space<vmem_shared>>
      tpu.wait_dma2 semaphore(%run_scoped3A : memref<!tpu.dma_semaphore, #tpu.memory_space<semaphore_mem>>) src(%dma_wait3A_364 : memref<64x128xf32, #tpu.memory_space<vmem_shared>>) dst(%arg12 : memref<64x128xf32, #tpu.memory_space<vmem>>)
      tpu.yield
    }) : () -> ()
    %dma_start3A_339 = arith.constant 0 : i32
    %dma_start3A_340 = tpu.memref_slice %arg6[%arg0, %add3A_332, %dma_start3A_339] : memref<2x10240x128xf32, #tpu.memory_space<hbm>> -> memref<1x64x128xf32, #tpu.memory_space<hbm>>
    %dma_start3A_341 = tpu.memref_squeeze %dma_start3A_340 : memref<1x64x128xf32, #tpu.memory_space<hbm>> -> memref<64x128xf32, #tpu.memory_space<hbm>>
    %dma_start3A_342 = arith.constant 0 : i32
    %dma_start3A_343 = tpu.memref_slice %arg6[%arg0, %add3A_332, %dma_start3A_342] : memref<2x10240x128xf32, #tpu.memory_space<hbm>> -> memref<1x64x128xf32, #tpu.memory_space<hbm>>
    %dma_start3A_344 = tpu.memref_squeeze %dma_start3A_343 : memref<1x64x128xf32, #tpu.memory_space<hbm>> -> memref<64x128xf32, #tpu.memory_space<hbm>>
    tpu.enqueue_dma source(%arg12 : memref<64x128xf32, #tpu.memory_space<vmem>>) target(%dma_start3A_344 : memref<64x128xf32, #tpu.memory_space<hbm>>) target_semaphore(%arg19 : memref<!tpu.dma_semaphore, #tpu.memory_space<semaphore_mem>>)
    %dma_wait3A_345 = arith.constant 0 : i32
    %dma_wait3A_346 = tpu.memref_slice %arg6[%arg0, %mul3A_2, %dma_wait3A_345] : memref<2x10240x128xf32, #tpu.memory_space<hbm>> -> memref<1x64x128xf32, #tpu.memory_space<hbm>>
    %dma_wait3A_347 = tpu.memref_squeeze %dma_wait3A_346 : memref<1x64x128xf32, #tpu.memory_space<hbm>> -> memref<64x128xf32, #tpu.memory_space<hbm>>
    %dma_wait3A_348 = arith.constant 0 : i32
    %dma_wait3A_349 = tpu.memref_slice %arg6[%arg0, %mul3A_2, %dma_wait3A_348] : memref<2x10240x128xf32, #tpu.memory_space<hbm>> -> memref<1x64x128xf32, #tpu.memory_space<hbm>>
    %dma_wait3A_350 = tpu.memref_squeeze %dma_wait3A_349 : memref<1x64x128xf32, #tpu.memory_space<hbm>> -> memref<64x128xf32, #tpu.memory_space<hbm>>
    tpu.wait_dma2 semaphore(%arg18 : memref<!tpu.dma_semaphore, #tpu.memory_space<semaphore_mem>>) src(%arg11 : memref<64x128xf32, #tpu.memory_space<vmem>>) dst(%dma_wait3A_350 : memref<64x128xf32, #tpu.memory_space<hbm>>)
    %dma_wait3A_351 = arith.constant 0 : i32
    %dma_wait3A_352 = tpu.memref_slice %arg6[%arg0, %mul3A_2, %dma_wait3A_351] : memref<2x10240x128xf32, #tpu.memory_space<hbm>> -> memref<1x64x128xf32, #tpu.memory_space<hbm>>
    %dma_wait3A_353 = tpu.memref_squeeze %dma_wait3A_352 : memref<1x64x128xf32, #tpu.memory_space<hbm>> -> memref<64x128xf32, #tpu.memory_space<hbm>>
    %dma_wait3A_354 = arith.constant 0 : i32
    %dma_wait3A_355 = tpu.memref_slice %arg6[%arg0, %mul3A_2, %dma_wait3A_354] : memref<2x10240x128xf32, #tpu.memory_space<hbm>> -> memref<1x64x128xf32, #tpu.memory_space<hbm>>
    %dma_wait3A_356 = tpu.memref_squeeze %dma_wait3A_355 : memref<1x64x128xf32, #tpu.memory_space<hbm>> -> memref<64x128xf32, #tpu.memory_space<hbm>>
    tpu.wait_dma2 semaphore(%arg19 : memref<!tpu.dma_semaphore, #tpu.memory_space<semaphore_mem>>) src(%arg12 : memref<64x128xf32, #tpu.memory_space<vmem>>) dst(%dma_wait3A_356 : memref<64x128xf32, #tpu.memory_space<hbm>>)
    return
  }
}

module attributes {stable_mosaic.version = 14 : i64} {
  func.func @_prep_body(%arg0: memref<32x10000xf32, #tpu.memory_space<vmem>>, %arg1: memref<10000x128xf32, #tpu.memory_space<vmem>>, %arg2: memref<10000x1xf32, #tpu.memory_space<vmem>>, %arg3: memref<10000x128xf32, #tpu.memory_space<vmem>>) attributes {dimension_semantics = [], scalar_prefetch = 0 : i64, scratch_operands = 0 : i64, tpu.core_type = #tpu.core_type<tc>} {
    %get3A = arith.constant 0 : index
    %get3A_0 = arith.constant 0 : index
    %get3A_1 = vector.load %arg0[%get3A, %get3A_0] : memref<32x10000xf32, #tpu.memory_space<vmem>>, vector<32x10000xf32>
    %reduce_sum3A = arith.constant dense<0.000000e+00> : vector<10000xf32>
    %reduce_sum3A_2 = vector.multi_reduction <add>, %get3A_1, %reduce_sum3A [0] : vector<32x10000xf32> to vector<10000xf32>
    %add3A = arith.constant 1.000000e+00 : f32
    %add3A_3 = vector.broadcast %add3A : f32 to vector<10000xf32>
    %add3A_4 = arith.addf %add3A_3, %reduce_sum3A_2 : vector<10000xf32>
    %rsqrt3A = math.rsqrt %add3A_4 : vector<10000xf32>
    %broadcast_in_dim3A = vector.shape_cast %rsqrt3A : vector<10000xf32> to vector<10000x1xf32>
    %swap3A = arith.constant 0 : index
    %swap3A_5 = arith.constant 0 : index
    %swap3A_6 = vector.load %arg2[%swap3A, %swap3A_5] : memref<10000x1xf32, #tpu.memory_space<vmem>>, vector<10000x1xf32>
    tpu.vector_store %arg2[%swap3A, %swap3A_5], %broadcast_in_dim3A {strides = array<i32>} : memref<10000x1xf32, #tpu.memory_space<vmem>>, vector<10000x1xf32>,
    %get3A_7 = arith.constant 0 : index
    %get3A_8 = arith.constant 0 : index
    %get3A_9 = vector.load %arg1[%get3A_7, %get3A_8] : memref<10000x128xf32, #tpu.memory_space<vmem>>, vector<10000x128xf32>
    %mul3A = vector.broadcast %broadcast_in_dim3A : vector<10000x1xf32> to vector<10000x128xf32>
    %mul3A_10 = arith.mulf %mul3A, %get3A_9 : vector<10000x128xf32>
    %swap3A_11 = arith.constant 0 : index
    %swap3A_12 = arith.constant 0 : index
    %swap3A_13 = vector.load %arg3[%swap3A_11, %swap3A_12] : memref<10000x128xf32, #tpu.memory_space<vmem>>, vector<10000x128xf32>
    tpu.vector_store %arg3[%swap3A_11, %swap3A_12], %mul3A_10 {strides = array<i32>} : memref<10000x128xf32, #tpu.memory_space<vmem>>, vector<10000x128xf32>,
    return
  }
}

module attributes {stable_mosaic.version = 14 : i64} {
  func.func @_layer_mid_body(%arg0: i32, %arg1: memref<2x2000x128xf32, #tpu.memory_space<vmem>>, %arg2: memref<2000x128xf32, #tpu.memory_space<vmem>>, %arg3: memref<2000x1xf32, #tpu.memory_space<vmem>>, %arg4: memref<128x128xf32, #tpu.memory_space<vmem>>, %arg5: memref<128xf32, #tpu.memory_space<vmem>>, %arg6: memref<2000x128xf32, #tpu.memory_space<vmem>>) attributes {dimension_semantics = [#tpu.dimension_semantics<arbitrary>], iteration_bounds = array<i64: 5>, scalar_prefetch = 0 : i64, scratch_operands = 0 : i64, tpu.core_type = #tpu.core_type<tc>, window_params = [{transform_indices = @transform_0, window_bounds = array<i64: 2, 2000, 128>}, {transform_indices = @transform_1, window_bounds = array<i64: 2000, 128>}, {transform_indices = @transform_2, window_bounds = array<i64: 2000, 1>}, {pipeline_mode = #tpu.pipeline_mode<synchronous>, transform_indices = @transform_3, window_bounds = array<i64: 128, 128>}, {pipeline_mode = #tpu.pipeline_mode<synchronous>, transform_indices = @transform_4, window_bounds = array<i64: 128>}, {transform_indices = @transform_5, window_bounds = array<i64: 2000, 128>}]} {
    %get3A = arith.constant 0 : index
    %get3A_0 = arith.constant 0 : index
    %get3A_1 = arith.constant 0 : index
    %get3A_2 = vector.load %arg1[%get3A, %get3A_0, %get3A_1] : memref<2x2000x128xf32, #tpu.memory_space<vmem>>, vector<1x2000x128xf32>
    %get3A_3 = vector.shape_cast %get3A_2 : vector<1x2000x128xf32> to vector<2000x128xf32>
    %get3A_4 = arith.constant 1 : index
    %get3A_5 = arith.constant 0 : index
    %get3A_6 = arith.constant 0 : index
    %get3A_7 = vector.load %arg1[%get3A_4, %get3A_5, %get3A_6] : memref<2x2000x128xf32, #tpu.memory_space<vmem>>, vector<1x2000x128xf32>
    %get3A_8 = vector.shape_cast %get3A_7 : vector<1x2000x128xf32> to vector<2000x128xf32>
    %add3A = arith.addf %get3A_3, %get3A_8 : vector<2000x128xf32>
    %get3A_9 = arith.constant 0 : index
    %get3A_10 = arith.constant 0 : index
    %get3A_11 = vector.load %arg2[%get3A_9, %get3A_10] : memref<2000x128xf32, #tpu.memory_space<vmem>>, vector<2000x128xf32>
    %add3A_12 = arith.addf %add3A, %get3A_11 : vector<2000x128xf32>
    %get3A_13 = arith.constant 0 : index
    %get3A_14 = arith.constant 0 : index
    %get3A_15 = vector.load %arg3[%get3A_13, %get3A_14] : memref<2000x1xf32, #tpu.memory_space<vmem>>, vector<2000x1xf32>
    %mul3A = vector.broadcast %get3A_15 : vector<2000x1xf32> to vector<2000x128xf32>
    %mul3A_16 = arith.mulf %mul3A, %add3A_12 : vector<2000x128xf32>
    %get3A_17 = arith.constant 0 : index
    %get3A_18 = arith.constant 0 : index
    %get3A_19 = vector.load %arg4[%get3A_17, %get3A_18] : memref<128x128xf32, #tpu.memory_space<vmem>>, vector<128x128xf32>
    %dot_general3A = arith.constant dense<0.000000e+00> : vector<2000x128xf32>
    %dot_general3A_20 = tpu.matmul %mul3A_16, %get3A_19, %dot_general3A {dimension_numbers = #tpu.dot_dimension_numbers<[1], [0], [0], [1], [0, 0, 1, 1], [], []>, transpose_lhs_hint = false} : vector<2000x128xf32>, vector<128x128xf32>, vector<2000x128xf32> -> vector<2000x128xf32>
    %get3A_21 = arith.constant 0 : index
    %get3A_22 = vector.load %arg5[%get3A_21] : memref<128xf32, #tpu.memory_space<vmem>>, vector<128xf32>
    %broadcast_in_dim3A = vector.shape_cast %get3A_22 : vector<128xf32> to vector<1x128xf32>
    %add3A_23 = vector.broadcast %broadcast_in_dim3A : vector<1x128xf32> to vector<2000x128xf32>
    %add3A_24 = arith.addf %dot_general3A_20, %add3A_23 : vector<2000x128xf32>
    %get3A_25 = arith.constant 0 : index
    %get3A_26 = arith.constant 0 : index
    %get3A_27 = vector.load %arg3[%get3A_25, %get3A_26] : memref<2000x1xf32, #tpu.memory_space<vmem>>, vector<2000x1xf32>
    %max3A = arith.constant 0.000000e+00 : f32
    %max3A_28 = vector.broadcast %max3A : f32 to vector<2000x128xf32>
    %max3A_29 = arith.maximumf %add3A_24, %max3A_28 : vector<2000x128xf32>
    %mul3A_30 = vector.broadcast %get3A_27 : vector<2000x1xf32> to vector<2000x128xf32>
    %mul3A_31 = arith.mulf %mul3A_30, %max3A_29 : vector<2000x128xf32>
    %swap3A = arith.constant 0 : index
    %swap3A_32 = arith.constant 0 : index
    %swap3A_33 = vector.load %arg6[%swap3A, %swap3A_32] : memref<2000x128xf32, #tpu.memory_space<vmem>>, vector<2000x128xf32>
    tpu.vector_store %arg6[%swap3A, %swap3A_32], %mul3A_31 {strides = array<i32>} : memref<2000x128xf32, #tpu.memory_space<vmem>>, vector<2000x128xf32>,
    return
  }
  func.func @transform_0(%arg0: i32) -> (i32, i32, i32) {
    %c0_i32 = arith.constant 0 : i32
    %c0_i32_0 = arith.constant 0 : i32
    %c0_i32_1 = arith.constant 0 : i32
    return %c0_i32, %arg0, %c0_i32_0 : i32, i32, i32
  }
  func.func @transform_1(%arg0: i32) -> (i32, i32) {
    %c0_i32 = arith.constant 0 : i32
    %c0_i32_0 = arith.constant 0 : i32
    return %arg0, %c0_i32 : i32, i32
  }
  func.func @transform_2(%arg0: i32) -> (i32, i32) {
    %c0_i32 = arith.constant 0 : i32
    %c0_i32_0 = arith.constant 0 : i32
    return %arg0, %c0_i32 : i32, i32
  }
  func.func @transform_3(%arg0: i32) -> (i32, i32) {
    %c0_i32 = arith.constant 0 : i32
    %c0_i32_0 = arith.constant 0 : i32
    %c0_i32_1 = arith.constant 0 : i32
    return %c0_i32, %c0_i32_0 : i32, i32
  }
  func.func @transform_4(%arg0: i32) -> i32 {
    %c0_i32 = arith.constant 0 : i32
    %c0_i32_0 = arith.constant 0 : i32
    return %c0_i32 : i32
  }
  func.func @transform_5(%arg0: i32) -> (i32, i32) {
    %c0_i32 = arith.constant 0 : i32
    %c0_i32_0 = arith.constant 0 : i32
    return %arg0, %c0_i32 : i32, i32
  }
}

module attributes {stable_mosaic.version = 14 : i64} {
  func.func @_layer_last_body(%arg0: i32, %arg1: memref<2x2000x128xf32, #tpu.memory_space<vmem>>, %arg2: memref<2000x128xf32, #tpu.memory_space<vmem>>, %arg3: memref<2000x1xf32, #tpu.memory_space<vmem>>, %arg4: memref<128x128xf32, #tpu.memory_space<vmem>>, %arg5: memref<128xf32, #tpu.memory_space<vmem>>, %arg6: memref<128x64xf32, #tpu.memory_space<vmem>>, %arg7: memref<2000x64xf32, #tpu.memory_space<vmem>>) attributes {dimension_semantics = [#tpu.dimension_semantics<arbitrary>], iteration_bounds = array<i64: 5>, scalar_prefetch = 0 : i64, scratch_operands = 0 : i64, tpu.core_type = #tpu.core_type<tc>, window_params = [{transform_indices = @transform_0, window_bounds = array<i64: 2, 2000, 128>}, {transform_indices = @transform_1, window_bounds = array<i64: 2000, 128>}, {transform_indices = @transform_2, window_bounds = array<i64: 2000, 1>}, {pipeline_mode = #tpu.pipeline_mode<synchronous>, transform_indices = @transform_3, window_bounds = array<i64: 128, 128>}, {pipeline_mode = #tpu.pipeline_mode<synchronous>, transform_indices = @transform_4, window_bounds = array<i64: 128>}, {pipeline_mode = #tpu.pipeline_mode<synchronous>, transform_indices = @transform_5, window_bounds = array<i64: 128, 64>}, {transform_indices = @transform_6, window_bounds = array<i64: 2000, 64>}]} {
    %get3A = arith.constant 0 : index
    %get3A_0 = arith.constant 0 : index
    %get3A_1 = arith.constant 0 : index
    %get3A_2 = vector.load %arg1[%get3A, %get3A_0, %get3A_1] : memref<2x2000x128xf32, #tpu.memory_space<vmem>>, vector<1x2000x128xf32>
    %get3A_3 = vector.shape_cast %get3A_2 : vector<1x2000x128xf32> to vector<2000x128xf32>
    %get3A_4 = arith.constant 1 : index
    %get3A_5 = arith.constant 0 : index
    %get3A_6 = arith.constant 0 : index
    %get3A_7 = vector.load %arg1[%get3A_4, %get3A_5, %get3A_6] : memref<2x2000x128xf32, #tpu.memory_space<vmem>>, vector<1x2000x128xf32>
    %get3A_8 = vector.shape_cast %get3A_7 : vector<1x2000x128xf32> to vector<2000x128xf32>
    %add3A = arith.addf %get3A_3, %get3A_8 : vector<2000x128xf32>
    %get3A_9 = arith.constant 0 : index
    %get3A_10 = arith.constant 0 : index
    %get3A_11 = vector.load %arg2[%get3A_9, %get3A_10] : memref<2000x128xf32, #tpu.memory_space<vmem>>, vector<2000x128xf32>
    %add3A_12 = arith.addf %add3A, %get3A_11 : vector<2000x128xf32>
    %get3A_13 = arith.constant 0 : index
    %get3A_14 = arith.constant 0 : index
    %get3A_15 = vector.load %arg3[%get3A_13, %get3A_14] : memref<2000x1xf32, #tpu.memory_space<vmem>>, vector<2000x1xf32>
    %mul3A = vector.broadcast %get3A_15 : vector<2000x1xf32> to vector<2000x128xf32>
    %mul3A_16 = arith.mulf %mul3A, %add3A_12 : vector<2000x128xf32>
    %get3A_17 = arith.constant 0 : index
    %get3A_18 = arith.constant 0 : index
    %get3A_19 = vector.load %arg4[%get3A_17, %get3A_18] : memref<128x128xf32, #tpu.memory_space<vmem>>, vector<128x128xf32>
    %dot_general3A = arith.constant dense<0.000000e+00> : vector<2000x128xf32>
    %dot_general3A_20 = tpu.matmul %mul3A_16, %get3A_19, %dot_general3A {dimension_numbers = #tpu.dot_dimension_numbers<[1], [0], [0], [1], [0, 0, 1, 1], [], []>, transpose_lhs_hint = false} : vector<2000x128xf32>, vector<128x128xf32>, vector<2000x128xf32> -> vector<2000x128xf32>
    %get3A_21 = arith.constant 0 : index
    %get3A_22 = vector.load %arg5[%get3A_21] : memref<128xf32, #tpu.memory_space<vmem>>, vector<128xf32>
    %broadcast_in_dim3A = vector.shape_cast %get3A_22 : vector<128xf32> to vector<1x128xf32>
    %add3A_23 = vector.broadcast %broadcast_in_dim3A : vector<1x128xf32> to vector<2000x128xf32>
    %add3A_24 = arith.addf %dot_general3A_20, %add3A_23 : vector<2000x128xf32>
    %max3A = arith.constant 0.000000e+00 : f32
    %max3A_25 = vector.broadcast %max3A : f32 to vector<2000x128xf32>
    %max3A_26 = arith.maximumf %add3A_24, %max3A_25 : vector<2000x128xf32>
    %get3A_27 = arith.constant 0 : index
    %get3A_28 = arith.constant 0 : index
    %get3A_29 = vector.load %arg3[%get3A_27, %get3A_28] : memref<2000x1xf32, #tpu.memory_space<vmem>>, vector<2000x1xf32>
    %get3A_30 = arith.constant 0 : index
    %get3A_31 = arith.constant 0 : index
    %get3A_32 = vector.load %arg6[%get3A_30, %get3A_31] : memref<128x64xf32, #tpu.memory_space<vmem>>, vector<128x64xf32>
    %dot_general3A_33 = arith.constant dense<0.000000e+00> : vector<2000x64xf32>
    %dot_general3A_34 = tpu.matmul %max3A_26, %get3A_32, %dot_general3A_33 {dimension_numbers = #tpu.dot_dimension_numbers<[1], [0], [0], [1], [0, 0, 1, 1], [], []>, transpose_lhs_hint = false} : vector<2000x128xf32>, vector<128x64xf32>, vector<2000x64xf32> -> vector<2000x64xf32>
    %mul3A_35 = vector.broadcast %get3A_29 : vector<2000x1xf32> to vector<2000x64xf32>
    %mul3A_36 = arith.mulf %mul3A_35, %dot_general3A_34 : vector<2000x64xf32>
    %swap3A = arith.constant 0 : index
    %swap3A_37 = arith.constant 0 : index
    %swap3A_38 = vector.load %arg7[%swap3A, %swap3A_37] : memref<2000x64xf32, #tpu.memory_space<vmem>>, vector<2000x64xf32>
    tpu.vector_store %arg7[%swap3A, %swap3A_37], %mul3A_36 {strides = array<i32>} : memref<2000x64xf32, #tpu.memory_space<vmem>>, vector<2000x64xf32>,
    return
  }
  func.func @transform_0(%arg0: i32) -> (i32, i32, i32) {
    %c0_i32 = arith.constant 0 : i32
    %c0_i32_0 = arith.constant 0 : i32
    %c0_i32_1 = arith.constant 0 : i32
    return %c0_i32, %arg0, %c0_i32_0 : i32, i32, i32
  }
  func.func @transform_1(%arg0: i32) -> (i32, i32) {
    %c0_i32 = arith.constant 0 : i32
    %c0_i32_0 = arith.constant 0 : i32
    return %arg0, %c0_i32 : i32, i32
  }
  func.func @transform_2(%arg0: i32) -> (i32, i32) {
    %c0_i32 = arith.constant 0 : i32
    %c0_i32_0 = arith.constant 0 : i32
    return %arg0, %c0_i32 : i32, i32
  }
  func.func @transform_3(%arg0: i32) -> (i32, i32) {
    %c0_i32 = arith.constant 0 : i32
    %c0_i32_0 = arith.constant 0 : i32
    %c0_i32_1 = arith.constant 0 : i32
    return %c0_i32, %c0_i32_0 : i32, i32
  }
  func.func @transform_4(%arg0: i32) -> i32 {
    %c0_i32 = arith.constant 0 : i32
    %c0_i32_0 = arith.constant 0 : i32
    return %c0_i32 : i32
  }
  func.func @transform_5(%arg0: i32) -> (i32, i32) {
    %c0_i32 = arith.constant 0 : i32
    %c0_i32_0 = arith.constant 0 : i32
    %c0_i32_1 = arith.constant 0 : i32
    return %c0_i32, %c0_i32_0 : i32, i32
  }
  func.func @transform_6(%arg0: i32) -> (i32, i32) {
    %c0_i32 = arith.constant 0 : i32
    %c0_i32_0 = arith.constant 0 : i32
    return %arg0, %c0_i32 : i32, i32
  }
}

module attributes {stable_mosaic.version = 14 : i64} {
  func.func @_final_body(%arg0: i32, %arg1: memref<2x2000x64xf32, #tpu.memory_space<vmem>>, %arg2: memref<2000x64xf32, #tpu.memory_space<vmem>>, %arg3: memref<2000x1xf32, #tpu.memory_space<vmem>>, %arg4: memref<64xf32, #tpu.memory_space<vmem>>, %arg5: memref<2000x64xf32, #tpu.memory_space<vmem>>) attributes {dimension_semantics = [#tpu.dimension_semantics<arbitrary>], iteration_bounds = array<i64: 5>, scalar_prefetch = 0 : i64, scratch_operands = 0 : i64, tpu.core_type = #tpu.core_type<tc>, window_params = [{transform_indices = @transform_0, window_bounds = array<i64: 2, 2000, 64>}, {transform_indices = @transform_1, window_bounds = array<i64: 2000, 64>}, {transform_indices = @transform_2, window_bounds = array<i64: 2000, 1>}, {pipeline_mode = #tpu.pipeline_mode<synchronous>, transform_indices = @transform_3, window_bounds = array<i64: 64>}, {transform_indices = @transform_4, window_bounds = array<i64: 2000, 64>}]} {
    %get3A = arith.constant 0 : index
    %get3A_0 = arith.constant 0 : index
    %get3A_1 = arith.constant 0 : index
    %get3A_2 = vector.load %arg1[%get3A, %get3A_0, %get3A_1] : memref<2x2000x64xf32, #tpu.memory_space<vmem>>, vector<1x2000x64xf32>
    %get3A_3 = vector.shape_cast %get3A_2 : vector<1x2000x64xf32> to vector<2000x64xf32>
    %get3A_4 = arith.constant 1 : index
    %get3A_5 = arith.constant 0 : index
    %get3A_6 = arith.constant 0 : index
    %get3A_7 = vector.load %arg1[%get3A_4, %get3A_5, %get3A_6] : memref<2x2000x64xf32, #tpu.memory_space<vmem>>, vector<1x2000x64xf32>
    %get3A_8 = vector.shape_cast %get3A_7 : vector<1x2000x64xf32> to vector<2000x64xf32>
    %add3A = arith.addf %get3A_3, %get3A_8 : vector<2000x64xf32>
    %get3A_9 = arith.constant 0 : index
    %get3A_10 = arith.constant 0 : index
    %get3A_11 = vector.load %arg2[%get3A_9, %get3A_10] : memref<2000x64xf32, #tpu.memory_space<vmem>>, vector<2000x64xf32>
    %add3A_12 = arith.addf %add3A, %get3A_11 : vector<2000x64xf32>
    %get3A_13 = arith.constant 0 : index
    %get3A_14 = arith.constant 0 : index
    %get3A_15 = vector.load %arg3[%get3A_13, %get3A_14] : memref<2000x1xf32, #tpu.memory_space<vmem>>, vector<2000x1xf32>
    %mul3A = vector.broadcast %get3A_15 : vector<2000x1xf32> to vector<2000x64xf32>
    %mul3A_16 = arith.mulf %mul3A, %add3A_12 : vector<2000x64xf32>
    %get3A_17 = arith.constant 0 : index
    %get3A_18 = vector.load %arg4[%get3A_17] : memref<64xf32, #tpu.memory_space<vmem>>, vector<64xf32>
    %broadcast_in_dim3A = vector.shape_cast %get3A_18 : vector<64xf32> to vector<1x64xf32>
    %add3A_19 = vector.broadcast %broadcast_in_dim3A : vector<1x64xf32> to vector<2000x64xf32>
    %add3A_20 = arith.addf %mul3A_16, %add3A_19 : vector<2000x64xf32>
    %reduce_max3A = arith.constant dense<0xFF800000> : vector<2000xf32>
    %reduce_max3A_21 = vector.multi_reduction <maximumf>, %add3A_20, %reduce_max3A [1] : vector<2000x64xf32> to vector<2000xf32>
    %broadcast_in_dim3A_22 = vector.shape_cast %reduce_max3A_21 : vector<2000xf32> to vector<2000x1xf32>
    %sub3A = vector.broadcast %broadcast_in_dim3A_22 : vector<2000x1xf32> to vector<2000x64xf32>
    %sub3A_23 = arith.subf %add3A_20, %sub3A : vector<2000x64xf32>
    %exp3A = math.exp %sub3A_23 : vector<2000x64xf32>
    %reduce_sum3A = arith.constant dense<0.000000e+00> : vector<2000xf32>
    %reduce_sum3A_24 = vector.multi_reduction <add>, %exp3A, %reduce_sum3A [1] : vector<2000x64xf32> to vector<2000xf32>
    %broadcast_in_dim3A_25 = vector.shape_cast %reduce_sum3A_24 : vector<2000xf32> to vector<2000x1xf32>
    %log3A = math.log %broadcast_in_dim3A_25 : vector<2000x1xf32>
    %add3A_26 = arith.addf %log3A, %broadcast_in_dim3A_22 : vector<2000x1xf32>
    %sub3A_27 = vector.broadcast %add3A_26 : vector<2000x1xf32> to vector<2000x64xf32>
    %sub3A_28 = arith.subf %add3A_20, %sub3A_27 : vector<2000x64xf32>
    %swap3A = arith.constant 0 : index
    %swap3A_29 = arith.constant 0 : index
    %swap3A_30 = vector.load %arg5[%swap3A, %swap3A_29] : memref<2000x64xf32, #tpu.memory_space<vmem>>, vector<2000x64xf32>
    tpu.vector_store %arg5[%swap3A, %swap3A_29], %sub3A_28 {strides = array<i32>} : memref<2000x64xf32, #tpu.memory_space<vmem>>, vector<2000x64xf32>,
    return
  }
  func.func @transform_0(%arg0: i32) -> (i32, i32, i32) {
    %c0_i32 = arith.constant 0 : i32
    %c0_i32_0 = arith.constant 0 : i32
    %c0_i32_1 = arith.constant 0 : i32
    return %c0_i32, %arg0, %c0_i32_0 : i32, i32, i32
  }
  func.func @transform_1(%arg0: i32) -> (i32, i32) {
    %c0_i32 = arith.constant 0 : i32
    %c0_i32_0 = arith.constant 0 : i32
    return %arg0, %c0_i32 : i32, i32
  }
  func.func @transform_2(%arg0: i32) -> (i32, i32) {
    %c0_i32 = arith.constant 0 : i32
    %c0_i32_0 = arith.constant 0 : i32
    return %arg0, %c0_i32 : i32, i32
  }
  func.func @transform_3(%arg0: i32) -> i32 {
    %c0_i32 = arith.constant 0 : i32
    %c0_i32_0 = arith.constant 0 : i32
    return %c0_i32 : i32
  }
  func.func @transform_4(%arg0: i32) -> (i32, i32) {
    %c0_i32 = arith.constant 0 : i32
    %c0_i32_0 = arith.constant 0 : i32
    return %arg0, %c0_i32 : i32, i32
  }
}

</mosaic_0001>

<sc_bundles>
// kernel: kernel.10.cloned.1.call-start
scs
__scs_entry_jumppad:
0x0: {  	(pc) =	sbr.rel $0x88, $3  }
0x1: {  	(tag) =	ssettag $0x0;
	lr =	simm.s32 $0x1  }
0x2: {  	[smem:$0x3F99] =	sst lr;
	_ =	strace $0xD0000000  }
0x3: {  	_ = 	snop  }
0x4: {  	_ = 	snop  }
0x5: {  	_ = 	snop  }
0x6: {  	_ = 	snop  }
0x7: {  	_ = 	snop  }
__scs_overlays_trampoline_lowered:
0x8: {  	[smem:$0x3FA8] =	sst s0  }
0x9: {  	[smem:$0x3FA9] =	sst s1  }
0xa: {  	[smem:$0x3FAA] =	sst s2  }
0xb: {  	[smem:$0x3FAB] =	sst s3  }
0xc: {  	[smem:$0x3FAC] =	sst s4  }
0xd: {  	[smem:$0x3FAD] =	sst s5  }
0xe: {  	[smem:$0x3FAE] =	sst s6  }
0xf: {  	[smem:$0x3FAF] =	sst s7  }
0x10: {  	[smem:$0x3FB0] =	sst s8  }
0x11: {  	[smem:$0x3FB1] =	sst s9;
	s0 =	simm.s32 @!p0 $0x0  }
0x12: {  	s1 =	sld [smem:$0x3F97];
	s0 =	simm.s32 @p0 $0x1  }
0x13: {  	[smem:$0x3FB2] =	sst s0;
	s0 =	simm.s32 @!p1 $0x0  }
0x14: {  	s2 =	sld [smem:$0x3F96];
	s0 =	simm.s32 @p1 $0x1  }
0x15: {  	[smem:$0x3FB3] =	sst s0;
	s0 =	simm.s32 @!p2 $0x0  }
0x16: {  	s3 =	sld [smem:$0x3FDB];
	s0 =	simm.s32 @p2 $0x1  }
0x17: {  	s4 =	simm.s32 $0x1BF5;
	[smem:$0x3FB5] =	sst s0  }
0x18: {  	s0 =	sld [smem:$0x3F98];
	_ =	swait.ge [sflag:s4], $0x0  }
0x19: {  	s7 =	sld [smem:$0x3F99]  }
0x1a: {  	s8 =	sadd.s32 $0xFFFFE003, lr  }
0x1b: {  	s9 =	sadd.s32 $0xFFFFFEF7, lr;
	s5 =	simm.s32 $0xFFFFFFFF;
	p2 =	slt.u32 s8, $0xFFFFF086  }
0x1c: {  	p1 =	slt.u32 s9, $0xF7A;
	s5 =	simm.s32 @!p2 $0x0  }
0x1d: {  	s5 =	simm.s32 @p1 $0x1;
	p0 =	seq.s32 s7, s2  }
0x1e: {  	s7 =	smul.u32 @!p0 $0xF7A, s2;
	p2 =	seq.s32 @!p0 s5, $0x0  }
0x1f: {  	s9 =	smul.u32 $0xF7A, s1;
	s8 =	simm.s32 @!p0 $0x1BF5;
	p2 =	por !p2, p0  }
0x20: {  	[sflag:s8] =	ssyncset.s32 @!p0 $0xFFFFF086;
	s6 =	sadd.s32 @!p0 s3, s7;
	s7 =	simm.s32 @!p0 $0x108  }
0x21: {  	s3 =	sadd.s32 s3, s9;
	s6 =	sadd.s32 @!p0 $0x88, s6;
	s7 =	simm.s32 @p2 $0x1082  }
0x22: {  	[simem:s7], [sflag:s8] =	dma.local @!p0 [hbm:s6], $0xF7A  }
0x23: {  	s9 =	sor.u32 $0xD0000000, s2;
	s6 =	simm.s32 $0x108;
	_ =	swait.ge @!p0 [sflag:s8], $0x0  }
0x24: {  	s3 =	sadd.s32 $0x88, s3;
	s6 =	simm.s32 @!p1 $0x1082;
	[sflag:s4] =	ssyncset.s32 $0xFFFFF086  }
0x25: {  	[simem:s6], [sflag:s4] =	dma.local [hbm:s3], $0xF7A  }
0x26: {  	[smem:$0x3F99] =	sst s1;
	(tag) =	ssettag s2;
	_ =	strace s9  }
0x27: {  	s1 =	sld [smem:$0x3FA9]  }
0x28: {  	s2 =	sld [smem:$0x3FAA]  }
0x29: {  	s4 =	sld [smem:$0x3FAC]  }
0x2a: {  	p0 =	seq.s32 s5, $0x0;
	s5 =	sld [smem:$0x3FAD]  }
0x2b: {  	s6 =	sld [smem:$0x3FAE]  }
0x2c: {  	s7 =	sld [smem:$0x3FAF]  }
0x2d: {  	s3 =	simm.s32 $0x108;
	s8 =	sld [smem:$0x3FB0]  }
0x2e: {  	s3 =	simm.s32 @!p0 $0x1082;
	s9 =	sld [smem:$0x3FB1]  }
0x2f: {  	lr =	sadd.s32 s0, s3;
	s0 =	sld [smem:$0x3FA8]  }
0x30: {  	s3 =	sld [smem:$0x3FAB]  }
0x31: {  	[smem:$0x3FB4] =	sst s10  }
0x32: {  	s10 =	sld [smem:$0x3FB2];
	_ =	sdelay $0x3  }
0x33: {  	p0 =	seq.s32 s10, $0x1;
	s10 =	sld [smem:$0x3FB4];
	_ =	sdelay $0x3  }
0x34: {  	[smem:$0x3FB4] =	sst s10  }
0x35: {  	s10 =	sld [smem:$0x3FB3];
	_ =	sdelay $0x3  }
0x36: {  	p1 =	seq.s32 s10, $0x1;
	s10 =	sld [smem:$0x3FB4];
	_ =	sdelay $0x3  }
0x37: {  	[smem:$0x3FB4] =	sst s10  }
0x38: {  	s10 =	sld [smem:$0x3FB5]  }
0x39: {  	_ = 	snop;
	(pc) =	sbr.ind lr, $3  }
0x3a: {  	_ = 	snop  }
0x3b: {  	_ = 	snop  }
0x3c: {  	p2 =	seq.s32 s10, $0x1;
	s10 =	sld [smem:$0x3FB4]  }
0x3d: {  	_ =	shalt  }
0x3e: {  	_ =	shalt  }
0x3f: {  	_ =	shalt  }
0x40: {  	_ =	shalt  }
0x41: {  	_ =	shalt  }
0x42: {  	_ =	shalt  }
0x43: {  	_ =	shalt  }
0x44: {  	_ =	shalt  }
0x45: {  	_ =	shalt  }
0x46: {  	_ =	shalt  }
0x47: {  	_ =	shalt  }
0x48: {  	_ =	shalt  }
0x49: {  	_ =	shalt  }
0x4a: {  	_ =	shalt  }
0x4b: {  	_ =	shalt  }
0x4c: {  	_ =	shalt  }
0x4d: {  	_ =	shalt  }
0x4e: {  	_ =	shalt  }
0x4f: {  	_ =	shalt  }
0x50: {  	_ =	shalt  }
0x51: {  	_ =	shalt  }
0x52: {  	_ =	shalt  }
0x53: {  	_ =	shalt  }
0x54: {  	_ =	shalt  }
0x55: {  	_ =	shalt  }
0x56: {  	_ =	shalt  }
0x57: {  	_ =	shalt  }
0x58: {  	_ =	shalt  }
0x59: {  	_ =	shalt  }
0x5a: {  	_ =	shalt  }
0x5b: {  	_ =	shalt  }
0x5c: {  	_ =	shalt  }
0x5d: {  	_ =	shalt  }
0x5e: {  	_ =	shalt  }
0x5f: {  	_ =	shalt  }
0x60: {  	_ =	shalt  }
0x61: {  	_ =	shalt  }
0x62: {  	_ =	shalt  }
0x63: {  	_ =	shalt  }
0x64: {  	_ =	shalt  }
0x65: {  	_ =	shalt  }
0x66: {  	_ =	shalt  }
0x67: {  	_ =	shalt  }
0x68: {  	_ =	shalt  }
0x69: {  	_ =	shalt  }
0x6a: {  	_ =	shalt  }
0x6b: {  	_ =	shalt  }
0x6c: {  	_ =	shalt  }
0x6d: {  	_ =	shalt  }
0x6e: {  	_ =	shalt  }
0x6f: {  	_ =	shalt  }
0x70: {  	_ =	shalt  }
0x71: {  	_ =	shalt  }
0x72: {  	_ =	shalt  }
0x73: {  	_ =	shalt  }
0x74: {  	_ =	shalt  }
0x75: {  	_ =	shalt  }
0x76: {  	_ =	shalt  }
0x77: {  	_ =	shalt  }
0x78: {  	_ =	shalt  }
0x79: {  	_ =	shalt  }
0x7a: {  	_ =	shalt  }
0x7b: {  	_ =	shalt  }
0x7c: {  	_ =	shalt  }
0x7d: {  	_ =	shalt  }
0x7e: {  	_ =	shalt  }
0x7f: {  	_ =	shalt  }
0x80: {  	_ =	shalt  }
0x81: {  	_ =	shalt  }
0x82: {  	_ =	shalt  }
0x83: {  	_ =	shalt  }
0x84: {  	_ =	shalt  }
0x85: {  	_ =	shalt  }
0x86: {  	_ =	shalt  }
0x87: {  	_ =	shalt  }
.Lfunc_end0:
.L_simem_size_0:
called_computation_lowered:
.L_overlay_start_0:
0x88: {  	s2 =	sld [smem:$0x3FD9]  }
0x89: {  	s3 =	sld [smem:$0x3FFE];
	_ =	sdelay $0x1  }
0x8a: {  	s1 =	srdreg.scid  }
0x8b: {  	s0 =	sand.u32 $0x1, s1  }
0x8c: {  	s17 =	sshll.u32 s0, $0xA;
	s2 =	sadd.s32 s3, s2  }
0x8d: {  	s2 =	sadd.s32 s2, s17  }
0x8e: {  	[smem:$0x3FC0] =	sst s2  }
0x8f: {  	_ = 	snop  }
0x90: {  	s2 =	sld [smem:$0x3FD0];
	(tm) =	ssettm $0x1  }
0x91: {  	s18 =	sld [smem:$0x3FFB];
	_ =	sdelay $0x3  }
0x92: {  	_ =	strace s18  }
0x93: {  	s3 =	sld [smem:$0x3FFC];
	_ =	sdelay $0x3  }
0x94: {  	_ =	strace s3  }
0x95: {  	s3 =	sld [smem:$0x3FFD];
	_ =	sdelay $0x3  }
0x96: {  	_ =	strace s3  }
0x97: {  	_ =	strace $0x8FFFFFFF  }
0x98: {  	s19 =	sld [smem:$0x3FDB];
	_ =	sdelay $0x1  }
0x99: {  	s4 =	simm.s32 $_scs_section_size  }
0x9a: {  	s5 =	simm.s32 $_size__tile_overlayer_lowered;
	s6 =	simm.s32 $_tile_overlayer_lowered  }
0x9b: {  	s22 =	simm.s32 $0x1BFF;
	s21 =	sshll.u32 s6, $0x1;
	s3 =	sadd.s32 s4, s19  }
0x9c: {  	s7 =	simm.s32 $0x0;
	s20 =	sshll.u32 s5, $0x1;
	s5 =	sadd.s32 s21, s3  }
0x9d: {  	[timem:s7], [sflag:s22] =	dma.local [hbm:s5], s20  }
0x9e: {  	_ =	swait.ge [sflag:s22], s20  }
0x9f: {  	s4 =	ssub.s32 $0x0, s20;
	[sflag:s22] =	ssyncset.done $0x0  }
0xa0: {  	[sflag:s22] =	ssyncadd.s32 s4;
	_ =	sdelay $0x1  }
0xa1: {  	s23 =	simm.s32 $0x1B8B  }
0xa2: {  	_ =	swait.ge [sflag:s23], $0x1  }
0xa3: {  	[sflag:s23] =	ssyncset.done $0x0  }
0xa4: {  	s25 =	simm.s32 $0x1B8E;
	s24 =	sld [smem:$0x3FFE];
	[sflag:s23] =	ssyncadd.s32 $0xFFFFFFFF  }
0xa5: {  	s26 =	simm.s32 $execute0_lowered;
	[smem:$0x3FD2] =	sst s25  }
0xa6: {  	s5 =	sshll.u32 s26, $0x1;
	_ =	strace $0x80000046;
	[dreg:$0x1] =	wrdreg $0xFFFFFFFF  }
0xa7: {  	s28 =	simm.s32 $_size_execute0_lowered;
	s3 =	sadd.s32 s3, s5;
	[dreg:$0x0] =	wrdreg $0x0  }
0xa8: {  	s5 =	sshll.u32 s28, $0x1;
	[dreg:$0x2] =	wrdreg s3  }
0xa9: {  	[dreg:$0x3] =	wrdreg s5  }
0xaa: {  	[dreg:$0x4] =	wrdreg $0xC0  }
0xab: {  	_ =	task [dreg:s7], $0x5FFFF  }
0xac: {  	[dreg:$0x1] =	wrdreg $0xFFFFFFFF  }
0xad: {  	[dreg:$0x0] =	wrdreg $0x60  }
0xae: {  	[dreg:$0x2] =	wrdreg s24  }
0xaf: {  	[dreg:$0x3] =	wrdreg s2  }
0xb0: {  	[dreg:$0x4] =	wrdreg $0x9  }
0xb1: {  	_ =	task.clear_ibuf [dreg:s7], $0x5FFFF;
	_ =	strace $0x90000046  }
0xb2: {  	s29 =	simm.s32 $0x9;
	_ =	strace $0x80000048  }
0xb3: {  	_ =	swait.ge [sflag:s29], $0x1  }
0xb4: {  	[sflag:s29] =	ssyncadd.s32 $0xFFFFFFFF  }
0xb5: {  	_ =	strace $0x90000048  }
0xb6: {  	_ =	sfence  }
0xb7: {  	s30 =	sld [smem:$0x0];
	_ =	sdelay $0x2  }
0xb8: {  	s31 =	sshll.u32 s1, $0xD;
	s1 =	sshrl.u32 s1, $0x2  }
0xb9: {  	s3 =	sand.u32 $0x4000, s31;
	s1 =	sadd.s32 s1, s30  }
0xba: {  	s0 =	sor.u32 s3, s0;
	s1 =	sshll.u32 s1, $0x11  }
0xbb: {  	s0 =	sor.u32 s1, s0  }
0xbc: {  	s0 =	sadd.s32 $0x8F2B, s0  }
0xbd: {  	[sflag:s0] =	ssyncadd.remote.s32 $0x1  }
0xbe: {  	_ =	sfence.sel $0xFFFF  }
0xbf: {  	[dreg:$0x0] =	wrdreg $0xFFFFFFFF;
	(pc) =	sbr.abs _section_cstart, $3  }
0xc0: {  	[dreg:$0x1] =	wrdreg $0xFFFFFFFF  }
0xc1: {  	_ =	task.clear_ibuf [dreg:s7], $0x2FFFF;
	_ =	strace $0x9FFFFFFF  }
0xc2: {  	(tm) =	ssettm $0x7FFFFFFF  }
0xc3: {  	_ =	shalt  }
tec
execute0_lowered:
.L_overlay_start_1:
0x0: {  	(tag) =	ssettag $0x1  }
0x1: {  	s3 =	rddreg [dreg:$0x0]  }
0x2: {  	s5 =	rddreg [dreg:$0x1];
	s1 =	srdreg.scid  }
0x3: {  	s0 =	rddreg [dreg:$0x2];
	s2 =	simm.s32 $0x0;
	s4 =	sand.u32 $0x1, s1  }
0x4: {  	[smem:$0x7FF] =	sst s2;
	s1 =	stileid.u32;
	s3 =	sadd.s32 $0xD000, s3  }
0x5: {  	s6 =	sshll.u32 s4, $0x4;
	s4 =	ssub.s32 $0x2, s4;
	s8 =	sshll.u32 s1, $0x3  }
0x6: {  	_ =	strace $0x80000047;
	s9 =	sor.u32 s1, s6;
	s29 =	sshrl.u32 s4, $0x1  }
0x7: {  	s30 =	sadd.s32 s8, s3;
	s8 =	simm.s32 $0x2740;
	s7 =	smul.u32 $0x4E0, s9  }
0x8: {  	s6 =	ssub.s32 s4, s29;
	s31 =	smul.u32 $0x4E2, s9;
	s4 =	sadd.s32 $0x9C00, s30  }
0x9: {  	p0 =	sgt.u32 s9, $0x7;
	s9 =	simm.s32 $0x0;
	s6 =	smax.u32 s6, $0x1  }
0xa: {  	v0 =	vimm.f32 $0.0e+00;
	v1 =	vimm.f32 $1.000000000e+00;
	s3 =	sadd.s32 s3, s7;
	s5 =	sadd.s32 s5, s31;
	s7 =	simm.s32 $0x1  }
.LBB2_1:
0xb: {  	s10 =	simm.s32 $0x40;
	s11 =	simm.s32 $0x0  }
.LBB2_2:
0xc: {  	p1 =	sne.s32 s10, $0x9C00;
	[tilespmem:s11+$0x2740] =	vst v0;
	s11 =	smov.u32 s10;
	s10 =	sadd.s32 $0x40, s10  }
.Ltmp0:
0xd: {  	(pc) =	sbr.rel @p1 .LBB2_2-.Ltmp0, $2  }
0xe: {  	_ =	sdelay $0x2  }
0xf: {  	s11 =	sshra.s32 s11, $0x2  }
0x10: {  	[tilespmem:s11+$0x2740] =	vst v0;
	s10 =	simm.s32 $0x0  }
0x11: {  	[tilespmem:s10], [sflag:$0x1] =	stream.linear.gather [hbm4b:s3+s10], $0x2700, $0x38;
	[tilespmem:$0x4E50] =	vst v63  }
0x12: {  	_ =	swait.ge [sflag:s7], $0x2700  }
0x13: {  	[sflag:s7] =	ssyncset.done $0x0  }
0x14: {  	[sflag:s7] =	ssyncadd.s32 $0xFFFFD900  }
.LBB2_4:
0x15: {  	s11 =	sshra.s32 s10, $0x2  }
0x16: {  	v2 =	vld [tilespmem:s11+$0x0];
	_ =	sdelay $0x7  }
0x17: {  	[tilespmem:v2+s8+$0x0] =	vst.idx.add.f32.msk $0xffff, v1  }
0x18: {  	v2 =	vld [tilespmem:s11+$0x10];
	_ =	sdelay $0x7  }
0x19: {  	[tilespmem:v2+s8+$0x0] =	vst.idx.add.f32.msk $0xffff, v1  }
0x1a: {  	v2 =	vld [tilespmem:s11+$0x20];
	_ =	sdelay $0x7  }
0x1b: {  	[tilespmem:v2+s8+$0x0] =	vst.idx.add.f32.msk $0xffff, v1  }
0x1c: {  	v2 =	vld [tilespmem:s11+$0x30];
	_ =	sdelay $0x2  }
0x1d: {  	p1 =	sne.s32 s10, $0x9B00  }
.Ltmp1:
0x1e: {  	_ = 	snop;
	(pc) =	sbr.rel @p1 .LBB2_4-.Ltmp1, $2  }
0x1f: {  	_ =	sdelay $0x2  }
0x20: {  	s10 =	sadd.s32 $0x100, s10;
	[tilespmem:v2+s8+$0x0] =	vst.idx.add.f32.msk $0xffff, v1  }
0x21: {  	s10 =	simm.s32 @!p0 $0x0;
	s11 =	simm.s32 @!p0 $0x2700  }
0x22: {  	[tilespmem:s11], [sflag:$0x1] =	stream.linear.gather @!p0 [hbm4b:s4+s10], $0x40, $0x38;
	[tilespmem:$0x4E50] =	vst v63  }
0x23: {  	s10 =	simm.s32 @!p0 $0x1  }
0x24: {  	_ =	swait.ge @!p0 [sflag:s10], $0x40  }
0x25: {  	[sflag:s10] =	ssyncset.done @!p0 $0x0  }
0x26: {  	[sflag:s10] =	ssyncadd.s32 @!p0 $0xFFFFFFC0  }
0x27: {  	v2 =	vld @!p0 [tilespmem:$0x2700];
	_ =	sdelay $0x6  }
0x28: {  	v3 =	vimm.f32 @!p0 $1.000000000e+00;
	s10 =	simm.s32 @!p0 $0x2740  }
0x29: {  	[tilespmem:v2+s10+$0x0] =	vst.idx.add.f32.msk @!p0 $0xffff, v3  }
0x2a: {  	v2 =	vld @!p0 [tilespmem:$0x2710];
	_ =	sdelay $0x7  }
0x2b: {  	[tilespmem:v2+s10+$0x0] =	vst.idx.add.f32.msk @!p0 $0xffff, v3  }
0x2c: {  	v2 =	vld @!p0 [tilespmem:$0x2720];
	_ =	sdelay $0x7  }
0x2d: {  	[tilespmem:v2+s10+$0x0] =	vst.idx.add.f32.msk @!p0 $0xffff, v3  }
0x2e: {  	v2 =	vld @!p0 [tilespmem:$0x2730];
	_ =	sdelay $0x5  }
0x2f: {  	s9 =	sadd.s32 $0x1, s9  }
0x30: {  	p1 =	sne.s32 s9, s6  }
.Ltmp2:
0x31: {  	[tilespmem:v2+s10+$0x0] =	vst.idx.add.f32.msk @!p0 $0xffff, v3;
	(pc) =	sbr.rel @p1 .LBB2_1-.Ltmp2, $4  }
0x32: {  	[hbm4b:s5+s2] =	stream.linear.scatter [tilespmem:s8], [sflag:$0x1], $0x2710, $0x38;
	[tilespmem:$0x4E50] =	vst v63  }
0x33: {  	_ =	swait.ge [sflag:s7], $0x2710  }
0x34: {  	[sflag:s7] =	ssyncset.done $0x0  }
0x35: {  	[sflag:s7] =	ssyncadd.s32 $0xFFFFD8F0  }
0x36: {  	_ =	sfence.sel $0x180000  }
0x37: {  	[bflag:$0x0] =	sbarrier.arrive $0xFFFF  }
0x38: {  	p0 =	sne.s32 s1, $0x0;
	_ =	strace $0x90000047  }
0x39: {  	s0 =	sadd.s32 @!p0 $0x100000, s0;
	[bflag:$0x2] =	sbarrier.arrive $0xFFFF  }
0x3a: {  	[sflag:s0] =	ssyncadd.tile.s32 @!p0 $0x1;
	_ =	shalt  }
.Lfunc_end2:
_tile_overlayer_lowered:
.L_overlay_start_2:
0x3b: {  	(tag) =	ssettag $0x2  }
0x3c: {  	s0 =	rddreg [dreg:$0x0];
	s2 =	stileid.u32  }
0x3d: {  	s1 =	rddreg [dreg:$0x1];
	p0 =	sne.s32 s2, $0x0  }
0x3e: {  	s3 =	rddreg [dreg:$0x2];
	[bflag:$0x3] =	sbarrier.arrive $0xFFFF;
	s2 =	simm.s32 @!p0 $0x1C01  }
0x3f: {  	[timem:s3], [sflag:s2] =	dma.local @!p0 [hbm:s0], s1  }
0x40: {  	s0 =	simm.s32 @!p0 $0x1  }
0x41: {  	_ =	swait.ge @!p0 [sflag:s0], s1  }
0x42: {  	s1 =	ssub.s32 @!p0 $0x0, s1;
	[sflag:s0] =	ssyncset.done @!p0 $0x0  }
0x43: {  	[sflag:s0] =	ssyncadd.s32 @!p0 s1  }
0x44: {  	[bflag:$0x3] =	sbarrier.arrive $0xFFFF  }
0x45: {  	_ =	shalt  }

// kernel: kernel.13.cloned.1.call-start
scs
__scs_entry_jumppad:
0x0: {  	(pc) =	sbr.rel $0x88, $3  }
0x1: {  	(tag) =	ssettag $0x0;
	lr =	simm.s32 $0x1  }
0x2: {  	[smem:$0x3F99] =	sst lr;
	_ =	strace $0xD0000000  }
0x3: {  	_ = 	snop  }
0x4: {  	_ = 	snop  }
0x5: {  	_ = 	snop  }
0x6: {  	_ = 	snop  }
0x7: {  	_ = 	snop  }
__scs_overlays_trampoline_lowered:
0x8: {  	[smem:$0x3FA8] =	sst s0  }
0x9: {  	[smem:$0x3FA9] =	sst s1  }
0xa: {  	[smem:$0x3FAA] =	sst s2  }
0xb: {  	[smem:$0x3FAB] =	sst s3  }
0xc: {  	[smem:$0x3FAC] =	sst s4  }
0xd: {  	[smem:$0x3FAD] =	sst s5  }
0xe: {  	[smem:$0x3FAE] =	sst s6  }
0xf: {  	[smem:$0x3FAF] =	sst s7  }
0x10: {  	[smem:$0x3FB0] =	sst s8  }
0x11: {  	[smem:$0x3FB1] =	sst s9;
	s0 =	simm.s32 @!p0 $0x0  }
0x12: {  	s1 =	sld [smem:$0x3F97];
	s0 =	simm.s32 @p0 $0x1  }
0x13: {  	[smem:$0x3FB2] =	sst s0;
	s0 =	simm.s32 @!p1 $0x0  }
0x14: {  	s2 =	sld [smem:$0x3F96];
	s0 =	simm.s32 @p1 $0x1  }
0x15: {  	[smem:$0x3FB3] =	sst s0;
	s0 =	simm.s32 @!p2 $0x0  }
0x16: {  	s3 =	sld [smem:$0x3FDB];
	s0 =	simm.s32 @p2 $0x1  }
0x17: {  	s4 =	simm.s32 $0x1BF5;
	[smem:$0x3FB5] =	sst s0  }
0x18: {  	s0 =	sld [smem:$0x3F98];
	_ =	swait.ge [sflag:s4], $0x0  }
0x19: {  	s7 =	sld [smem:$0x3F99]  }
0x1a: {  	s8 =	sadd.s32 $0xFFFFE003, lr  }
0x1b: {  	s9 =	sadd.s32 $0xFFFFFEF7, lr;
	s5 =	simm.s32 $0xFFFFFFFF;
	p2 =	slt.u32 s8, $0xFFFFF086  }
0x1c: {  	p1 =	slt.u32 s9, $0xF7A;
	s5 =	simm.s32 @!p2 $0x0  }
0x1d: {  	s5 =	simm.s32 @p1 $0x1;
	p0 =	seq.s32 s7, s2  }
0x1e: {  	s7 =	smul.u32 @!p0 $0xF7A, s2;
	p2 =	seq.s32 @!p0 s5, $0x0  }
0x1f: {  	s9 =	smul.u32 $0xF7A, s1;
	s8 =	simm.s32 @!p0 $0x1BF5;
	p2 =	por !p2, p0  }
0x20: {  	[sflag:s8] =	ssyncset.s32 @!p0 $0xFFFFF086;
	s6 =	sadd.s32 @!p0 s3, s7;
	s7 =	simm.s32 @!p0 $0x108  }
0x21: {  	s3 =	sadd.s32 s3, s9;
	s6 =	sadd.s32 @!p0 $0x88, s6;
	s7 =	simm.s32 @p2 $0x1082  }
0x22: {  	[simem:s7], [sflag:s8] =	dma.local @!p0 [hbm:s6], $0xF7A  }
0x23: {  	s9 =	sor.u32 $0xD0000000, s2;
	s6 =	simm.s32 $0x108;
	_ =	swait.ge @!p0 [sflag:s8], $0x0  }
0x24: {  	s3 =	sadd.s32 $0x88, s3;
	s6 =	simm.s32 @!p1 $0x1082;
	[sflag:s4] =	ssyncset.s32 $0xFFFFF086  }
0x25: {  	[simem:s6], [sflag:s4] =	dma.local [hbm:s3], $0xF7A  }
0x26: {  	[smem:$0x3F99] =	sst s1;
	(tag) =	ssettag s2;
	_ =	strace s9  }
0x27: {  	s1 =	sld [smem:$0x3FA9]  }
0x28: {  	s2 =	sld [smem:$0x3FAA]  }
0x29: {  	s4 =	sld [smem:$0x3FAC]  }
0x2a: {  	p0 =	seq.s32 s5, $0x0;
	s5 =	sld [smem:$0x3FAD]  }
0x2b: {  	s6 =	sld [smem:$0x3FAE]  }
0x2c: {  	s7 =	sld [smem:$0x3FAF]  }
0x2d: {  	s3 =	simm.s32 $0x108;
	s8 =	sld [smem:$0x3FB0]  }
0x2e: {  	s3 =	simm.s32 @!p0 $0x1082;
	s9 =	sld [smem:$0x3FB1]  }
0x2f: {  	lr =	sadd.s32 s0, s3;
	s0 =	sld [smem:$0x3FA8]  }
0x30: {  	s3 =	sld [smem:$0x3FAB]  }
0x31: {  	[smem:$0x3FB4] =	sst s10  }
0x32: {  	s10 =	sld [smem:$0x3FB2];
	_ =	sdelay $0x3  }
0x33: {  	p0 =	seq.s32 s10, $0x1;
	s10 =	sld [smem:$0x3FB4];
	_ =	sdelay $0x3  }
0x34: {  	[smem:$0x3FB4] =	sst s10  }
0x35: {  	s10 =	sld [smem:$0x3FB3];
	_ =	sdelay $0x3  }
0x36: {  	p1 =	seq.s32 s10, $0x1;
	s10 =	sld [smem:$0x3FB4];
	_ =	sdelay $0x3  }
0x37: {  	[smem:$0x3FB4] =	sst s10  }
0x38: {  	s10 =	sld [smem:$0x3FB5]  }
0x39: {  	_ = 	snop;
	(pc) =	sbr.ind lr, $3  }
0x3a: {  	_ = 	snop  }
0x3b: {  	_ = 	snop  }
0x3c: {  	p2 =	seq.s32 s10, $0x1;
	s10 =	sld [smem:$0x3FB4]  }
0x3d: {  	_ =	shalt  }
0x3e: {  	_ =	shalt  }
0x3f: {  	_ =	shalt  }
0x40: {  	_ =	shalt  }
0x41: {  	_ =	shalt  }
0x42: {  	_ =	shalt  }
0x43: {  	_ =	shalt  }
0x44: {  	_ =	shalt  }
0x45: {  	_ =	shalt  }
0x46: {  	_ =	shalt  }
0x47: {  	_ =	shalt  }
0x48: {  	_ =	shalt  }
0x49: {  	_ =	shalt  }
0x4a: {  	_ =	shalt  }
0x4b: {  	_ =	shalt  }
0x4c: {  	_ =	shalt  }
0x4d: {  	_ =	shalt  }
0x4e: {  	_ =	shalt  }
0x4f: {  	_ =	shalt  }
0x50: {  	_ =	shalt  }
0x51: {  	_ =	shalt  }
0x52: {  	_ =	shalt  }
0x53: {  	_ =	shalt  }
0x54: {  	_ =	shalt  }
0x55: {  	_ =	shalt  }
0x56: {  	_ =	shalt  }
0x57: {  	_ =	shalt  }
0x58: {  	_ =	shalt  }
0x59: {  	_ =	shalt  }
0x5a: {  	_ =	shalt  }
0x5b: {  	_ =	shalt  }
0x5c: {  	_ =	shalt  }
0x5d: {  	_ =	shalt  }
0x5e: {  	_ =	shalt  }
0x5f: {  	_ =	shalt  }
0x60: {  	_ =	shalt  }
0x61: {  	_ =	shalt  }
0x62: {  	_ =	shalt  }
0x63: {  	_ =	shalt  }
0x64: {  	_ =	shalt  }
0x65: {  	_ =	shalt  }
0x66: {  	_ =	shalt  }
0x67: {  	_ =	shalt  }
0x68: {  	_ =	shalt  }
0x69: {  	_ =	shalt  }
0x6a: {  	_ =	shalt  }
0x6b: {  	_ =	shalt  }
0x6c: {  	_ =	shalt  }
0x6d: {  	_ =	shalt  }
0x6e: {  	_ =	shalt  }
0x6f: {  	_ =	shalt  }
0x70: {  	_ =	shalt  }
0x71: {  	_ =	shalt  }
0x72: {  	_ =	shalt  }
0x73: {  	_ =	shalt  }
0x74: {  	_ =	shalt  }
0x75: {  	_ =	shalt  }
0x76: {  	_ =	shalt  }
0x77: {  	_ =	shalt  }
0x78: {  	_ =	shalt  }
0x79: {  	_ =	shalt  }
0x7a: {  	_ =	shalt  }
0x7b: {  	_ =	shalt  }
0x7c: {  	_ =	shalt  }
0x7d: {  	_ =	shalt  }
0x7e: {  	_ =	shalt  }
0x7f: {  	_ =	shalt  }
0x80: {  	_ =	shalt  }
0x81: {  	_ =	shalt  }
0x82: {  	_ =	shalt  }
0x83: {  	_ =	shalt  }
0x84: {  	_ =	shalt  }
0x85: {  	_ =	shalt  }
0x86: {  	_ =	shalt  }
0x87: {  	_ =	shalt  }
.Lfunc_end0:
.L_simem_size_0:
called_computation.1_lowered:
.L_overlay_start_0:
0x88: {  	s2 =	sld [smem:$0x3FD9]  }
0x89: {  	s3 =	sld [smem:$0x3FFE];
	_ =	sdelay $0x1  }
0x8a: {  	s1 =	srdreg.scid  }
0x8b: {  	s0 =	sand.u32 $0x1, s1  }
0x8c: {  	s16 =	sshll.u32 s0, $0xA;
	s2 =	sadd.s32 s3, s2  }
0x8d: {  	s2 =	sadd.s32 s2, s16  }
0x8e: {  	[smem:$0x3FC0] =	sst s2  }
0x8f: {  	_ = 	snop  }
0x90: {  	(tm) =	ssettm $0x1  }
0x91: {  	s17 =	sld [smem:$0x3FFB];
	_ =	sdelay $0x3  }
0x92: {  	_ =	strace s17  }
0x93: {  	s2 =	sld [smem:$0x3FFC];
	_ =	sdelay $0x3  }
0x94: {  	_ =	strace s2  }
0x95: {  	s2 =	sld [smem:$0x3FFD];
	_ =	sdelay $0x3  }
0x96: {  	_ =	strace s2  }
0x97: {  	_ =	strace $0x8FFFFFFF  }
0x98: {  	s18 =	sld [smem:$0x3FDB];
	_ =	sdelay $0x1  }
0x99: {  	s19 =	simm.s32 $_scs_section_size  }
0x9a: {  	s4 =	simm.s32 $_size__tile_overlayer_lowered;
	s5 =	simm.s32 $_tile_overlayer_lowered  }
0x9b: {  	s22 =	simm.s32 $0x1BFF;
	s21 =	sshll.u32 s5, $0x1;
	s2 =	sadd.s32 s19, s18  }
0x9c: {  	s6 =	simm.s32 $0x0;
	s20 =	sshll.u32 s4, $0x1;
	s4 =	sadd.s32 s21, s2  }
0x9d: {  	[timem:s6], [sflag:s22] =	dma.local [hbm:s4], s20  }
0x9e: {  	_ =	swait.ge [sflag:s22], s20  }
0x9f: {  	s3 =	ssub.s32 $0x0, s20;
	[sflag:s22] =	ssyncset.done $0x0  }
0xa0: {  	[sflag:s22] =	ssyncadd.s32 s3;
	_ =	sdelay $0x1  }
0xa1: {  	s23 =	simm.s32 $0x1B8B  }
0xa2: {  	_ =	swait.ge [sflag:s23], $0x1  }
0xa3: {  	[sflag:s23] =	ssyncset.done $0x0  }
0xa4: {  	s25 =	simm.s32 $0x1B8E;
	s24 =	sld [smem:$0x3FFE];
	[sflag:s23] =	ssyncadd.s32 $0xFFFFFFFF  }
0xa5: {  	s26 =	simm.s32 $execute0_lowered;
	[smem:$0x3FD2] =	sst s25  }
0xa6: {  	s4 =	sshll.u32 s26, $0x1;
	_ =	strace $0x80000049;
	[dreg:$0x1] =	wrdreg $0xFFFFFFFF  }
0xa7: {  	s28 =	simm.s32 $_size_execute0_lowered;
	s2 =	sadd.s32 s2, s4;
	[dreg:$0x0] =	wrdreg $0x0  }
0xa8: {  	s4 =	sshll.u32 s28, $0x1;
	[dreg:$0x2] =	wrdreg s2  }
0xa9: {  	[dreg:$0x3] =	wrdreg s4  }
0xaa: {  	[dreg:$0x4] =	wrdreg $0xC0  }
0xab: {  	_ =	task [dreg:s6], $0x5FFFF  }
0xac: {  	[dreg:$0x1] =	wrdreg $0xFFFFFFFF  }
0xad: {  	[dreg:$0x0] =	wrdreg $0x60  }
0xae: {  	[dreg:$0x2] =	wrdreg s24  }
0xaf: {  	[dreg:$0x3] =	wrdreg $0xAE800  }
0xb0: {  	[dreg:$0x4] =	wrdreg $0x9  }
0xb1: {  	_ =	task.clear_ibuf [dreg:s6], $0x5FFFF;
	_ =	strace $0x90000049  }
0xb2: {  	s29 =	simm.s32 $0x9;
	_ =	strace $0x8000004B  }
0xb3: {  	_ =	swait.ge [sflag:s29], $0x1  }
0xb4: {  	[sflag:s29] =	ssyncadd.s32 $0xFFFFFFFF  }
0xb5: {  	_ =	strace $0x9000004B  }
0xb6: {  	_ =	sfence  }
0xb7: {  	s30 =	sld [smem:$0x0];
	_ =	sdelay $0x2  }
0xb8: {  	s31 =	sshll.u32 s1, $0xD;
	s1 =	sshrl.u32 s1, $0x2  }
0xb9: {  	s3 =	sand.u32 $0x4000, s31;
	s1 =	sadd.s32 s1, s30  }
0xba: {  	s0 =	sor.u32 s3, s0;
	s1 =	sshll.u32 s1, $0x11  }
0xbb: {  	s0 =	sor.u32 s1, s0  }
0xbc: {  	s0 =	sadd.s32 $0x8F2B, s0  }
0xbd: {  	[sflag:s0] =	ssyncadd.remote.s32 $0x1  }
0xbe: {  	_ =	sfence.sel $0xFFFF  }
0xbf: {  	[dreg:$0x0] =	wrdreg $0xFFFFFFFF;
	(pc) =	sbr.abs _section_cstart, $3  }
0xc0: {  	[dreg:$0x1] =	wrdreg $0xFFFFFFFF  }
0xc1: {  	_ =	task.clear_ibuf [dreg:s6], $0x2FFFF;
	_ =	strace $0x9FFFFFFF  }
0xc2: {  	(tm) =	ssettm $0x7FFFFFFF  }
0xc3: {  	_ =	shalt  }
tec
execute0_lowered:
.L_overlay_start_1:
0x0: {  	(tag) =	ssettag $0x1  }
0x1: {  	s1 =	rddreg [dreg:$0x0];
	s0 =	simm.s32 $0x0;
	s2 =	srdreg.scid  }
0x2: {  	s16 =	stileid.u32;
	[smem:$0x7FF] =	sst s0;
	s3 =	sand.u32 $0x1, s2  }
0x3: {  	s4 =	sadd.s32 $0x3200, s1;
	s5 =	sadd.s32 $0xD000, s1;
	s7 =	smul.u32 $0x14000, s16  }
0x4: {  	s8 =	sadd.s32 $0x3E400, s1;
	s2 =	ssub.s32 $0x2, s3;
	s24 =	sshll.u32 s3, $0x4  }
0x5: {  	s3 =	smul.u32 $0x140000, s3;
	s6 =	sshrl.u32 s2, $0x1;
	s9 =	sor.u32 $0x2000, s7  }
0x6: {  	s10 =	sadd.s32 $0x4000, s7;
	s11 =	sadd.s32 $0x6000, s7;
	s12 =	sadd.s32 $0x8000, s7  }
0x7: {  	s14 =	sadd.s32 $0xA000, s7;
	s15 =	sadd.s32 $0xC000, s7;
	s28 =	sadd.s32 $0xE000, s7  }
0x8: {  	s2 =	ssub.s32 s2, s6;
	s6 =	sor.u32 s16, s24;
	s16 =	sshll.u32 s16, $0x3  }
0x9: {  	s26 =	sadd.s32 s7, s3;
	s19 =	sadd.s32 s3, s9;
	s20 =	sadd.s32 s3, s10  }
0xa: {  	s21 =	sadd.s32 s3, s11;
	s24 =	sadd.s32 s3, s12;
	s13 =	smul.u32 $0x4E0, s6  }
0xb: {  	s25 =	sor.u32 $0x9C00, s16;
	s18 =	sshrl.u32 s26, $0x3;
	s23 =	sshrl.u32 s21, $0x3  }
0xc: {  	s26 =	sadd.s32 s3, s15;
	p0 =	sgt.u32 s6, $0x7;
	s17 =	sadd.s32 s4, s13  }
0xd: {  	s31 =	smax.u32 s2, $0x1;
	s13 =	sadd.s32 s5, s13;
	[dreg:$0x3] =	wrdreg s17  }
0xe: {  	s6 =	simm.s32 $0x40;
	s4 =	sadd.s32 s4, s25;
	[dreg:$0x4] =	wrdreg s13  }
0xf: {  	s16 =	sshrl.u32 s26, $0x3;
	[dreg:$0x5] =	wrdreg s4;
	s17 =	sadd.s32 s5, s25  }
0x10: {  	s4 =	sadd.s32 s8, s18;
	s5 =	sshrl.u32 s20, $0x3;
	[dreg:$0x6] =	wrdreg s17  }
0x11: {  	s25 =	sadd.s32 s3, s14;
	s18 =	sadd.s32 s3, s28;
	[dreg:$0x7] =	wrdreg s4  }
0x12: {  	s4 =	sshrl.u32 s19, $0x3;
	s22 =	sadd.s32 s8, s5;
	s5 =	sshrl.u32 s25, $0x3  }
0x13: {  	s17 =	sadd.s32 $0x10000, s7;
	s19 =	sadd.s32 $0x12000, s7;
	s4 =	sadd.s32 s8, s4  }
0x14: {  	[dreg:$0x9] =	wrdreg s22;
	s5 =	sadd.s32 s8, s5;
	s25 =	sadd.s32 s3, s17  }
0x15: {  	s3 =	sadd.s32 s3, s19;
	[dreg:$0x8] =	wrdreg s4;
	s4 =	sadd.s32 s8, s23  }
0x16: {  	[dreg:$0xc] =	wrdreg s5;
	s5 =	sshrl.u32 s18, $0x3;
	s26 =	sshrl.u32 s25, $0x3  }
0x17: {  	s3 =	sshrl.u32 s3, $0x3;
	[dreg:$0xa] =	wrdreg s4;
	s5 =	sadd.s32 s8, s5  }
0x18: {  	s4 =	sshrl.u32 s24, $0x3;
	s3 =	sadd.s32 s8, s3;
	[dreg:$0xe] =	wrdreg s5  }
0x19: {  	s18 =	sadd.s32 $0x16E00, s1;
	s4 =	sadd.s32 s8, s4;
	[dreg:$0x10] =	wrdreg s3  }
0x1a: {  	s1 =	sadd.s32 $0x3E000, s1;
	s5 =	sadd.s32 s8, s26;
	[dreg:$0xb] =	wrdreg s4  }
0x1b: {  	s3 =	simm.s32 $0x4;
	s4 =	sadd.s32 s8, s16;
	[dreg:$0xf] =	wrdreg s5  }
0x1c: {  	s16 =	rddreg [dreg:$0x1];
	s5 =	simm.s32 $0x3;
	s8 =	simm.s32 $0x1  }
0x1d: {  	[dreg:$0xd] =	wrdreg s4;
	s20 =	sadd.s32 s7, s16;
	s21 =	sadd.s32 s9, s16  }
0x1e: {  	s22 =	sadd.s32 s10, s16;
	s23 =	sadd.s32 s11, s16;
	s24 =	sadd.s32 s12, s16  }
0x1f: {  	s25 =	sadd.s32 s14, s16;
	s26 =	sadd.s32 s15, s16;
	s28 =	sadd.s32 s28, s16  }
0x20: {  	s29 =	sadd.s32 s17, s16;
	s30 =	sadd.s32 s19, s16;
	s14 =	simm.s32 $0x4E80  }
0x21: {  	s4 =	simm.s32 $0x2;
	s7 =	simm.s32 $0x6E80;
	s9 =	simm.s32 $0x8E80  }
0x22: {  	s10 =	simm.s32 $0x5;
	s11 =	simm.s32 $0x6;
	s12 =	simm.s32 $0x0  }
0x23: {  	_ =	strace $0x8000004A;
	[dreg:$0x11] =	wrdreg s1;
	s1 =	simm.s32 $0x7  }
.LBB2_1:
0x24: {  	s2 =	rddreg [dreg:$0x11]  }
0x25: {  	[tilespmem:s14], [sflag:$0x7] =	stream.linear.gather [hbm4b:s2+s0], $0x2000, $0x38;
	[tilespmem:$0x1EE80] =	vst v63  }
0x26: {  	_ =	swait.ge [sflag:s1], $0x2000  }
0x27: {  	[sflag:s1] =	ssyncset.done $0x0  }
0x28: {  	[sflag:s1] =	ssyncadd.s32 $0xFFFFE000  }
0x29: {  	[spmem:s20] =	stream.linear.scatter [tilespmem:s14], [sflag:$0x4], $0x2000, $0x38;
	[tilespmem:$0x1EE80] =	vst v63  }
0x2a: {  	_ = 	snop  }
0x2b: {  	[spmem:s21] =	stream.linear.scatter [tilespmem:s14], [sflag:$0x4], $0x2000, $0x38;
	[tilespmem:$0x1EE80] =	vst v63  }
0x2c: {  	_ = 	snop  }
0x2d: {  	[spmem:s22] =	stream.linear.scatter [tilespmem:s14], [sflag:$0x4], $0x2000, $0x38;
	[tilespmem:$0x1EE80] =	vst v63  }
0x2e: {  	_ = 	snop  }
0x2f: {  	[spmem:s23] =	stream.linear.scatter [tilespmem:s14], [sflag:$0x4], $0x2000, $0x38;
	[tilespmem:$0x1EE80] =	vst v63  }
0x30: {  	_ = 	snop  }
0x31: {  	[spmem:s24] =	stream.linear.scatter [tilespmem:s14], [sflag:$0x4], $0x2000, $0x38;
	[tilespmem:$0x1EE80] =	vst v63  }
0x32: {  	_ = 	snop  }
0x33: {  	[spmem:s25] =	stream.linear.scatter [tilespmem:s14], [sflag:$0x4], $0x2000, $0x38;
	[tilespmem:$0x1EE80] =	vst v63  }
0x34: {  	_ = 	snop  }
0x35: {  	[spmem:s26] =	stream.linear.scatter [tilespmem:s14], [sflag:$0x4], $0x2000, $0x38;
	[tilespmem:$0x1EE80] =	vst v63  }
0x36: {  	_ = 	snop  }
0x37: {  	[spmem:s28] =	stream.linear.scatter [tilespmem:s14], [sflag:$0x4], $0x2000, $0x38;
	[tilespmem:$0x1EE80] =	vst v63  }
0x38: {  	_ = 	snop  }
0x39: {  	[spmem:s29] =	stream.linear.scatter [tilespmem:s14], [sflag:$0x4], $0x2000, $0x38;
	[tilespmem:$0x1EE80] =	vst v63  }
0x3a: {  	_ = 	snop  }
0x3b: {  	[spmem:s30] =	stream.linear.scatter [tilespmem:s14], [sflag:$0x4], $0x2000, $0x38;
	[tilespmem:$0x1EE80] =	vst v63  }
0x3c: {  	s13 =	rddreg [dreg:$0x3]  }
0x3d: {  	[tilespmem:s0], [sflag:$0x2] =	stream.linear.gather [hbm4b:s13+s0], $0x2700, $0x38;
	[tilespmem:$0x1EE80] =	vst v63  }
0x3e: {  	s15 =	rddreg [dreg:$0x4];
	s13 =	simm.s32 $0x2700  }
0x3f: {  	[tilespmem:s13], [sflag:$0x3] =	stream.linear.gather [hbm4b:s15+s0], $0x2700, $0x38;
	[tilespmem:$0x1EE80] =	vst v63  }
0x40: {  	_ =	swait.ge [sflag:s3], $0x2000  }
0x41: {  	[sflag:s3] =	ssyncset.done $0x0  }
0x42: {  	[sflag:s3] =	ssyncadd.s32 $0xFFFFE000  }
0x43: {  	_ =	swait.ge [sflag:s3], $0x2000  }
0x44: {  	[sflag:s3] =	ssyncset.done $0x0  }
0x45: {  	[sflag:s3] =	ssyncadd.s32 $0xFFFFE000  }
0x46: {  	_ =	swait.ge [sflag:s3], $0x2000  }
0x47: {  	[sflag:s3] =	ssyncset.done $0x0  }
0x48: {  	[sflag:s3] =	ssyncadd.s32 $0xFFFFE000  }
0x49: {  	_ =	swait.ge [sflag:s3], $0x2000  }
0x4a: {  	[sflag:s3] =	ssyncset.done $0x0  }
0x4b: {  	[sflag:s3] =	ssyncadd.s32 $0xFFFFE000  }
0x4c: {  	_ =	swait.ge [sflag:s3], $0x2000  }
0x4d: {  	[sflag:s3] =	ssyncset.done $0x0  }
0x4e: {  	[sflag:s3] =	ssyncadd.s32 $0xFFFFE000  }
0x4f: {  	_ =	swait.ge [sflag:s3], $0x2000  }
0x50: {  	[sflag:s3] =	ssyncset.done $0x0  }
0x51: {  	[sflag:s3] =	ssyncadd.s32 $0xFFFFE000  }
0x52: {  	_ =	swait.ge [sflag:s3], $0x2000  }
0x53: {  	[sflag:s3] =	ssyncset.done $0x0  }
0x54: {  	[sflag:s3] =	ssyncadd.s32 $0xFFFFE000  }
0x55: {  	_ =	swait.ge [sflag:s3], $0x2000  }
0x56: {  	[sflag:s3] =	ssyncset.done $0x0  }
0x57: {  	[sflag:s3] =	ssyncadd.s32 $0xFFFFE000  }
0x58: {  	_ =	swait.ge [sflag:s3], $0x2000  }
0x59: {  	[sflag:s3] =	ssyncset.done $0x0  }
0x5a: {  	[sflag:s3] =	ssyncadd.s32 $0xFFFFE000  }
0x5b: {  	_ =	swait.ge [sflag:s3], $0x2000  }
0x5c: {  	[sflag:s3] =	ssyncset.done $0x0  }
0x5d: {  	[sflag:s3] =	ssyncadd.s32 $0xFFFFE000  }
0x5e: {  	_ =	swait.ge [sflag:s4], $0x2700  }
0x5f: {  	[sflag:s4] =	ssyncset.done $0x0  }
0x60: {  	[sflag:s4] =	ssyncadd.s32 $0xFFFFD900  }
0x61: {  	_ =	swait.ge [sflag:s5], $0x2700  }
0x62: {  	[sflag:s5] =	ssyncset.done $0x0  }
0x63: {  	[sflag:s5] =	ssyncadd.s32 $0xFFFFD900  }
0x64: {  	[bflag:$0x0] =	sbarrier.arrive $0xFFFF  }
0x65: {  	[tilespmem:s14], [sflag:$0x1] =	stream.indirect.gather [hbm4b:s18+s6], $0x80, s0, s6, $0xb8;
	[tilespmem:$0x1EE80] =	vst v63  }
0x66: {  	_ = 	snop  }
0x67: {  	[tilespmem:s7], [sflag:$0x2] =	stream.indirect.gather [hbm4b:s18+s6], $0x80, s6, s6, $0xb8;
	[tilespmem:$0x1EE80] =	vst v63  }
0x68: {  	_ =	swait.ge [sflag:s8], $0x2000  }
0x69: {  	[sflag:s8] =	ssyncset.done $0x0  }
0x6a: {  	[sflag:s8] =	ssyncadd.s32 $0xFFFFE000  }
0x6b: {  	[spmem:s16] =	stream.indirect.scatter.add.f32 [tilespmem:s14], [sflag:$0x4], $0x80, s13, s6, $0xb8;
	[tilespmem:$0x1EE80] =	vst v63  }
0x6c: {  	s17 =	simm.s32 $0x80  }
0x6d: {  	[tilespmem:s9], [sflag:$0x3] =	stream.indirect.gather [hbm4b:s18+s6], $0x80, s17, s6, $0xb8;
	[tilespmem:$0x1EE80] =	vst v63  }
0x6e: {  	_ =	swait.ge [sflag:s4], $0x2000  }
0x6f: {  	[sflag:s4] =	ssyncset.done $0x0  }
0x70: {  	s19 =	simm.s32 $0x2740;
	[sflag:s4] =	ssyncadd.s32 $0xFFFFE000  }
0x71: {  	[spmem:s16] =	stream.indirect.scatter.add.f32 [tilespmem:s7], [sflag:$0x5], $0x80, s19, s6, $0xb8;
	[tilespmem:$0x1EE80] =	vst v63  }
0x72: {  	_ =	swait.ge [sflag:s3], $0x2000  }
0x73: {  	[sflag:s3] =	ssyncset.done $0x0  }
0x74: {  	s2 =	simm.s32 $0xC0;
	[sflag:s3] =	ssyncadd.s32 $0xFFFFE000  }
0x75: {  	[tilespmem:s14], [sflag:$0x1] =	stream.indirect.gather [hbm4b:s18+s6], $0x80, s2, s6, $0xb8;
	[tilespmem:$0x1EE80] =	vst v63  }
0x76: {  	_ =	swait.ge [sflag:s5], $0x2000  }
0x77: {  	[sflag:s5] =	ssyncset.done $0x0  }
0x78: {  	s15 =	simm.s32 $0x2780;
	[sflag:s5] =	ssyncadd.s32 $0xFFFFE000  }
0x79: {  	[spmem:s16] =	stream.indirect.scatter.add.f32 [tilespmem:s9], [sflag:$0x6], $0x80, s15, s6, $0xb8;
	[tilespmem:$0x1EE80] =	vst v63  }
0x7a: {  	_ =	swait.ge [sflag:s10], $0x2000  }
0x7b: {  	[sflag:s10] =	ssyncset.done $0x0  }
0x7c: {  	s17 =	simm.s32 $0x100;
	[sflag:s10] =	ssyncadd.s32 $0xFFFFE000  }
0x7d: {  	[tilespmem:s7], [sflag:$0x2] =	stream.indirect.gather [hbm4b:s18+s6], $0x80, s17, s6, $0xb8;
	[tilespmem:$0x1EE80] =	vst v63  }
0x7e: {  	_ =	swait.ge [sflag:s8], $0x2000  }
0x7f: {  	[sflag:s8] =	ssyncset.done $0x0  }
0x80: {  	s19 =	simm.s32 $0x27C0;
	[sflag:s8] =	ssyncadd.s32 $0xFFFFE000  }
0x81: {  	[spmem:s16] =	stream.indirect.scatter.add.f32 [tilespmem:s14], [sflag:$0x4], $0x80, s19, s6, $0xb8;
	[tilespmem:$0x1EE80] =	vst v63  }
0x82: {  	_ =	swait.ge [sflag:s11], $0x2000  }
0x83: {  	[sflag:s11] =	ssyncset.done $0x0  }
0x84: {  	s13 =	simm.s32 $0x300;
	s15 =	simm.s32 $0x140;
	[sflag:s11] =	ssyncadd.s32 $0xFFFFE000  }
.LBB2_2:
0x85: {  	[tilespmem:s9], [sflag:$0x3] =	stream.indirect.gather [hbm4b:s18+s6], $0x80, s15, s6, $0xb8;
	[tilespmem:$0x1EE80] =	vst v63  }
0x86: {  	s15 =	smov.u32 s13  }
0x87: {  	p1 =	sne.s32 s13, $0x9600;
	s13 =	sadd.s32 $0x300, s13;
	_ =	swait.ge [sflag:s4], $0x2000  }
0x88: {  	s15 =	sshra.s32 s15, $0x2;
	[sflag:s4] =	ssyncset.done $0x0  }
0x89: {  	s17 =	sadd.s32 $0x2740, s15;
	[sflag:s4] =	ssyncadd.s32 $0xFFFFE000  }
0x8a: {  	[spmem:s16] =	stream.indirect.scatter.add.f32 [tilespmem:s7], [sflag:$0x5], $0x80, s17, s6, $0xb8;
	[tilespmem:$0x1EE80] =	vst v63  }
0x8b: {  	_ =	swait.ge [sflag:s3], $0x2000  }
0x8c: {  	[sflag:s3] =	ssyncset.done $0x0  }
0x8d: {  	s17 =	sadd.s32 $0xC0, s15;
	[sflag:s3] =	ssyncadd.s32 $0xFFFFE000  }
0x8e: {  	[tilespmem:s14], [sflag:$0x1] =	stream.indirect.gather [hbm4b:s18+s6], $0x80, s17, s6, $0xb8;
	[tilespmem:$0x1EE80] =	vst v63  }
0x8f: {  	_ =	swait.ge [sflag:s5], $0x2000  }
0x90: {  	[sflag:s5] =	ssyncset.done $0x0  }
0x91: {  	s17 =	sadd.s32 $0x2780, s15;
	[sflag:s5] =	ssyncadd.s32 $0xFFFFE000  }
0x92: {  	[spmem:s16] =	stream.indirect.scatter.add.f32 [tilespmem:s9], [sflag:$0x6], $0x80, s17, s6, $0xb8;
	[tilespmem:$0x1EE80] =	vst v63  }
0x93: {  	_ =	swait.ge [sflag:s10], $0x2000  }
0x94: {  	[sflag:s10] =	ssyncset.done $0x0  }
0x95: {  	s17 =	sadd.s32 $0x100, s15;
	[sflag:s10] =	ssyncadd.s32 $0xFFFFE000  }
0x96: {  	[tilespmem:s7], [sflag:$0x2] =	stream.indirect.gather [hbm4b:s18+s6], $0x80, s17, s6, $0xb8;
	[tilespmem:$0x1EE80] =	vst v63  }
0x97: {  	_ =	swait.ge [sflag:s8], $0x2000  }
0x98: {  	[sflag:s8] =	ssyncset.done $0x0  }
.Ltmp0:
0x99: {  	s17 =	sadd.s32 $0x27C0, s15;
	[sflag:s8] =	ssyncadd.s32 $0xFFFFE000;
	(pc) =	sbr.rel @p1 .LBB2_2-.Ltmp0, $4  }
0x9a: {  	[spmem:s16] =	stream.indirect.scatter.add.f32 [tilespmem:s14], [sflag:$0x4], $0x80, s17, s6, $0xb8;
	[tilespmem:$0x1EE80] =	vst v63  }
0x9b: {  	_ =	swait.ge [sflag:s11], $0x2000  }
0x9c: {  	[sflag:s11] =	ssyncset.done $0x0  }
0x9d: {  	s15 =	sadd.s32 $0x140, s15;
	[sflag:s11] =	ssyncadd.s32 $0xFFFFE000  }
0x9e: {  	[tilespmem:s9], [sflag:$0x3] =	stream.indirect.gather [hbm4b:s18+s6], $0x80, s15, s6, $0xb8;
	[tilespmem:$0x1EE80] =	vst v63  }
0x9f: {  	_ =	swait.ge [sflag:s4], $0x2000  }
0xa0: {  	[sflag:s4] =	ssyncset.done $0x0  }
0xa1: {  	s2 =	simm.s32 $0x4D80;
	[sflag:s4] =	ssyncadd.s32 $0xFFFFE000  }
0xa2: {  	[spmem:s16] =	stream.indirect.scatter.add.f32 [tilespmem:s7], [sflag:$0x5], $0x80, s2, s6, $0xb8;
	[tilespmem:$0x1EE80] =	vst v63  }
0xa3: {  	_ =	swait.ge [sflag:s3], $0x2000  }
0xa4: {  	[sflag:s3] =	ssyncset.done $0x0  }
0xa5: {  	[sflag:s3] =	ssyncadd.s32 $0xFFFFE000  }
0xa6: {  	_ =	swait.ge [sflag:s5], $0x2000  }
0xa7: {  	[sflag:s5] =	ssyncset.done $0x0  }
0xa8: {  	s15 =	simm.s32 $0x4DC0;
	[sflag:s5] =	ssyncadd.s32 $0xFFFFE000  }
0xa9: {  	[spmem:s16] =	stream.indirect.scatter.add.f32 [tilespmem:s9], [sflag:$0x6], $0x80, s15, s6, $0xb8;
	[tilespmem:$0x1EE80] =	vst v63  }
0xaa: {  	_ =	swait.ge [sflag:s10], $0x2000  }
0xab: {  	[sflag:s10] =	ssyncset.done $0x0  }
0xac: {  	[sflag:s10] =	ssyncadd.s32 $0xFFFFE000  }
0xad: {  	_ =	swait.ge [sflag:s11], $0x2000  }
0xae: {  	s13 =	simm.s32 @!p0 $0x0;
	s17 =	simm.s32 @!p0 $0x7;
	[sflag:s11] =	ssyncset.done $0x0  }
0xaf: {  	s15 =	simm.s32 @!p0 $0x4E00;
	s2 =	rddreg [dreg:$0x5];
	[sflag:s11] =	ssyncadd.s32 $0xFFFFE000  }
0xb0: {  	[tilespmem:s15], [sflag:$0x7] =	stream.linear.gather @!p0 [hbm4b:s2+s13], $0x40, $0x38;
	[tilespmem:$0x1EE80] =	vst v63  }
0xb1: {  	_ =	swait.ge @!p0 [sflag:s17], $0x40  }
0xb2: {  	[sflag:s17] =	ssyncset.done @!p0 $0x0  }
0xb3: {  	s19 =	simm.s32 @!p0 $0x4E40;
	s2 =	rddreg [dreg:$0x6];
	[sflag:s17] =	ssyncadd.s32 @!p0 $0xFFFFFFC0  }
0xb4: {  	[tilespmem:s19], [sflag:$0x7] =	stream.linear.gather @!p0 [hbm4b:s2+s13], $0x40, $0x38;
	[tilespmem:$0x1EE80] =	vst v63  }
0xb5: {  	_ =	swait.ge @!p0 [sflag:s17], $0x40  }
0xb6: {  	[sflag:s17] =	ssyncset.done @!p0 $0x0  }
0xb7: {  	s13 =	simm.s32 @!p0 $0x40;
	s2 =	simm.s32 @!p0 $0x4E80;
	[sflag:s17] =	ssyncadd.s32 @!p0 $0xFFFFFFC0  }
0xb8: {  	[tilespmem:s2], [sflag:$0x1] =	stream.indirect.gather @!p0 [hbm4b:s18+s13], $0x80, s15, s13, $0xb8;
	[tilespmem:$0x1EE80] =	vst v63  }
0xb9: {  	s15 =	simm.s32 @!p0 $0x1  }
0xba: {  	_ =	swait.ge @!p0 [sflag:s15], $0x2000  }
0xbb: {  	[sflag:s15] =	ssyncset.done @!p0 $0x0  }
0xbc: {  	[sflag:s15] =	ssyncadd.s32 @!p0 $0xFFFFE000  }
0xbd: {  	[spmem:s16] =	stream.indirect.scatter.add.f32 @!p0 [tilespmem:s2], [sflag:$0x7], $0x80, s19, s13, $0xb8;
	[tilespmem:$0x1EE80] =	vst v63  }
0xbe: {  	_ =	swait.ge @!p0 [sflag:s17], $0x2000  }
0xbf: {  	[sflag:s17] =	ssyncset.done @!p0 $0x0  }
0xc0: {  	[sflag:s17] =	ssyncadd.s32 @!p0 $0xFFFFE000  }
0xc1: {  	[bflag:$0x0] =	sbarrier.arrive $0xFFFF  }
0xc2: {  	[tilespmem:s14], [sflag:$0x7] =	stream.linear.gather [spmem:s20], $0x2000, $0x38;
	[tilespmem:$0x1EE80] =	vst v63  }
0xc3: {  	_ =	swait.ge [sflag:s1], $0x2000  }
0xc4: {  	[sflag:s1] =	ssyncset.done $0x0  }
0xc5: {  	s17 =	rddreg [dreg:$0x7];
	[sflag:s1] =	ssyncadd.s32 $0xFFFFE000  }
0xc6: {  	[hbm4b:s17+s0] =	stream.linear.scatter [tilespmem:s14], [sflag:$0x4], $0x2000, $0x38;
	[tilespmem:$0x1EE80] =	vst v63  }
0xc7: {  	_ = 	snop  }
0xc8: {  	[tilespmem:s7], [sflag:$0x7] =	stream.linear.gather [spmem:s21], $0x2000, $0x38;
	[tilespmem:$0x1EE80] =	vst v63  }
0xc9: {  	_ =	swait.ge [sflag:s1], $0x2000  }
0xca: {  	[sflag:s1] =	ssyncset.done $0x0  }
0xcb: {  	s19 =	rddreg [dreg:$0x8];
	[sflag:s1] =	ssyncadd.s32 $0xFFFFE000  }
0xcc: {  	[hbm4b:s19+s0] =	stream.linear.scatter [tilespmem:s7], [sflag:$0x5], $0x2000, $0x38;
	[tilespmem:$0x1EE80] =	vst v63  }
0xcd: {  	_ =	swait.ge [sflag:s3], $0x2000  }
0xce: {  	[sflag:s3] =	ssyncset.done $0x0  }
0xcf: {  	[sflag:s3] =	ssyncadd.s32 $0xFFFFE000  }
0xd0: {  	[tilespmem:s14], [sflag:$0x7] =	stream.linear.gather [spmem:s22], $0x2000, $0x38;
	[tilespmem:$0x1EE80] =	vst v63  }
0xd1: {  	_ =	swait.ge [sflag:s1], $0x2000  }
0xd2: {  	[sflag:s1] =	ssyncset.done $0x0  }
0xd3: {  	s13 =	rddreg [dreg:$0x9];
	[sflag:s1] =	ssyncadd.s32 $0xFFFFE000  }
0xd4: {  	[hbm4b:s13+s0] =	stream.linear.scatter [tilespmem:s14], [sflag:$0x4], $0x2000, $0x38;
	[tilespmem:$0x1EE80] =	vst v63  }
0xd5: {  	_ =	swait.ge [sflag:s10], $0x2000  }
0xd6: {  	[sflag:s10] =	ssyncset.done $0x0  }
0xd7: {  	[sflag:s10] =	ssyncadd.s32 $0xFFFFE000  }
0xd8: {  	[tilespmem:s7], [sflag:$0x7] =	stream.linear.gather [spmem:s23], $0x2000, $0x38;
	[tilespmem:$0x1EE80] =	vst v63  }
0xd9: {  	_ =	swait.ge [sflag:s1], $0x2000  }
0xda: {  	[sflag:s1] =	ssyncset.done $0x0  }
0xdb: {  	s15 =	rddreg [dreg:$0xa];
	[sflag:s1] =	ssyncadd.s32 $0xFFFFE000  }
0xdc: {  	[hbm4b:s15+s0] =	stream.linear.scatter [tilespmem:s7], [sflag:$0x5], $0x2000, $0x38;
	[tilespmem:$0x1EE80] =	vst v63  }
0xdd: {  	_ =	swait.ge [sflag:s3], $0x2000  }
0xde: {  	[sflag:s3] =	ssyncset.done $0x0  }
0xdf: {  	[sflag:s3] =	ssyncadd.s32 $0xFFFFE000  }
0xe0: {  	[tilespmem:s14], [sflag:$0x7] =	stream.linear.gather [spmem:s24], $0x2000, $0x38;
	[tilespmem:$0x1EE80] =	vst v63  }
0xe1: {  	_ =	swait.ge [sflag:s1], $0x2000  }
0xe2: {  	[sflag:s1] =	ssyncset.done $0x0  }
0xe3: {  	s17 =	rddreg [dreg:$0xb];
	[sflag:s1] =	ssyncadd.s32 $0xFFFFE000  }
0xe4: {  	[hbm4b:s17+s0] =	stream.linear.scatter [tilespmem:s14], [sflag:$0x4], $0x2000, $0x38;
	[tilespmem:$0x1EE80] =	vst v63  }
0xe5: {  	_ =	swait.ge [sflag:s10], $0x2000  }
0xe6: {  	[sflag:s10] =	ssyncset.done $0x0  }
0xe7: {  	[sflag:s10] =	ssyncadd.s32 $0xFFFFE000  }
0xe8: {  	[tilespmem:s7], [sflag:$0x7] =	stream.linear.gather [spmem:s25], $0x2000, $0x38;
	[tilespmem:$0x1EE80] =	vst v63  }
0xe9: {  	_ =	swait.ge [sflag:s1], $0x2000  }
0xea: {  	[sflag:s1] =	ssyncset.done $0x0  }
0xeb: {  	s19 =	rddreg [dreg:$0xc];
	[sflag:s1] =	ssyncadd.s32 $0xFFFFE000  }
0xec: {  	[hbm4b:s19+s0] =	stream.linear.scatter [tilespmem:s7], [sflag:$0x5], $0x2000, $0x38;
	[tilespmem:$0x1EE80] =	vst v63  }
0xed: {  	_ =	swait.ge [sflag:s3], $0x2000  }
0xee: {  	[sflag:s3] =	ssyncset.done $0x0  }
0xef: {  	[sflag:s3] =	ssyncadd.s32 $0xFFFFE000  }
0xf0: {  	[tilespmem:s14], [sflag:$0x7] =	stream.linear.gather [spmem:s26], $0x2000, $0x38;
	[tilespmem:$0x1EE80] =	vst v63  }
0xf1: {  	_ =	swait.ge [sflag:s1], $0x2000  }
0xf2: {  	[sflag:s1] =	ssyncset.done $0x0  }
0xf3: {  	s13 =	rddreg [dreg:$0xd];
	[sflag:s1] =	ssyncadd.s32 $0xFFFFE000  }
0xf4: {  	[hbm4b:s13+s0] =	stream.linear.scatter [tilespmem:s14], [sflag:$0x4], $0x2000, $0x38;
	[tilespmem:$0x1EE80] =	vst v63  }
0xf5: {  	_ =	swait.ge [sflag:s10], $0x2000  }
0xf6: {  	[sflag:s10] =	ssyncset.done $0x0  }
0xf7: {  	[sflag:s10] =	ssyncadd.s32 $0xFFFFE000  }
0xf8: {  	[tilespmem:s7], [sflag:$0x7] =	stream.linear.gather [spmem:s28], $0x2000, $0x38;
	[tilespmem:$0x1EE80] =	vst v63  }
0xf9: {  	_ =	swait.ge [sflag:s1], $0x2000  }
0xfa: {  	[sflag:s1] =	ssyncset.done $0x0  }
0xfb: {  	s15 =	rddreg [dreg:$0xe];
	[sflag:s1] =	ssyncadd.s32 $0xFFFFE000  }
0xfc: {  	[hbm4b:s15+s0] =	stream.linear.scatter [tilespmem:s7], [sflag:$0x5], $0x2000, $0x38;
	[tilespmem:$0x1EE80] =	vst v63  }
0xfd: {  	_ =	swait.ge [sflag:s3], $0x2000  }
0xfe: {  	[sflag:s3] =	ssyncset.done $0x0  }
0xff: {  	[sflag:s3] =	ssyncadd.s32 $0xFFFFE000  }
0x100: {  	[tilespmem:s14], [sflag:$0x7] =	stream.linear.gather [spmem:s29], $0x2000, $0x38;
	[tilespmem:$0x1EE80] =	vst v63  }
0x101: {  	_ =	swait.ge [sflag:s1], $0x2000  }
0x102: {  	[sflag:s1] =	ssyncset.done $0x0  }
0x103: {  	s17 =	rddreg [dreg:$0xf];
	[sflag:s1] =	ssyncadd.s32 $0xFFFFE000  }
0x104: {  	[hbm4b:s17+s0] =	stream.linear.scatter [tilespmem:s14], [sflag:$0x4], $0x2000, $0x38;
	[tilespmem:$0x1EE80] =	vst v63  }
0x105: {  	_ =	swait.ge [sflag:s10], $0x2000  }
0x106: {  	[sflag:s10] =	ssyncset.done $0x0  }
0x107: {  	[sflag:s10] =	ssyncadd.s32 $0xFFFFE000  }
0x108: {  	[tilespmem:s7], [sflag:$0x7] =	stream.linear.gather [spmem:s30], $0x2000, $0x38;
	[tilespmem:$0x1EE80] =	vst v63  }
0x109: {  	_ =	swait.ge [sflag:s1], $0x2000  }
0x10a: {  	[sflag:s1] =	ssyncset.done $0x0  }
0x10b: {  	s12 =	sadd.s32 $0x1, s12;
	s19 =	rddreg [dreg:$0x10];
	[sflag:s1] =	ssyncadd.s32 $0xFFFFE000  }
0x10c: {  	[hbm4b:s19+s0] =	stream.linear.scatter [tilespmem:s7], [sflag:$0x5], $0x2000, $0x38;
	[tilespmem:$0x1EE80] =	vst v63  }
0x10d: {  	p1 =	sne.s32 s12, s31;
	_ =	swait.ge [sflag:s3], $0x2000  }
.Ltmp1:
0x10e: {  	[sflag:s3] =	ssyncset.done $0x0;
	(pc) =	sbr.rel @p1 .LBB2_1-.Ltmp1, $4  }
0x10f: {  	[sflag:s3] =	ssyncadd.s32 $0xFFFFE000  }
0x110: {  	_ =	swait.ge [sflag:s10], $0x2000  }
0x111: {  	[sflag:s10] =	ssyncset.done $0x0  }
0x112: {  	[sflag:s10] =	ssyncadd.s32 $0xFFFFE000  }
0x113: {  	_ =	sfence.sel $0x180000  }
0x114: {  	[bflag:$0x0] =	sbarrier.arrive $0xFFFF  }
0x115: {  	_ =	strace $0x9000004A  }
0x116: {  	s0 =	stileid.u32;
	[bflag:$0x2] =	sbarrier.arrive $0xFFFF  }
0x117: {  	p0 =	sne.s32 s0, $0x0;
	s0 =	rddreg [dreg:$0x2]  }
0x118: {  	s0 =	sadd.s32 @!p0 $0x100000, s0  }
0x119: {  	[sflag:s0] =	ssyncadd.tile.s32 @!p0 $0x1;
	_ =	shalt  }
.Lfunc_end2:
_tile_overlayer_lowered:
.L_overlay_start_2:
0x11a: {  	(tag) =	ssettag $0x2  }
0x11b: {  	s0 =	rddreg [dreg:$0x0];
	s2 =	stileid.u32  }
0x11c: {  	s1 =	rddreg [dreg:$0x1];
	p0 =	sne.s32 s2, $0x0  }
0x11d: {  	s3 =	rddreg [dreg:$0x2];
	[bflag:$0x3] =	sbarrier.arrive $0xFFFF;
	s2 =	simm.s32 @!p0 $0x1C07  }
0x11e: {  	[timem:s3], [sflag:s2] =	dma.local @!p0 [hbm:s0], s1  }
0x11f: {  	s0 =	simm.s32 @!p0 $0x7  }
0x120: {  	_ =	swait.ge @!p0 [sflag:s0], s1  }
0x121: {  	s1 =	ssub.s32 @!p0 $0x0, s1;
	[sflag:s0] =	ssyncset.done @!p0 $0x0  }
0x122: {  	[sflag:s0] =	ssyncadd.s32 @!p0 s1  }
0x123: {  	[bflag:$0x3] =	sbarrier.arrive $0xFFFF  }
0x124: {  	_ =	shalt  }

// kernel: kernel.16.cloned.1.call-start
scs
__scs_entry_jumppad:
0x0: {  	(pc) =	sbr.rel $0x88, $3  }
0x1: {  	(tag) =	ssettag $0x0;
	lr =	simm.s32 $0x1  }
0x2: {  	[smem:$0x3F99] =	sst lr;
	_ =	strace $0xD0000000  }
0x3: {  	_ = 	snop  }
0x4: {  	_ = 	snop  }
0x5: {  	_ = 	snop  }
0x6: {  	_ = 	snop  }
0x7: {  	_ = 	snop  }
__scs_overlays_trampoline_lowered:
0x8: {  	[smem:$0x3FA8] =	sst s0  }
0x9: {  	[smem:$0x3FA9] =	sst s1  }
0xa: {  	[smem:$0x3FAA] =	sst s2  }
0xb: {  	[smem:$0x3FAB] =	sst s3  }
0xc: {  	[smem:$0x3FAC] =	sst s4  }
0xd: {  	[smem:$0x3FAD] =	sst s5  }
0xe: {  	[smem:$0x3FAE] =	sst s6  }
0xf: {  	[smem:$0x3FAF] =	sst s7  }
0x10: {  	[smem:$0x3FB0] =	sst s8  }
0x11: {  	[smem:$0x3FB1] =	sst s9;
	s0 =	simm.s32 @!p0 $0x0  }
0x12: {  	s1 =	sld [smem:$0x3F97];
	s0 =	simm.s32 @p0 $0x1  }
0x13: {  	[smem:$0x3FB2] =	sst s0;
	s0 =	simm.s32 @!p1 $0x0  }
0x14: {  	s2 =	sld [smem:$0x3F96];
	s0 =	simm.s32 @p1 $0x1  }
0x15: {  	[smem:$0x3FB3] =	sst s0;
	s0 =	simm.s32 @!p2 $0x0  }
0x16: {  	s3 =	sld [smem:$0x3FDB];
	s0 =	simm.s32 @p2 $0x1  }
0x17: {  	s4 =	simm.s32 $0x1BF5;
	[smem:$0x3FB5] =	sst s0  }
0x18: {  	s0 =	sld [smem:$0x3F98];
	_ =	swait.ge [sflag:s4], $0x0  }
0x19: {  	s7 =	sld [smem:$0x3F99]  }
0x1a: {  	s8 =	sadd.s32 $0xFFFFE003, lr  }
0x1b: {  	s9 =	sadd.s32 $0xFFFFFEF7, lr;
	s5 =	simm.s32 $0xFFFFFFFF;
	p2 =	slt.u32 s8, $0xFFFFF086  }
0x1c: {  	p1 =	slt.u32 s9, $0xF7A;
	s5 =	simm.s32 @!p2 $0x0  }
0x1d: {  	s5 =	simm.s32 @p1 $0x1;
	p0 =	seq.s32 s7, s2  }
0x1e: {  	s7 =	smul.u32 @!p0 $0xF7A, s2;
	p2 =	seq.s32 @!p0 s5, $0x0  }
0x1f: {  	s9 =	smul.u32 $0xF7A, s1;
	s8 =	simm.s32 @!p0 $0x1BF5;
	p2 =	por !p2, p0  }
0x20: {  	[sflag:s8] =	ssyncset.s32 @!p0 $0xFFFFF086;
	s6 =	sadd.s32 @!p0 s3, s7;
	s7 =	simm.s32 @!p0 $0x108  }
0x21: {  	s3 =	sadd.s32 s3, s9;
	s6 =	sadd.s32 @!p0 $0x88, s6;
	s7 =	simm.s32 @p2 $0x1082  }
0x22: {  	[simem:s7], [sflag:s8] =	dma.local @!p0 [hbm:s6], $0xF7A  }
0x23: {  	s9 =	sor.u32 $0xD0000000, s2;
	s6 =	simm.s32 $0x108;
	_ =	swait.ge @!p0 [sflag:s8], $0x0  }
0x24: {  	s3 =	sadd.s32 $0x88, s3;
	s6 =	simm.s32 @!p1 $0x1082;
	[sflag:s4] =	ssyncset.s32 $0xFFFFF086  }
0x25: {  	[simem:s6], [sflag:s4] =	dma.local [hbm:s3], $0xF7A  }
0x26: {  	[smem:$0x3F99] =	sst s1;
	(tag) =	ssettag s2;
	_ =	strace s9  }
0x27: {  	s1 =	sld [smem:$0x3FA9]  }
0x28: {  	s2 =	sld [smem:$0x3FAA]  }
0x29: {  	s4 =	sld [smem:$0x3FAC]  }
0x2a: {  	p0 =	seq.s32 s5, $0x0;
	s5 =	sld [smem:$0x3FAD]  }
0x2b: {  	s6 =	sld [smem:$0x3FAE]  }
0x2c: {  	s7 =	sld [smem:$0x3FAF]  }
0x2d: {  	s3 =	simm.s32 $0x108;
	s8 =	sld [smem:$0x3FB0]  }
0x2e: {  	s3 =	simm.s32 @!p0 $0x1082;
	s9 =	sld [smem:$0x3FB1]  }
0x2f: {  	lr =	sadd.s32 s0, s3;
	s0 =	sld [smem:$0x3FA8]  }
0x30: {  	s3 =	sld [smem:$0x3FAB]  }
0x31: {  	[smem:$0x3FB4] =	sst s10  }
0x32: {  	s10 =	sld [smem:$0x3FB2];
	_ =	sdelay $0x3  }
0x33: {  	p0 =	seq.s32 s10, $0x1;
	s10 =	sld [smem:$0x3FB4];
	_ =	sdelay $0x3  }
0x34: {  	[smem:$0x3FB4] =	sst s10  }
0x35: {  	s10 =	sld [smem:$0x3FB3];
	_ =	sdelay $0x3  }
0x36: {  	p1 =	seq.s32 s10, $0x1;
	s10 =	sld [smem:$0x3FB4];
	_ =	sdelay $0x3  }
0x37: {  	[smem:$0x3FB4] =	sst s10  }
0x38: {  	s10 =	sld [smem:$0x3FB5]  }
0x39: {  	_ = 	snop;
	(pc) =	sbr.ind lr, $3  }
0x3a: {  	_ = 	snop  }
0x3b: {  	_ = 	snop  }
0x3c: {  	p2 =	seq.s32 s10, $0x1;
	s10 =	sld [smem:$0x3FB4]  }
0x3d: {  	_ =	shalt  }
0x3e: {  	_ =	shalt  }
0x3f: {  	_ =	shalt  }
0x40: {  	_ =	shalt  }
0x41: {  	_ =	shalt  }
0x42: {  	_ =	shalt  }
0x43: {  	_ =	shalt  }
0x44: {  	_ =	shalt  }
0x45: {  	_ =	shalt  }
0x46: {  	_ =	shalt  }
0x47: {  	_ =	shalt  }
0x48: {  	_ =	shalt  }
0x49: {  	_ =	shalt  }
0x4a: {  	_ =	shalt  }
0x4b: {  	_ =	shalt  }
0x4c: {  	_ =	shalt  }
0x4d: {  	_ =	shalt  }
0x4e: {  	_ =	shalt  }
0x4f: {  	_ =	shalt  }
0x50: {  	_ =	shalt  }
0x51: {  	_ =	shalt  }
0x52: {  	_ =	shalt  }
0x53: {  	_ =	shalt  }
0x54: {  	_ =	shalt  }
0x55: {  	_ =	shalt  }
0x56: {  	_ =	shalt  }
0x57: {  	_ =	shalt  }
0x58: {  	_ =	shalt  }
0x59: {  	_ =	shalt  }
0x5a: {  	_ =	shalt  }
0x5b: {  	_ =	shalt  }
0x5c: {  	_ =	shalt  }
0x5d: {  	_ =	shalt  }
0x5e: {  	_ =	shalt  }
0x5f: {  	_ =	shalt  }
0x60: {  	_ =	shalt  }
0x61: {  	_ =	shalt  }
0x62: {  	_ =	shalt  }
0x63: {  	_ =	shalt  }
0x64: {  	_ =	shalt  }
0x65: {  	_ =	shalt  }
0x66: {  	_ =	shalt  }
0x67: {  	_ =	shalt  }
0x68: {  	_ =	shalt  }
0x69: {  	_ =	shalt  }
0x6a: {  	_ =	shalt  }
0x6b: {  	_ =	shalt  }
0x6c: {  	_ =	shalt  }
0x6d: {  	_ =	shalt  }
0x6e: {  	_ =	shalt  }
0x6f: {  	_ =	shalt  }
0x70: {  	_ =	shalt  }
0x71: {  	_ =	shalt  }
0x72: {  	_ =	shalt  }
0x73: {  	_ =	shalt  }
0x74: {  	_ =	shalt  }
0x75: {  	_ =	shalt  }
0x76: {  	_ =	shalt  }
0x77: {  	_ =	shalt  }
0x78: {  	_ =	shalt  }
0x79: {  	_ =	shalt  }
0x7a: {  	_ =	shalt  }
0x7b: {  	_ =	shalt  }
0x7c: {  	_ =	shalt  }
0x7d: {  	_ =	shalt  }
0x7e: {  	_ =	shalt  }
0x7f: {  	_ =	shalt  }
0x80: {  	_ =	shalt  }
0x81: {  	_ =	shalt  }
0x82: {  	_ =	shalt  }
0x83: {  	_ =	shalt  }
0x84: {  	_ =	shalt  }
0x85: {  	_ =	shalt  }
0x86: {  	_ =	shalt  }
0x87: {  	_ =	shalt  }
.Lfunc_end0:
.L_simem_size_0:
called_computation.2_lowered:
.L_overlay_start_0:
0x88: {  	s2 =	sld [smem:$0x3FD9]  }
0x89: {  	s3 =	sld [smem:$0x3FFE];
	_ =	sdelay $0x1  }
0x8a: {  	s1 =	srdreg.scid  }
0x8b: {  	s0 =	sand.u32 $0x1, s1  }
0x8c: {  	s16 =	sshll.u32 s0, $0xA;
	s2 =	sadd.s32 s3, s2  }
0x8d: {  	s2 =	sadd.s32 s2, s16  }
0x8e: {  	[smem:$0x3FC0] =	sst s2  }
0x8f: {  	_ = 	snop  }
0x90: {  	(tm) =	ssettm $0x1  }
0x91: {  	s17 =	sld [smem:$0x3FFB];
	_ =	sdelay $0x3  }
0x92: {  	_ =	strace s17  }
0x93: {  	s2 =	sld [smem:$0x3FFC];
	_ =	sdelay $0x3  }
0x94: {  	_ =	strace s2  }
0x95: {  	s2 =	sld [smem:$0x3FFD];
	_ =	sdelay $0x3  }
0x96: {  	_ =	strace s2  }
0x97: {  	_ =	strace $0x8FFFFFFF  }
0x98: {  	s18 =	sld [smem:$0x3FDB];
	_ =	sdelay $0x1  }
0x99: {  	s19 =	simm.s32 $_scs_section_size  }
0x9a: {  	s4 =	simm.s32 $_size__tile_overlayer_lowered;
	s5 =	simm.s32 $_tile_overlayer_lowered  }
0x9b: {  	s22 =	simm.s32 $0x1BFF;
	s21 =	sshll.u32 s5, $0x1;
	s2 =	sadd.s32 s19, s18  }
0x9c: {  	s6 =	simm.s32 $0x0;
	s20 =	sshll.u32 s4, $0x1;
	s4 =	sadd.s32 s21, s2  }
0x9d: {  	[timem:s6], [sflag:s22] =	dma.local [hbm:s4], s20  }
0x9e: {  	_ =	swait.ge [sflag:s22], s20  }
0x9f: {  	s3 =	ssub.s32 $0x0, s20;
	[sflag:s22] =	ssyncset.done $0x0  }
0xa0: {  	[sflag:s22] =	ssyncadd.s32 s3;
	_ =	sdelay $0x1  }
0xa1: {  	s23 =	simm.s32 $0x1B8B  }
0xa2: {  	_ =	swait.ge [sflag:s23], $0x1  }
0xa3: {  	[sflag:s23] =	ssyncset.done $0x0  }
0xa4: {  	s25 =	simm.s32 $0x1B8E;
	s24 =	sld [smem:$0x3FFE];
	[sflag:s23] =	ssyncadd.s32 $0xFFFFFFFF  }
0xa5: {  	s26 =	simm.s32 $execute0_lowered;
	[smem:$0x3FD2] =	sst s25  }
0xa6: {  	s4 =	sshll.u32 s26, $0x1;
	_ =	strace $0x8000004C;
	[dreg:$0x1] =	wrdreg $0xFFFFFFFF  }
0xa7: {  	s28 =	simm.s32 $_size_execute0_lowered;
	s2 =	sadd.s32 s2, s4;
	[dreg:$0x0] =	wrdreg $0x0  }
0xa8: {  	s4 =	sshll.u32 s28, $0x1;
	[dreg:$0x2] =	wrdreg s2  }
0xa9: {  	[dreg:$0x3] =	wrdreg s4  }
0xaa: {  	[dreg:$0x4] =	wrdreg $0xC0  }
0xab: {  	_ =	task [dreg:s6], $0x5FFFF  }
0xac: {  	[dreg:$0x1] =	wrdreg $0xFFFFFFFF  }
0xad: {  	[dreg:$0x0] =	wrdreg $0x60  }
0xae: {  	[dreg:$0x2] =	wrdreg s24  }
0xaf: {  	[dreg:$0x3] =	wrdreg $0xAE800  }
0xb0: {  	[dreg:$0x4] =	wrdreg $0x9  }
0xb1: {  	_ =	task.clear_ibuf [dreg:s6], $0x5FFFF;
	_ =	strace $0x9000004C  }
0xb2: {  	s29 =	simm.s32 $0x9;
	_ =	strace $0x8000004E  }
0xb3: {  	_ =	swait.ge [sflag:s29], $0x1  }
0xb4: {  	[sflag:s29] =	ssyncadd.s32 $0xFFFFFFFF  }
0xb5: {  	_ =	strace $0x9000004E  }
0xb6: {  	_ =	sfence  }
0xb7: {  	s30 =	sld [smem:$0x0];
	_ =	sdelay $0x2  }
0xb8: {  	s31 =	sshll.u32 s1, $0xD;
	s1 =	sshrl.u32 s1, $0x2  }
0xb9: {  	s3 =	sand.u32 $0x4000, s31;
	s1 =	sadd.s32 s1, s30  }
0xba: {  	s0 =	sor.u32 s3, s0;
	s1 =	sshll.u32 s1, $0x11  }
0xbb: {  	s0 =	sor.u32 s1, s0  }
0xbc: {  	s0 =	sadd.s32 $0x8F2B, s0  }
0xbd: {  	[sflag:s0] =	ssyncadd.remote.s32 $0x1  }
0xbe: {  	_ =	sfence.sel $0xFFFF  }
0xbf: {  	[dreg:$0x0] =	wrdreg $0xFFFFFFFF;
	(pc) =	sbr.abs _section_cstart, $3  }
0xc0: {  	[dreg:$0x1] =	wrdreg $0xFFFFFFFF  }
0xc1: {  	_ =	task.clear_ibuf [dreg:s6], $0x2FFFF;
	_ =	strace $0x9FFFFFFF  }
0xc2: {  	(tm) =	ssettm $0x7FFFFFFF  }
0xc3: {  	_ =	shalt  }
tec
execute0_lowered:
.L_overlay_start_1:
0x0: {  	(tag) =	ssettag $0x1  }
0x1: {  	s1 =	rddreg [dreg:$0x0];
	s0 =	simm.s32 $0x0;
	s2 =	srdreg.scid  }
0x2: {  	s16 =	stileid.u32;
	[smem:$0x7FF] =	sst s0;
	s3 =	sand.u32 $0x1, s2  }
0x3: {  	s4 =	sadd.s32 $0x3200, s1;
	s5 =	sadd.s32 $0xD000, s1;
	s7 =	smul.u32 $0x14000, s16  }
0x4: {  	s8 =	sadd.s32 $0x3E400, s1;
	s2 =	ssub.s32 $0x2, s3;
	s24 =	sshll.u32 s3, $0x4  }
0x5: {  	s3 =	smul.u32 $0x140000, s3;
	s6 =	sshrl.u32 s2, $0x1;
	s9 =	sor.u32 $0x2000, s7  }
0x6: {  	s10 =	sadd.s32 $0x4000, s7;
	s11 =	sadd.s32 $0x6000, s7;
	s12 =	sadd.s32 $0x8000, s7  }
0x7: {  	s14 =	sadd.s32 $0xA000, s7;
	s15 =	sadd.s32 $0xC000, s7;
	s28 =	sadd.s32 $0xE000, s7  }
0x8: {  	s2 =	ssub.s32 s2, s6;
	s6 =	sor.u32 s16, s24;
	s16 =	sshll.u32 s16, $0x3  }
0x9: {  	s26 =	sadd.s32 s7, s3;
	s19 =	sadd.s32 s3, s9;
	s20 =	sadd.s32 s3, s10  }
0xa: {  	s21 =	sadd.s32 s3, s11;
	s24 =	sadd.s32 s3, s12;
	s13 =	smul.u32 $0x4E0, s6  }
0xb: {  	s25 =	sor.u32 $0x9C00, s16;
	s18 =	sshrl.u32 s26, $0x3;
	s23 =	sshrl.u32 s21, $0x3  }
0xc: {  	s26 =	sadd.s32 s3, s15;
	p0 =	sgt.u32 s6, $0x7;
	s17 =	sadd.s32 s4, s13  }
0xd: {  	s31 =	smax.u32 s2, $0x1;
	s13 =	sadd.s32 s5, s13;
	[dreg:$0x3] =	wrdreg s17  }
0xe: {  	s6 =	simm.s32 $0x40;
	s4 =	sadd.s32 s4, s25;
	[dreg:$0x4] =	wrdreg s13  }
0xf: {  	s16 =	sshrl.u32 s26, $0x3;
	[dreg:$0x5] =	wrdreg s4;
	s17 =	sadd.s32 s5, s25  }
0x10: {  	s4 =	sadd.s32 s8, s18;
	s5 =	sshrl.u32 s20, $0x3;
	[dreg:$0x6] =	wrdreg s17  }
0x11: {  	s25 =	sadd.s32 s3, s14;
	s18 =	sadd.s32 s3, s28;
	[dreg:$0x7] =	wrdreg s4  }
0x12: {  	s4 =	sshrl.u32 s19, $0x3;
	s22 =	sadd.s32 s8, s5;
	s5 =	sshrl.u32 s25, $0x3  }
0x13: {  	s17 =	sadd.s32 $0x10000, s7;
	s19 =	sadd.s32 $0x12000, s7;
	s4 =	sadd.s32 s8, s4  }
0x14: {  	[dreg:$0x9] =	wrdreg s22;
	s5 =	sadd.s32 s8, s5;
	s25 =	sadd.s32 s3, s17  }
0x15: {  	s3 =	sadd.s32 s3, s19;
	[dreg:$0x8] =	wrdreg s4;
	s4 =	sadd.s32 s8, s23  }
0x16: {  	[dreg:$0xc] =	wrdreg s5;
	s5 =	sshrl.u32 s18, $0x3;
	s26 =	sshrl.u32 s25, $0x3  }
0x17: {  	s3 =	sshrl.u32 s3, $0x3;
	[dreg:$0xa] =	wrdreg s4;
	s5 =	sadd.s32 s8, s5  }
0x18: {  	s4 =	sshrl.u32 s24, $0x3;
	s3 =	sadd.s32 s8, s3;
	[dreg:$0xe] =	wrdreg s5  }
0x19: {  	s18 =	sadd.s32 $0x16E00, s1;
	s4 =	sadd.s32 s8, s4;
	[dreg:$0x10] =	wrdreg s3  }
0x1a: {  	s1 =	sadd.s32 $0x3E000, s1;
	s5 =	sadd.s32 s8, s26;
	[dreg:$0xb] =	wrdreg s4  }
0x1b: {  	s3 =	simm.s32 $0x4;
	s4 =	sadd.s32 s8, s16;
	[dreg:$0xf] =	wrdreg s5  }
0x1c: {  	s16 =	rddreg [dreg:$0x1];
	s5 =	simm.s32 $0x3;
	s8 =	simm.s32 $0x1  }
0x1d: {  	[dreg:$0xd] =	wrdreg s4;
	s20 =	sadd.s32 s7, s16;
	s21 =	sadd.s32 s9, s16  }
0x1e: {  	s22 =	sadd.s32 s10, s16;
	s23 =	sadd.s32 s11, s16;
	s24 =	sadd.s32 s12, s16  }
0x1f: {  	s25 =	sadd.s32 s14, s16;
	s26 =	sadd.s32 s15, s16;
	s28 =	sadd.s32 s28, s16  }
0x20: {  	s29 =	sadd.s32 s17, s16;
	s30 =	sadd.s32 s19, s16;
	s14 =	simm.s32 $0x4E80  }
0x21: {  	s4 =	simm.s32 $0x2;
	s7 =	simm.s32 $0x6E80;
	s9 =	simm.s32 $0x8E80  }
0x22: {  	s10 =	simm.s32 $0x5;
	s11 =	simm.s32 $0x6;
	s12 =	simm.s32 $0x0  }
0x23: {  	_ =	strace $0x8000004D;
	[dreg:$0x11] =	wrdreg s1;
	s1 =	simm.s32 $0x7  }
.LBB2_1:
0x24: {  	s2 =	rddreg [dreg:$0x11]  }
0x25: {  	[tilespmem:s14], [sflag:$0x7] =	stream.linear.gather [hbm4b:s2+s0], $0x2000, $0x38;
	[tilespmem:$0x1EE80] =	vst v63  }
0x26: {  	_ =	swait.ge [sflag:s1], $0x2000  }
0x27: {  	[sflag:s1] =	ssyncset.done $0x0  }
0x28: {  	[sflag:s1] =	ssyncadd.s32 $0xFFFFE000  }
0x29: {  	[spmem:s20] =	stream.linear.scatter [tilespmem:s14], [sflag:$0x4], $0x2000, $0x38;
	[tilespmem:$0x1EE80] =	vst v63  }
0x2a: {  	_ = 	snop  }
0x2b: {  	[spmem:s21] =	stream.linear.scatter [tilespmem:s14], [sflag:$0x4], $0x2000, $0x38;
	[tilespmem:$0x1EE80] =	vst v63  }
0x2c: {  	_ = 	snop  }
0x2d: {  	[spmem:s22] =	stream.linear.scatter [tilespmem:s14], [sflag:$0x4], $0x2000, $0x38;
	[tilespmem:$0x1EE80] =	vst v63  }
0x2e: {  	_ = 	snop  }
0x2f: {  	[spmem:s23] =	stream.linear.scatter [tilespmem:s14], [sflag:$0x4], $0x2000, $0x38;
	[tilespmem:$0x1EE80] =	vst v63  }
0x30: {  	_ = 	snop  }
0x31: {  	[spmem:s24] =	stream.linear.scatter [tilespmem:s14], [sflag:$0x4], $0x2000, $0x38;
	[tilespmem:$0x1EE80] =	vst v63  }
0x32: {  	_ = 	snop  }
0x33: {  	[spmem:s25] =	stream.linear.scatter [tilespmem:s14], [sflag:$0x4], $0x2000, $0x38;
	[tilespmem:$0x1EE80] =	vst v63  }
0x34: {  	_ = 	snop  }
0x35: {  	[spmem:s26] =	stream.linear.scatter [tilespmem:s14], [sflag:$0x4], $0x2000, $0x38;
	[tilespmem:$0x1EE80] =	vst v63  }
0x36: {  	_ = 	snop  }
0x37: {  	[spmem:s28] =	stream.linear.scatter [tilespmem:s14], [sflag:$0x4], $0x2000, $0x38;
	[tilespmem:$0x1EE80] =	vst v63  }
0x38: {  	_ = 	snop  }
0x39: {  	[spmem:s29] =	stream.linear.scatter [tilespmem:s14], [sflag:$0x4], $0x2000, $0x38;
	[tilespmem:$0x1EE80] =	vst v63  }
0x3a: {  	_ = 	snop  }
0x3b: {  	[spmem:s30] =	stream.linear.scatter [tilespmem:s14], [sflag:$0x4], $0x2000, $0x38;
	[tilespmem:$0x1EE80] =	vst v63  }
0x3c: {  	s13 =	rddreg [dreg:$0x3]  }
0x3d: {  	[tilespmem:s0], [sflag:$0x2] =	stream.linear.gather [hbm4b:s13+s0], $0x2700, $0x38;
	[tilespmem:$0x1EE80] =	vst v63  }
0x3e: {  	s15 =	rddreg [dreg:$0x4];
	s13 =	simm.s32 $0x2700  }
0x3f: {  	[tilespmem:s13], [sflag:$0x3] =	stream.linear.gather [hbm4b:s15+s0], $0x2700, $0x38;
	[tilespmem:$0x1EE80] =	vst v63  }
0x40: {  	_ =	swait.ge [sflag:s3], $0x2000  }
0x41: {  	[sflag:s3] =	ssyncset.done $0x0  }
0x42: {  	[sflag:s3] =	ssyncadd.s32 $0xFFFFE000  }
0x43: {  	_ =	swait.ge [sflag:s3], $0x2000  }
0x44: {  	[sflag:s3] =	ssyncset.done $0x0  }
0x45: {  	[sflag:s3] =	ssyncadd.s32 $0xFFFFE000  }
0x46: {  	_ =	swait.ge [sflag:s3], $0x2000  }
0x47: {  	[sflag:s3] =	ssyncset.done $0x0  }
0x48: {  	[sflag:s3] =	ssyncadd.s32 $0xFFFFE000  }
0x49: {  	_ =	swait.ge [sflag:s3], $0x2000  }
0x4a: {  	[sflag:s3] =	ssyncset.done $0x0  }
0x4b: {  	[sflag:s3] =	ssyncadd.s32 $0xFFFFE000  }
0x4c: {  	_ =	swait.ge [sflag:s3], $0x2000  }
0x4d: {  	[sflag:s3] =	ssyncset.done $0x0  }
0x4e: {  	[sflag:s3] =	ssyncadd.s32 $0xFFFFE000  }
0x4f: {  	_ =	swait.ge [sflag:s3], $0x2000  }
0x50: {  	[sflag:s3] =	ssyncset.done $0x0  }
0x51: {  	[sflag:s3] =	ssyncadd.s32 $0xFFFFE000  }
0x52: {  	_ =	swait.ge [sflag:s3], $0x2000  }
0x53: {  	[sflag:s3] =	ssyncset.done $0x0  }
0x54: {  	[sflag:s3] =	ssyncadd.s32 $0xFFFFE000  }
0x55: {  	_ =	swait.ge [sflag:s3], $0x2000  }
0x56: {  	[sflag:s3] =	ssyncset.done $0x0  }
0x57: {  	[sflag:s3] =	ssyncadd.s32 $0xFFFFE000  }
0x58: {  	_ =	swait.ge [sflag:s3], $0x2000  }
0x59: {  	[sflag:s3] =	ssyncset.done $0x0  }
0x5a: {  	[sflag:s3] =	ssyncadd.s32 $0xFFFFE000  }
0x5b: {  	_ =	swait.ge [sflag:s3], $0x2000  }
0x5c: {  	[sflag:s3] =	ssyncset.done $0x0  }
0x5d: {  	[sflag:s3] =	ssyncadd.s32 $0xFFFFE000  }
0x5e: {  	_ =	swait.ge [sflag:s4], $0x2700  }
0x5f: {  	[sflag:s4] =	ssyncset.done $0x0  }
0x60: {  	[sflag:s4] =	ssyncadd.s32 $0xFFFFD900  }
0x61: {  	_ =	swait.ge [sflag:s5], $0x2700  }
0x62: {  	[sflag:s5] =	ssyncset.done $0x0  }
0x63: {  	[sflag:s5] =	ssyncadd.s32 $0xFFFFD900  }
0x64: {  	[bflag:$0x0] =	sbarrier.arrive $0xFFFF  }
0x65: {  	[tilespmem:s14], [sflag:$0x1] =	stream.indirect.gather [hbm4b:s18+s6], $0x80, s0, s6, $0xb8;
	[tilespmem:$0x1EE80] =	vst v63  }
0x66: {  	_ = 	snop  }
0x67: {  	[tilespmem:s7], [sflag:$0x2] =	stream.indirect.gather [hbm4b:s18+s6], $0x80, s6, s6, $0xb8;
	[tilespmem:$0x1EE80] =	vst v63  }
0x68: {  	_ =	swait.ge [sflag:s8], $0x2000  }
0x69: {  	[sflag:s8] =	ssyncset.done $0x0  }
0x6a: {  	[sflag:s8] =	ssyncadd.s32 $0xFFFFE000  }
0x6b: {  	[spmem:s16] =	stream.indirect.scatter.add.f32 [tilespmem:s14], [sflag:$0x4], $0x80, s13, s6, $0xb8;
	[tilespmem:$0x1EE80] =	vst v63  }
0x6c: {  	s17 =	simm.s32 $0x80  }
0x6d: {  	[tilespmem:s9], [sflag:$0x3] =	stream.indirect.gather [hbm4b:s18+s6], $0x80, s17, s6, $0xb8;
	[tilespmem:$0x1EE80] =	vst v63  }
0x6e: {  	_ =	swait.ge [sflag:s4], $0x2000  }
0x6f: {  	[sflag:s4] =	ssyncset.done $0x0  }
0x70: {  	s19 =	simm.s32 $0x2740;
	[sflag:s4] =	ssyncadd.s32 $0xFFFFE000  }
0x71: {  	[spmem:s16] =	stream.indirect.scatter.add.f32 [tilespmem:s7], [sflag:$0x5], $0x80, s19, s6, $0xb8;
	[tilespmem:$0x1EE80] =	vst v63  }
0x72: {  	_ =	swait.ge [sflag:s3], $0x2000  }
0x73: {  	[sflag:s3] =	ssyncset.done $0x0  }
0x74: {  	s2 =	simm.s32 $0xC0;
	[sflag:s3] =	ssyncadd.s32 $0xFFFFE000  }
0x75: {  	[tilespmem:s14], [sflag:$0x1] =	stream.indirect.gather [hbm4b:s18+s6], $0x80, s2, s6, $0xb8;
	[tilespmem:$0x1EE80] =	vst v63  }
0x76: {  	_ =	swait.ge [sflag:s5], $0x2000  }
0x77: {  	[sflag:s5] =	ssyncset.done $0x0  }
0x78: {  	s15 =	simm.s32 $0x2780;
	[sflag:s5] =	ssyncadd.s32 $0xFFFFE000  }
0x79: {  	[spmem:s16] =	stream.indirect.scatter.add.f32 [tilespmem:s9], [sflag:$0x6], $0x80, s15, s6, $0xb8;
	[tilespmem:$0x1EE80] =	vst v63  }
0x7a: {  	_ =	swait.ge [sflag:s10], $0x2000  }
0x7b: {  	[sflag:s10] =	ssyncset.done $0x0  }
0x7c: {  	s17 =	simm.s32 $0x100;
	[sflag:s10] =	ssyncadd.s32 $0xFFFFE000  }
0x7d: {  	[tilespmem:s7], [sflag:$0x2] =	stream.indirect.gather [hbm4b:s18+s6], $0x80, s17, s6, $0xb8;
	[tilespmem:$0x1EE80] =	vst v63  }
0x7e: {  	_ =	swait.ge [sflag:s8], $0x2000  }
0x7f: {  	[sflag:s8] =	ssyncset.done $0x0  }
0x80: {  	s19 =	simm.s32 $0x27C0;
	[sflag:s8] =	ssyncadd.s32 $0xFFFFE000  }
0x81: {  	[spmem:s16] =	stream.indirect.scatter.add.f32 [tilespmem:s14], [sflag:$0x4], $0x80, s19, s6, $0xb8;
	[tilespmem:$0x1EE80] =	vst v63  }
0x82: {  	_ =	swait.ge [sflag:s11], $0x2000  }
0x83: {  	[sflag:s11] =	ssyncset.done $0x0  }
0x84: {  	s13 =	simm.s32 $0x300;
	s15 =	simm.s32 $0x140;
	[sflag:s11] =	ssyncadd.s32 $0xFFFFE000  }
.LBB2_2:
0x85: {  	[tilespmem:s9], [sflag:$0x3] =	stream.indirect.gather [hbm4b:s18+s6], $0x80, s15, s6, $0xb8;
	[tilespmem:$0x1EE80] =	vst v63  }
0x86: {  	s15 =	smov.u32 s13  }
0x87: {  	p1 =	sne.s32 s13, $0x9600;
	s13 =	sadd.s32 $0x300, s13;
	_ =	swait.ge [sflag:s4], $0x2000  }
0x88: {  	s15 =	sshra.s32 s15, $0x2;
	[sflag:s4] =	ssyncset.done $0x0  }
0x89: {  	s17 =	sadd.s32 $0x2740, s15;
	[sflag:s4] =	ssyncadd.s32 $0xFFFFE000  }
0x8a: {  	[spmem:s16] =	stream.indirect.scatter.add.f32 [tilespmem:s7], [sflag:$0x5], $0x80, s17, s6, $0xb8;
	[tilespmem:$0x1EE80] =	vst v63  }
0x8b: {  	_ =	swait.ge [sflag:s3], $0x2000  }
0x8c: {  	[sflag:s3] =	ssyncset.done $0x0  }
0x8d: {  	s17 =	sadd.s32 $0xC0, s15;
	[sflag:s3] =	ssyncadd.s32 $0xFFFFE000  }
0x8e: {  	[tilespmem:s14], [sflag:$0x1] =	stream.indirect.gather [hbm4b:s18+s6], $0x80, s17, s6, $0xb8;
	[tilespmem:$0x1EE80] =	vst v63  }
0x8f: {  	_ =	swait.ge [sflag:s5], $0x2000  }
0x90: {  	[sflag:s5] =	ssyncset.done $0x0  }
0x91: {  	s17 =	sadd.s32 $0x2780, s15;
	[sflag:s5] =	ssyncadd.s32 $0xFFFFE000  }
0x92: {  	[spmem:s16] =	stream.indirect.scatter.add.f32 [tilespmem:s9], [sflag:$0x6], $0x80, s17, s6, $0xb8;
	[tilespmem:$0x1EE80] =	vst v63  }
0x93: {  	_ =	swait.ge [sflag:s10], $0x2000  }
0x94: {  	[sflag:s10] =	ssyncset.done $0x0  }
0x95: {  	s17 =	sadd.s32 $0x100, s15;
	[sflag:s10] =	ssyncadd.s32 $0xFFFFE000  }
0x96: {  	[tilespmem:s7], [sflag:$0x2] =	stream.indirect.gather [hbm4b:s18+s6], $0x80, s17, s6, $0xb8;
	[tilespmem:$0x1EE80] =	vst v63  }
0x97: {  	_ =	swait.ge [sflag:s8], $0x2000  }
0x98: {  	[sflag:s8] =	ssyncset.done $0x0  }
.Ltmp0:
0x99: {  	s17 =	sadd.s32 $0x27C0, s15;
	[sflag:s8] =	ssyncadd.s32 $0xFFFFE000;
	(pc) =	sbr.rel @p1 .LBB2_2-.Ltmp0, $4  }
0x9a: {  	[spmem:s16] =	stream.indirect.scatter.add.f32 [tilespmem:s14], [sflag:$0x4], $0x80, s17, s6, $0xb8;
	[tilespmem:$0x1EE80] =	vst v63  }
0x9b: {  	_ =	swait.ge [sflag:s11], $0x2000  }
0x9c: {  	[sflag:s11] =	ssyncset.done $0x0  }
0x9d: {  	s15 =	sadd.s32 $0x140, s15;
	[sflag:s11] =	ssyncadd.s32 $0xFFFFE000  }
0x9e: {  	[tilespmem:s9], [sflag:$0x3] =	stream.indirect.gather [hbm4b:s18+s6], $0x80, s15, s6, $0xb8;
	[tilespmem:$0x1EE80] =	vst v63  }
0x9f: {  	_ =	swait.ge [sflag:s4], $0x2000  }
0xa0: {  	[sflag:s4] =	ssyncset.done $0x0  }
0xa1: {  	s2 =	simm.s32 $0x4D80;
	[sflag:s4] =	ssyncadd.s32 $0xFFFFE000  }
0xa2: {  	[spmem:s16] =	stream.indirect.scatter.add.f32 [tilespmem:s7], [sflag:$0x5], $0x80, s2, s6, $0xb8;
	[tilespmem:$0x1EE80] =	vst v63  }
0xa3: {  	_ =	swait.ge [sflag:s3], $0x2000  }
0xa4: {  	[sflag:s3] =	ssyncset.done $0x0  }
0xa5: {  	[sflag:s3] =	ssyncadd.s32 $0xFFFFE000  }
0xa6: {  	_ =	swait.ge [sflag:s5], $0x2000  }
0xa7: {  	[sflag:s5] =	ssyncset.done $0x0  }
0xa8: {  	s15 =	simm.s32 $0x4DC0;
	[sflag:s5] =	ssyncadd.s32 $0xFFFFE000  }
0xa9: {  	[spmem:s16] =	stream.indirect.scatter.add.f32 [tilespmem:s9], [sflag:$0x6], $0x80, s15, s6, $0xb8;
	[tilespmem:$0x1EE80] =	vst v63  }
0xaa: {  	_ =	swait.ge [sflag:s10], $0x2000  }
0xab: {  	[sflag:s10] =	ssyncset.done $0x0  }
0xac: {  	[sflag:s10] =	ssyncadd.s32 $0xFFFFE000  }
0xad: {  	_ =	swait.ge [sflag:s11], $0x2000  }
0xae: {  	s13 =	simm.s32 @!p0 $0x0;
	s17 =	simm.s32 @!p0 $0x7;
	[sflag:s11] =	ssyncset.done $0x0  }
0xaf: {  	s15 =	simm.s32 @!p0 $0x4E00;
	s2 =	rddreg [dreg:$0x5];
	[sflag:s11] =	ssyncadd.s32 $0xFFFFE000  }
0xb0: {  	[tilespmem:s15], [sflag:$0x7] =	stream.linear.gather @!p0 [hbm4b:s2+s13], $0x40, $0x38;
	[tilespmem:$0x1EE80] =	vst v63  }
0xb1: {  	_ =	swait.ge @!p0 [sflag:s17], $0x40  }
0xb2: {  	[sflag:s17] =	ssyncset.done @!p0 $0x0  }
0xb3: {  	s19 =	simm.s32 @!p0 $0x4E40;
	s2 =	rddreg [dreg:$0x6];
	[sflag:s17] =	ssyncadd.s32 @!p0 $0xFFFFFFC0  }
0xb4: {  	[tilespmem:s19], [sflag:$0x7] =	stream.linear.gather @!p0 [hbm4b:s2+s13], $0x40, $0x38;
	[tilespmem:$0x1EE80] =	vst v63  }
0xb5: {  	_ =	swait.ge @!p0 [sflag:s17], $0x40  }
0xb6: {  	[sflag:s17] =	ssyncset.done @!p0 $0x0  }
0xb7: {  	s13 =	simm.s32 @!p0 $0x40;
	s2 =	simm.s32 @!p0 $0x4E80;
	[sflag:s17] =	ssyncadd.s32 @!p0 $0xFFFFFFC0  }
0xb8: {  	[tilespmem:s2], [sflag:$0x1] =	stream.indirect.gather @!p0 [hbm4b:s18+s13], $0x80, s15, s13, $0xb8;
	[tilespmem:$0x1EE80] =	vst v63  }
0xb9: {  	s15 =	simm.s32 @!p0 $0x1  }
0xba: {  	_ =	swait.ge @!p0 [sflag:s15], $0x2000  }
0xbb: {  	[sflag:s15] =	ssyncset.done @!p0 $0x0  }
0xbc: {  	[sflag:s15] =	ssyncadd.s32 @!p0 $0xFFFFE000  }
0xbd: {  	[spmem:s16] =	stream.indirect.scatter.add.f32 @!p0 [tilespmem:s2], [sflag:$0x7], $0x80, s19, s13, $0xb8;
	[tilespmem:$0x1EE80] =	vst v63  }
0xbe: {  	_ =	swait.ge @!p0 [sflag:s17], $0x2000  }
0xbf: {  	[sflag:s17] =	ssyncset.done @!p0 $0x0  }
0xc0: {  	[sflag:s17] =	ssyncadd.s32 @!p0 $0xFFFFE000  }
0xc1: {  	[bflag:$0x0] =	sbarrier.arrive $0xFFFF  }
0xc2: {  	[tilespmem:s14], [sflag:$0x7] =	stream.linear.gather [spmem:s20], $0x2000, $0x38;
	[tilespmem:$0x1EE80] =	vst v63  }
0xc3: {  	_ =	swait.ge [sflag:s1], $0x2000  }
0xc4: {  	[sflag:s1] =	ssyncset.done $0x0  }
0xc5: {  	s17 =	rddreg [dreg:$0x7];
	[sflag:s1] =	ssyncadd.s32 $0xFFFFE000  }
0xc6: {  	[hbm4b:s17+s0] =	stream.linear.scatter [tilespmem:s14], [sflag:$0x4], $0x2000, $0x38;
	[tilespmem:$0x1EE80] =	vst v63  }
0xc7: {  	_ = 	snop  }
0xc8: {  	[tilespmem:s7], [sflag:$0x7] =	stream.linear.gather [spmem:s21], $0x2000, $0x38;
	[tilespmem:$0x1EE80] =	vst v63  }
0xc9: {  	_ =	swait.ge [sflag:s1], $0x2000  }
0xca: {  	[sflag:s1] =	ssyncset.done $0x0  }
0xcb: {  	s19 =	rddreg [dreg:$0x8];
	[sflag:s1] =	ssyncadd.s32 $0xFFFFE000  }
0xcc: {  	[hbm4b:s19+s0] =	stream.linear.scatter [tilespmem:s7], [sflag:$0x5], $0x2000, $0x38;
	[tilespmem:$0x1EE80] =	vst v63  }
0xcd: {  	_ =	swait.ge [sflag:s3], $0x2000  }
0xce: {  	[sflag:s3] =	ssyncset.done $0x0  }
0xcf: {  	[sflag:s3] =	ssyncadd.s32 $0xFFFFE000  }
0xd0: {  	[tilespmem:s14], [sflag:$0x7] =	stream.linear.gather [spmem:s22], $0x2000, $0x38;
	[tilespmem:$0x1EE80] =	vst v63  }
0xd1: {  	_ =	swait.ge [sflag:s1], $0x2000  }
0xd2: {  	[sflag:s1] =	ssyncset.done $0x0  }
0xd3: {  	s13 =	rddreg [dreg:$0x9];
	[sflag:s1] =	ssyncadd.s32 $0xFFFFE000  }
0xd4: {  	[hbm4b:s13+s0] =	stream.linear.scatter [tilespmem:s14], [sflag:$0x4], $0x2000, $0x38;
	[tilespmem:$0x1EE80] =	vst v63  }
0xd5: {  	_ =	swait.ge [sflag:s10], $0x2000  }
0xd6: {  	[sflag:s10] =	ssyncset.done $0x0  }
0xd7: {  	[sflag:s10] =	ssyncadd.s32 $0xFFFFE000  }
0xd8: {  	[tilespmem:s7], [sflag:$0x7] =	stream.linear.gather [spmem:s23], $0x2000, $0x38;
	[tilespmem:$0x1EE80] =	vst v63  }
0xd9: {  	_ =	swait.ge [sflag:s1], $0x2000  }
0xda: {  	[sflag:s1] =	ssyncset.done $0x0  }
0xdb: {  	s15 =	rddreg [dreg:$0xa];
	[sflag:s1] =	ssyncadd.s32 $0xFFFFE000  }
0xdc: {  	[hbm4b:s15+s0] =	stream.linear.scatter [tilespmem:s7], [sflag:$0x5], $0x2000, $0x38;
	[tilespmem:$0x1EE80] =	vst v63  }
0xdd: {  	_ =	swait.ge [sflag:s3], $0x2000  }
0xde: {  	[sflag:s3] =	ssyncset.done $0x0  }
0xdf: {  	[sflag:s3] =	ssyncadd.s32 $0xFFFFE000  }
0xe0: {  	[tilespmem:s14], [sflag:$0x7] =	stream.linear.gather [spmem:s24], $0x2000, $0x38;
	[tilespmem:$0x1EE80] =	vst v63  }
0xe1: {  	_ =	swait.ge [sflag:s1], $0x2000  }
0xe2: {  	[sflag:s1] =	ssyncset.done $0x0  }
0xe3: {  	s17 =	rddreg [dreg:$0xb];
	[sflag:s1] =	ssyncadd.s32 $0xFFFFE000  }
0xe4: {  	[hbm4b:s17+s0] =	stream.linear.scatter [tilespmem:s14], [sflag:$0x4], $0x2000, $0x38;
	[tilespmem:$0x1EE80] =	vst v63  }
0xe5: {  	_ =	swait.ge [sflag:s10], $0x2000  }
0xe6: {  	[sflag:s10] =	ssyncset.done $0x0  }
0xe7: {  	[sflag:s10] =	ssyncadd.s32 $0xFFFFE000  }
0xe8: {  	[tilespmem:s7], [sflag:$0x7] =	stream.linear.gather [spmem:s25], $0x2000, $0x38;
	[tilespmem:$0x1EE80] =	vst v63  }
0xe9: {  	_ =	swait.ge [sflag:s1], $0x2000  }
0xea: {  	[sflag:s1] =	ssyncset.done $0x0  }
0xeb: {  	s19 =	rddreg [dreg:$0xc];
	[sflag:s1] =	ssyncadd.s32 $0xFFFFE000  }
0xec: {  	[hbm4b:s19+s0] =	stream.linear.scatter [tilespmem:s7], [sflag:$0x5], $0x2000, $0x38;
	[tilespmem:$0x1EE80] =	vst v63  }
0xed: {  	_ =	swait.ge [sflag:s3], $0x2000  }
0xee: {  	[sflag:s3] =	ssyncset.done $0x0  }
0xef: {  	[sflag:s3] =	ssyncadd.s32 $0xFFFFE000  }
0xf0: {  	[tilespmem:s14], [sflag:$0x7] =	stream.linear.gather [spmem:s26], $0x2000, $0x38;
	[tilespmem:$0x1EE80] =	vst v63  }
0xf1: {  	_ =	swait.ge [sflag:s1], $0x2000  }
0xf2: {  	[sflag:s1] =	ssyncset.done $0x0  }
0xf3: {  	s13 =	rddreg [dreg:$0xd];
	[sflag:s1] =	ssyncadd.s32 $0xFFFFE000  }
0xf4: {  	[hbm4b:s13+s0] =	stream.linear.scatter [tilespmem:s14], [sflag:$0x4], $0x2000, $0x38;
	[tilespmem:$0x1EE80] =	vst v63  }
0xf5: {  	_ =	swait.ge [sflag:s10], $0x2000  }
0xf6: {  	[sflag:s10] =	ssyncset.done $0x0  }
0xf7: {  	[sflag:s10] =	ssyncadd.s32 $0xFFFFE000  }
0xf8: {  	[tilespmem:s7], [sflag:$0x7] =	stream.linear.gather [spmem:s28], $0x2000, $0x38;
	[tilespmem:$0x1EE80] =	vst v63  }
0xf9: {  	_ =	swait.ge [sflag:s1], $0x2000  }
0xfa: {  	[sflag:s1] =	ssyncset.done $0x0  }
0xfb: {  	s15 =	rddreg [dreg:$0xe];
	[sflag:s1] =	ssyncadd.s32 $0xFFFFE000  }
0xfc: {  	[hbm4b:s15+s0] =	stream.linear.scatter [tilespmem:s7], [sflag:$0x5], $0x2000, $0x38;
	[tilespmem:$0x1EE80] =	vst v63  }
0xfd: {  	_ =	swait.ge [sflag:s3], $0x2000  }
0xfe: {  	[sflag:s3] =	ssyncset.done $0x0  }
0xff: {  	[sflag:s3] =	ssyncadd.s32 $0xFFFFE000  }
0x100: {  	[tilespmem:s14], [sflag:$0x7] =	stream.linear.gather [spmem:s29], $0x2000, $0x38;
	[tilespmem:$0x1EE80] =	vst v63  }
0x101: {  	_ =	swait.ge [sflag:s1], $0x2000  }
0x102: {  	[sflag:s1] =	ssyncset.done $0x0  }
0x103: {  	s17 =	rddreg [dreg:$0xf];
	[sflag:s1] =	ssyncadd.s32 $0xFFFFE000  }
0x104: {  	[hbm4b:s17+s0] =	stream.linear.scatter [tilespmem:s14], [sflag:$0x4], $0x2000, $0x38;
	[tilespmem:$0x1EE80] =	vst v63  }
0x105: {  	_ =	swait.ge [sflag:s10], $0x2000  }
0x106: {  	[sflag:s10] =	ssyncset.done $0x0  }
0x107: {  	[sflag:s10] =	ssyncadd.s32 $0xFFFFE000  }
0x108: {  	[tilespmem:s7], [sflag:$0x7] =	stream.linear.gather [spmem:s30], $0x2000, $0x38;
	[tilespmem:$0x1EE80] =	vst v63  }
0x109: {  	_ =	swait.ge [sflag:s1], $0x2000  }
0x10a: {  	[sflag:s1] =	ssyncset.done $0x0  }
0x10b: {  	s12 =	sadd.s32 $0x1, s12;
	s19 =	rddreg [dreg:$0x10];
	[sflag:s1] =	ssyncadd.s32 $0xFFFFE000  }
0x10c: {  	[hbm4b:s19+s0] =	stream.linear.scatter [tilespmem:s7], [sflag:$0x5], $0x2000, $0x38;
	[tilespmem:$0x1EE80] =	vst v63  }
0x10d: {  	p1 =	sne.s32 s12, s31;
	_ =	swait.ge [sflag:s3], $0x2000  }
.Ltmp1:
0x10e: {  	[sflag:s3] =	ssyncset.done $0x0;
	(pc) =	sbr.rel @p1 .LBB2_1-.Ltmp1, $4  }
0x10f: {  	[sflag:s3] =	ssyncadd.s32 $0xFFFFE000  }
0x110: {  	_ =	swait.ge [sflag:s10], $0x2000  }
0x111: {  	[sflag:s10] =	ssyncset.done $0x0  }
0x112: {  	[sflag:s10] =	ssyncadd.s32 $0xFFFFE000  }
0x113: {  	_ =	sfence.sel $0x180000  }
0x114: {  	[bflag:$0x0] =	sbarrier.arrive $0xFFFF  }
0x115: {  	_ =	strace $0x9000004D  }
0x116: {  	s0 =	stileid.u32;
	[bflag:$0x2] =	sbarrier.arrive $0xFFFF  }
0x117: {  	p0 =	sne.s32 s0, $0x0;
	s0 =	rddreg [dreg:$0x2]  }
0x118: {  	s0 =	sadd.s32 @!p0 $0x100000, s0  }
0x119: {  	[sflag:s0] =	ssyncadd.tile.s32 @!p0 $0x1;
	_ =	shalt  }
.Lfunc_end2:
_tile_overlayer_lowered:
.L_overlay_start_2:
0x11a: {  	(tag) =	ssettag $0x2  }
0x11b: {  	s0 =	rddreg [dreg:$0x0];
	s2 =	stileid.u32  }
0x11c: {  	s1 =	rddreg [dreg:$0x1];
	p0 =	sne.s32 s2, $0x0  }
0x11d: {  	s3 =	rddreg [dreg:$0x2];
	[bflag:$0x3] =	sbarrier.arrive $0xFFFF;
	s2 =	simm.s32 @!p0 $0x1C07  }
0x11e: {  	[timem:s3], [sflag:s2] =	dma.local @!p0 [hbm:s0], s1  }
0x11f: {  	s0 =	simm.s32 @!p0 $0x7  }
0x120: {  	_ =	swait.ge @!p0 [sflag:s0], s1  }
0x121: {  	s1 =	ssub.s32 @!p0 $0x0, s1;
	[sflag:s0] =	ssyncset.done @!p0 $0x0  }
0x122: {  	[sflag:s0] =	ssyncadd.s32 @!p0 s1  }
0x123: {  	[bflag:$0x3] =	sbarrier.arrive $0xFFFF  }
0x124: {  	_ =	shalt  }

// kernel: kernel.19.cloned.1.call-start
scs
__scs_entry_jumppad:
0x0: {  	(pc) =	sbr.rel $0x88, $3  }
0x1: {  	(tag) =	ssettag $0x0;
	lr =	simm.s32 $0x1  }
0x2: {  	[smem:$0x3F99] =	sst lr;
	_ =	strace $0xD0000000  }
0x3: {  	_ = 	snop  }
0x4: {  	_ = 	snop  }
0x5: {  	_ = 	snop  }
0x6: {  	_ = 	snop  }
0x7: {  	_ = 	snop  }
__scs_overlays_trampoline_lowered:
0x8: {  	[smem:$0x3FA8] =	sst s0  }
0x9: {  	[smem:$0x3FA9] =	sst s1  }
0xa: {  	[smem:$0x3FAA] =	sst s2  }
0xb: {  	[smem:$0x3FAB] =	sst s3  }
0xc: {  	[smem:$0x3FAC] =	sst s4  }
0xd: {  	[smem:$0x3FAD] =	sst s5  }
0xe: {  	[smem:$0x3FAE] =	sst s6  }
0xf: {  	[smem:$0x3FAF] =	sst s7  }
0x10: {  	[smem:$0x3FB0] =	sst s8  }
0x11: {  	[smem:$0x3FB1] =	sst s9;
	s0 =	simm.s32 @!p0 $0x0  }
0x12: {  	s1 =	sld [smem:$0x3F97];
	s0 =	simm.s32 @p0 $0x1  }
0x13: {  	[smem:$0x3FB2] =	sst s0;
	s0 =	simm.s32 @!p1 $0x0  }
0x14: {  	s2 =	sld [smem:$0x3F96];
	s0 =	simm.s32 @p1 $0x1  }
0x15: {  	[smem:$0x3FB3] =	sst s0;
	s0 =	simm.s32 @!p2 $0x0  }
0x16: {  	s3 =	sld [smem:$0x3FDB];
	s0 =	simm.s32 @p2 $0x1  }
0x17: {  	s4 =	simm.s32 $0x1BF5;
	[smem:$0x3FB5] =	sst s0  }
0x18: {  	s0 =	sld [smem:$0x3F98];
	_ =	swait.ge [sflag:s4], $0x0  }
0x19: {  	s7 =	sld [smem:$0x3F99]  }
0x1a: {  	s8 =	sadd.s32 $0xFFFFE003, lr  }
0x1b: {  	s9 =	sadd.s32 $0xFFFFFEF7, lr;
	s5 =	simm.s32 $0xFFFFFFFF;
	p2 =	slt.u32 s8, $0xFFFFF086  }
0x1c: {  	p1 =	slt.u32 s9, $0xF7A;
	s5 =	simm.s32 @!p2 $0x0  }
0x1d: {  	s5 =	simm.s32 @p1 $0x1;
	p0 =	seq.s32 s7, s2  }
0x1e: {  	s7 =	smul.u32 @!p0 $0xF7A, s2;
	p2 =	seq.s32 @!p0 s5, $0x0  }
0x1f: {  	s9 =	smul.u32 $0xF7A, s1;
	s8 =	simm.s32 @!p0 $0x1BF5;
	p2 =	por !p2, p0  }
0x20: {  	[sflag:s8] =	ssyncset.s32 @!p0 $0xFFFFF086;
	s6 =	sadd.s32 @!p0 s3, s7;
	s7 =	simm.s32 @!p0 $0x108  }
0x21: {  	s3 =	sadd.s32 s3, s9;
	s6 =	sadd.s32 @!p0 $0x88, s6;
	s7 =	simm.s32 @p2 $0x1082  }
0x22: {  	[simem:s7], [sflag:s8] =	dma.local @!p0 [hbm:s6], $0xF7A  }
0x23: {  	s9 =	sor.u32 $0xD0000000, s2;
	s6 =	simm.s32 $0x108;
	_ =	swait.ge @!p0 [sflag:s8], $0x0  }
0x24: {  	s3 =	sadd.s32 $0x88, s3;
	s6 =	simm.s32 @!p1 $0x1082;
	[sflag:s4] =	ssyncset.s32 $0xFFFFF086  }
0x25: {  	[simem:s6], [sflag:s4] =	dma.local [hbm:s3], $0xF7A  }
0x26: {  	[smem:$0x3F99] =	sst s1;
	(tag) =	ssettag s2;
	_ =	strace s9  }
0x27: {  	s1 =	sld [smem:$0x3FA9]  }
0x28: {  	s2 =	sld [smem:$0x3FAA]  }
0x29: {  	s4 =	sld [smem:$0x3FAC]  }
0x2a: {  	p0 =	seq.s32 s5, $0x0;
	s5 =	sld [smem:$0x3FAD]  }
0x2b: {  	s6 =	sld [smem:$0x3FAE]  }
0x2c: {  	s7 =	sld [smem:$0x3FAF]  }
0x2d: {  	s3 =	simm.s32 $0x108;
	s8 =	sld [smem:$0x3FB0]  }
0x2e: {  	s3 =	simm.s32 @!p0 $0x1082;
	s9 =	sld [smem:$0x3FB1]  }
0x2f: {  	lr =	sadd.s32 s0, s3;
	s0 =	sld [smem:$0x3FA8]  }
0x30: {  	s3 =	sld [smem:$0x3FAB]  }
0x31: {  	[smem:$0x3FB4] =	sst s10  }
0x32: {  	s10 =	sld [smem:$0x3FB2];
	_ =	sdelay $0x3  }
0x33: {  	p0 =	seq.s32 s10, $0x1;
	s10 =	sld [smem:$0x3FB4];
	_ =	sdelay $0x3  }
0x34: {  	[smem:$0x3FB4] =	sst s10  }
0x35: {  	s10 =	sld [smem:$0x3FB3];
	_ =	sdelay $0x3  }
0x36: {  	p1 =	seq.s32 s10, $0x1;
	s10 =	sld [smem:$0x3FB4];
	_ =	sdelay $0x3  }
0x37: {  	[smem:$0x3FB4] =	sst s10  }
0x38: {  	s10 =	sld [smem:$0x3FB5]  }
0x39: {  	_ = 	snop;
	(pc) =	sbr.ind lr, $3  }
0x3a: {  	_ = 	snop  }
0x3b: {  	_ = 	snop  }
0x3c: {  	p2 =	seq.s32 s10, $0x1;
	s10 =	sld [smem:$0x3FB4]  }
0x3d: {  	_ =	shalt  }
0x3e: {  	_ =	shalt  }
0x3f: {  	_ =	shalt  }
0x40: {  	_ =	shalt  }
0x41: {  	_ =	shalt  }
0x42: {  	_ =	shalt  }
0x43: {  	_ =	shalt  }
0x44: {  	_ =	shalt  }
0x45: {  	_ =	shalt  }
0x46: {  	_ =	shalt  }
0x47: {  	_ =	shalt  }
0x48: {  	_ =	shalt  }
0x49: {  	_ =	shalt  }
0x4a: {  	_ =	shalt  }
0x4b: {  	_ =	shalt  }
0x4c: {  	_ =	shalt  }
0x4d: {  	_ =	shalt  }
0x4e: {  	_ =	shalt  }
0x4f: {  	_ =	shalt  }
0x50: {  	_ =	shalt  }
0x51: {  	_ =	shalt  }
0x52: {  	_ =	shalt  }
0x53: {  	_ =	shalt  }
0x54: {  	_ =	shalt  }
0x55: {  	_ =	shalt  }
0x56: {  	_ =	shalt  }
0x57: {  	_ =	shalt  }
0x58: {  	_ =	shalt  }
0x59: {  	_ =	shalt  }
0x5a: {  	_ =	shalt  }
0x5b: {  	_ =	shalt  }
0x5c: {  	_ =	shalt  }
0x5d: {  	_ =	shalt  }
0x5e: {  	_ =	shalt  }
0x5f: {  	_ =	shalt  }
0x60: {  	_ =	shalt  }
0x61: {  	_ =	shalt  }
0x62: {  	_ =	shalt  }
0x63: {  	_ =	shalt  }
0x64: {  	_ =	shalt  }
0x65: {  	_ =	shalt  }
0x66: {  	_ =	shalt  }
0x67: {  	_ =	shalt  }
0x68: {  	_ =	shalt  }
0x69: {  	_ =	shalt  }
0x6a: {  	_ =	shalt  }
0x6b: {  	_ =	shalt  }
0x6c: {  	_ =	shalt  }
0x6d: {  	_ =	shalt  }
0x6e: {  	_ =	shalt  }
0x6f: {  	_ =	shalt  }
0x70: {  	_ =	shalt  }
0x71: {  	_ =	shalt  }
0x72: {  	_ =	shalt  }
0x73: {  	_ =	shalt  }
0x74: {  	_ =	shalt  }
0x75: {  	_ =	shalt  }
0x76: {  	_ =	shalt  }
0x77: {  	_ =	shalt  }
0x78: {  	_ =	shalt  }
0x79: {  	_ =	shalt  }
0x7a: {  	_ =	shalt  }
0x7b: {  	_ =	shalt  }
0x7c: {  	_ =	shalt  }
0x7d: {  	_ =	shalt  }
0x7e: {  	_ =	shalt  }
0x7f: {  	_ =	shalt  }
0x80: {  	_ =	shalt  }
0x81: {  	_ =	shalt  }
0x82: {  	_ =	shalt  }
0x83: {  	_ =	shalt  }
0x84: {  	_ =	shalt  }
0x85: {  	_ =	shalt  }
0x86: {  	_ =	shalt  }
0x87: {  	_ =	shalt  }
.Lfunc_end0:
.L_simem_size_0:
called_computation.3_lowered:
.L_overlay_start_0:
0x88: {  	s2 =	sld [smem:$0x3FD9]  }
0x89: {  	s3 =	sld [smem:$0x3FFE];
	_ =	sdelay $0x1  }
0x8a: {  	s1 =	srdreg.scid  }
0x8b: {  	s0 =	sand.u32 $0x1, s1  }
0x8c: {  	s17 =	sshll.u32 s0, $0xA;
	s2 =	sadd.s32 s3, s2  }
0x8d: {  	s2 =	sadd.s32 s2, s17  }
0x8e: {  	[smem:$0x3FC0] =	sst s2  }
0x8f: {  	_ = 	snop  }
0x90: {  	s2 =	sld [smem:$0x3FD0];
	(tm) =	ssettm $0x1  }
0x91: {  	s18 =	sld [smem:$0x3FFB];
	_ =	sdelay $0x3  }
0x92: {  	_ =	strace s18  }
0x93: {  	s3 =	sld [smem:$0x3FFC];
	_ =	sdelay $0x3  }
0x94: {  	_ =	strace s3  }
0x95: {  	s3 =	sld [smem:$0x3FFD];
	_ =	sdelay $0x3  }
0x96: {  	_ =	strace s3  }
0x97: {  	_ =	strace $0x8FFFFFFF  }
0x98: {  	s19 =	sld [smem:$0x3FDB];
	_ =	sdelay $0x1  }
0x99: {  	s4 =	simm.s32 $_scs_section_size  }
0x9a: {  	s5 =	simm.s32 $_size__tile_overlayer_lowered;
	s6 =	simm.s32 $_tile_overlayer_lowered  }
0x9b: {  	s22 =	simm.s32 $0x1BFF;
	s21 =	sshll.u32 s6, $0x1;
	s3 =	sadd.s32 s4, s19  }
0x9c: {  	s7 =	simm.s32 $0x0;
	s20 =	sshll.u32 s5, $0x1;
	s5 =	sadd.s32 s21, s3  }
0x9d: {  	[timem:s7], [sflag:s22] =	dma.local [hbm:s5], s20  }
0x9e: {  	_ =	swait.ge [sflag:s22], s20  }
0x9f: {  	s4 =	ssub.s32 $0x0, s20;
	[sflag:s22] =	ssyncset.done $0x0  }
0xa0: {  	[sflag:s22] =	ssyncadd.s32 s4;
	_ =	sdelay $0x1  }
0xa1: {  	s23 =	simm.s32 $0x1B8B  }
0xa2: {  	_ =	swait.ge [sflag:s23], $0x1  }
0xa3: {  	[sflag:s23] =	ssyncset.done $0x0  }
0xa4: {  	s25 =	simm.s32 $0x1B8E;
	s24 =	sld [smem:$0x3FFE];
	[sflag:s23] =	ssyncadd.s32 $0xFFFFFFFF  }
0xa5: {  	s26 =	simm.s32 $execute0_lowered;
	[smem:$0x3FD2] =	sst s25  }
0xa6: {  	s5 =	sshll.u32 s26, $0x1;
	_ =	strace $0x8000004F;
	[dreg:$0x1] =	wrdreg $0xFFFFFFFF  }
0xa7: {  	s28 =	simm.s32 $_size_execute0_lowered;
	s3 =	sadd.s32 s3, s5;
	[dreg:$0x0] =	wrdreg $0x0  }
0xa8: {  	s5 =	sshll.u32 s28, $0x1;
	[dreg:$0x2] =	wrdreg s3  }
0xa9: {  	[dreg:$0x3] =	wrdreg s5  }
0xaa: {  	[dreg:$0x4] =	wrdreg $0xC0  }
0xab: {  	_ =	task [dreg:s7], $0x5FFFF  }
0xac: {  	[dreg:$0x1] =	wrdreg $0xFFFFFFFF  }
0xad: {  	[dreg:$0x0] =	wrdreg $0x60  }
0xae: {  	[dreg:$0x2] =	wrdreg s2  }
0xaf: {  	[dreg:$0x3] =	wrdreg s24  }
0xb0: {  	[dreg:$0x4] =	wrdreg $0xEF000  }
0xb1: {  	[dreg:$0x5] =	wrdreg $0x9  }
0xb2: {  	_ =	task.clear_ibuf [dreg:s7], $0x6FFFF;
	_ =	strace $0x9000004F  }
0xb3: {  	s29 =	simm.s32 $0x9;
	_ =	strace $0x80000051  }
0xb4: {  	_ =	swait.ge [sflag:s29], $0x1  }
0xb5: {  	[sflag:s29] =	ssyncadd.s32 $0xFFFFFFFF  }
0xb6: {  	_ =	strace $0x90000051  }
0xb7: {  	_ =	sfence  }
0xb8: {  	s30 =	sld [smem:$0x0];
	_ =	sdelay $0x2  }
0xb9: {  	s31 =	sshll.u32 s1, $0xD;
	s1 =	sshrl.u32 s1, $0x2  }
0xba: {  	s3 =	sand.u32 $0x4000, s31;
	s1 =	sadd.s32 s1, s30  }
0xbb: {  	s0 =	sor.u32 s3, s0;
	s1 =	sshll.u32 s1, $0x11  }
0xbc: {  	s0 =	sor.u32 s1, s0  }
0xbd: {  	s0 =	sadd.s32 $0x8F2B, s0  }
0xbe: {  	[sflag:s0] =	ssyncadd.remote.s32 $0x1  }
0xbf: {  	_ =	sfence.sel $0xFFFF  }
0xc0: {  	[dreg:$0x0] =	wrdreg $0xFFFFFFFF;
	(pc) =	sbr.abs _section_cstart, $3  }
0xc1: {  	[dreg:$0x1] =	wrdreg $0xFFFFFFFF  }
0xc2: {  	_ =	task.clear_ibuf [dreg:s7], $0x2FFFF;
	_ =	strace $0x9FFFFFFF  }
0xc3: {  	(tm) =	ssettm $0x7FFFFFFF  }
tec
execute0_lowered:
.L_overlay_start_1:
0x0: {  	(tag) =	ssettag $0x1  }
0x1: {  	s1 =	rddreg [dreg:$0x0]  }
0x2: {  	s0 =	rddreg [dreg:$0x1]  }
0x3: {  	s2 =	rddreg [dreg:$0x2];
	s3 =	simm.s32 $0x0  }
0x4: {  	s4 =	srdreg.scid;
	s20 =	stileid.u32;
	s28 =	simm.s32 $0x80  }
0x5: {  	s29 =	simm.s32 $0x6F00;
	s31 =	simm.s32 $0x8F00;
	s30 =	simm.s32 $0x1  }
0x6: {  	[smem:$0x7FF] =	sst s3;
	s5 =	sadd.s32 $0x3200, s0;
	s11 =	sadd.s32 $0xD000, s0  }
0x7: {  	s4 =	sand.u32 $0x1, s4;
	s6 =	sadd.s32 $0x3E000, s0;
	s12 =	smul.u32 $0xA000, s20  }
0x8: {  	s0 =	sadd.s32 $0x3E400, s0;
	_ =	strace $0x80000050;
	[dreg:$0x4] =	wrdreg s6  }
0x9: {  	s25 =	ssub.s32 $0x2, s4;
	s8 =	sshll.u32 s4, $0x4;
	s4 =	smul.u32 $0xA0000, s4  }
0xa: {  	s7 =	sshrl.u32 s25, $0x1;
	s14 =	sor.u32 s20, s8;
	s6 =	sadd.s32 s12, s2  }
0xb: {  	s15 =	sadd.s32 $0x2000, s12;
	s16 =	sadd.s32 $0x4000, s12;
	s17 =	sadd.s32 $0x6000, s12  }
0xc: {  	s18 =	sadd.s32 $0x8000, s12;
	s20 =	sshll.u32 s20, $0x4;
	s13 =	ssub.s32 s25, s7  }
0xd: {  	s7 =	sadd.s32 s15, s2;
	s8 =	sadd.s32 s16, s2;
	s9 =	sadd.s32 s17, s2  }
0xe: {  	s19 =	smul.u32 $0x4E0, s14;
	s10 =	sadd.s32 s18, s2;
	s26 =	sor.u32 $0x9C00, s20  }
0xf: {  	s12 =	sadd.s32 s12, s4;
	s20 =	sadd.s32 s4, s15;
	s23 =	sadd.s32 s4, s16  }
0x10: {  	s24 =	sadd.s32 s4, s17;
	s4 =	sadd.s32 s4, s18;
	p0 =	sgt.u32 s14, $0x3  }
0x11: {  	s14 =	simm.s32 $0x9;
	s15 =	simm.s32 $0xA;
	s16 =	simm.s32 $0x0  }
0x12: {  	s25 =	sshrl.u32 s24, $0x3;
	s4 =	sshrl.u32 s4, $0x3;
	s21 =	sadd.s32 s5, s19  }
0x13: {  	s24 =	simm.s32 $0x6;
	s19 =	sadd.s32 s11, s19;
	[dreg:$0x5] =	wrdreg s21  }
0x14: {  	s5 =	sadd.s32 s5, s26;
	s11 =	sadd.s32 s11, s26;
	[dreg:$0x6] =	wrdreg s19  }
0x15: {  	s26 =	smax.u32 s13, $0x1;
	s13 =	simm.s32 $0x5;
	[dreg:$0x7] =	wrdreg s5  }
0x16: {  	[dreg:$0x8] =	wrdreg s11;
	s5 =	sshrl.u32 s12, $0x3;
	s21 =	sshrl.u32 s20, $0x3  }
0x17: {  	[dreg:$0xe] =	wrdreg s26;
	s26 =	simm.s32 $0x3;
	s11 =	simm.s32 $0x4  }
0x18: {  	s12 =	simm.s32 $0x8;
	s5 =	sadd.s32 s0, s5;
	s22 =	sadd.s32 s0, s21  }
0x19: {  	s21 =	simm.s32 $0x4F00;
	[dreg:$0x9] =	wrdreg s5;
	s5 =	sshrl.u32 s23, $0x3  }
0x1a: {  	[dreg:$0xa] =	wrdreg s22;
	s22 =	simm.s32 $0xB;
	s5 =	sadd.s32 s0, s5  }
0x1b: {  	[dreg:$0xb] =	wrdreg s5;
	s5 =	sadd.s32 s0, s25;
	s0 =	sadd.s32 s0, s4  }
0x1c: {  	s25 =	simm.s32 $0x2;
	s4 =	simm.s32 $0xAF00;
	[dreg:$0xc] =	wrdreg s5  }
0x1d: {  	[dreg:$0xd] =	wrdreg s0;
	s0 =	simm.s32 $0xCF00;
	s5 =	simm.s32 $0x7  }
.LBB2_1:
0x1e: {  	s17 =	rddreg [dreg:$0x4]  }
0x1f: {  	[tilespmem:s21], [sflag:$0xB] =	stream.linear.gather [hbm4b:s17+s3], $0x2000, $0x38;
	[tilespmem:$0x18F00] =	vst v63  }
0x20: {  	_ =	swait.ge [sflag:s22], $0x2000  }
0x21: {  	[sflag:s22] =	ssyncset.done $0x0  }
0x22: {  	[sflag:s22] =	ssyncadd.s32 $0xFFFFE000  }
0x23: {  	[spmem:s6] =	stream.linear.scatter [tilespmem:s21], [sflag:$0x6], $0x2000, $0x38;
	[tilespmem:$0x18F00] =	vst v63  }
0x24: {  	_ = 	snop  }
0x25: {  	[spmem:s7] =	stream.linear.scatter [tilespmem:s21], [sflag:$0x6], $0x2000, $0x38;
	[tilespmem:$0x18F00] =	vst v63  }
0x26: {  	_ = 	snop  }
0x27: {  	[spmem:s8] =	stream.linear.scatter [tilespmem:s21], [sflag:$0x6], $0x2000, $0x38;
	[tilespmem:$0x18F00] =	vst v63  }
0x28: {  	_ = 	snop  }
0x29: {  	[spmem:s9] =	stream.linear.scatter [tilespmem:s21], [sflag:$0x6], $0x2000, $0x38;
	[tilespmem:$0x18F00] =	vst v63  }
0x2a: {  	_ = 	snop  }
0x2b: {  	[spmem:s10] =	stream.linear.scatter [tilespmem:s21], [sflag:$0x6], $0x2000, $0x38;
	[tilespmem:$0x18F00] =	vst v63  }
0x2c: {  	s19 =	rddreg [dreg:$0x5]  }
0x2d: {  	[tilespmem:s3], [sflag:$0x2] =	stream.linear.gather [hbm4b:s19+s3], $0x2700, $0x38;
	[tilespmem:$0x18F00] =	vst v63  }
0x2e: {  	s18 =	simm.s32 $0x2700;
	s20 =	rddreg [dreg:$0x6]  }
0x2f: {  	[tilespmem:s18], [sflag:$0x3] =	stream.linear.gather [hbm4b:s20+s3], $0x2700, $0x38;
	[tilespmem:$0x18F00] =	vst v63  }
0x30: {  	_ =	swait.ge [sflag:s24], $0x2000  }
0x31: {  	[sflag:s24] =	ssyncset.done $0x0  }
0x32: {  	[sflag:s24] =	ssyncadd.s32 $0xFFFFE000  }
0x33: {  	_ =	swait.ge [sflag:s24], $0x2000  }
0x34: {  	[sflag:s24] =	ssyncset.done $0x0  }
0x35: {  	[sflag:s24] =	ssyncadd.s32 $0xFFFFE000  }
0x36: {  	_ =	swait.ge [sflag:s24], $0x2000  }
0x37: {  	[sflag:s24] =	ssyncset.done $0x0  }
0x38: {  	[sflag:s24] =	ssyncadd.s32 $0xFFFFE000  }
0x39: {  	_ =	swait.ge [sflag:s24], $0x2000  }
0x3a: {  	[sflag:s24] =	ssyncset.done $0x0  }
0x3b: {  	[sflag:s24] =	ssyncadd.s32 $0xFFFFE000  }
0x3c: {  	_ =	swait.ge [sflag:s24], $0x2000  }
0x3d: {  	[sflag:s24] =	ssyncset.done $0x0  }
0x3e: {  	[sflag:s24] =	ssyncadd.s32 $0xFFFFE000  }
0x3f: {  	_ =	swait.ge [sflag:s25], $0x2700  }
0x40: {  	[sflag:s25] =	ssyncset.done $0x0  }
0x41: {  	[sflag:s25] =	ssyncadd.s32 $0xFFFFD900  }
0x42: {  	_ =	swait.ge [sflag:s26], $0x2700  }
0x43: {  	[sflag:s26] =	ssyncset.done $0x0  }
0x44: {  	[sflag:s26] =	ssyncadd.s32 $0xFFFFD900  }
0x45: {  	[bflag:$0x0] =	sbarrier.arrive $0xFFFF  }
0x46: {  	[tilespmem:s21], [sflag:$0x1] =	stream.indirect.gather [hbm4b:s1+s28], $0x40, s3, s28, $0xb8;
	[tilespmem:$0x18F00] =	vst v63  }
0x47: {  	_ = 	snop  }
0x48: {  	[tilespmem:s29], [sflag:$0x2] =	stream.indirect.gather [hbm4b:s1+s28], $0x40, s28, s28, $0xb8;
	[tilespmem:$0x18F00] =	vst v63  }
0x49: {  	s23 =	simm.s32 $0x100  }
0x4a: {  	[tilespmem:s31], [sflag:$0x3] =	stream.indirect.gather [hbm4b:s1+s28], $0x40, s23, s28, $0xb8;
	[tilespmem:$0x18F00] =	vst v63  }
0x4b: {  	s19 =	simm.s32 $0x180  }
0x4c: {  	[tilespmem:s4], [sflag:$0x4] =	stream.indirect.gather [hbm4b:s1+s28], $0x40, s19, s28, $0xb8;
	[tilespmem:$0x18F00] =	vst v63  }
0x4d: {  	_ =	swait.ge [sflag:s30], $0x2000  }
0x4e: {  	[sflag:s30] =	ssyncset.done $0x0  }
0x4f: {  	[sflag:s30] =	ssyncadd.s32 $0xFFFFE000  }
0x50: {  	[spmem:s2] =	stream.indirect.scatter.add.f32 [tilespmem:s21], [sflag:$0x6], $0x40, s18, s28, $0xb8;
	[tilespmem:$0x18F00] =	vst v63  }
0x51: {  	s20 =	simm.s32 $0x200  }
0x52: {  	[tilespmem:s0], [sflag:$0x5] =	stream.indirect.gather [hbm4b:s1+s28], $0x40, s20, s28, $0xb8;
	[tilespmem:$0x18F00] =	vst v63  }
0x53: {  	_ =	swait.ge [sflag:s25], $0x2000  }
0x54: {  	[sflag:s25] =	ssyncset.done $0x0  }
0x55: {  	s23 =	simm.s32 $0x2780;
	[sflag:s25] =	ssyncadd.s32 $0xFFFFE000  }
0x56: {  	[spmem:s2] =	stream.indirect.scatter.add.f32 [tilespmem:s29], [sflag:$0x7], $0x40, s23, s28, $0xb8;
	[tilespmem:$0x18F00] =	vst v63  }
0x57: {  	_ =	swait.ge [sflag:s24], $0x2000  }
0x58: {  	[sflag:s24] =	ssyncset.done $0x0  }
0x59: {  	s18 =	simm.s32 $0x280;
	[sflag:s24] =	ssyncadd.s32 $0xFFFFE000  }
0x5a: {  	[tilespmem:s21], [sflag:$0x1] =	stream.indirect.gather [hbm4b:s1+s28], $0x40, s18, s28, $0xb8;
	[tilespmem:$0x18F00] =	vst v63  }
0x5b: {  	_ =	swait.ge [sflag:s26], $0x2000  }
0x5c: {  	[sflag:s26] =	ssyncset.done $0x0  }
0x5d: {  	s19 =	simm.s32 $0x2800;
	[sflag:s26] =	ssyncadd.s32 $0xFFFFE000  }
0x5e: {  	[spmem:s2] =	stream.indirect.scatter.add.f32 [tilespmem:s31], [sflag:$0x8], $0x40, s19, s28, $0xb8;
	[tilespmem:$0x18F00] =	vst v63  }
0x5f: {  	_ =	swait.ge [sflag:s5], $0x2000  }
0x60: {  	[sflag:s5] =	ssyncset.done $0x0  }
0x61: {  	s20 =	simm.s32 $0x300;
	[sflag:s5] =	ssyncadd.s32 $0xFFFFE000  }
0x62: {  	[tilespmem:s29], [sflag:$0x2] =	stream.indirect.gather [hbm4b:s1+s28], $0x40, s20, s28, $0xb8;
	[tilespmem:$0x18F00] =	vst v63  }
0x63: {  	_ =	swait.ge [sflag:s11], $0x2000  }
0x64: {  	[sflag:s11] =	ssyncset.done $0x0  }
0x65: {  	s23 =	simm.s32 $0x2880;
	[sflag:s11] =	ssyncadd.s32 $0xFFFFE000  }
0x66: {  	[spmem:s2] =	stream.indirect.scatter.add.f32 [tilespmem:s4], [sflag:$0x9], $0x40, s23, s28, $0xb8;
	[tilespmem:$0x18F00] =	vst v63  }
0x67: {  	_ =	swait.ge [sflag:s12], $0x2000  }
0x68: {  	[sflag:s12] =	ssyncset.done $0x0  }
0x69: {  	s18 =	simm.s32 $0x380;
	[sflag:s12] =	ssyncadd.s32 $0xFFFFE000  }
0x6a: {  	[tilespmem:s31], [sflag:$0x3] =	stream.indirect.gather [hbm4b:s1+s28], $0x40, s18, s28, $0xb8;
	[tilespmem:$0x18F00] =	vst v63  }
0x6b: {  	_ =	swait.ge [sflag:s13], $0x2000  }
0x6c: {  	[sflag:s13] =	ssyncset.done $0x0  }
0x6d: {  	s19 =	simm.s32 $0x2900;
	[sflag:s13] =	ssyncadd.s32 $0xFFFFE000  }
0x6e: {  	[spmem:s2] =	stream.indirect.scatter.add.f32 [tilespmem:s0], [sflag:$0xA], $0x40, s19, s28, $0xb8;
	[tilespmem:$0x18F00] =	vst v63  }
0x6f: {  	_ =	swait.ge [sflag:s14], $0x2000  }
0x70: {  	[sflag:s14] =	ssyncset.done $0x0  }
0x71: {  	s20 =	simm.s32 $0x400;
	[sflag:s14] =	ssyncadd.s32 $0xFFFFE000  }
0x72: {  	[tilespmem:s4], [sflag:$0x4] =	stream.indirect.gather [hbm4b:s1+s28], $0x40, s20, s28, $0xb8;
	[tilespmem:$0x18F00] =	vst v63  }
0x73: {  	_ =	swait.ge [sflag:s30], $0x2000  }
0x74: {  	[sflag:s30] =	ssyncset.done $0x0  }
0x75: {  	s23 =	simm.s32 $0x2980;
	[sflag:s30] =	ssyncadd.s32 $0xFFFFE000  }
0x76: {  	[spmem:s2] =	stream.indirect.scatter.add.f32 [tilespmem:s21], [sflag:$0x6], $0x40, s23, s28, $0xb8;
	[tilespmem:$0x18F00] =	vst v63  }
0x77: {  	_ =	swait.ge [sflag:s15], $0x2000  }
0x78: {  	[sflag:s15] =	ssyncset.done $0x0  }
0x79: {  	s17 =	simm.s32 $0xA00;
	s23 =	simm.s32 $0x480;
	[sflag:s15] =	ssyncadd.s32 $0xFFFFE000  }
.LBB2_2:
0x7a: {  	[tilespmem:s0], [sflag:$0x5] =	stream.indirect.gather [hbm4b:s1+s28], $0x40, s23, s28, $0xb8;
	[tilespmem:$0x18F00] =	vst v63  }
0x7b: {  	s23 =	smov.u32 s17  }
0x7c: {  	p1 =	sne.s32 s17, $0x8200;
	s17 =	sadd.s32 $0xA00, s17;
	_ =	swait.ge [sflag:s25], $0x2000  }
0x7d: {  	s23 =	sshra.s32 s23, $0x2;
	[sflag:s25] =	ssyncset.done $0x0  }
0x7e: {  	s18 =	sadd.s32 $0x2780, s23;
	[sflag:s25] =	ssyncadd.s32 $0xFFFFE000  }
0x7f: {  	[spmem:s2] =	stream.indirect.scatter.add.f32 [tilespmem:s29], [sflag:$0x7], $0x40, s18, s28, $0xb8;
	[tilespmem:$0x18F00] =	vst v63  }
0x80: {  	_ =	swait.ge [sflag:s24], $0x2000  }
0x81: {  	[sflag:s24] =	ssyncset.done $0x0  }
0x82: {  	s18 =	sadd.s32 $0x280, s23;
	[sflag:s24] =	ssyncadd.s32 $0xFFFFE000  }
0x83: {  	[tilespmem:s21], [sflag:$0x1] =	stream.indirect.gather [hbm4b:s1+s28], $0x40, s18, s28, $0xb8;
	[tilespmem:$0x18F00] =	vst v63  }
0x84: {  	_ =	swait.ge [sflag:s26], $0x2000  }
0x85: {  	[sflag:s26] =	ssyncset.done $0x0  }
0x86: {  	s18 =	sadd.s32 $0x2800, s23;
	[sflag:s26] =	ssyncadd.s32 $0xFFFFE000  }
0x87: {  	[spmem:s2] =	stream.indirect.scatter.add.f32 [tilespmem:s31], [sflag:$0x8], $0x40, s18, s28, $0xb8;
	[tilespmem:$0x18F00] =	vst v63  }
0x88: {  	_ =	swait.ge [sflag:s5], $0x2000  }
0x89: {  	[sflag:s5] =	ssyncset.done $0x0  }
0x8a: {  	s18 =	sadd.s32 $0x300, s23;
	[sflag:s5] =	ssyncadd.s32 $0xFFFFE000  }
0x8b: {  	[tilespmem:s29], [sflag:$0x2] =	stream.indirect.gather [hbm4b:s1+s28], $0x40, s18, s28, $0xb8;
	[tilespmem:$0x18F00] =	vst v63  }
0x8c: {  	_ =	swait.ge [sflag:s11], $0x2000  }
0x8d: {  	[sflag:s11] =	ssyncset.done $0x0  }
0x8e: {  	s18 =	sadd.s32 $0x2880, s23;
	[sflag:s11] =	ssyncadd.s32 $0xFFFFE000  }
0x8f: {  	[spmem:s2] =	stream.indirect.scatter.add.f32 [tilespmem:s4], [sflag:$0x9], $0x40, s18, s28, $0xb8;
	[tilespmem:$0x18F00] =	vst v63  }
0x90: {  	_ =	swait.ge [sflag:s12], $0x2000  }
0x91: {  	[sflag:s12] =	ssyncset.done $0x0  }
0x92: {  	s18 =	sadd.s32 $0x380, s23;
	[sflag:s12] =	ssyncadd.s32 $0xFFFFE000  }
0x93: {  	[tilespmem:s31], [sflag:$0x3] =	stream.indirect.gather [hbm4b:s1+s28], $0x40, s18, s28, $0xb8;
	[tilespmem:$0x18F00] =	vst v63  }
0x94: {  	_ =	swait.ge [sflag:s13], $0x2000  }
0x95: {  	[sflag:s13] =	ssyncset.done $0x0  }
0x96: {  	s18 =	sadd.s32 $0x2900, s23;
	[sflag:s13] =	ssyncadd.s32 $0xFFFFE000  }
0x97: {  	[spmem:s2] =	stream.indirect.scatter.add.f32 [tilespmem:s0], [sflag:$0xA], $0x40, s18, s28, $0xb8;
	[tilespmem:$0x18F00] =	vst v63  }
0x98: {  	_ =	swait.ge [sflag:s14], $0x2000  }
0x99: {  	[sflag:s14] =	ssyncset.done $0x0  }
0x9a: {  	s18 =	sadd.s32 $0x400, s23;
	[sflag:s14] =	ssyncadd.s32 $0xFFFFE000  }
0x9b: {  	[tilespmem:s4], [sflag:$0x4] =	stream.indirect.gather [hbm4b:s1+s28], $0x40, s18, s28, $0xb8;
	[tilespmem:$0x18F00] =	vst v63  }
0x9c: {  	_ =	swait.ge [sflag:s30], $0x2000  }
0x9d: {  	[sflag:s30] =	ssyncset.done $0x0  }
.Ltmp0:
0x9e: {  	s18 =	sadd.s32 $0x2980, s23;
	[sflag:s30] =	ssyncadd.s32 $0xFFFFE000;
	(pc) =	sbr.rel @p1 .LBB2_2-.Ltmp0, $4  }
0x9f: {  	[spmem:s2] =	stream.indirect.scatter.add.f32 [tilespmem:s21], [sflag:$0x6], $0x40, s18, s28, $0xb8;
	[tilespmem:$0x18F00] =	vst v63  }
0xa0: {  	_ =	swait.ge [sflag:s15], $0x2000  }
0xa1: {  	[sflag:s15] =	ssyncset.done $0x0  }
0xa2: {  	s23 =	sadd.s32 $0x480, s23;
	[sflag:s15] =	ssyncadd.s32 $0xFFFFE000  }
0xa3: {  	[tilespmem:s0], [sflag:$0x5] =	stream.indirect.gather [hbm4b:s1+s28], $0x40, s23, s28, $0xb8;
	[tilespmem:$0x18F00] =	vst v63  }
0xa4: {  	_ =	swait.ge [sflag:s25], $0x2000  }
0xa5: {  	[sflag:s25] =	ssyncset.done $0x0  }
0xa6: {  	s17 =	simm.s32 $0x4A80;
	[sflag:s25] =	ssyncadd.s32 $0xFFFFE000  }
0xa7: {  	[spmem:s2] =	stream.indirect.scatter.add.f32 [tilespmem:s29], [sflag:$0x7], $0x40, s17, s28, $0xb8;
	[tilespmem:$0x18F00] =	vst v63  }
0xa8: {  	_ =	swait.ge [sflag:s24], $0x2000  }
0xa9: {  	[sflag:s24] =	ssyncset.done $0x0  }
0xaa: {  	s19 =	simm.s32 $0x2580;
	[sflag:s24] =	ssyncadd.s32 $0xFFFFE000  }
0xab: {  	[tilespmem:s21], [sflag:$0x1] =	stream.indirect.gather [hbm4b:s1+s28], $0x40, s19, s28, $0xb8;
	[tilespmem:$0x18F00] =	vst v63  }
0xac: {  	_ =	swait.ge [sflag:s26], $0x2000  }
0xad: {  	[sflag:s26] =	ssyncset.done $0x0  }
0xae: {  	s20 =	simm.s32 $0x4B00;
	[sflag:s26] =	ssyncadd.s32 $0xFFFFE000  }
0xaf: {  	[spmem:s2] =	stream.indirect.scatter.add.f32 [tilespmem:s31], [sflag:$0x8], $0x40, s20, s28, $0xb8;
	[tilespmem:$0x18F00] =	vst v63  }
0xb0: {  	_ =	swait.ge [sflag:s5], $0x2000  }
0xb1: {  	[sflag:s5] =	ssyncset.done $0x0  }
0xb2: {  	s23 =	simm.s32 $0x2600;
	[sflag:s5] =	ssyncadd.s32 $0xFFFFE000  }
0xb3: {  	[tilespmem:s29], [sflag:$0x2] =	stream.indirect.gather [hbm4b:s1+s28], $0x40, s23, s28, $0xb8;
	[tilespmem:$0x18F00] =	vst v63  }
0xb4: {  	_ =	swait.ge [sflag:s11], $0x2000  }
0xb5: {  	[sflag:s11] =	ssyncset.done $0x0  }
0xb6: {  	s18 =	simm.s32 $0x4B80;
	[sflag:s11] =	ssyncadd.s32 $0xFFFFE000  }
0xb7: {  	[spmem:s2] =	stream.indirect.scatter.add.f32 [tilespmem:s4], [sflag:$0x9], $0x40, s18, s28, $0xb8;
	[tilespmem:$0x18F00] =	vst v63  }
0xb8: {  	_ =	swait.ge [sflag:s12], $0x2000  }
0xb9: {  	[sflag:s12] =	ssyncset.done $0x0  }
0xba: {  	s19 =	simm.s32 $0x2680;
	[sflag:s12] =	ssyncadd.s32 $0xFFFFE000  }
0xbb: {  	[tilespmem:s31], [sflag:$0x3] =	stream.indirect.gather [hbm4b:s1+s28], $0x40, s19, s28, $0xb8;
	[tilespmem:$0x18F00] =	vst v63  }
0xbc: {  	_ =	swait.ge [sflag:s13], $0x2000  }
0xbd: {  	[sflag:s13] =	ssyncset.done $0x0  }
0xbe: {  	s20 =	simm.s32 $0x4C00;
	[sflag:s13] =	ssyncadd.s32 $0xFFFFE000  }
0xbf: {  	[spmem:s2] =	stream.indirect.scatter.add.f32 [tilespmem:s0], [sflag:$0xA], $0x40, s20, s28, $0xb8;
	[tilespmem:$0x18F00] =	vst v63  }
0xc0: {  	_ =	swait.ge [sflag:s14], $0x2000  }
0xc1: {  	[sflag:s14] =	ssyncset.done $0x0  }
0xc2: {  	[sflag:s14] =	ssyncadd.s32 $0xFFFFE000  }
0xc3: {  	_ =	swait.ge [sflag:s30], $0x2000  }
0xc4: {  	[sflag:s30] =	ssyncset.done $0x0  }
0xc5: {  	s23 =	simm.s32 $0x4C80;
	[sflag:s30] =	ssyncadd.s32 $0xFFFFE000  }
0xc6: {  	[spmem:s2] =	stream.indirect.scatter.add.f32 [tilespmem:s21], [sflag:$0x6], $0x40, s23, s28, $0xb8;
	[tilespmem:$0x18F00] =	vst v63  }
0xc7: {  	_ =	swait.ge [sflag:s15], $0x2000  }
0xc8: {  	[sflag:s15] =	ssyncset.done $0x0  }
0xc9: {  	[sflag:s15] =	ssyncadd.s32 $0xFFFFE000  }
0xca: {  	_ =	swait.ge [sflag:s25], $0x2000  }
0xcb: {  	[sflag:s25] =	ssyncset.done $0x0  }
0xcc: {  	s18 =	simm.s32 $0x4D00;
	[sflag:s25] =	ssyncadd.s32 $0xFFFFE000  }
0xcd: {  	[spmem:s2] =	stream.indirect.scatter.add.f32 [tilespmem:s29], [sflag:$0x7], $0x40, s18, s28, $0xb8;
	[tilespmem:$0x18F00] =	vst v63  }
0xce: {  	_ =	swait.ge [sflag:s24], $0x2000  }
0xcf: {  	[sflag:s24] =	ssyncset.done $0x0  }
0xd0: {  	[sflag:s24] =	ssyncadd.s32 $0xFFFFE000  }
0xd1: {  	_ =	swait.ge [sflag:s26], $0x2000  }
0xd2: {  	[sflag:s26] =	ssyncset.done $0x0  }
0xd3: {  	s19 =	simm.s32 $0x4D80;
	[sflag:s26] =	ssyncadd.s32 $0xFFFFE000  }
0xd4: {  	[spmem:s2] =	stream.indirect.scatter.add.f32 [tilespmem:s31], [sflag:$0x8], $0x40, s19, s28, $0xb8;
	[tilespmem:$0x18F00] =	vst v63  }
0xd5: {  	_ =	swait.ge [sflag:s5], $0x2000  }
0xd6: {  	[sflag:s5] =	ssyncset.done $0x0  }
0xd7: {  	[sflag:s5] =	ssyncadd.s32 $0xFFFFE000  }
0xd8: {  	_ =	swait.ge [sflag:s12], $0x2000  }
0xd9: {  	s17 =	simm.s32 @!p0 $0x0;
	s23 =	simm.s32 @!p0 $0xB;
	[sflag:s12] =	ssyncset.done $0x0  }
0xda: {  	s18 =	simm.s32 @!p0 $0x4E00;
	s19 =	rddreg [dreg:$0x7];
	[sflag:s12] =	ssyncadd.s32 $0xFFFFE000  }
0xdb: {  	[tilespmem:s18], [sflag:$0xB] =	stream.linear.gather @!p0 [hbm4b:s19+s17], $0x80, $0x38;
	[tilespmem:$0x18F00] =	vst v63  }
0xdc: {  	_ =	swait.ge @!p0 [sflag:s23], $0x80  }
0xdd: {  	[sflag:s23] =	ssyncset.done @!p0 $0x0  }
0xde: {  	s19 =	simm.s32 @!p0 $0x4E80;
	s20 =	rddreg [dreg:$0x8];
	[sflag:s23] =	ssyncadd.s32 @!p0 $0xFFFFFF80  }
0xdf: {  	[tilespmem:s19], [sflag:$0xB] =	stream.linear.gather @!p0 [hbm4b:s20+s17], $0x80, $0x38;
	[tilespmem:$0x18F00] =	vst v63  }
0xe0: {  	_ =	swait.ge @!p0 [sflag:s23], $0x80  }
0xe1: {  	[sflag:s23] =	ssyncset.done @!p0 $0x0  }
0xe2: {  	s17 =	simm.s32 @!p0 $0x80;
	s20 =	simm.s32 @!p0 $0x4F00;
	[sflag:s23] =	ssyncadd.s32 @!p0 $0xFFFFFF80  }
0xe3: {  	[tilespmem:s20], [sflag:$0x1] =	stream.indirect.gather @!p0 [hbm4b:s1+s17], $0x40, s18, s17, $0xb8;
	[tilespmem:$0x18F00] =	vst v63  }
0xe4: {  	s18 =	simm.s32 @!p0 $0x1  }
0xe5: {  	_ =	swait.ge @!p0 [sflag:s18], $0x2000  }
0xe6: {  	[sflag:s18] =	ssyncset.done @!p0 $0x0  }
0xe7: {  	[sflag:s18] =	ssyncadd.s32 @!p0 $0xFFFFE000  }
0xe8: {  	[spmem:s2] =	stream.indirect.scatter.add.f32 @!p0 [tilespmem:s20], [sflag:$0xB], $0x40, s19, s17, $0xb8;
	[tilespmem:$0x18F00] =	vst v63  }
0xe9: {  	_ =	swait.ge @!p0 [sflag:s23], $0x2000  }
0xea: {  	[sflag:s23] =	ssyncset.done @!p0 $0x0  }
0xeb: {  	[sflag:s23] =	ssyncadd.s32 @!p0 $0xFFFFE000  }
0xec: {  	[bflag:$0x0] =	sbarrier.arrive $0xFFFF  }
0xed: {  	[tilespmem:s21], [sflag:$0xB] =	stream.linear.gather [spmem:s6], $0x2000, $0x38;
	[tilespmem:$0x18F00] =	vst v63  }
0xee: {  	_ =	swait.ge [sflag:s22], $0x2000  }
0xef: {  	[sflag:s22] =	ssyncset.done $0x0  }
0xf0: {  	s20 =	rddreg [dreg:$0x9];
	[sflag:s22] =	ssyncadd.s32 $0xFFFFE000  }
0xf1: {  	[hbm4b:s20+s3] =	stream.linear.scatter [tilespmem:s21], [sflag:$0x6], $0x2000, $0x38;
	[tilespmem:$0x18F00] =	vst v63  }
0xf2: {  	_ = 	snop  }
0xf3: {  	[tilespmem:s29], [sflag:$0xB] =	stream.linear.gather [spmem:s7], $0x2000, $0x38;
	[tilespmem:$0x18F00] =	vst v63  }
0xf4: {  	_ =	swait.ge [sflag:s22], $0x2000  }
0xf5: {  	[sflag:s22] =	ssyncset.done $0x0  }
0xf6: {  	s23 =	rddreg [dreg:$0xa];
	[sflag:s22] =	ssyncadd.s32 $0xFFFFE000  }
0xf7: {  	[hbm4b:s23+s3] =	stream.linear.scatter [tilespmem:s29], [sflag:$0x7], $0x2000, $0x38;
	[tilespmem:$0x18F00] =	vst v63  }
0xf8: {  	_ =	swait.ge [sflag:s24], $0x2000  }
0xf9: {  	[sflag:s24] =	ssyncset.done $0x0  }
0xfa: {  	[sflag:s24] =	ssyncadd.s32 $0xFFFFE000  }
0xfb: {  	[tilespmem:s21], [sflag:$0xB] =	stream.linear.gather [spmem:s8], $0x2000, $0x38;
	[tilespmem:$0x18F00] =	vst v63  }
0xfc: {  	_ =	swait.ge [sflag:s22], $0x2000  }
0xfd: {  	[sflag:s22] =	ssyncset.done $0x0  }
0xfe: {  	s18 =	rddreg [dreg:$0xb];
	[sflag:s22] =	ssyncadd.s32 $0xFFFFE000  }
0xff: {  	[hbm4b:s18+s3] =	stream.linear.scatter [tilespmem:s21], [sflag:$0x6], $0x2000, $0x38;
	[tilespmem:$0x18F00] =	vst v63  }
0x100: {  	_ =	swait.ge [sflag:s5], $0x2000  }
0x101: {  	[sflag:s5] =	ssyncset.done $0x0  }
0x102: {  	[sflag:s5] =	ssyncadd.s32 $0xFFFFE000  }
0x103: {  	[tilespmem:s29], [sflag:$0xB] =	stream.linear.gather [spmem:s9], $0x2000, $0x38;
	[tilespmem:$0x18F00] =	vst v63  }
0x104: {  	_ =	swait.ge [sflag:s22], $0x2000  }
0x105: {  	[sflag:s22] =	ssyncset.done $0x0  }
0x106: {  	s19 =	rddreg [dreg:$0xc];
	[sflag:s22] =	ssyncadd.s32 $0xFFFFE000  }
0x107: {  	[hbm4b:s19+s3] =	stream.linear.scatter [tilespmem:s29], [sflag:$0x7], $0x2000, $0x38;
	[tilespmem:$0x18F00] =	vst v63  }
0x108: {  	_ =	swait.ge [sflag:s24], $0x2000  }
0x109: {  	[sflag:s24] =	ssyncset.done $0x0  }
0x10a: {  	[sflag:s24] =	ssyncadd.s32 $0xFFFFE000  }
0x10b: {  	[tilespmem:s21], [sflag:$0xB] =	stream.linear.gather [spmem:s10], $0x2000, $0x38;
	[tilespmem:$0x18F00] =	vst v63  }
0x10c: {  	_ =	swait.ge [sflag:s22], $0x2000  }
0x10d: {  	[sflag:s22] =	ssyncset.done $0x0  }
0x10e: {  	s20 =	rddreg [dreg:$0xd];
	[sflag:s22] =	ssyncadd.s32 $0xFFFFE000  }
0x10f: {  	[hbm4b:s20+s3] =	stream.linear.scatter [tilespmem:s21], [sflag:$0x6], $0x2000, $0x38;
	[tilespmem:$0x18F00] =	vst v63  }
0x110: {  	_ =	swait.ge [sflag:s5], $0x2000  }
0x111: {  	[sflag:s5] =	ssyncset.done $0x0  }
0x112: {  	[sflag:s5] =	ssyncadd.s32 $0xFFFFE000  }
0x113: {  	_ =	swait.ge [sflag:s24], $0x2000  }
0x114: {  	s16 =	sadd.s32 $0x1, s16;
	s23 =	rddreg [dreg:$0xe]  }
0x115: {  	p1 =	sne.s32 s16, s23  }
.Ltmp1:
0x116: {  	_ = 	snop;
	(pc) =	sbr.rel @p1 .LBB2_1-.Ltmp1, $3  }
0x117: {  	_ =	sdelay $0x1  }
0x118: {  	[sflag:s24] =	ssyncset.done $0x0  }
0x119: {  	[sflag:s24] =	ssyncadd.s32 $0xFFFFE000  }
0x11a: {  	_ =	sfence.sel $0x180000  }
0x11b: {  	[bflag:$0x0] =	sbarrier.arrive $0xFFFF  }
0x11c: {  	_ =	strace $0x90000050  }
0x11d: {  	s0 =	stileid.u32;
	[bflag:$0x2] =	sbarrier.arrive $0xFFFF  }
0x11e: {  	p0 =	sne.s32 s0, $0x0;
	s0 =	rddreg [dreg:$0x3]  }
0x11f: {  	s0 =	sadd.s32 @!p0 $0x100000, s0  }
0x120: {  	[sflag:s0] =	ssyncadd.tile.s32 @!p0 $0x1;
	_ =	shalt  }
.Lfunc_end2:
_tile_overlayer_lowered:
.L_overlay_start_2:
0x121: {  	(tag) =	ssettag $0x2  }
0x122: {  	s0 =	rddreg [dreg:$0x0];
	s2 =	stileid.u32  }
0x123: {  	s1 =	rddreg [dreg:$0x1];
	p0 =	sne.s32 s2, $0x0  }
0x124: {  	s3 =	rddreg [dreg:$0x2];
	[bflag:$0x3] =	sbarrier.arrive $0xFFFF;
	s2 =	simm.s32 @!p0 $0x1C0B  }
0x125: {  	[timem:s3], [sflag:s2] =	dma.local @!p0 [hbm:s0], s1  }
0x126: {  	s0 =	simm.s32 @!p0 $0xB  }
0x127: {  	_ =	swait.ge @!p0 [sflag:s0], s1  }
0x128: {  	s1 =	ssub.s32 @!p0 $0x0, s1;
	[sflag:s0] =	ssyncset.done @!p0 $0x0  }
0x129: {  	[sflag:s0] =	ssyncadd.s32 @!p0 s1  }
0x12a: {  	[bflag:$0x3] =	sbarrier.arrive $0xFFFF  }
0x12b: {  	_ =	shalt  }

</sc_bundles>
